<compile_context>
chip_gen: v7x
topology: tpu7x:2x2x1
jax: 0.10.2.dev20260603
libtpu: 0.0.44.dev20260713+nightly
codegen_flags: <defaults>
</compile_context>

<pallas_src>
import jax
import jax.numpy as jnp
from jax.experimental import pallas as pl
from jax.experimental.pallas import tpu as pltpu
from jax.experimental.pallas import tpu_sc as plsc

B = 1024
EMBED = 1024
EXDIM = 256
NCLS = 1000
NSUPPORT = 100000
K = 128

NS_PAD = 102400
S_BLK = 4096
B_BLK2 = 256
CH = 512
NCHUNK_BLK = S_BLK // CH
CMW = 128
CAP = 512
CHUNK = 12800
NW = 32
ROWS_W = B // NW


def _cmin_body(d2_ref, d2p_ref, cmin_ref):
    j = pl.program_id(1)
    raw = d2_ref[...]
    col = j * S_BLK + jax.lax.broadcasted_iota(jnp.int32, raw.shape, 1)
    d2v = jnp.where(col < NSUPPORT, raw, jnp.inf)
    d2p_ref[...] = d2v
    mins = [jnp.min(d2v[:, c * CH:(c + 1) * CH], axis=1, keepdims=True)
            for c in range(NCHUNK_BLK)]
    pad = jnp.full((d2v.shape[0], CMW - NCHUNK_BLK), jnp.inf, jnp.float32)
    cmin_ref[...] = jnp.concatenate(mins + [pad], axis=1)


def _sc_filter(d2r_hbm, t0s_hbm, cval_hbm, cidx_hbm, t0_v, buf_v, buf2_v, cval_v, cidx_v, sem0, sem1):
    c = jax.lax.axis_index("c")
    s = jax.lax.axis_index("s")
    wid = s * 2 + c
    base = wid * ROWS_W
    pltpu.sync_copy(t0s_hbm.at[pl.ds(base * 16, ROWS_W * 16)], t0_v)

    def row_body(r, _):
        row = base + r

        def init_body(jj, _):
            cval_v[pl.ds(jj * 16, 16)] = jnp.full((16,), jnp.inf, jnp.float32)
            cidx_v[pl.ds(jj * 16, 16)] = jnp.full((16,), 2 ** 30, jnp.int32)
            return 0

        jax.lax.fori_loop(0, CAP // 16, init_body, 0, unroll=True)
        thr = t0_v[pl.ds(r * 16, 16)]

        bufs = (buf_v, buf2_v)
        sems = (sem0, sem1)
        nch = NS_PAD // CHUNK
        handles = [None, None]
        handles[0] = pltpu.async_copy(
            d2r_hbm.at[row * nch], bufs[0], sems[0])

        cnt = jnp.int32(0)
        for g in range(nch):
            handles[g % 2].wait()
            if g + 1 < nch:
                handles[(g + 1) % 2] = pltpu.async_copy(
                    d2r_hbm.at[row * nch + (g + 1)],
                    bufs[(g + 1) % 2], sems[(g + 1) % 2])
            cbuf = bufs[g % 2]

            def grp_body(i, cnt, g=g, cbuf=cbuf):
                vs = [cbuf[pl.ds(i * 128 + rr * 16, 16)] for rr in range(8)]
                ms = [v <= thr for v in vs]
                anym = ms[0]
                for rr in range(1, 8):
                    anym = anym | ms[rr]
                nany = plsc.all_reduce_population_count(anym)[0]

                def slow(cnt):
                    for rr in range(8):
                        cr = plsc.all_reduce_population_count(ms[rr])[0]
                        iv = jax.lax.iota(jnp.int32, 16) + (
                            g * CHUNK + i * 128 + rr * 16)
                        off = jnp.minimum(cnt, CAP - 16)
                        plsc.store_compressed(
                            cval_v.at[pl.ds(off, 16)], vs[rr], mask=ms[rr])
                        plsc.store_compressed(
                            cidx_v.at[pl.ds(off, 16)], iv, mask=ms[rr])
                        cnt = cnt + cr
                    return cnt

                return jax.lax.cond(nany > 0, slow, lambda cc: cc, cnt)

            cnt = jax.lax.fori_loop(0, CHUNK // 128, grp_body, cnt)
        pltpu.sync_copy(cval_v, cval_hbm.at[row])
        pltpu.sync_copy(cidx_v, cidx_hbm.at[row])
        return 0

    jax.lax.fori_loop(0, ROWS_W, row_body, 0)


def kernel(x, support_exemplar_vectors, conv_weight, conv_bias, fc_weight, fc_bias, k):
    del k
    sup = support_exemplar_vectors
    w2d = conv_weight[:, 0, :]
    ex = x @ w2d.T + conv_bias
    logits = ex @ fc_weight.T + fc_bias
    q_sq = jnp.sum(ex * ex, axis=1, keepdims=True)
    s_sq = jnp.sum(sup * sup, axis=1)
    d2 = q_sq + s_sq[None, :] - 2.0 * (ex @ sup.T)

    d2p, cmin = pl.pallas_call(
        _cmin_body,
        grid=(B // B_BLK2, NS_PAD // S_BLK),
        in_specs=[pl.BlockSpec((B_BLK2, S_BLK), lambda b, j: (b, j))],
        out_specs=[
            pl.BlockSpec((B_BLK2, S_BLK), lambda b, j: (b, j)),
            pl.BlockSpec((B_BLK2, CMW), lambda b, j: (b, j)),
        ],
        out_shape=[
            jax.ShapeDtypeStruct((B, NS_PAD), jnp.float32),
            jax.ShapeDtypeStruct((B, (NS_PAD // S_BLK) * CMW), jnp.float32),
        ],
        compiler_params=pltpu.CompilerParams(
            dimension_semantics=("parallel", "arbitrary")),
    )(d2)

    t0 = -jax.lax.top_k(-cmin, K)[0][:, K - 1]
    t0s = jnp.broadcast_to(t0[:, None], (B, 16)).reshape(B * 16)

    d2r = d2p.reshape(B * (NS_PAD // CHUNK), CHUNK)
    mesh = plsc.VectorSubcoreMesh(core_axis_name="c", subcore_axis_name="s")
    cval, cidx = pl.kernel(
        _sc_filter,
        out_type=[
            jax.ShapeDtypeStruct((B, CAP), jnp.float32),
            jax.ShapeDtypeStruct((B, CAP), jnp.int32),
        ],
        mesh=mesh,
        scratch_types=[
            pltpu.VMEM((ROWS_W * 16,), jnp.float32),
            pltpu.VMEM((CHUNK,), jnp.float32),
            pltpu.VMEM((CHUNK,), jnp.float32),
            pltpu.VMEM((CAP,), jnp.float32),
            pltpu.VMEM((CAP,), jnp.int32),
            pltpu.SemaphoreType.DMA,
            pltpu.SemaphoreType.DMA,
        ],
        compiler_params=pltpu.CompilerParams(needs_layout_passes=False),
    )(d2r, t0s)

    neg_vals, pos = jax.lax.top_k(-cval, K)
    top_vals = -neg_vals
    top_idx = jnp.take_along_axis(cidx, pos, axis=1)
    return logits, top_vals, top_idx

# --- scband reference (transcript-rebuilt; emitter-appended) ---
"""Pipeline reference for scband-similarity-distance-magnitude-calibrator-73014444032723 (READ-ONLY COPY).

The authoritative reference and input builder live on the scoring server;
editing this copy changes nothing except your own understanding.
"""

import jax, jax.numpy as jnp
import numpy as np

B = 1024
EMBED = 1024
EXDIM = 256
NCLS = 1000
NSUPPORT = 100000
K = 128


def setup_inputs(seed: int = 0) -> dict:
    key = jax.random.key(seed)
    k1, k2, k3, k4 = jax.random.split(key, 4)
    x = jax.random.normal(k1, (B, EMBED), dtype=jnp.float32)
    support_exemplar_vectors = jax.random.normal(k2, (NSUPPORT, EXDIM), dtype=jnp.float32)
    # learned params: Conv1d(1, EXDIM, kernel_size=EMBED, stride=EMBED) and Linear(EXDIM, NCLS)
    conv_weight = jax.random.normal(k3, (EXDIM, 1, EMBED), dtype=jnp.float32) * (1.0 / np.sqrt(EMBED))
    conv_bias = jnp.zeros((EXDIM,), dtype=jnp.float32)
    fc_weight = jax.random.normal(k4, (NCLS, EXDIM), dtype=jnp.float32) * (1.0 / np.sqrt(EXDIM))
    fc_bias = jnp.zeros((NCLS,), dtype=jnp.float32)
    return {
        "x": x,
        "support_exemplar_vectors": support_exemplar_vectors,
        "conv_weight": conv_weight,
        "conv_bias": conv_bias,
        "fc_weight": fc_weight,
        "fc_bias": fc_bias,
        "k": K,
    }


def reference(x, support_exemplar_vectors, conv_weight, conv_bias, fc_weight, fc_bias, k):
    # Exemplar network: Conv1d(1, EXDIM, kernel=EMBED, stride=EMBED) on x viewed as [B, 1, EMBED]
    # yields exactly one output position -> equivalent to a dense projection.
    w2d = conv_weight[:, 0, :]  # [EXDIM, EMBED]
    exemplar_vectors = x @ w2d.T + conv_bias  # [B, EXDIM]
    logits = exemplar_vectors @ fc_weight.T + fc_bias  # [B, NCLS]
    # FAISS IndexFlatL2.search equivalent: brute-force squared-L2 kNN over the support set.
    q_sq = jnp.sum(exemplar_vectors * exemplar_vectors, axis=1, keepdims=True)  # [B, 1]
    s_sq = jnp.sum(support_exemplar_vectors * support_exemplar_vectors, axis=1)  # [NSUPPORT]
    d2 = q_sq + s_sq[None, :] - 2.0 * (exemplar_vectors @ support_exemplar_vectors.T)  # [B, NSUPPORT]
    neg_top_vals, top_k_distances_idx = jax.lax.top_k(-d2, K)
    top_k_distances = -neg_top_vals  # ascending squared L2 distances
    top_k_distances_idx = top_k_distances_idx + jnp.asarray(k * 0, dtype=top_k_distances_idx.dtype)
    return logits, top_k_distances, top_k_distances_idx

if __name__ == "__main__":
    import jax
    _d = setup_inputs()
    print(jax.jit(kernel)(*tuple(_d.values())))

</pallas_src>

<mosaic_0001>
#map = affine_map<(d0, d1) -> (0, 0)>
#map1 = affine_map<(d0, d1) -> (0)>
module attributes {stable_mosaic.version = 14 : i64} {
  func.func @_sc_filter(%arg0: i32, %arg1: i32, %arg2: memref<8192x12800xf32, #tpu.memory_space<hbm>>, %arg3: memref<16384xf32, #tpu.memory_space<hbm>>, %arg4: memref<1024x512xf32, #tpu.memory_space<hbm>>, %arg5: memref<1024x512xi32, #tpu.memory_space<hbm>>, %arg6: memref<512xf32, #tpu.memory_space<vmem>>, %arg7: memref<12800xf32, #tpu.memory_space<vmem>>, %arg8: memref<12800xf32, #tpu.memory_space<vmem>>, %arg9: memref<512xf32, #tpu.memory_space<vmem>>, %arg10: memref<512xi32, #tpu.memory_space<vmem>>, %arg11: memref<!tpu.dma_semaphore, #tpu.memory_space<semaphore_mem>>, %arg12: memref<!tpu.dma_semaphore, #tpu.memory_space<semaphore_mem>>) attributes {dimension_semantics = [#tpu.dimension_semantics<core_parallel>, #tpu.dimension_semantics<subcore_parallel>], iteration_bounds = array<i64: 2, 16>, scalar_prefetch = 0 : i64, scratch_operands = 7 : i64, tpu.core_type = #tpu.core_type<sc_vector_subcore>, window_params = [{transform_indices = #map}, {transform_indices = #map1}, {transform_indices = #map}, {transform_indices = #map}]} {
    %mul3A = arith.constant 2 : i32
    %mul3A_0 = arith.muli %arg1, %mul3A : i32
    %add3A = arith.addi %mul3A_0, %arg0 : i32
    %mul3A_1 = arith.constant 32 : i32
    %mul3A_2 = arith.muli %add3A, %mul3A_1 : i32
    %mul3A_3 = arith.constant 16 : i32
    %mul3A_4 = arith.muli %mul3A_2, %mul3A_3 : i32
    "tpu.region"() ({
      %run_scoped3A = tpu.sem_alloc : memref<!tpu.dma_semaphore, #tpu.memory_space<semaphore_mem>>
      %dma_start3A = tpu.memref_slice %arg3[%mul3A_4] : memref<16384xf32, #tpu.memory_space<hbm>> -> memref<512xf32, #tpu.memory_space<hbm>>
      %dma_start3A_11 = tpu.memref_slice %arg3[%mul3A_4] : memref<16384xf32, #tpu.memory_space<hbm>> -> memref<512xf32, #tpu.memory_space<hbm>>
      tpu.enqueue_dma source(%dma_start3A_11 : memref<512xf32, #tpu.memory_space<hbm>>) target(%arg6 : memref<512xf32, #tpu.memory_space<vmem>>) target_semaphore(%run_scoped3A : memref<!tpu.dma_semaphore, #tpu.memory_space<semaphore_mem>>)
      %dma_wait3A = tpu.memref_slice %arg3[%mul3A_4] : memref<16384xf32, #tpu.memory_space<hbm>> -> memref<512xf32, #tpu.memory_space<hbm>>
      %dma_wait3A_12 = tpu.memref_slice %arg3[%mul3A_4] : memref<16384xf32, #tpu.memory_space<hbm>> -> memref<512xf32, #tpu.memory_space<hbm>>
      tpu.wait_dma2 semaphore(%run_scoped3A : memref<!tpu.dma_semaphore, #tpu.memory_space<semaphore_mem>>) src(%dma_wait3A_12 : memref<512xf32, #tpu.memory_space<hbm>>) dst(%arg6 : memref<512xf32, #tpu.memory_space<vmem>>)
      tpu.yield
    }) : () -> ()
    %scan3A = arith.constant 0 : i32
    %scan3A_5 = arith.constant 0 : i32
    %scan3A_6 = arith.constant 32 : i32
    %scan3A_7 = arith.addi %scan3A_5, %scan3A_6 : i32
    %scan3A_8 = arith.constant 1 : i32
    %scan3A_9 = scf.for %scan3A_11 = %scan3A_5 to %scan3A_7 step %scan3A_8 iter_args(%scan3A_12 = %scan3A) -> (i32)  : i32 {
      %add3A_13 = arith.addi %mul3A_2, %scan3A_11 : i32
      %scan3A_14 = arith.constant 0 : i32
      %scan3A_15 = arith.constant 0 : i32
      %broadcast_in_dim3A = arith.constant 0x7F800000 : f32
      %broadcast_in_dim3A_16 = vector.broadcast %broadcast_in_dim3A : f32 to vector<16xf32>
      %mul3A_17 = arith.constant 16 : i32
      %mul3A_18 = arith.muli %scan3A_15, %mul3A_17 : i32
      %swap3A = arith.index_cast %mul3A_18 : i32 to index
      %swap3A_19 = tpu.vector_load %arg9[%swap3A] {strides = array<i32>} : memref<512xf32, #tpu.memory_space<vmem>>, vector<16xf32>,
      tpu.vector_store %arg9[%swap3A], %broadcast_in_dim3A_16 {strides = array<i32>} : memref<512xf32, #tpu.memory_space<vmem>>, vector<16xf32>,
      %broadcast_in_dim3A_20 = arith.constant 1073741824 : i32
      %broadcast_in_dim3A_21 = vector.broadcast %broadcast_in_dim3A_20 : i32 to vector<16xi32>
      %mul3A_22 = arith.constant 16 : i32
      %mul3A_23 = arith.muli %scan3A_15, %mul3A_22 : i32
      %swap3A_24 = arith.index_cast %mul3A_23 : i32 to index
      %swap3A_25 = tpu.vector_load %arg10[%swap3A_24] {strides = array<i32>} : memref<512xi32, #tpu.memory_space<vmem>>, vector<16xi32>,
      tpu.vector_store %arg10[%swap3A_24], %broadcast_in_dim3A_21 {strides = array<i32>} : memref<512xi32, #tpu.memory_space<vmem>>, vector<16xi32>,
      %scan3A_26 = arith.constant 0 : i32
      %scan3A_27 = arith.constant 1 : i32
      %broadcast_in_dim3A_28 = arith.constant 0x7F800000 : f32
      %broadcast_in_dim3A_29 = vector.broadcast %broadcast_in_dim3A_28 : f32 to vector<16xf32>
      %mul3A_30 = arith.constant 16 : i32
      %mul3A_31 = arith.muli %scan3A_27, %mul3A_30 : i32
      %swap3A_32 = arith.index_cast %mul3A_31 : i32 to index
      %swap3A_33 = tpu.vector_load %arg9[%swap3A_32] {strides = array<i32>} : memref<512xf32, #tpu.memory_space<vmem>>, vector<16xf32>,
      tpu.vector_store %arg9[%swap3A_32], %broadcast_in_dim3A_29 {strides = array<i32>} : memref<512xf32, #tpu.memory_space<vmem>>, vector<16xf32>,
      %broadcast_in_dim3A_34 = arith.constant 1073741824 : i32
      %broadcast_in_dim3A_35 = vector.broadcast %broadcast_in_dim3A_34 : i32 to vector<16xi32>
      %mul3A_36 = arith.constant 16 : i32
      %mul3A_37 = arith.muli %scan3A_27, %mul3A_36 : i32
      %swap3A_38 = arith.index_cast %mul3A_37 : i32 to index
      %swap3A_39 = tpu.vector_load %arg10[%swap3A_38] {strides = array<i32>} : memref<512xi32, #tpu.memory_space<vmem>>, vector<16xi32>,
      tpu.vector_store %arg10[%swap3A_38], %broadcast_in_dim3A_35 {strides = array<i32>} : memref<512xi32, #tpu.memory_space<vmem>>, vector<16xi32>,
      %scan3A_40 = arith.constant 0 : i32
      %scan3A_41 = arith.constant 2 : i32
      %broadcast_in_dim3A_42 = arith.constant 0x7F800000 : f32
      %broadcast_in_dim3A_43 = vector.broadcast %broadcast_in_dim3A_42 : f32 to vector<16xf32>
      %mul3A_44 = arith.constant 16 : i32
      %mul3A_45 = arith.muli %scan3A_41, %mul3A_44 : i32
      %swap3A_46 = arith.index_cast %mul3A_45 : i32 to index
      %swap3A_47 = tpu.vector_load %arg9[%swap3A_46] {strides = array<i32>} : memref<512xf32, #tpu.memory_space<vmem>>, vector<16xf32>,
      tpu.vector_store %arg9[%swap3A_46], %broadcast_in_dim3A_43 {strides = array<i32>} : memref<512xf32, #tpu.memory_space<vmem>>, vector<16xf32>,
      %broadcast_in_dim3A_48 = arith.constant 1073741824 : i32
      %broadcast_in_dim3A_49 = vector.broadcast %broadcast_in_dim3A_48 : i32 to vector<16xi32>
      %mul3A_50 = arith.constant 16 : i32
      %mul3A_51 = arith.muli %scan3A_41, %mul3A_50 : i32
      %swap3A_52 = arith.index_cast %mul3A_51 : i32 to index
      %swap3A_53 = tpu.vector_load %arg10[%swap3A_52] {strides = array<i32>} : memref<512xi32, #tpu.memory_space<vmem>>, vector<16xi32>,
      tpu.vector_store %arg10[%swap3A_52], %broadcast_in_dim3A_49 {strides = array<i32>} : memref<512xi32, #tpu.memory_space<vmem>>, vector<16xi32>,
      %scan3A_54 = arith.constant 0 : i32
      %scan3A_55 = arith.constant 3 : i32
      %broadcast_in_dim3A_56 = arith.constant 0x7F800000 : f32
      %broadcast_in_dim3A_57 = vector.broadcast %broadcast_in_dim3A_56 : f32 to vector<16xf32>
      %mul3A_58 = arith.constant 16 : i32
      %mul3A_59 = arith.muli %scan3A_55, %mul3A_58 : i32
      %swap3A_60 = arith.index_cast %mul3A_59 : i32 to index
      %swap3A_61 = tpu.vector_load %arg9[%swap3A_60] {strides = array<i32>} : memref<512xf32, #tpu.memory_space<vmem>>, vector<16xf32>,
      tpu.vector_store %arg9[%swap3A_60], %broadcast_in_dim3A_57 {strides = array<i32>} : memref<512xf32, #tpu.memory_space<vmem>>, vector<16xf32>,
      %broadcast_in_dim3A_62 = arith.constant 1073741824 : i32
      %broadcast_in_dim3A_63 = vector.broadcast %broadcast_in_dim3A_62 : i32 to vector<16xi32>
      %mul3A_64 = arith.constant 16 : i32
      %mul3A_65 = arith.muli %scan3A_55, %mul3A_64 : i32
      %swap3A_66 = arith.index_cast %mul3A_65 : i32 to index
      %swap3A_67 = tpu.vector_load %arg10[%swap3A_66] {strides = array<i32>} : memref<512xi32, #tpu.memory_space<vmem>>, vector<16xi32>,
      tpu.vector_store %arg10[%swap3A_66], %broadcast_in_dim3A_63 {strides = array<i32>} : memref<512xi32, #tpu.memory_space<vmem>>, vector<16xi32>,
      %scan3A_68 = arith.constant 0 : i32
      %scan3A_69 = arith.constant 4 : i32
      %broadcast_in_dim3A_70 = arith.constant 0x7F800000 : f32
      %broadcast_in_dim3A_71 = vector.broadcast %broadcast_in_dim3A_70 : f32 to vector<16xf32>
      %mul3A_72 = arith.constant 16 : i32
      %mul3A_73 = arith.muli %scan3A_69, %mul3A_72 : i32
      %swap3A_74 = arith.index_cast %mul3A_73 : i32 to index
      %swap3A_75 = tpu.vector_load %arg9[%swap3A_74] {strides = array<i32>} : memref<512xf32, #tpu.memory_space<vmem>>, vector<16xf32>,
      tpu.vector_store %arg9[%swap3A_74], %broadcast_in_dim3A_71 {strides = array<i32>} : memref<512xf32, #tpu.memory_space<vmem>>, vector<16xf32>,
      %broadcast_in_dim3A_76 = arith.constant 1073741824 : i32
      %broadcast_in_dim3A_77 = vector.broadcast %broadcast_in_dim3A_76 : i32 to vector<16xi32>
      %mul3A_78 = arith.constant 16 : i32
      %mul3A_79 = arith.muli %scan3A_69, %mul3A_78 : i32
      %swap3A_80 = arith.index_cast %mul3A_79 : i32 to index
      %swap3A_81 = tpu.vector_load %arg10[%swap3A_80] {strides = array<i32>} : memref<512xi32, #tpu.memory_space<vmem>>, vector<16xi32>,
      tpu.vector_store %arg10[%swap3A_80], %broadcast_in_dim3A_77 {strides = array<i32>} : memref<512xi32, #tpu.memory_space<vmem>>, vector<16xi32>,
      %scan3A_82 = arith.constant 0 : i32
      %scan3A_83 = arith.constant 5 : i32
      %broadcast_in_dim3A_84 = arith.constant 0x7F800000 : f32
      %broadcast_in_dim3A_85 = vector.broadcast %broadcast_in_dim3A_84 : f32 to vector<16xf32>
      %mul3A_86 = arith.constant 16 : i32
      %mul3A_87 = arith.muli %scan3A_83, %mul3A_86 : i32
      %swap3A_88 = arith.index_cast %mul3A_87 : i32 to index
      %swap3A_89 = tpu.vector_load %arg9[%swap3A_88] {strides = array<i32>} : memref<512xf32, #tpu.memory_space<vmem>>, vector<16xf32>,
      tpu.vector_store %arg9[%swap3A_88], %broadcast_in_dim3A_85 {strides = array<i32>} : memref<512xf32, #tpu.memory_space<vmem>>, vector<16xf32>,
      %broadcast_in_dim3A_90 = arith.constant 1073741824 : i32
      %broadcast_in_dim3A_91 = vector.broadcast %broadcast_in_dim3A_90 : i32 to vector<16xi32>
      %mul3A_92 = arith.constant 16 : i32
      %mul3A_93 = arith.muli %scan3A_83, %mul3A_92 : i32
      %swap3A_94 = arith.index_cast %mul3A_93 : i32 to index
      %swap3A_95 = tpu.vector_load %arg10[%swap3A_94] {strides = array<i32>} : memref<512xi32, #tpu.memory_space<vmem>>, vector<16xi32>,
      tpu.vector_store %arg10[%swap3A_94], %broadcast_in_dim3A_91 {strides = array<i32>} : memref<512xi32, #tpu.memory_space<vmem>>, vector<16xi32>,
      %scan3A_96 = arith.constant 0 : i32
      %scan3A_97 = arith.constant 6 : i32
      %broadcast_in_dim3A_98 = arith.constant 0x7F800000 : f32
      %broadcast_in_dim3A_99 = vector.broadcast %broadcast_in_dim3A_98 : f32 to vector<16xf32>
      %mul3A_100 = arith.constant 16 : i32
      %mul3A_101 = arith.muli %scan3A_97, %mul3A_100 : i32
      %swap3A_102 = arith.index_cast %mul3A_101 : i32 to index
      %swap3A_103 = tpu.vector_load %arg9[%swap3A_102] {strides = array<i32>} : memref<512xf32, #tpu.memory_space<vmem>>, vector<16xf32>,
      tpu.vector_store %arg9[%swap3A_102], %broadcast_in_dim3A_99 {strides = array<i32>} : memref<512xf32, #tpu.memory_space<vmem>>, vector<16xf32>,
      %broadcast_in_dim3A_104 = arith.constant 1073741824 : i32
      %broadcast_in_dim3A_105 = vector.broadcast %broadcast_in_dim3A_104 : i32 to vector<16xi32>
      %mul3A_106 = arith.constant 16 : i32
      %mul3A_107 = arith.muli %scan3A_97, %mul3A_106 : i32
      %swap3A_108 = arith.index_cast %mul3A_107 : i32 to index
      %swap3A_109 = tpu.vector_load %arg10[%swap3A_108] {strides = array<i32>} : memref<512xi32, #tpu.memory_space<vmem>>, vector<16xi32>,
      tpu.vector_store %arg10[%swap3A_108], %broadcast_in_dim3A_105 {strides = array<i32>} : memref<512xi32, #tpu.memory_space<vmem>>, vector<16xi32>,
      %scan3A_110 = arith.constant 0 : i32
      %scan3A_111 = arith.constant 7 : i32
      %broadcast_in_dim3A_112 = arith.constant 0x7F800000 : f32
      %broadcast_in_dim3A_113 = vector.broadcast %broadcast_in_dim3A_112 : f32 to vector<16xf32>
      %mul3A_114 = arith.constant 16 : i32
      %mul3A_115 = arith.muli %scan3A_111, %mul3A_114 : i32
      %swap3A_116 = arith.index_cast %mul3A_115 : i32 to index
      %swap3A_117 = tpu.vector_load %arg9[%swap3A_116] {strides = array<i32>} : memref<512xf32, #tpu.memory_space<vmem>>, vector<16xf32>,
      tpu.vector_store %arg9[%swap3A_116], %broadcast_in_dim3A_113 {strides = array<i32>} : memref<512xf32, #tpu.memory_space<vmem>>, vector<16xf32>,
      %broadcast_in_dim3A_118 = arith.constant 1073741824 : i32
      %broadcast_in_dim3A_119 = vector.broadcast %broadcast_in_dim3A_118 : i32 to vector<16xi32>
      %mul3A_120 = arith.constant 16 : i32
      %mul3A_121 = arith.muli %scan3A_111, %mul3A_120 : i32
      %swap3A_122 = arith.index_cast %mul3A_121 : i32 to index
      %swap3A_123 = tpu.vector_load %arg10[%swap3A_122] {strides = array<i32>} : memref<512xi32, #tpu.memory_space<vmem>>, vector<16xi32>,
      tpu.vector_store %arg10[%swap3A_122], %broadcast_in_dim3A_119 {strides = array<i32>} : memref<512xi32, #tpu.memory_space<vmem>>, vector<16xi32>,
      %scan3A_124 = arith.constant 0 : i32
      %scan3A_125 = arith.constant 8 : i32
      %broadcast_in_dim3A_126 = arith.constant 0x7F800000 : f32
      %broadcast_in_dim3A_127 = vector.broadcast %broadcast_in_dim3A_126 : f32 to vector<16xf32>
      %mul3A_128 = arith.constant 16 : i32
      %mul3A_129 = arith.muli %scan3A_125, %mul3A_128 : i32
      %swap3A_130 = arith.index_cast %mul3A_129 : i32 to index
      %swap3A_131 = tpu.vector_load %arg9[%swap3A_130] {strides = array<i32>} : memref<512xf32, #tpu.memory_space<vmem>>, vector<16xf32>,
      tpu.vector_store %arg9[%swap3A_130], %broadcast_in_dim3A_127 {strides = array<i32>} : memref<512xf32, #tpu.memory_space<vmem>>, vector<16xf32>,
      %broadcast_in_dim3A_132 = arith.constant 1073741824 : i32
      %broadcast_in_dim3A_133 = vector.broadcast %broadcast_in_dim3A_132 : i32 to vector<16xi32>
      %mul3A_134 = arith.constant 16 : i32
      %mul3A_135 = arith.muli %scan3A_125, %mul3A_134 : i32
      %swap3A_136 = arith.index_cast %mul3A_135 : i32 to index
      %swap3A_137 = tpu.vector_load %arg10[%swap3A_136] {strides = array<i32>} : memref<512xi32, #tpu.memory_space<vmem>>, vector<16xi32>,
      tpu.vector_store %arg10[%swap3A_136], %broadcast_in_dim3A_133 {strides = array<i32>} : memref<512xi32, #tpu.memory_space<vmem>>, vector<16xi32>,
      %scan3A_138 = arith.constant 0 : i32
      %scan3A_139 = arith.constant 9 : i32
      %broadcast_in_dim3A_140 = arith.constant 0x7F800000 : f32
      %broadcast_in_dim3A_141 = vector.broadcast %broadcast_in_dim3A_140 : f32 to vector<16xf32>
      %mul3A_142 = arith.constant 16 : i32
      %mul3A_143 = arith.muli %scan3A_139, %mul3A_142 : i32
      %swap3A_144 = arith.index_cast %mul3A_143 : i32 to index
      %swap3A_145 = tpu.vector_load %arg9[%swap3A_144] {strides = array<i32>} : memref<512xf32, #tpu.memory_space<vmem>>, vector<16xf32>,
      tpu.vector_store %arg9[%swap3A_144], %broadcast_in_dim3A_141 {strides = array<i32>} : memref<512xf32, #tpu.memory_space<vmem>>, vector<16xf32>,
      %broadcast_in_dim3A_146 = arith.constant 1073741824 : i32
      %broadcast_in_dim3A_147 = vector.broadcast %broadcast_in_dim3A_146 : i32 to vector<16xi32>
      %mul3A_148 = arith.constant 16 : i32
      %mul3A_149 = arith.muli %scan3A_139, %mul3A_148 : i32
      %swap3A_150 = arith.index_cast %mul3A_149 : i32 to index
      %swap3A_151 = tpu.vector_load %arg10[%swap3A_150] {strides = array<i32>} : memref<512xi32, #tpu.memory_space<vmem>>, vector<16xi32>,
      tpu.vector_store %arg10[%swap3A_150], %broadcast_in_dim3A_147 {strides = array<i32>} : memref<512xi32, #tpu.memory_space<vmem>>, vector<16xi32>,
      %scan3A_152 = arith.constant 0 : i32
      %scan3A_153 = arith.constant 10 : i32
      %broadcast_in_dim3A_154 = arith.constant 0x7F800000 : f32
      %broadcast_in_dim3A_155 = vector.broadcast %broadcast_in_dim3A_154 : f32 to vector<16xf32>
      %mul3A_156 = arith.constant 16 : i32
      %mul3A_157 = arith.muli %scan3A_153, %mul3A_156 : i32
      %swap3A_158 = arith.index_cast %mul3A_157 : i32 to index
      %swap3A_159 = tpu.vector_load %arg9[%swap3A_158] {strides = array<i32>} : memref<512xf32, #tpu.memory_space<vmem>>, vector<16xf32>,
      tpu.vector_store %arg9[%swap3A_158], %broadcast_in_dim3A_155 {strides = array<i32>} : memref<512xf32, #tpu.memory_space<vmem>>, vector<16xf32>,
      %broadcast_in_dim3A_160 = arith.constant 1073741824 : i32
      %broadcast_in_dim3A_161 = vector.broadcast %broadcast_in_dim3A_160 : i32 to vector<16xi32>
      %mul3A_162 = arith.constant 16 : i32
      %mul3A_163 = arith.muli %scan3A_153, %mul3A_162 : i32
      %swap3A_164 = arith.index_cast %mul3A_163 : i32 to index
      %swap3A_165 = tpu.vector_load %arg10[%swap3A_164] {strides = array<i32>} : memref<512xi32, #tpu.memory_space<vmem>>, vector<16xi32>,
      tpu.vector_store %arg10[%swap3A_164], %broadcast_in_dim3A_161 {strides = array<i32>} : memref<512xi32, #tpu.memory_space<vmem>>, vector<16xi32>,
      %scan3A_166 = arith.constant 0 : i32
      %scan3A_167 = arith.constant 11 : i32
      %broadcast_in_dim3A_168 = arith.constant 0x7F800000 : f32
      %broadcast_in_dim3A_169 = vector.broadcast %broadcast_in_dim3A_168 : f32 to vector<16xf32>
      %mul3A_170 = arith.constant 16 : i32
      %mul3A_171 = arith.muli %scan3A_167, %mul3A_170 : i32
      %swap3A_172 = arith.index_cast %mul3A_171 : i32 to index
      %swap3A_173 = tpu.vector_load %arg9[%swap3A_172] {strides = array<i32>} : memref<512xf32, #tpu.memory_space<vmem>>, vector<16xf32>,
      tpu.vector_store %arg9[%swap3A_172], %broadcast_in_dim3A_169 {strides = array<i32>} : memref<512xf32, #tpu.memory_space<vmem>>, vector<16xf32>,
      %broadcast_in_dim3A_174 = arith.constant 1073741824 : i32
      %broadcast_in_dim3A_175 = vector.broadcast %broadcast_in_dim3A_174 : i32 to vector<16xi32>
      %mul3A_176 = arith.constant 16 : i32
      %mul3A_177 = arith.muli %scan3A_167, %mul3A_176 : i32
      %swap3A_178 = arith.index_cast %mul3A_177 : i32 to index
      %swap3A_179 = tpu.vector_load %arg10[%swap3A_178] {strides = array<i32>} : memref<512xi32, #tpu.memory_space<vmem>>, vector<16xi32>,
      tpu.vector_store %arg10[%swap3A_178], %broadcast_in_dim3A_175 {strides = array<i32>} : memref<512xi32, #tpu.memory_space<vmem>>, vector<16xi32>,
      %scan3A_180 = arith.constant 0 : i32
      %scan3A_181 = arith.constant 12 : i32
      %broadcast_in_dim3A_182 = arith.constant 0x7F800000 : f32
      %broadcast_in_dim3A_183 = vector.broadcast %broadcast_in_dim3A_182 : f32 to vector<16xf32>
      %mul3A_184 = arith.constant 16 : i32
      %mul3A_185 = arith.muli %scan3A_181, %mul3A_184 : i32
      %swap3A_186 = arith.index_cast %mul3A_185 : i32 to index
      %swap3A_187 = tpu.vector_load %arg9[%swap3A_186] {strides = array<i32>} : memref<512xf32, #tpu.memory_space<vmem>>, vector<16xf32>,
      tpu.vector_store %arg9[%swap3A_186], %broadcast_in_dim3A_183 {strides = array<i32>} : memref<512xf32, #tpu.memory_space<vmem>>, vector<16xf32>,
      %broadcast_in_dim3A_188 = arith.constant 1073741824 : i32
      %broadcast_in_dim3A_189 = vector.broadcast %broadcast_in_dim3A_188 : i32 to vector<16xi32>
      %mul3A_190 = arith.constant 16 : i32
      %mul3A_191 = arith.muli %scan3A_181, %mul3A_190 : i32
      %swap3A_192 = arith.index_cast %mul3A_191 : i32 to index
      %swap3A_193 = tpu.vector_load %arg10[%swap3A_192] {strides = array<i32>} : memref<512xi32, #tpu.memory_space<vmem>>, vector<16xi32>,
      tpu.vector_store %arg10[%swap3A_192], %broadcast_in_dim3A_189 {strides = array<i32>} : memref<512xi32, #tpu.memory_space<vmem>>, vector<16xi32>,
      %scan3A_194 = arith.constant 0 : i32
      %scan3A_195 = arith.constant 13 : i32
      %broadcast_in_dim3A_196 = arith.constant 0x7F800000 : f32
      %broadcast_in_dim3A_197 = vector.broadcast %broadcast_in_dim3A_196 : f32 to vector<16xf32>
      %mul3A_198 = arith.constant 16 : i32
      %mul3A_199 = arith.muli %scan3A_195, %mul3A_198 : i32
      %swap3A_200 = arith.index_cast %mul3A_199 : i32 to index
      %swap3A_201 = tpu.vector_load %arg9[%swap3A_200] {strides = array<i32>} : memref<512xf32, #tpu.memory_space<vmem>>, vector<16xf32>,
      tpu.vector_store %arg9[%swap3A_200], %broadcast_in_dim3A_197 {strides = array<i32>} : memref<512xf32, #tpu.memory_space<vmem>>, vector<16xf32>,
      %broadcast_in_dim3A_202 = arith.constant 1073741824 : i32
      %broadcast_in_dim3A_203 = vector.broadcast %broadcast_in_dim3A_202 : i32 to vector<16xi32>
      %mul3A_204 = arith.constant 16 : i32
      %mul3A_205 = arith.muli %scan3A_195, %mul3A_204 : i32
      %swap3A_206 = arith.index_cast %mul3A_205 : i32 to index
      %swap3A_207 = tpu.vector_load %arg10[%swap3A_206] {strides = array<i32>} : memref<512xi32, #tpu.memory_space<vmem>>, vector<16xi32>,
      tpu.vector_store %arg10[%swap3A_206], %broadcast_in_dim3A_203 {strides = array<i32>} : memref<512xi32, #tpu.memory_space<vmem>>, vector<16xi32>,
      %scan3A_208 = arith.constant 0 : i32
      %scan3A_209 = arith.constant 14 : i32
      %broadcast_in_dim3A_210 = arith.constant 0x7F800000 : f32
      %broadcast_in_dim3A_211 = vector.broadcast %broadcast_in_dim3A_210 : f32 to vector<16xf32>
      %mul3A_212 = arith.constant 16 : i32
      %mul3A_213 = arith.muli %scan3A_209, %mul3A_212 : i32
      %swap3A_214 = arith.index_cast %mul3A_213 : i32 to index
      %swap3A_215 = tpu.vector_load %arg9[%swap3A_214] {strides = array<i32>} : memref<512xf32, #tpu.memory_space<vmem>>, vector<16xf32>,
      tpu.vector_store %arg9[%swap3A_214], %broadcast_in_dim3A_211 {strides = array<i32>} : memref<512xf32, #tpu.memory_space<vmem>>, vector<16xf32>,
      %broadcast_in_dim3A_216 = arith.constant 1073741824 : i32
      %broadcast_in_dim3A_217 = vector.broadcast %broadcast_in_dim3A_216 : i32 to vector<16xi32>
      %mul3A_218 = arith.constant 16 : i32
      %mul3A_219 = arith.muli %scan3A_209, %mul3A_218 : i32
      %swap3A_220 = arith.index_cast %mul3A_219 : i32 to index
      %swap3A_221 = tpu.vector_load %arg10[%swap3A_220] {strides = array<i32>} : memref<512xi32, #tpu.memory_space<vmem>>, vector<16xi32>,
      tpu.vector_store %arg10[%swap3A_220], %broadcast_in_dim3A_217 {strides = array<i32>} : memref<512xi32, #tpu.memory_space<vmem>>, vector<16xi32>,
      %scan3A_222 = arith.constant 0 : i32
      %scan3A_223 = arith.constant 15 : i32
      %broadcast_in_dim3A_224 = arith.constant 0x7F800000 : f32
      %broadcast_in_dim3A_225 = vector.broadcast %broadcast_in_dim3A_224 : f32 to vector<16xf32>
      %mul3A_226 = arith.constant 16 : i32
      %mul3A_227 = arith.muli %scan3A_223, %mul3A_226 : i32
      %swap3A_228 = arith.index_cast %mul3A_227 : i32 to index
      %swap3A_229 = tpu.vector_load %arg9[%swap3A_228] {strides = array<i32>} : memref<512xf32, #tpu.memory_space<vmem>>, vector<16xf32>,
      tpu.vector_store %arg9[%swap3A_228], %broadcast_in_dim3A_225 {strides = array<i32>} : memref<512xf32, #tpu.memory_space<vmem>>, vector<16xf32>,
      %broadcast_in_dim3A_230 = arith.constant 1073741824 : i32
      %broadcast_in_dim3A_231 = vector.broadcast %broadcast_in_dim3A_230 : i32 to vector<16xi32>
      %mul3A_232 = arith.constant 16 : i32
      %mul3A_233 = arith.muli %scan3A_223, %mul3A_232 : i32
      %swap3A_234 = arith.index_cast %mul3A_233 : i32 to index
      %swap3A_235 = tpu.vector_load %arg10[%swap3A_234] {strides = array<i32>} : memref<512xi32, #tpu.memory_space<vmem>>, vector<16xi32>,
      tpu.vector_store %arg10[%swap3A_234], %broadcast_in_dim3A_231 {strides = array<i32>} : memref<512xi32, #tpu.memory_space<vmem>>, vector<16xi32>,
      %scan3A_236 = arith.constant 0 : i32
      %scan3A_237 = arith.constant 16 : i32
      %broadcast_in_dim3A_238 = arith.constant 0x7F800000 : f32
      %broadcast_in_dim3A_239 = vector.broadcast %broadcast_in_dim3A_238 : f32 to vector<16xf32>
      %mul3A_240 = arith.constant 16 : i32
      %mul3A_241 = arith.muli %scan3A_237, %mul3A_240 : i32
      %swap3A_242 = arith.index_cast %mul3A_241 : i32 to index
      %swap3A_243 = tpu.vector_load %arg9[%swap3A_242] {strides = array<i32>} : memref<512xf32, #tpu.memory_space<vmem>>, vector<16xf32>,
      tpu.vector_store %arg9[%swap3A_242], %broadcast_in_dim3A_239 {strides = array<i32>} : memref<512xf32, #tpu.memory_space<vmem>>, vector<16xf32>,
      %broadcast_in_dim3A_244 = arith.constant 1073741824 : i32
      %broadcast_in_dim3A_245 = vector.broadcast %broadcast_in_dim3A_244 : i32 to vector<16xi32>
      %mul3A_246 = arith.constant 16 : i32
      %mul3A_247 = arith.muli %scan3A_237, %mul3A_246 : i32
      %swap3A_248 = arith.index_cast %mul3A_247 : i32 to index
      %swap3A_249 = tpu.vector_load %arg10[%swap3A_248] {strides = array<i32>} : memref<512xi32, #tpu.memory_space<vmem>>, vector<16xi32>,
      tpu.vector_store %arg10[%swap3A_248], %broadcast_in_dim3A_245 {strides = array<i32>} : memref<512xi32, #tpu.memory_space<vmem>>, vector<16xi32>,
      %scan3A_250 = arith.constant 0 : i32
      %scan3A_251 = arith.constant 17 : i32
      %broadcast_in_dim3A_252 = arith.constant 0x7F800000 : f32
      %broadcast_in_dim3A_253 = vector.broadcast %broadcast_in_dim3A_252 : f32 to vector<16xf32>
      %mul3A_254 = arith.constant 16 : i32
      %mul3A_255 = arith.muli %scan3A_251, %mul3A_254 : i32
      %swap3A_256 = arith.index_cast %mul3A_255 : i32 to index
      %swap3A_257 = tpu.vector_load %arg9[%swap3A_256] {strides = array<i32>} : memref<512xf32, #tpu.memory_space<vmem>>, vector<16xf32>,
      tpu.vector_store %arg9[%swap3A_256], %broadcast_in_dim3A_253 {strides = array<i32>} : memref<512xf32, #tpu.memory_space<vmem>>, vector<16xf32>,
      %broadcast_in_dim3A_258 = arith.constant 1073741824 : i32
      %broadcast_in_dim3A_259 = vector.broadcast %broadcast_in_dim3A_258 : i32 to vector<16xi32>
      %mul3A_260 = arith.constant 16 : i32
      %mul3A_261 = arith.muli %scan3A_251, %mul3A_260 : i32
      %swap3A_262 = arith.index_cast %mul3A_261 : i32 to index
      %swap3A_263 = tpu.vector_load %arg10[%swap3A_262] {strides = array<i32>} : memref<512xi32, #tpu.memory_space<vmem>>, vector<16xi32>,
      tpu.vector_store %arg10[%swap3A_262], %broadcast_in_dim3A_259 {strides = array<i32>} : memref<512xi32, #tpu.memory_space<vmem>>, vector<16xi32>,
      %scan3A_264 = arith.constant 0 : i32
      %scan3A_265 = arith.constant 18 : i32
      %broadcast_in_dim3A_266 = arith.constant 0x7F800000 : f32
      %broadcast_in_dim3A_267 = vector.broadcast %broadcast_in_dim3A_266 : f32 to vector<16xf32>
      %mul3A_268 = arith.constant 16 : i32
      %mul3A_269 = arith.muli %scan3A_265, %mul3A_268 : i32
      %swap3A_270 = arith.index_cast %mul3A_269 : i32 to index
      %swap3A_271 = tpu.vector_load %arg9[%swap3A_270] {strides = array<i32>} : memref<512xf32, #tpu.memory_space<vmem>>, vector<16xf32>,
      tpu.vector_store %arg9[%swap3A_270], %broadcast_in_dim3A_267 {strides = array<i32>} : memref<512xf32, #tpu.memory_space<vmem>>, vector<16xf32>,
      %broadcast_in_dim3A_272 = arith.constant 1073741824 : i32
      %broadcast_in_dim3A_273 = vector.broadcast %broadcast_in_dim3A_272 : i32 to vector<16xi32>
      %mul3A_274 = arith.constant 16 : i32
      %mul3A_275 = arith.muli %scan3A_265, %mul3A_274 : i32
      %swap3A_276 = arith.index_cast %mul3A_275 : i32 to index
      %swap3A_277 = tpu.vector_load %arg10[%swap3A_276] {strides = array<i32>} : memref<512xi32, #tpu.memory_space<vmem>>, vector<16xi32>,
      tpu.vector_store %arg10[%swap3A_276], %broadcast_in_dim3A_273 {strides = array<i32>} : memref<512xi32, #tpu.memory_space<vmem>>, vector<16xi32>,
      %scan3A_278 = arith.constant 0 : i32
      %scan3A_279 = arith.constant 19 : i32
      %broadcast_in_dim3A_280 = arith.constant 0x7F800000 : f32
      %broadcast_in_dim3A_281 = vector.broadcast %broadcast_in_dim3A_280 : f32 to vector<16xf32>
      %mul3A_282 = arith.constant 16 : i32
      %mul3A_283 = arith.muli %scan3A_279, %mul3A_282 : i32
      %swap3A_284 = arith.index_cast %mul3A_283 : i32 to index
      %swap3A_285 = tpu.vector_load %arg9[%swap3A_284] {strides = array<i32>} : memref<512xf32, #tpu.memory_space<vmem>>, vector<16xf32>,
      tpu.vector_store %arg9[%swap3A_284], %broadcast_in_dim3A_281 {strides = array<i32>} : memref<512xf32, #tpu.memory_space<vmem>>, vector<16xf32>,
      %broadcast_in_dim3A_286 = arith.constant 1073741824 : i32
      %broadcast_in_dim3A_287 = vector.broadcast %broadcast_in_dim3A_286 : i32 to vector<16xi32>
      %mul3A_288 = arith.constant 16 : i32
      %mul3A_289 = arith.muli %scan3A_279, %mul3A_288 : i32
      %swap3A_290 = arith.index_cast %mul3A_289 : i32 to index
      %swap3A_291 = tpu.vector_load %arg10[%swap3A_290] {strides = array<i32>} : memref<512xi32, #tpu.memory_space<vmem>>, vector<16xi32>,
      tpu.vector_store %arg10[%swap3A_290], %broadcast_in_dim3A_287 {strides = array<i32>} : memref<512xi32, #tpu.memory_space<vmem>>, vector<16xi32>,
      %scan3A_292 = arith.constant 0 : i32
      %scan3A_293 = arith.constant 20 : i32
      %broadcast_in_dim3A_294 = arith.constant 0x7F800000 : f32
      %broadcast_in_dim3A_295 = vector.broadcast %broadcast_in_dim3A_294 : f32 to vector<16xf32>
      %mul3A_296 = arith.constant 16 : i32
      %mul3A_297 = arith.muli %scan3A_293, %mul3A_296 : i32
      %swap3A_298 = arith.index_cast %mul3A_297 : i32 to index
      %swap3A_299 = tpu.vector_load %arg9[%swap3A_298] {strides = array<i32>} : memref<512xf32, #tpu.memory_space<vmem>>, vector<16xf32>,
      tpu.vector_store %arg9[%swap3A_298], %broadcast_in_dim3A_295 {strides = array<i32>} : memref<512xf32, #tpu.memory_space<vmem>>, vector<16xf32>,
      %broadcast_in_dim3A_300 = arith.constant 1073741824 : i32
      %broadcast_in_dim3A_301 = vector.broadcast %broadcast_in_dim3A_300 : i32 to vector<16xi32>
      %mul3A_302 = arith.constant 16 : i32
      %mul3A_303 = arith.muli %scan3A_293, %mul3A_302 : i32
      %swap3A_304 = arith.index_cast %mul3A_303 : i32 to index
      %swap3A_305 = tpu.vector_load %arg10[%swap3A_304] {strides = array<i32>} : memref<512xi32, #tpu.memory_space<vmem>>, vector<16xi32>,
      tpu.vector_store %arg10[%swap3A_304], %broadcast_in_dim3A_301 {strides = array<i32>} : memref<512xi32, #tpu.memory_space<vmem>>, vector<16xi32>,
      %scan3A_306 = arith.constant 0 : i32
      %scan3A_307 = arith.constant 21 : i32
      %broadcast_in_dim3A_308 = arith.constant 0x7F800000 : f32
      %broadcast_in_dim3A_309 = vector.broadcast %broadcast_in_dim3A_308 : f32 to vector<16xf32>
      %mul3A_310 = arith.constant 16 : i32
      %mul3A_311 = arith.muli %scan3A_307, %mul3A_310 : i32
      %swap3A_312 = arith.index_cast %mul3A_311 : i32 to index
      %swap3A_313 = tpu.vector_load %arg9[%swap3A_312] {strides = array<i32>} : memref<512xf32, #tpu.memory_space<vmem>>, vector<16xf32>,
      tpu.vector_store %arg9[%swap3A_312], %broadcast_in_dim3A_309 {strides = array<i32>} : memref<512xf32, #tpu.memory_space<vmem>>, vector<16xf32>,
      %broadcast_in_dim3A_314 = arith.constant 1073741824 : i32
      %broadcast_in_dim3A_315 = vector.broadcast %broadcast_in_dim3A_314 : i32 to vector<16xi32>
      %mul3A_316 = arith.constant 16 : i32
      %mul3A_317 = arith.muli %scan3A_307, %mul3A_316 : i32
      %swap3A_318 = arith.index_cast %mul3A_317 : i32 to index
      %swap3A_319 = tpu.vector_load %arg10[%swap3A_318] {strides = array<i32>} : memref<512xi32, #tpu.memory_space<vmem>>, vector<16xi32>,
      tpu.vector_store %arg10[%swap3A_318], %broadcast_in_dim3A_315 {strides = array<i32>} : memref<512xi32, #tpu.memory_space<vmem>>, vector<16xi32>,
      %scan3A_320 = arith.constant 0 : i32
      %scan3A_321 = arith.constant 22 : i32
      %broadcast_in_dim3A_322 = arith.constant 0x7F800000 : f32
      %broadcast_in_dim3A_323 = vector.broadcast %broadcast_in_dim3A_322 : f32 to vector<16xf32>
      %mul3A_324 = arith.constant 16 : i32
      %mul3A_325 = arith.muli %scan3A_321, %mul3A_324 : i32
      %swap3A_326 = arith.index_cast %mul3A_325 : i32 to index
      %swap3A_327 = tpu.vector_load %arg9[%swap3A_326] {strides = array<i32>} : memref<512xf32, #tpu.memory_space<vmem>>, vector<16xf32>,
      tpu.vector_store %arg9[%swap3A_326], %broadcast_in_dim3A_323 {strides = array<i32>} : memref<512xf32, #tpu.memory_space<vmem>>, vector<16xf32>,
      %broadcast_in_dim3A_328 = arith.constant 1073741824 : i32
      %broadcast_in_dim3A_329 = vector.broadcast %broadcast_in_dim3A_328 : i32 to vector<16xi32>
      %mul3A_330 = arith.constant 16 : i32
      %mul3A_331 = arith.muli %scan3A_321, %mul3A_330 : i32
      %swap3A_332 = arith.index_cast %mul3A_331 : i32 to index
      %swap3A_333 = tpu.vector_load %arg10[%swap3A_332] {strides = array<i32>} : memref<512xi32, #tpu.memory_space<vmem>>, vector<16xi32>,
      tpu.vector_store %arg10[%swap3A_332], %broadcast_in_dim3A_329 {strides = array<i32>} : memref<512xi32, #tpu.memory_space<vmem>>, vector<16xi32>,
      %scan3A_334 = arith.constant 0 : i32
      %scan3A_335 = arith.constant 23 : i32
      %broadcast_in_dim3A_336 = arith.constant 0x7F800000 : f32
      %broadcast_in_dim3A_337 = vector.broadcast %broadcast_in_dim3A_336 : f32 to vector<16xf32>
      %mul3A_338 = arith.constant 16 : i32
      %mul3A_339 = arith.muli %scan3A_335, %mul3A_338 : i32
      %swap3A_340 = arith.index_cast %mul3A_339 : i32 to index
      %swap3A_341 = tpu.vector_load %arg9[%swap3A_340] {strides = array<i32>} : memref<512xf32, #tpu.memory_space<vmem>>, vector<16xf32>,
      tpu.vector_store %arg9[%swap3A_340], %broadcast_in_dim3A_337 {strides = array<i32>} : memref<512xf32, #tpu.memory_space<vmem>>, vector<16xf32>,
      %broadcast_in_dim3A_342 = arith.constant 1073741824 : i32
      %broadcast_in_dim3A_343 = vector.broadcast %broadcast_in_dim3A_342 : i32 to vector<16xi32>
      %mul3A_344 = arith.constant 16 : i32
      %mul3A_345 = arith.muli %scan3A_335, %mul3A_344 : i32
      %swap3A_346 = arith.index_cast %mul3A_345 : i32 to index
      %swap3A_347 = tpu.vector_load %arg10[%swap3A_346] {strides = array<i32>} : memref<512xi32, #tpu.memory_space<vmem>>, vector<16xi32>,
      tpu.vector_store %arg10[%swap3A_346], %broadcast_in_dim3A_343 {strides = array<i32>} : memref<512xi32, #tpu.memory_space<vmem>>, vector<16xi32>,
      %scan3A_348 = arith.constant 0 : i32
      %scan3A_349 = arith.constant 24 : i32
      %broadcast_in_dim3A_350 = arith.constant 0x7F800000 : f32
      %broadcast_in_dim3A_351 = vector.broadcast %broadcast_in_dim3A_350 : f32 to vector<16xf32>
      %mul3A_352 = arith.constant 16 : i32
      %mul3A_353 = arith.muli %scan3A_349, %mul3A_352 : i32
      %swap3A_354 = arith.index_cast %mul3A_353 : i32 to index
      %swap3A_355 = tpu.vector_load %arg9[%swap3A_354] {strides = array<i32>} : memref<512xf32, #tpu.memory_space<vmem>>, vector<16xf32>,
      tpu.vector_store %arg9[%swap3A_354], %broadcast_in_dim3A_351 {strides = array<i32>} : memref<512xf32, #tpu.memory_space<vmem>>, vector<16xf32>,
      %broadcast_in_dim3A_356 = arith.constant 1073741824 : i32
      %broadcast_in_dim3A_357 = vector.broadcast %broadcast_in_dim3A_356 : i32 to vector<16xi32>
      %mul3A_358 = arith.constant 16 : i32
      %mul3A_359 = arith.muli %scan3A_349, %mul3A_358 : i32
      %swap3A_360 = arith.index_cast %mul3A_359 : i32 to index
      %swap3A_361 = tpu.vector_load %arg10[%swap3A_360] {strides = array<i32>} : memref<512xi32, #tpu.memory_space<vmem>>, vector<16xi32>,
      tpu.vector_store %arg10[%swap3A_360], %broadcast_in_dim3A_357 {strides = array<i32>} : memref<512xi32, #tpu.memory_space<vmem>>, vector<16xi32>,
      %scan3A_362 = arith.constant 0 : i32
      %scan3A_363 = arith.constant 25 : i32
      %broadcast_in_dim3A_364 = arith.constant 0x7F800000 : f32
      %broadcast_in_dim3A_365 = vector.broadcast %broadcast_in_dim3A_364 : f32 to vector<16xf32>
      %mul3A_366 = arith.constant 16 : i32
      %mul3A_367 = arith.muli %scan3A_363, %mul3A_366 : i32
      %swap3A_368 = arith.index_cast %mul3A_367 : i32 to index
      %swap3A_369 = tpu.vector_load %arg9[%swap3A_368] {strides = array<i32>} : memref<512xf32, #tpu.memory_space<vmem>>, vector<16xf32>,
      tpu.vector_store %arg9[%swap3A_368], %broadcast_in_dim3A_365 {strides = array<i32>} : memref<512xf32, #tpu.memory_space<vmem>>, vector<16xf32>,
      %broadcast_in_dim3A_370 = arith.constant 1073741824 : i32
      %broadcast_in_dim3A_371 = vector.broadcast %broadcast_in_dim3A_370 : i32 to vector<16xi32>
      %mul3A_372 = arith.constant 16 : i32
      %mul3A_373 = arith.muli %scan3A_363, %mul3A_372 : i32
      %swap3A_374 = arith.index_cast %mul3A_373 : i32 to index
      %swap3A_375 = tpu.vector_load %arg10[%swap3A_374] {strides = array<i32>} : memref<512xi32, #tpu.memory_space<vmem>>, vector<16xi32>,
      tpu.vector_store %arg10[%swap3A_374], %broadcast_in_dim3A_371 {strides = array<i32>} : memref<512xi32, #tpu.memory_space<vmem>>, vector<16xi32>,
      %scan3A_376 = arith.constant 0 : i32
      %scan3A_377 = arith.constant 26 : i32
      %broadcast_in_dim3A_378 = arith.constant 0x7F800000 : f32
      %broadcast_in_dim3A_379 = vector.broadcast %broadcast_in_dim3A_378 : f32 to vector<16xf32>
      %mul3A_380 = arith.constant 16 : i32
      %mul3A_381 = arith.muli %scan3A_377, %mul3A_380 : i32
      %swap3A_382 = arith.index_cast %mul3A_381 : i32 to index
      %swap3A_383 = tpu.vector_load %arg9[%swap3A_382] {strides = array<i32>} : memref<512xf32, #tpu.memory_space<vmem>>, vector<16xf32>,
      tpu.vector_store %arg9[%swap3A_382], %broadcast_in_dim3A_379 {strides = array<i32>} : memref<512xf32, #tpu.memory_space<vmem>>, vector<16xf32>,
      %broadcast_in_dim3A_384 = arith.constant 1073741824 : i32
      %broadcast_in_dim3A_385 = vector.broadcast %broadcast_in_dim3A_384 : i32 to vector<16xi32>
      %mul3A_386 = arith.constant 16 : i32
      %mul3A_387 = arith.muli %scan3A_377, %mul3A_386 : i32
      %swap3A_388 = arith.index_cast %mul3A_387 : i32 to index
      %swap3A_389 = tpu.vector_load %arg10[%swap3A_388] {strides = array<i32>} : memref<512xi32, #tpu.memory_space<vmem>>, vector<16xi32>,
      tpu.vector_store %arg10[%swap3A_388], %broadcast_in_dim3A_385 {strides = array<i32>} : memref<512xi32, #tpu.memory_space<vmem>>, vector<16xi32>,
      %scan3A_390 = arith.constant 0 : i32
      %scan3A_391 = arith.constant 27 : i32
      %broadcast_in_dim3A_392 = arith.constant 0x7F800000 : f32
      %broadcast_in_dim3A_393 = vector.broadcast %broadcast_in_dim3A_392 : f32 to vector<16xf32>
      %mul3A_394 = arith.constant 16 : i32
      %mul3A_395 = arith.muli %scan3A_391, %mul3A_394 : i32
      %swap3A_396 = arith.index_cast %mul3A_395 : i32 to index
      %swap3A_397 = tpu.vector_load %arg9[%swap3A_396] {strides = array<i32>} : memref<512xf32, #tpu.memory_space<vmem>>, vector<16xf32>,
      tpu.vector_store %arg9[%swap3A_396], %broadcast_in_dim3A_393 {strides = array<i32>} : memref<512xf32, #tpu.memory_space<vmem>>, vector<16xf32>,
      %broadcast_in_dim3A_398 = arith.constant 1073741824 : i32
      %broadcast_in_dim3A_399 = vector.broadcast %broadcast_in_dim3A_398 : i32 to vector<16xi32>
      %mul3A_400 = arith.constant 16 : i32
      %mul3A_401 = arith.muli %scan3A_391, %mul3A_400 : i32
      %swap3A_402 = arith.index_cast %mul3A_401 : i32 to index
      %swap3A_403 = tpu.vector_load %arg10[%swap3A_402] {strides = array<i32>} : memref<512xi32, #tpu.memory_space<vmem>>, vector<16xi32>,
      tpu.vector_store %arg10[%swap3A_402], %broadcast_in_dim3A_399 {strides = array<i32>} : memref<512xi32, #tpu.memory_space<vmem>>, vector<16xi32>,
      %scan3A_404 = arith.constant 0 : i32
      %scan3A_405 = arith.constant 28 : i32
      %broadcast_in_dim3A_406 = arith.constant 0x7F800000 : f32
      %broadcast_in_dim3A_407 = vector.broadcast %broadcast_in_dim3A_406 : f32 to vector<16xf32>
      %mul3A_408 = arith.constant 16 : i32
      %mul3A_409 = arith.muli %scan3A_405, %mul3A_408 : i32
      %swap3A_410 = arith.index_cast %mul3A_409 : i32 to index
      %swap3A_411 = tpu.vector_load %arg9[%swap3A_410] {strides = array<i32>} : memref<512xf32, #tpu.memory_space<vmem>>, vector<16xf32>,
      tpu.vector_store %arg9[%swap3A_410], %broadcast_in_dim3A_407 {strides = array<i32>} : memref<512xf32, #tpu.memory_space<vmem>>, vector<16xf32>,
      %broadcast_in_dim3A_412 = arith.constant 1073741824 : i32
      %broadcast_in_dim3A_413 = vector.broadcast %broadcast_in_dim3A_412 : i32 to vector<16xi32>
      %mul3A_414 = arith.constant 16 : i32
      %mul3A_415 = arith.muli %scan3A_405, %mul3A_414 : i32
      %swap3A_416 = arith.index_cast %mul3A_415 : i32 to index
      %swap3A_417 = tpu.vector_load %arg10[%swap3A_416] {strides = array<i32>} : memref<512xi32, #tpu.memory_space<vmem>>, vector<16xi32>,
      tpu.vector_store %arg10[%swap3A_416], %broadcast_in_dim3A_413 {strides = array<i32>} : memref<512xi32, #tpu.memory_space<vmem>>, vector<16xi32>,
      %scan3A_418 = arith.constant 0 : i32
      %scan3A_419 = arith.constant 29 : i32
      %broadcast_in_dim3A_420 = arith.constant 0x7F800000 : f32
      %broadcast_in_dim3A_421 = vector.broadcast %broadcast_in_dim3A_420 : f32 to vector<16xf32>
      %mul3A_422 = arith.constant 16 : i32
      %mul3A_423 = arith.muli %scan3A_419, %mul3A_422 : i32
      %swap3A_424 = arith.index_cast %mul3A_423 : i32 to index
      %swap3A_425 = tpu.vector_load %arg9[%swap3A_424] {strides = array<i32>} : memref<512xf32, #tpu.memory_space<vmem>>, vector<16xf32>,
      tpu.vector_store %arg9[%swap3A_424], %broadcast_in_dim3A_421 {strides = array<i32>} : memref<512xf32, #tpu.memory_space<vmem>>, vector<16xf32>,
      %broadcast_in_dim3A_426 = arith.constant 1073741824 : i32
      %broadcast_in_dim3A_427 = vector.broadcast %broadcast_in_dim3A_426 : i32 to vector<16xi32>
      %mul3A_428 = arith.constant 16 : i32
      %mul3A_429 = arith.muli %scan3A_419, %mul3A_428 : i32
      %swap3A_430 = arith.index_cast %mul3A_429 : i32 to index
      %swap3A_431 = tpu.vector_load %arg10[%swap3A_430] {strides = array<i32>} : memref<512xi32, #tpu.memory_space<vmem>>, vector<16xi32>,
      tpu.vector_store %arg10[%swap3A_430], %broadcast_in_dim3A_427 {strides = array<i32>} : memref<512xi32, #tpu.memory_space<vmem>>, vector<16xi32>,
      %scan3A_432 = arith.constant 0 : i32
      %scan3A_433 = arith.constant 30 : i32
      %broadcast_in_dim3A_434 = arith.constant 0x7F800000 : f32
      %broadcast_in_dim3A_435 = vector.broadcast %broadcast_in_dim3A_434 : f32 to vector<16xf32>
      %mul3A_436 = arith.constant 16 : i32
      %mul3A_437 = arith.muli %scan3A_433, %mul3A_436 : i32
      %swap3A_438 = arith.index_cast %mul3A_437 : i32 to index
      %swap3A_439 = tpu.vector_load %arg9[%swap3A_438] {strides = array<i32>} : memref<512xf32, #tpu.memory_space<vmem>>, vector<16xf32>,
      tpu.vector_store %arg9[%swap3A_438], %broadcast_in_dim3A_435 {strides = array<i32>} : memref<512xf32, #tpu.memory_space<vmem>>, vector<16xf32>,
      %broadcast_in_dim3A_440 = arith.constant 1073741824 : i32
      %broadcast_in_dim3A_441 = vector.broadcast %broadcast_in_dim3A_440 : i32 to vector<16xi32>
      %mul3A_442 = arith.constant 16 : i32
      %mul3A_443 = arith.muli %scan3A_433, %mul3A_442 : i32
      %swap3A_444 = arith.index_cast %mul3A_443 : i32 to index
      %swap3A_445 = tpu.vector_load %arg10[%swap3A_444] {strides = array<i32>} : memref<512xi32, #tpu.memory_space<vmem>>, vector<16xi32>,
      tpu.vector_store %arg10[%swap3A_444], %broadcast_in_dim3A_441 {strides = array<i32>} : memref<512xi32, #tpu.memory_space<vmem>>, vector<16xi32>,
      %scan3A_446 = arith.constant 0 : i32
      %scan3A_447 = arith.constant 31 : i32
      %broadcast_in_dim3A_448 = arith.constant 0x7F800000 : f32
      %broadcast_in_dim3A_449 = vector.broadcast %broadcast_in_dim3A_448 : f32 to vector<16xf32>
      %mul3A_450 = arith.constant 16 : i32
      %mul3A_451 = arith.muli %scan3A_447, %mul3A_450 : i32
      %swap3A_452 = arith.index_cast %mul3A_451 : i32 to index
      %swap3A_453 = tpu.vector_load %arg9[%swap3A_452] {strides = array<i32>} : memref<512xf32, #tpu.memory_space<vmem>>, vector<16xf32>,
      tpu.vector_store %arg9[%swap3A_452], %broadcast_in_dim3A_449 {strides = array<i32>} : memref<512xf32, #tpu.memory_space<vmem>>, vector<16xf32>,
      %broadcast_in_dim3A_454 = arith.constant 1073741824 : i32
      %broadcast_in_dim3A_455 = vector.broadcast %broadcast_in_dim3A_454 : i32 to vector<16xi32>
      %mul3A_456 = arith.constant 16 : i32
      %mul3A_457 = arith.muli %scan3A_447, %mul3A_456 : i32
      %swap3A_458 = arith.index_cast %mul3A_457 : i32 to index
      %swap3A_459 = tpu.vector_load %arg10[%swap3A_458] {strides = array<i32>} : memref<512xi32, #tpu.memory_space<vmem>>, vector<16xi32>,
      tpu.vector_store %arg10[%swap3A_458], %broadcast_in_dim3A_455 {strides = array<i32>} : memref<512xi32, #tpu.memory_space<vmem>>, vector<16xi32>,
      %scan3A_460 = arith.constant 0 : i32
      %scan3A_461 = arith.constant 32 : i32
      %mul3A_462 = arith.constant 16 : i32
      %mul3A_463 = arith.muli %scan3A_11, %mul3A_462 : i32
      %get3A = arith.index_cast %mul3A_463 : i32 to index
      %get3A_464 = tpu.vector_load %arg6[%get3A] {strides = array<i32>} : memref<512xf32, #tpu.memory_space<vmem>>, vector<16xf32>,
      %mul3A_465 = arith.constant 8 : i32
      %mul3A_466 = arith.muli %add3A_13, %mul3A_465 : i32
      %dma_start3A = arith.constant 0 : i32
      %dma_start3A_467 = tpu.memref_slice %arg2[%mul3A_466, %dma_start3A] : memref<8192x12800xf32, #tpu.memory_space<hbm>> -> memref<1x12800xf32, #tpu.memory_space<hbm>>
      %dma_start3A_468 = tpu.memref_squeeze %dma_start3A_467 : memref<1x12800xf32, #tpu.memory_space<hbm>> -> memref<12800xf32, #tpu.memory_space<hbm>>
      %dma_start3A_469 = arith.constant 0 : i32
      %dma_start3A_470 = tpu.memref_slice %arg2[%mul3A_466, %dma_start3A_469] : memref<8192x12800xf32, #tpu.memory_space<hbm>> -> memref<1x12800xf32, #tpu.memory_space<hbm>>
      %dma_start3A_471 = tpu.memref_squeeze %dma_start3A_470 : memref<1x12800xf32, #tpu.memory_space<hbm>> -> memref<12800xf32, #tpu.memory_space<hbm>>
      tpu.enqueue_dma source(%dma_start3A_471 : memref<12800xf32, #tpu.memory_space<hbm>>) target(%arg7 : memref<12800xf32, #tpu.memory_space<vmem>>) target_semaphore(%arg11 : memref<!tpu.dma_semaphore, #tpu.memory_space<semaphore_mem>>)
      %dma_wait3A = arith.constant 0 : i32
      %dma_wait3A_472 = tpu.memref_slice %arg2[%mul3A_466, %dma_wait3A] : memref<8192x12800xf32, #tpu.memory_space<hbm>> -> memref<1x12800xf32, #tpu.memory_space<hbm>>
      %dma_wait3A_473 = tpu.memref_squeeze %dma_wait3A_472 : memref<1x12800xf32, #tpu.memory_space<hbm>> -> memref<12800xf32, #tpu.memory_space<hbm>>
      %dma_wait3A_474 = arith.constant 0 : i32
      %dma_wait3A_475 = tpu.memref_slice %arg2[%mul3A_466, %dma_wait3A_474] : memref<8192x12800xf32, #tpu.memory_space<hbm>> -> memref<1x12800xf32, #tpu.memory_space<hbm>>
      %dma_wait3A_476 = tpu.memref_squeeze %dma_wait3A_475 : memref<1x12800xf32, #tpu.memory_space<hbm>> -> memref<12800xf32, #tpu.memory_space<hbm>>
      tpu.wait_dma2 semaphore(%arg11 : memref<!tpu.dma_semaphore, #tpu.memory_space<semaphore_mem>>) src(%dma_wait3A_476 : memref<12800xf32, #tpu.memory_space<hbm>>) dst(%arg7 : memref<12800xf32, #tpu.memory_space<vmem>>)
      %mul3A_477 = arith.constant 8 : i32
      %mul3A_478 = arith.muli %add3A_13, %mul3A_477 : i32
      %add3A_479 = arith.constant 1 : i32
      %add3A_480 = arith.addi %mul3A_478, %add3A_479 : i32
      %dma_start3A_481 = arith.constant 0 : i32
      %dma_start3A_482 = tpu.memref_slice %arg2[%add3A_480, %dma_start3A_481] : memref<8192x12800xf32, #tpu.memory_space<hbm>> -> memref<1x12800xf32, #tpu.memory_space<hbm>>
      %dma_start3A_483 = tpu.memref_squeeze %dma_start3A_482 : memref<1x12800xf32, #tpu.memory_space<hbm>> -> memref<12800xf32, #tpu.memory_space<hbm>>
      %dma_start3A_484 = arith.constant 0 : i32
      %dma_start3A_485 = tpu.memref_slice %arg2[%add3A_480, %dma_start3A_484] : memref<8192x12800xf32, #tpu.memory_space<hbm>> -> memref<1x12800xf32, #tpu.memory_space<hbm>>
      %dma_start3A_486 = tpu.memref_squeeze %dma_start3A_485 : memref<1x12800xf32, #tpu.memory_space<hbm>> -> memref<12800xf32, #tpu.memory_space<hbm>>
      tpu.enqueue_dma source(%dma_start3A_486 : memref<12800xf32, #tpu.memory_space<hbm>>) target(%arg8 : memref<12800xf32, #tpu.memory_space<vmem>>) target_semaphore(%arg12 : memref<!tpu.dma_semaphore, #tpu.memory_space<semaphore_mem>>)
      %scan3A_487 = arith.constant 0 : i32
      %scan3A_488 = arith.constant 0 : i32
      %scan3A_489 = arith.constant 100 : i32
      %scan3A_490 = arith.addi %scan3A_488, %scan3A_489 : i32
      %scan3A_491 = arith.constant 1 : i32
      %scan3A_492 = scf.for %scan3A_639 = %scan3A_488 to %scan3A_490 step %scan3A_491 iter_args(%scan3A_640 = %scan3A_487) -> (i32)  : i32 {
        %mul3A_641 = arith.constant 128 : i32
        %mul3A_642 = arith.muli %scan3A_639, %mul3A_641 : i32
        %add3A_643 = arith.constant 0 : i32
        %add3A_644 = arith.addi %mul3A_642, %add3A_643 : i32
        %get3A_645 = arith.index_cast %add3A_644 : i32 to index
        %get3A_646 = tpu.vector_load %arg7[%get3A_645] {strides = array<i32>} : memref<12800xf32, #tpu.memory_space<vmem>>, vector<16xf32>,
        %mul3A_647 = arith.constant 128 : i32
        %mul3A_648 = arith.muli %scan3A_639, %mul3A_647 : i32
        %add3A_649 = arith.constant 16 : i32
        %add3A_650 = arith.addi %mul3A_648, %add3A_649 : i32
        %get3A_651 = arith.index_cast %add3A_650 : i32 to index
        %get3A_652 = tpu.vector_load %arg7[%get3A_651] {strides = array<i32>} : memref<12800xf32, #tpu.memory_space<vmem>>, vector<16xf32>,
        %mul3A_653 = arith.constant 128 : i32
        %mul3A_654 = arith.muli %scan3A_639, %mul3A_653 : i32
        %add3A_655 = arith.constant 32 : i32
        %add3A_656 = arith.addi %mul3A_654, %add3A_655 : i32
        %get3A_657 = arith.index_cast %add3A_656 : i32 to index
        %get3A_658 = tpu.vector_load %arg7[%get3A_657] {strides = array<i32>} : memref<12800xf32, #tpu.memory_space<vmem>>, vector<16xf32>,
        %mul3A_659 = arith.constant 128 : i32
        %mul3A_660 = arith.muli %scan3A_639, %mul3A_659 : i32
        %add3A_661 = arith.constant 48 : i32
        %add3A_662 = arith.addi %mul3A_660, %add3A_661 : i32
        %get3A_663 = arith.index_cast %add3A_662 : i32 to index
        %get3A_664 = tpu.vector_load %arg7[%get3A_663] {strides = array<i32>} : memref<12800xf32, #tpu.memory_space<vmem>>, vector<16xf32>,
        %mul3A_665 = arith.constant 128 : i32
        %mul3A_666 = arith.muli %scan3A_639, %mul3A_665 : i32
        %add3A_667 = arith.constant 64 : i32
        %add3A_668 = arith.addi %mul3A_666, %add3A_667 : i32
        %get3A_669 = arith.index_cast %add3A_668 : i32 to index
        %get3A_670 = tpu.vector_load %arg7[%get3A_669] {strides = array<i32>} : memref<12800xf32, #tpu.memory_space<vmem>>, vector<16xf32>,
        %mul3A_671 = arith.constant 128 : i32
        %mul3A_672 = arith.muli %scan3A_639, %mul3A_671 : i32
        %add3A_673 = arith.constant 80 : i32
        %add3A_674 = arith.addi %mul3A_672, %add3A_673 : i32
        %get3A_675 = arith.index_cast %add3A_674 : i32 to index
        %get3A_676 = tpu.vector_load %arg7[%get3A_675] {strides = array<i32>} : memref<12800xf32, #tpu.memory_space<vmem>>, vector<16xf32>,
        %mul3A_677 = arith.constant 128 : i32
        %mul3A_678 = arith.muli %scan3A_639, %mul3A_677 : i32
        %add3A_679 = arith.constant 96 : i32
        %add3A_680 = arith.addi %mul3A_678, %add3A_679 : i32
        %get3A_681 = arith.index_cast %add3A_680 : i32 to index
        %get3A_682 = tpu.vector_load %arg7[%get3A_681] {strides = array<i32>} : memref<12800xf32, #tpu.memory_space<vmem>>, vector<16xf32>,
        %mul3A_683 = arith.constant 128 : i32
        %mul3A_684 = arith.muli %scan3A_639, %mul3A_683 : i32
        %add3A_685 = arith.constant 112 : i32
        %add3A_686 = arith.addi %mul3A_684, %add3A_685 : i32
        %get3A_687 = arith.index_cast %add3A_686 : i32 to index
        %get3A_688 = tpu.vector_load %arg7[%get3A_687] {strides = array<i32>} : memref<12800xf32, #tpu.memory_space<vmem>>, vector<16xf32>,
        %le3A = arith.cmpf ole, %get3A_646, %get3A_464 : vector<16xf32>
        %le3A_689 = arith.cmpf ole, %get3A_652, %get3A_464 : vector<16xf32>
        %le3A_690 = arith.cmpf ole, %get3A_658, %get3A_464 : vector<16xf32>
        %le3A_691 = arith.cmpf ole, %get3A_664, %get3A_464 : vector<16xf32>
        %le3A_692 = arith.cmpf ole, %get3A_670, %get3A_464 : vector<16xf32>
        %le3A_693 = arith.cmpf ole, %get3A_676, %get3A_464 : vector<16xf32>
        %le3A_694 = arith.cmpf ole, %get3A_682, %get3A_464 : vector<16xf32>
        %le3A_695 = arith.cmpf ole, %get3A_688, %get3A_464 : vector<16xf32>
        %or3A = arith.ori %le3A, %le3A_689 : vector<16xi1>
        %or3A_696 = arith.ori %or3A, %le3A_690 : vector<16xi1>
        %or3A_697 = arith.ori %or3A_696, %le3A_691 : vector<16xi1>
        %or3A_698 = arith.ori %or3A_697, %le3A_692 : vector<16xi1>
        %or3A_699 = arith.ori %or3A_698, %le3A_693 : vector<16xi1>
        %or3A_700 = arith.ori %or3A_699, %le3A_694 : vector<16xi1>
        %or3A_701 = arith.ori %or3A_700, %le3A_695 : vector<16xi1>
        %all_reduce_population_count3A = tpu.all_reduce %or3A_701 {dim = 0 : i64, kind = #tpu.reduction_kind<sum>} : vector<16xi1> -> vector<16xi32>
        %slice3A = vector.extract_strided_slice %all_reduce_population_count3A {offsets = [0], sizes = [1], strides = [1]} : vector<16xi32> to vector<1xi32>
        %squeeze3A = vector.extract %slice3A[0] : i32 from vector<1xi32>
        %gt3A = arith.constant 0 : i32
        %gt3A_702 = arith.cmpi sgt, %squeeze3A, %gt3A : i32
        %convert_element_type3A = arith.extui %gt3A_702 : i1 to i32
        %cond3A = arith.constant 0 : i32
        %cond3A_703 = arith.cmpi ne, %convert_element_type3A, %cond3A : i32
        %cond3A_704 = scf.if %cond3A_703 -> (i32) {
          %all_reduce_population_count3A_705 = tpu.all_reduce %le3A {dim = 0 : i64, kind = #tpu.reduction_kind<sum>} : vector<16xi1> -> vector<16xi32>
          %slice3A_706 = vector.extract_strided_slice %all_reduce_population_count3A_705 {offsets = [0], sizes = [1], strides = [1]} : vector<16xi32> to vector<1xi32>
          %squeeze3A_707 = vector.extract %slice3A_706[0] : i32 from vector<1xi32>
          %iota3A = tpu.iota {dimensions = array<i32: 0>} : vector<16xi32>
          %mul3A_708 = arith.constant 128 : i32
          %mul3A_709 = arith.muli %scan3A_639, %mul3A_708 : i32
          %add3A_710 = arith.constant 0 : i32
          %add3A_711 = arith.addi %add3A_710, %mul3A_709 : i32
          %add3A_712 = arith.constant 0 : i32
          %add3A_713 = arith.addi %add3A_711, %add3A_712 : i32
          %add3A_714 = vector.broadcast %add3A_713 : i32 to vector<16xi32>
          %add3A_715 = arith.addi %iota3A, %add3A_714 : vector<16xi32>
          %min3A = arith.constant 496 : i32
          %min3A_716 = arith.minsi %scan3A_640, %min3A : i32
          %swap3A_717 = arith.index_cast %min3A_716 : i32 to index
          %swap3A_718 = tpu.vector_load %arg9[%swap3A_717] masked %le3A {strides = array<i32>} : memref<512xf32, #tpu.memory_space<vmem>>, vector<16xf32>, vector<16xi1>
          tpu.vector_store %arg9[%swap3A_717], %get3A_646 masked %le3A {strides = array<i32>} : memref<512xf32, #tpu.memory_space<vmem>>, vector<16xf32>, vector<16xi1>
          %swap3A_719 = arith.index_cast %min3A_716 : i32 to index
          %swap3A_720 = tpu.vector_load %arg10[%swap3A_719] masked %le3A {strides = array<i32>} : memref<512xi32, #tpu.memory_space<vmem>>, vector<16xi32>, vector<16xi1>
          tpu.vector_store %arg10[%swap3A_719], %add3A_715 masked %le3A {strides = array<i32>} : memref<512xi32, #tpu.memory_space<vmem>>, vector<16xi32>, vector<16xi1>
          %add3A_721 = arith.addi %scan3A_640, %squeeze3A_707 : i32
          %all_reduce_population_count3A_722 = tpu.all_reduce %le3A_689 {dim = 0 : i64, kind = #tpu.reduction_kind<sum>} : vector<16xi1> -> vector<16xi32>
          %slice3A_723 = vector.extract_strided_slice %all_reduce_population_count3A_722 {offsets = [0], sizes = [1], strides = [1]} : vector<16xi32> to vector<1xi32>
          %squeeze3A_724 = vector.extract %slice3A_723[0] : i32 from vector<1xi32>
          %iota3A_725 = tpu.iota {dimensions = array<i32: 0>} : vector<16xi32>
          %mul3A_726 = arith.constant 128 : i32
          %mul3A_727 = arith.muli %scan3A_639, %mul3A_726 : i32
          %add3A_728 = arith.constant 0 : i32
          %add3A_729 = arith.addi %add3A_728, %mul3A_727 : i32
          %add3A_730 = arith.constant 16 : i32
          %add3A_731 = arith.addi %add3A_729, %add3A_730 : i32
          %add3A_732 = vector.broadcast %add3A_731 : i32 to vector<16xi32>
          %add3A_733 = arith.addi %iota3A_725, %add3A_732 : vector<16xi32>
          %min3A_734 = arith.constant 496 : i32
          %min3A_735 = arith.minsi %add3A_721, %min3A_734 : i32
          %swap3A_736 = arith.index_cast %min3A_735 : i32 to index
          %swap3A_737 = tpu.vector_load %arg9[%swap3A_736] masked %le3A_689 {strides = array<i32>} : memref<512xf32, #tpu.memory_space<vmem>>, vector<16xf32>, vector<16xi1>
          tpu.vector_store %arg9[%swap3A_736], %get3A_652 masked %le3A_689 {strides = array<i32>} : memref<512xf32, #tpu.memory_space<vmem>>, vector<16xf32>, vector<16xi1>
          %swap3A_738 = arith.index_cast %min3A_735 : i32 to index
          %swap3A_739 = tpu.vector_load %arg10[%swap3A_738] masked %le3A_689 {strides = array<i32>} : memref<512xi32, #tpu.memory_space<vmem>>, vector<16xi32>, vector<16xi1>
          tpu.vector_store %arg10[%swap3A_738], %add3A_733 masked %le3A_689 {strides = array<i32>} : memref<512xi32, #tpu.memory_space<vmem>>, vector<16xi32>, vector<16xi1>
          %add3A_740 = arith.addi %add3A_721, %squeeze3A_724 : i32
          %all_reduce_population_count3A_741 = tpu.all_reduce %le3A_690 {dim = 0 : i64, kind = #tpu.reduction_kind<sum>} : vector<16xi1> -> vector<16xi32>
          %slice3A_742 = vector.extract_strided_slice %all_reduce_population_count3A_741 {offsets = [0], sizes = [1], strides = [1]} : vector<16xi32> to vector<1xi32>
          %squeeze3A_743 = vector.extract %slice3A_742[0] : i32 from vector<1xi32>
          %iota3A_744 = tpu.iota {dimensions = array<i32: 0>} : vector<16xi32>
          %mul3A_745 = arith.constant 128 : i32
          %mul3A_746 = arith.muli %scan3A_639, %mul3A_745 : i32
          %add3A_747 = arith.constant 0 : i32
          %add3A_748 = arith.addi %add3A_747, %mul3A_746 : i32
          %add3A_749 = arith.constant 32 : i32
          %add3A_750 = arith.addi %add3A_748, %add3A_749 : i32
          %add3A_751 = vector.broadcast %add3A_750 : i32 to vector<16xi32>
          %add3A_752 = arith.addi %iota3A_744, %add3A_751 : vector<16xi32>
          %min3A_753 = arith.constant 496 : i32
          %min3A_754 = arith.minsi %add3A_740, %min3A_753 : i32
          %swap3A_755 = arith.index_cast %min3A_754 : i32 to index
          %swap3A_756 = tpu.vector_load %arg9[%swap3A_755] masked %le3A_690 {strides = array<i32>} : memref<512xf32, #tpu.memory_space<vmem>>, vector<16xf32>, vector<16xi1>
          tpu.vector_store %arg9[%swap3A_755], %get3A_658 masked %le3A_690 {strides = array<i32>} : memref<512xf32, #tpu.memory_space<vmem>>, vector<16xf32>, vector<16xi1>
          %swap3A_757 = arith.index_cast %min3A_754 : i32 to index
          %swap3A_758 = tpu.vector_load %arg10[%swap3A_757] masked %le3A_690 {strides = array<i32>} : memref<512xi32, #tpu.memory_space<vmem>>, vector<16xi32>, vector<16xi1>
          tpu.vector_store %arg10[%swap3A_757], %add3A_752 masked %le3A_690 {strides = array<i32>} : memref<512xi32, #tpu.memory_space<vmem>>, vector<16xi32>, vector<16xi1>
          %add3A_759 = arith.addi %add3A_740, %squeeze3A_743 : i32
          %all_reduce_population_count3A_760 = tpu.all_reduce %le3A_691 {dim = 0 : i64, kind = #tpu.reduction_kind<sum>} : vector<16xi1> -> vector<16xi32>
          %slice3A_761 = vector.extract_strided_slice %all_reduce_population_count3A_760 {offsets = [0], sizes = [1], strides = [1]} : vector<16xi32> to vector<1xi32>
          %squeeze3A_762 = vector.extract %slice3A_761[0] : i32 from vector<1xi32>
          %iota3A_763 = tpu.iota {dimensions = array<i32: 0>} : vector<16xi32>
          %mul3A_764 = arith.constant 128 : i32
          %mul3A_765 = arith.muli %scan3A_639, %mul3A_764 : i32
          %add3A_766 = arith.constant 0 : i32
          %add3A_767 = arith.addi %add3A_766, %mul3A_765 : i32
          %add3A_768 = arith.constant 48 : i32
          %add3A_769 = arith.addi %add3A_767, %add3A_768 : i32
          %add3A_770 = vector.broadcast %add3A_769 : i32 to vector<16xi32>
          %add3A_771 = arith.addi %iota3A_763, %add3A_770 : vector<16xi32>
          %min3A_772 = arith.constant 496 : i32
          %min3A_773 = arith.minsi %add3A_759, %min3A_772 : i32
          %swap3A_774 = arith.index_cast %min3A_773 : i32 to index
          %swap3A_775 = tpu.vector_load %arg9[%swap3A_774] masked %le3A_691 {strides = array<i32>} : memref<512xf32, #tpu.memory_space<vmem>>, vector<16xf32>, vector<16xi1>
          tpu.vector_store %arg9[%swap3A_774], %get3A_664 masked %le3A_691 {strides = array<i32>} : memref<512xf32, #tpu.memory_space<vmem>>, vector<16xf32>, vector<16xi1>
          %swap3A_776 = arith.index_cast %min3A_773 : i32 to index
          %swap3A_777 = tpu.vector_load %arg10[%swap3A_776] masked %le3A_691 {strides = array<i32>} : memref<512xi32, #tpu.memory_space<vmem>>, vector<16xi32>, vector<16xi1>
          tpu.vector_store %arg10[%swap3A_776], %add3A_771 masked %le3A_691 {strides = array<i32>} : memref<512xi32, #tpu.memory_space<vmem>>, vector<16xi32>, vector<16xi1>
          %add3A_778 = arith.addi %add3A_759, %squeeze3A_762 : i32
          %all_reduce_population_count3A_779 = tpu.all_reduce %le3A_692 {dim = 0 : i64, kind = #tpu.reduction_kind<sum>} : vector<16xi1> -> vector<16xi32>
          %slice3A_780 = vector.extract_strided_slice %all_reduce_population_count3A_779 {offsets = [0], sizes = [1], strides = [1]} : vector<16xi32> to vector<1xi32>
          %squeeze3A_781 = vector.extract %slice3A_780[0] : i32 from vector<1xi32>
          %iota3A_782 = tpu.iota {dimensions = array<i32: 0>} : vector<16xi32>
          %mul3A_783 = arith.constant 128 : i32
          %mul3A_784 = arith.muli %scan3A_639, %mul3A_783 : i32
          %add3A_785 = arith.constant 0 : i32
          %add3A_786 = arith.addi %add3A_785, %mul3A_784 : i32
          %add3A_787 = arith.constant 64 : i32
          %add3A_788 = arith.addi %add3A_786, %add3A_787 : i32
          %add3A_789 = vector.broadcast %add3A_788 : i32 to vector<16xi32>
          %add3A_790 = arith.addi %iota3A_782, %add3A_789 : vector<16xi32>
          %min3A_791 = arith.constant 496 : i32
          %min3A_792 = arith.minsi %add3A_778, %min3A_791 : i32
          %swap3A_793 = arith.index_cast %min3A_792 : i32 to index
          %swap3A_794 = tpu.vector_load %arg9[%swap3A_793] masked %le3A_692 {strides = array<i32>} : memref<512xf32, #tpu.memory_space<vmem>>, vector<16xf32>, vector<16xi1>
          tpu.vector_store %arg9[%swap3A_793], %get3A_670 masked %le3A_692 {strides = array<i32>} : memref<512xf32, #tpu.memory_space<vmem>>, vector<16xf32>, vector<16xi1>
          %swap3A_795 = arith.index_cast %min3A_792 : i32 to index
          %swap3A_796 = tpu.vector_load %arg10[%swap3A_795] masked %le3A_692 {strides = array<i32>} : memref<512xi32, #tpu.memory_space<vmem>>, vector<16xi32>, vector<16xi1>
          tpu.vector_store %arg10[%swap3A_795], %add3A_790 masked %le3A_692 {strides = array<i32>} : memref<512xi32, #tpu.memory_space<vmem>>, vector<16xi32>, vector<16xi1>
          %add3A_797 = arith.addi %add3A_778, %squeeze3A_781 : i32
          %all_reduce_population_count3A_798 = tpu.all_reduce %le3A_693 {dim = 0 : i64, kind = #tpu.reduction_kind<sum>} : vector<16xi1> -> vector<16xi32>
          %slice3A_799 = vector.extract_strided_slice %all_reduce_population_count3A_798 {offsets = [0], sizes = [1], strides = [1]} : vector<16xi32> to vector<1xi32>
          %squeeze3A_800 = vector.extract %slice3A_799[0] : i32 from vector<1xi32>
          %iota3A_801 = tpu.iota {dimensions = array<i32: 0>} : vector<16xi32>
          %mul3A_802 = arith.constant 128 : i32
          %mul3A_803 = arith.muli %scan3A_639, %mul3A_802 : i32
          %add3A_804 = arith.constant 0 : i32
          %add3A_805 = arith.addi %add3A_804, %mul3A_803 : i32
          %add3A_806 = arith.constant 80 : i32
          %add3A_807 = arith.addi %add3A_805, %add3A_806 : i32
          %add3A_808 = vector.broadcast %add3A_807 : i32 to vector<16xi32>
          %add3A_809 = arith.addi %iota3A_801, %add3A_808 : vector<16xi32>
          %min3A_810 = arith.constant 496 : i32
          %min3A_811 = arith.minsi %add3A_797, %min3A_810 : i32
          %swap3A_812 = arith.index_cast %min3A_811 : i32 to index
          %swap3A_813 = tpu.vector_load %arg9[%swap3A_812] masked %le3A_693 {strides = array<i32>} : memref<512xf32, #tpu.memory_space<vmem>>, vector<16xf32>, vector<16xi1>
          tpu.vector_store %arg9[%swap3A_812], %get3A_676 masked %le3A_693 {strides = array<i32>} : memref<512xf32, #tpu.memory_space<vmem>>, vector<16xf32>, vector<16xi1>
          %swap3A_814 = arith.index_cast %min3A_811 : i32 to index
          %swap3A_815 = tpu.vector_load %arg10[%swap3A_814] masked %le3A_693 {strides = array<i32>} : memref<512xi32, #tpu.memory_space<vmem>>, vector<16xi32>, vector<16xi1>
          tpu.vector_store %arg10[%swap3A_814], %add3A_809 masked %le3A_693 {strides = array<i32>} : memref<512xi32, #tpu.memory_space<vmem>>, vector<16xi32>, vector<16xi1>
          %add3A_816 = arith.addi %add3A_797, %squeeze3A_800 : i32
          %all_reduce_population_count3A_817 = tpu.all_reduce %le3A_694 {dim = 0 : i64, kind = #tpu.reduction_kind<sum>} : vector<16xi1> -> vector<16xi32>
          %slice3A_818 = vector.extract_strided_slice %all_reduce_population_count3A_817 {offsets = [0], sizes = [1], strides = [1]} : vector<16xi32> to vector<1xi32>
          %squeeze3A_819 = vector.extract %slice3A_818[0] : i32 from vector<1xi32>
          %iota3A_820 = tpu.iota {dimensions = array<i32: 0>} : vector<16xi32>
          %mul3A_821 = arith.constant 128 : i32
          %mul3A_822 = arith.muli %scan3A_639, %mul3A_821 : i32
          %add3A_823 = arith.constant 0 : i32
          %add3A_824 = arith.addi %add3A_823, %mul3A_822 : i32
          %add3A_825 = arith.constant 96 : i32
          %add3A_826 = arith.addi %add3A_824, %add3A_825 : i32
          %add3A_827 = vector.broadcast %add3A_826 : i32 to vector<16xi32>
          %add3A_828 = arith.addi %iota3A_820, %add3A_827 : vector<16xi32>
          %min3A_829 = arith.constant 496 : i32
          %min3A_830 = arith.minsi %add3A_816, %min3A_829 : i32
          %swap3A_831 = arith.index_cast %min3A_830 : i32 to index
          %swap3A_832 = tpu.vector_load %arg9[%swap3A_831] masked %le3A_694 {strides = array<i32>} : memref<512xf32, #tpu.memory_space<vmem>>, vector<16xf32>, vector<16xi1>
          tpu.vector_store %arg9[%swap3A_831], %get3A_682 masked %le3A_694 {strides = array<i32>} : memref<512xf32, #tpu.memory_space<vmem>>, vector<16xf32>, vector<16xi1>
          %swap3A_833 = arith.index_cast %min3A_830 : i32 to index
          %swap3A_834 = tpu.vector_load %arg10[%swap3A_833] masked %le3A_694 {strides = array<i32>} : memref<512xi32, #tpu.memory_space<vmem>>, vector<16xi32>, vector<16xi1>
          tpu.vector_store %arg10[%swap3A_833], %add3A_828 masked %le3A_694 {strides = array<i32>} : memref<512xi32, #tpu.memory_space<vmem>>, vector<16xi32>, vector<16xi1>
          %add3A_835 = arith.addi %add3A_816, %squeeze3A_819 : i32
          %all_reduce_population_count3A_836 = tpu.all_reduce %le3A_695 {dim = 0 : i64, kind = #tpu.reduction_kind<sum>} : vector<16xi1> -> vector<16xi32>
          %slice3A_837 = vector.extract_strided_slice %all_reduce_population_count3A_836 {offsets = [0], sizes = [1], strides = [1]} : vector<16xi32> to vector<1xi32>
          %squeeze3A_838 = vector.extract %slice3A_837[0] : i32 from vector<1xi32>
          %iota3A_839 = tpu.iota {dimensions = array<i32: 0>} : vector<16xi32>
          %mul3A_840 = arith.constant 128 : i32
          %mul3A_841 = arith.muli %scan3A_639, %mul3A_840 : i32
          %add3A_842 = arith.constant 0 : i32
          %add3A_843 = arith.addi %add3A_842, %mul3A_841 : i32
          %add3A_844 = arith.constant 112 : i32
          %add3A_845 = arith.addi %add3A_843, %add3A_844 : i32
          %add3A_846 = vector.broadcast %add3A_845 : i32 to vector<16xi32>
          %add3A_847 = arith.addi %iota3A_839, %add3A_846 : vector<16xi32>
          %min3A_848 = arith.constant 496 : i32
          %min3A_849 = arith.minsi %add3A_835, %min3A_848 : i32
          %swap3A_850 = arith.index_cast %min3A_849 : i32 to index
          %swap3A_851 = tpu.vector_load %arg9[%swap3A_850] masked %le3A_695 {strides = array<i32>} : memref<512xf32, #tpu.memory_space<vmem>>, vector<16xf32>, vector<16xi1>
          tpu.vector_store %arg9[%swap3A_850], %get3A_688 masked %le3A_695 {strides = array<i32>} : memref<512xf32, #tpu.memory_space<vmem>>, vector<16xf32>, vector<16xi1>
          %swap3A_852 = arith.index_cast %min3A_849 : i32 to index
          %swap3A_853 = tpu.vector_load %arg10[%swap3A_852] masked %le3A_695 {strides = array<i32>} : memref<512xi32, #tpu.memory_space<vmem>>, vector<16xi32>, vector<16xi1>
          tpu.vector_store %arg10[%swap3A_852], %add3A_847 masked %le3A_695 {strides = array<i32>} : memref<512xi32, #tpu.memory_space<vmem>>, vector<16xi32>, vector<16xi1>
          %add3A_854 = arith.addi %add3A_835, %squeeze3A_838 : i32
          scf.yield %add3A_854 : i32
        } else {
          scf.yield %scan3A_640 : i32
        }
        scf.yield %cond3A_704 : i32
      }
      %scan3A_493 = arith.constant 100 : i32
      %dma_wait3A_494 = arith.constant 0 : i32
      %dma_wait3A_495 = tpu.memref_slice %arg2[%add3A_480, %dma_wait3A_494] : memref<8192x12800xf32, #tpu.memory_space<hbm>> -> memref<1x12800xf32, #tpu.memory_space<hbm>>
      %dma_wait3A_496 = tpu.memref_squeeze %dma_wait3A_495 : memref<1x12800xf32, #tpu.memory_space<hbm>> -> memref<12800xf32, #tpu.memory_space<hbm>>
      %dma_wait3A_497 = arith.constant 0 : i32
      %dma_wait3A_498 = tpu.memref_slice %arg2[%add3A_480, %dma_wait3A_497] : memref<8192x12800xf32, #tpu.memory_space<hbm>> -> memref<1x12800xf32, #tpu.memory_space<hbm>>
      %dma_wait3A_499 = tpu.memref_squeeze %dma_wait3A_498 : memref<1x12800xf32, #tpu.memory_space<hbm>> -> memref<12800xf32, #tpu.memory_space<hbm>>
      tpu.wait_dma2 semaphore(%arg12 : memref<!tpu.dma_semaphore, #tpu.memory_space<semaphore_mem>>) src(%dma_wait3A_499 : memref<12800xf32, #tpu.memory_space<hbm>>) dst(%arg8 : memref<12800xf32, #tpu.memory_space<vmem>>)
      %mul3A_500 = arith.constant 8 : i32
      %mul3A_501 = arith.muli %add3A_13, %mul3A_500 : i32
      %add3A_502 = arith.constant 2 : i32
      %add3A_503 = arith.addi %mul3A_501, %add3A_502 : i32
      %dma_start3A_504 = arith.constant 0 : i32
      %dma_start3A_505 = tpu.memref_slice %arg2[%add3A_503, %dma_start3A_504] : memref<8192x12800xf32, #tpu.memory_space<hbm>> -> memref<1x12800xf32, #tpu.memory_space<hbm>>
      %dma_start3A_506 = tpu.memref_squeeze %dma_start3A_505 : memref<1x12800xf32, #tpu.memory_space<hbm>> -> memref<12800xf32, #tpu.memory_space<hbm>>
      %dma_start3A_507 = arith.constant 0 : i32
      %dma_start3A_508 = tpu.memref_slice %arg2[%add3A_503, %dma_start3A_507] : memref<8192x12800xf32, #tpu.memory_space<hbm>> -> memref<1x12800xf32, #tpu.memory_space<hbm>>
      %dma_start3A_509 = tpu.memref_squeeze %dma_start3A_508 : memref<1x12800xf32, #tpu.memory_space<hbm>> -> memref<12800xf32, #tpu.memory_space<hbm>>
      tpu.enqueue_dma source(%dma_start3A_509 : memref<12800xf32, #tpu.memory_space<hbm>>) target(%arg7 : memref<12800xf32, #tpu.memory_space<vmem>>) target_semaphore(%arg11 : memref<!tpu.dma_semaphore, #tpu.memory_space<semaphore_mem>>)
      %scan3A_510 = arith.constant 0 : i32
      %scan3A_511 = arith.constant 100 : i32
      %scan3A_512 = arith.addi %scan3A_510, %scan3A_511 : i32
      %scan3A_513 = arith.constant 1 : i32
      %scan3A_514 = scf.for %scan3A_639 = %scan3A_510 to %scan3A_512 step %scan3A_513 iter_args(%scan3A_640 = %scan3A_492) -> (i32)  : i32 {
        %mul3A_641 = arith.constant 128 : i32
        %mul3A_642 = arith.muli %scan3A_639, %mul3A_641 : i32
        %add3A_643 = arith.constant 0 : i32
        %add3A_644 = arith.addi %mul3A_642, %add3A_643 : i32
        %get3A_645 = arith.index_cast %add3A_644 : i32 to index
        %get3A_646 = tpu.vector_load %arg8[%get3A_645] {strides = array<i32>} : memref<12800xf32, #tpu.memory_space<vmem>>, vector<16xf32>,
        %mul3A_647 = arith.constant 128 : i32
        %mul3A_648 = arith.muli %scan3A_639, %mul3A_647 : i32
        %add3A_649 = arith.constant 16 : i32
        %add3A_650 = arith.addi %mul3A_648, %add3A_649 : i32
        %get3A_651 = arith.index_cast %add3A_650 : i32 to index
        %get3A_652 = tpu.vector_load %arg8[%get3A_651] {strides = array<i32>} : memref<12800xf32, #tpu.memory_space<vmem>>, vector<16xf32>,
        %mul3A_653 = arith.constant 128 : i32
        %mul3A_654 = arith.muli %scan3A_639, %mul3A_653 : i32
        %add3A_655 = arith.constant 32 : i32
        %add3A_656 = arith.addi %mul3A_654, %add3A_655 : i32
        %get3A_657 = arith.index_cast %add3A_656 : i32 to index
        %get3A_658 = tpu.vector_load %arg8[%get3A_657] {strides = array<i32>} : memref<12800xf32, #tpu.memory_space<vmem>>, vector<16xf32>,
        %mul3A_659 = arith.constant 128 : i32
        %mul3A_660 = arith.muli %scan3A_639, %mul3A_659 : i32
        %add3A_661 = arith.constant 48 : i32
        %add3A_662 = arith.addi %mul3A_660, %add3A_661 : i32
        %get3A_663 = arith.index_cast %add3A_662 : i32 to index
        %get3A_664 = tpu.vector_load %arg8[%get3A_663] {strides = array<i32>} : memref<12800xf32, #tpu.memory_space<vmem>>, vector<16xf32>,
        %mul3A_665 = arith.constant 128 : i32
        %mul3A_666 = arith.muli %scan3A_639, %mul3A_665 : i32
        %add3A_667 = arith.constant 64 : i32
        %add3A_668 = arith.addi %mul3A_666, %add3A_667 : i32
        %get3A_669 = arith.index_cast %add3A_668 : i32 to index
        %get3A_670 = tpu.vector_load %arg8[%get3A_669] {strides = array<i32>} : memref<12800xf32, #tpu.memory_space<vmem>>, vector<16xf32>,
        %mul3A_671 = arith.constant 128 : i32
        %mul3A_672 = arith.muli %scan3A_639, %mul3A_671 : i32
        %add3A_673 = arith.constant 80 : i32
        %add3A_674 = arith.addi %mul3A_672, %add3A_673 : i32
        %get3A_675 = arith.index_cast %add3A_674 : i32 to index
        %get3A_676 = tpu.vector_load %arg8[%get3A_675] {strides = array<i32>} : memref<12800xf32, #tpu.memory_space<vmem>>, vector<16xf32>,
        %mul3A_677 = arith.constant 128 : i32
        %mul3A_678 = arith.muli %scan3A_639, %mul3A_677 : i32
        %add3A_679 = arith.constant 96 : i32
        %add3A_680 = arith.addi %mul3A_678, %add3A_679 : i32
        %get3A_681 = arith.index_cast %add3A_680 : i32 to index
        %get3A_682 = tpu.vector_load %arg8[%get3A_681] {strides = array<i32>} : memref<12800xf32, #tpu.memory_space<vmem>>, vector<16xf32>,
        %mul3A_683 = arith.constant 128 : i32
        %mul3A_684 = arith.muli %scan3A_639, %mul3A_683 : i32
        %add3A_685 = arith.constant 112 : i32
        %add3A_686 = arith.addi %mul3A_684, %add3A_685 : i32
        %get3A_687 = arith.index_cast %add3A_686 : i32 to index
        %get3A_688 = tpu.vector_load %arg8[%get3A_687] {strides = array<i32>} : memref<12800xf32, #tpu.memory_space<vmem>>, vector<16xf32>,
        %le3A = arith.cmpf ole, %get3A_646, %get3A_464 : vector<16xf32>
        %le3A_689 = arith.cmpf ole, %get3A_652, %get3A_464 : vector<16xf32>
        %le3A_690 = arith.cmpf ole, %get3A_658, %get3A_464 : vector<16xf32>
        %le3A_691 = arith.cmpf ole, %get3A_664, %get3A_464 : vector<16xf32>
        %le3A_692 = arith.cmpf ole, %get3A_670, %get3A_464 : vector<16xf32>
        %le3A_693 = arith.cmpf ole, %get3A_676, %get3A_464 : vector<16xf32>
        %le3A_694 = arith.cmpf ole, %get3A_682, %get3A_464 : vector<16xf32>
        %le3A_695 = arith.cmpf ole, %get3A_688, %get3A_464 : vector<16xf32>
        %or3A = arith.ori %le3A, %le3A_689 : vector<16xi1>
        %or3A_696 = arith.ori %or3A, %le3A_690 : vector<16xi1>
        %or3A_697 = arith.ori %or3A_696, %le3A_691 : vector<16xi1>
        %or3A_698 = arith.ori %or3A_697, %le3A_692 : vector<16xi1>
        %or3A_699 = arith.ori %or3A_698, %le3A_693 : vector<16xi1>
        %or3A_700 = arith.ori %or3A_699, %le3A_694 : vector<16xi1>
        %or3A_701 = arith.ori %or3A_700, %le3A_695 : vector<16xi1>
        %all_reduce_population_count3A = tpu.all_reduce %or3A_701 {dim = 0 : i64, kind = #tpu.reduction_kind<sum>} : vector<16xi1> -> vector<16xi32>
        %slice3A = vector.extract_strided_slice %all_reduce_population_count3A {offsets = [0], sizes = [1], strides = [1]} : vector<16xi32> to vector<1xi32>
        %squeeze3A = vector.extract %slice3A[0] : i32 from vector<1xi32>
        %gt3A = arith.constant 0 : i32
        %gt3A_702 = arith.cmpi sgt, %squeeze3A, %gt3A : i32
        %convert_element_type3A = arith.extui %gt3A_702 : i1 to i32
        %cond3A = arith.constant 0 : i32
        %cond3A_703 = arith.cmpi ne, %convert_element_type3A, %cond3A : i32
        %cond3A_704 = scf.if %cond3A_703 -> (i32) {
          %all_reduce_population_count3A_705 = tpu.all_reduce %le3A {dim = 0 : i64, kind = #tpu.reduction_kind<sum>} : vector<16xi1> -> vector<16xi32>
          %slice3A_706 = vector.extract_strided_slice %all_reduce_population_count3A_705 {offsets = [0], sizes = [1], strides = [1]} : vector<16xi32> to vector<1xi32>
          %squeeze3A_707 = vector.extract %slice3A_706[0] : i32 from vector<1xi32>
          %iota3A = tpu.iota {dimensions = array<i32: 0>} : vector<16xi32>
          %mul3A_708 = arith.constant 128 : i32
          %mul3A_709 = arith.muli %scan3A_639, %mul3A_708 : i32
          %add3A_710 = arith.constant 12800 : i32
          %add3A_711 = arith.addi %add3A_710, %mul3A_709 : i32
          %add3A_712 = arith.constant 0 : i32
          %add3A_713 = arith.addi %add3A_711, %add3A_712 : i32
          %add3A_714 = vector.broadcast %add3A_713 : i32 to vector<16xi32>
          %add3A_715 = arith.addi %iota3A, %add3A_714 : vector<16xi32>
          %min3A = arith.constant 496 : i32
          %min3A_716 = arith.minsi %scan3A_640, %min3A : i32
          %swap3A_717 = arith.index_cast %min3A_716 : i32 to index
          %swap3A_718 = tpu.vector_load %arg9[%swap3A_717] masked %le3A {strides = array<i32>} : memref<512xf32, #tpu.memory_space<vmem>>, vector<16xf32>, vector<16xi1>
          tpu.vector_store %arg9[%swap3A_717], %get3A_646 masked %le3A {strides = array<i32>} : memref<512xf32, #tpu.memory_space<vmem>>, vector<16xf32>, vector<16xi1>
          %swap3A_719 = arith.index_cast %min3A_716 : i32 to index
          %swap3A_720 = tpu.vector_load %arg10[%swap3A_719] masked %le3A {strides = array<i32>} : memref<512xi32, #tpu.memory_space<vmem>>, vector<16xi32>, vector<16xi1>
          tpu.vector_store %arg10[%swap3A_719], %add3A_715 masked %le3A {strides = array<i32>} : memref<512xi32, #tpu.memory_space<vmem>>, vector<16xi32>, vector<16xi1>
          %add3A_721 = arith.addi %scan3A_640, %squeeze3A_707 : i32
          %all_reduce_population_count3A_722 = tpu.all_reduce %le3A_689 {dim = 0 : i64, kind = #tpu.reduction_kind<sum>} : vector<16xi1> -> vector<16xi32>
          %slice3A_723 = vector.extract_strided_slice %all_reduce_population_count3A_722 {offsets = [0], sizes = [1], strides = [1]} : vector<16xi32> to vector<1xi32>
          %squeeze3A_724 = vector.extract %slice3A_723[0] : i32 from vector<1xi32>
          %iota3A_725 = tpu.iota {dimensions = array<i32: 0>} : vector<16xi32>
          %mul3A_726 = arith.constant 128 : i32
          %mul3A_727 = arith.muli %scan3A_639, %mul3A_726 : i32
          %add3A_728 = arith.constant 12800 : i32
          %add3A_729 = arith.addi %add3A_728, %mul3A_727 : i32
          %add3A_730 = arith.constant 16 : i32
          %add3A_731 = arith.addi %add3A_729, %add3A_730 : i32
          %add3A_732 = vector.broadcast %add3A_731 : i32 to vector<16xi32>
          %add3A_733 = arith.addi %iota3A_725, %add3A_732 : vector<16xi32>
          %min3A_734 = arith.constant 496 : i32
          %min3A_735 = arith.minsi %add3A_721, %min3A_734 : i32
          %swap3A_736 = arith.index_cast %min3A_735 : i32 to index
          %swap3A_737 = tpu.vector_load %arg9[%swap3A_736] masked %le3A_689 {strides = array<i32>} : memref<512xf32, #tpu.memory_space<vmem>>, vector<16xf32>, vector<16xi1>
          tpu.vector_store %arg9[%swap3A_736], %get3A_652 masked %le3A_689 {strides = array<i32>} : memref<512xf32, #tpu.memory_space<vmem>>, vector<16xf32>, vector<16xi1>
          %swap3A_738 = arith.index_cast %min3A_735 : i32 to index
          %swap3A_739 = tpu.vector_load %arg10[%swap3A_738] masked %le3A_689 {strides = array<i32>} : memref<512xi32, #tpu.memory_space<vmem>>, vector<16xi32>, vector<16xi1>
          tpu.vector_store %arg10[%swap3A_738], %add3A_733 masked %le3A_689 {strides = array<i32>} : memref<512xi32, #tpu.memory_space<vmem>>, vector<16xi32>, vector<16xi1>
          %add3A_740 = arith.addi %add3A_721, %squeeze3A_724 : i32
          %all_reduce_population_count3A_741 = tpu.all_reduce %le3A_690 {dim = 0 : i64, kind = #tpu.reduction_kind<sum>} : vector<16xi1> -> vector<16xi32>
          %slice3A_742 = vector.extract_strided_slice %all_reduce_population_count3A_741 {offsets = [0], sizes = [1], strides = [1]} : vector<16xi32> to vector<1xi32>
          %squeeze3A_743 = vector.extract %slice3A_742[0] : i32 from vector<1xi32>
          %iota3A_744 = tpu.iota {dimensions = array<i32: 0>} : vector<16xi32>
          %mul3A_745 = arith.constant 128 : i32
          %mul3A_746 = arith.muli %scan3A_639, %mul3A_745 : i32
          %add3A_747 = arith.constant 12800 : i32
          %add3A_748 = arith.addi %add3A_747, %mul3A_746 : i32
          %add3A_749 = arith.constant 32 : i32
          %add3A_750 = arith.addi %add3A_748, %add3A_749 : i32
          %add3A_751 = vector.broadcast %add3A_750 : i32 to vector<16xi32>
          %add3A_752 = arith.addi %iota3A_744, %add3A_751 : vector<16xi32>
          %min3A_753 = arith.constant 496 : i32
          %min3A_754 = arith.minsi %add3A_740, %min3A_753 : i32
          %swap3A_755 = arith.index_cast %min3A_754 : i32 to index
          %swap3A_756 = tpu.vector_load %arg9[%swap3A_755] masked %le3A_690 {strides = array<i32>} : memref<512xf32, #tpu.memory_space<vmem>>, vector<16xf32>, vector<16xi1>
          tpu.vector_store %arg9[%swap3A_755], %get3A_658 masked %le3A_690 {strides = array<i32>} : memref<512xf32, #tpu.memory_space<vmem>>, vector<16xf32>, vector<16xi1>
          %swap3A_757 = arith.index_cast %min3A_754 : i32 to index
          %swap3A_758 = tpu.vector_load %arg10[%swap3A_757] masked %le3A_690 {strides = array<i32>} : memref<512xi32, #tpu.memory_space<vmem>>, vector<16xi32>, vector<16xi1>
          tpu.vector_store %arg10[%swap3A_757], %add3A_752 masked %le3A_690 {strides = array<i32>} : memref<512xi32, #tpu.memory_space<vmem>>, vector<16xi32>, vector<16xi1>
          %add3A_759 = arith.addi %add3A_740, %squeeze3A_743 : i32
          %all_reduce_population_count3A_760 = tpu.all_reduce %le3A_691 {dim = 0 : i64, kind = #tpu.reduction_kind<sum>} : vector<16xi1> -> vector<16xi32>
          %slice3A_761 = vector.extract_strided_slice %all_reduce_population_count3A_760 {offsets = [0], sizes = [1], strides = [1]} : vector<16xi32> to vector<1xi32>
          %squeeze3A_762 = vector.extract %slice3A_761[0] : i32 from vector<1xi32>
          %iota3A_763 = tpu.iota {dimensions = array<i32: 0>} : vector<16xi32>
          %mul3A_764 = arith.constant 128 : i32
          %mul3A_765 = arith.muli %scan3A_639, %mul3A_764 : i32
          %add3A_766 = arith.constant 12800 : i32
          %add3A_767 = arith.addi %add3A_766, %mul3A_765 : i32
          %add3A_768 = arith.constant 48 : i32
          %add3A_769 = arith.addi %add3A_767, %add3A_768 : i32
          %add3A_770 = vector.broadcast %add3A_769 : i32 to vector<16xi32>
          %add3A_771 = arith.addi %iota3A_763, %add3A_770 : vector<16xi32>
          %min3A_772 = arith.constant 496 : i32
          %min3A_773 = arith.minsi %add3A_759, %min3A_772 : i32
          %swap3A_774 = arith.index_cast %min3A_773 : i32 to index
          %swap3A_775 = tpu.vector_load %arg9[%swap3A_774] masked %le3A_691 {strides = array<i32>} : memref<512xf32, #tpu.memory_space<vmem>>, vector<16xf32>, vector<16xi1>
          tpu.vector_store %arg9[%swap3A_774], %get3A_664 masked %le3A_691 {strides = array<i32>} : memref<512xf32, #tpu.memory_space<vmem>>, vector<16xf32>, vector<16xi1>
          %swap3A_776 = arith.index_cast %min3A_773 : i32 to index
          %swap3A_777 = tpu.vector_load %arg10[%swap3A_776] masked %le3A_691 {strides = array<i32>} : memref<512xi32, #tpu.memory_space<vmem>>, vector<16xi32>, vector<16xi1>
          tpu.vector_store %arg10[%swap3A_776], %add3A_771 masked %le3A_691 {strides = array<i32>} : memref<512xi32, #tpu.memory_space<vmem>>, vector<16xi32>, vector<16xi1>
          %add3A_778 = arith.addi %add3A_759, %squeeze3A_762 : i32
          %all_reduce_population_count3A_779 = tpu.all_reduce %le3A_692 {dim = 0 : i64, kind = #tpu.reduction_kind<sum>} : vector<16xi1> -> vector<16xi32>
          %slice3A_780 = vector.extract_strided_slice %all_reduce_population_count3A_779 {offsets = [0], sizes = [1], strides = [1]} : vector<16xi32> to vector<1xi32>
          %squeeze3A_781 = vector.extract %slice3A_780[0] : i32 from vector<1xi32>
          %iota3A_782 = tpu.iota {dimensions = array<i32: 0>} : vector<16xi32>
          %mul3A_783 = arith.constant 128 : i32
          %mul3A_784 = arith.muli %scan3A_639, %mul3A_783 : i32
          %add3A_785 = arith.constant 12800 : i32
          %add3A_786 = arith.addi %add3A_785, %mul3A_784 : i32
          %add3A_787 = arith.constant 64 : i32
          %add3A_788 = arith.addi %add3A_786, %add3A_787 : i32
          %add3A_789 = vector.broadcast %add3A_788 : i32 to vector<16xi32>
          %add3A_790 = arith.addi %iota3A_782, %add3A_789 : vector<16xi32>
          %min3A_791 = arith.constant 496 : i32
          %min3A_792 = arith.minsi %add3A_778, %min3A_791 : i32
          %swap3A_793 = arith.index_cast %min3A_792 : i32 to index
          %swap3A_794 = tpu.vector_load %arg9[%swap3A_793] masked %le3A_692 {strides = array<i32>} : memref<512xf32, #tpu.memory_space<vmem>>, vector<16xf32>, vector<16xi1>
          tpu.vector_store %arg9[%swap3A_793], %get3A_670 masked %le3A_692 {strides = array<i32>} : memref<512xf32, #tpu.memory_space<vmem>>, vector<16xf32>, vector<16xi1>
          %swap3A_795 = arith.index_cast %min3A_792 : i32 to index
          %swap3A_796 = tpu.vector_load %arg10[%swap3A_795] masked %le3A_692 {strides = array<i32>} : memref<512xi32, #tpu.memory_space<vmem>>, vector<16xi32>, vector<16xi1>
          tpu.vector_store %arg10[%swap3A_795], %add3A_790 masked %le3A_692 {strides = array<i32>} : memref<512xi32, #tpu.memory_space<vmem>>, vector<16xi32>, vector<16xi1>
          %add3A_797 = arith.addi %add3A_778, %squeeze3A_781 : i32
          %all_reduce_population_count3A_798 = tpu.all_reduce %le3A_693 {dim = 0 : i64, kind = #tpu.reduction_kind<sum>} : vector<16xi1> -> vector<16xi32>
          %slice3A_799 = vector.extract_strided_slice %all_reduce_population_count3A_798 {offsets = [0], sizes = [1], strides = [1]} : vector<16xi32> to vector<1xi32>
          %squeeze3A_800 = vector.extract %slice3A_799[0] : i32 from vector<1xi32>
          %iota3A_801 = tpu.iota {dimensions = array<i32: 0>} : vector<16xi32>
          %mul3A_802 = arith.constant 128 : i32
          %mul3A_803 = arith.muli %scan3A_639, %mul3A_802 : i32
          %add3A_804 = arith.constant 12800 : i32
          %add3A_805 = arith.addi %add3A_804, %mul3A_803 : i32
          %add3A_806 = arith.constant 80 : i32
          %add3A_807 = arith.addi %add3A_805, %add3A_806 : i32
          %add3A_808 = vector.broadcast %add3A_807 : i32 to vector<16xi32>
          %add3A_809 = arith.addi %iota3A_801, %add3A_808 : vector<16xi32>
          %min3A_810 = arith.constant 496 : i32
          %min3A_811 = arith.minsi %add3A_797, %min3A_810 : i32
          %swap3A_812 = arith.index_cast %min3A_811 : i32 to index
          %swap3A_813 = tpu.vector_load %arg9[%swap3A_812] masked %le3A_693 {strides = array<i32>} : memref<512xf32, #tpu.memory_space<vmem>>, vector<16xf32>, vector<16xi1>
          tpu.vector_store %arg9[%swap3A_812], %get3A_676 masked %le3A_693 {strides = array<i32>} : memref<512xf32, #tpu.memory_space<vmem>>, vector<16xf32>, vector<16xi1>
          %swap3A_814 = arith.index_cast %min3A_811 : i32 to index
          %swap3A_815 = tpu.vector_load %arg10[%swap3A_814] masked %le3A_693 {strides = array<i32>} : memref<512xi32, #tpu.memory_space<vmem>>, vector<16xi32>, vector<16xi1>
          tpu.vector_store %arg10[%swap3A_814], %add3A_809 masked %le3A_693 {strides = array<i32>} : memref<512xi32, #tpu.memory_space<vmem>>, vector<16xi32>, vector<16xi1>
          %add3A_816 = arith.addi %add3A_797, %squeeze3A_800 : i32
          %all_reduce_population_count3A_817 = tpu.all_reduce %le3A_694 {dim = 0 : i64, kind = #tpu.reduction_kind<sum>} : vector<16xi1> -> vector<16xi32>
          %slice3A_818 = vector.extract_strided_slice %all_reduce_population_count3A_817 {offsets = [0], sizes = [1], strides = [1]} : vector<16xi32> to vector<1xi32>
          %squeeze3A_819 = vector.extract %slice3A_818[0] : i32 from vector<1xi32>
          %iota3A_820 = tpu.iota {dimensions = array<i32: 0>} : vector<16xi32>
          %mul3A_821 = arith.constant 128 : i32
          %mul3A_822 = arith.muli %scan3A_639, %mul3A_821 : i32
          %add3A_823 = arith.constant 12800 : i32
          %add3A_824 = arith.addi %add3A_823, %mul3A_822 : i32
          %add3A_825 = arith.constant 96 : i32
          %add3A_826 = arith.addi %add3A_824, %add3A_825 : i32
          %add3A_827 = vector.broadcast %add3A_826 : i32 to vector<16xi32>
          %add3A_828 = arith.addi %iota3A_820, %add3A_827 : vector<16xi32>
          %min3A_829 = arith.constant 496 : i32
          %min3A_830 = arith.minsi %add3A_816, %min3A_829 : i32
          %swap3A_831 = arith.index_cast %min3A_830 : i32 to index
          %swap3A_832 = tpu.vector_load %arg9[%swap3A_831] masked %le3A_694 {strides = array<i32>} : memref<512xf32, #tpu.memory_space<vmem>>, vector<16xf32>, vector<16xi1>
          tpu.vector_store %arg9[%swap3A_831], %get3A_682 masked %le3A_694 {strides = array<i32>} : memref<512xf32, #tpu.memory_space<vmem>>, vector<16xf32>, vector<16xi1>
          %swap3A_833 = arith.index_cast %min3A_830 : i32 to index
          %swap3A_834 = tpu.vector_load %arg10[%swap3A_833] masked %le3A_694 {strides = array<i32>} : memref<512xi32, #tpu.memory_space<vmem>>, vector<16xi32>, vector<16xi1>
          tpu.vector_store %arg10[%swap3A_833], %add3A_828 masked %le3A_694 {strides = array<i32>} : memref<512xi32, #tpu.memory_space<vmem>>, vector<16xi32>, vector<16xi1>
          %add3A_835 = arith.addi %add3A_816, %squeeze3A_819 : i32
          %all_reduce_population_count3A_836 = tpu.all_reduce %le3A_695 {dim = 0 : i64, kind = #tpu.reduction_kind<sum>} : vector<16xi1> -> vector<16xi32>
          %slice3A_837 = vector.extract_strided_slice %all_reduce_population_count3A_836 {offsets = [0], sizes = [1], strides = [1]} : vector<16xi32> to vector<1xi32>
          %squeeze3A_838 = vector.extract %slice3A_837[0] : i32 from vector<1xi32>
          %iota3A_839 = tpu.iota {dimensions = array<i32: 0>} : vector<16xi32>
          %mul3A_840 = arith.constant 128 : i32
          %mul3A_841 = arith.muli %scan3A_639, %mul3A_840 : i32
          %add3A_842 = arith.constant 12800 : i32
          %add3A_843 = arith.addi %add3A_842, %mul3A_841 : i32
          %add3A_844 = arith.constant 112 : i32
          %add3A_845 = arith.addi %add3A_843, %add3A_844 : i32
          %add3A_846 = vector.broadcast %add3A_845 : i32 to vector<16xi32>
          %add3A_847 = arith.addi %iota3A_839, %add3A_846 : vector<16xi32>
          %min3A_848 = arith.constant 496 : i32
          %min3A_849 = arith.minsi %add3A_835, %min3A_848 : i32
          %swap3A_850 = arith.index_cast %min3A_849 : i32 to index
          %swap3A_851 = tpu.vector_load %arg9[%swap3A_850] masked %le3A_695 {strides = array<i32>} : memref<512xf32, #tpu.memory_space<vmem>>, vector<16xf32>, vector<16xi1>
          tpu.vector_store %arg9[%swap3A_850], %get3A_688 masked %le3A_695 {strides = array<i32>} : memref<512xf32, #tpu.memory_space<vmem>>, vector<16xf32>, vector<16xi1>
          %swap3A_852 = arith.index_cast %min3A_849 : i32 to index
          %swap3A_853 = tpu.vector_load %arg10[%swap3A_852] masked %le3A_695 {strides = array<i32>} : memref<512xi32, #tpu.memory_space<vmem>>, vector<16xi32>, vector<16xi1>
          tpu.vector_store %arg10[%swap3A_852], %add3A_847 masked %le3A_695 {strides = array<i32>} : memref<512xi32, #tpu.memory_space<vmem>>, vector<16xi32>, vector<16xi1>
          %add3A_854 = arith.addi %add3A_835, %squeeze3A_838 : i32
          scf.yield %add3A_854 : i32
        } else {
          scf.yield %scan3A_640 : i32
        }
        scf.yield %cond3A_704 : i32
      }
      %scan3A_515 = arith.constant 100 : i32
      %dma_wait3A_516 = arith.constant 0 : i32
      %dma_wait3A_517 = tpu.memref_slice %arg2[%add3A_503, %dma_wait3A_516] : memref<8192x12800xf32, #tpu.memory_space<hbm>> -> memref<1x12800xf32, #tpu.memory_space<hbm>>
      %dma_wait3A_518 = tpu.memref_squeeze %dma_wait3A_517 : memref<1x12800xf32, #tpu.memory_space<hbm>> -> memref<12800xf32, #tpu.memory_space<hbm>>
      %dma_wait3A_519 = arith.constant 0 : i32
      %dma_wait3A_520 = tpu.memref_slice %arg2[%add3A_503, %dma_wait3A_519] : memref<8192x12800xf32, #tpu.memory_space<hbm>> -> memref<1x12800xf32, #tpu.memory_space<hbm>>
      %dma_wait3A_521 = tpu.memref_squeeze %dma_wait3A_520 : memref<1x12800xf32, #tpu.memory_space<hbm>> -> memref<12800xf32, #tpu.memory_space<hbm>>
      tpu.wait_dma2 semaphore(%arg11 : memref<!tpu.dma_semaphore, #tpu.memory_space<semaphore_mem>>) src(%dma_wait3A_521 : memref<12800xf32, #tpu.memory_space<hbm>>) dst(%arg7 : memref<12800xf32, #tpu.memory_space<vmem>>)
      %mul3A_522 = arith.constant 8 : i32
      %mul3A_523 = arith.muli %add3A_13, %mul3A_522 : i32
      %add3A_524 = arith.constant 3 : i32
      %add3A_525 = arith.addi %mul3A_523, %add3A_524 : i32
      %dma_start3A_526 = arith.constant 0 : i32
      %dma_start3A_527 = tpu.memref_slice %arg2[%add3A_525, %dma_start3A_526] : memref<8192x12800xf32, #tpu.memory_space<hbm>> -> memref<1x12800xf32, #tpu.memory_space<hbm>>
      %dma_start3A_528 = tpu.memref_squeeze %dma_start3A_527 : memref<1x12800xf32, #tpu.memory_space<hbm>> -> memref<12800xf32, #tpu.memory_space<hbm>>
      %dma_start3A_529 = arith.constant 0 : i32
      %dma_start3A_530 = tpu.memref_slice %arg2[%add3A_525, %dma_start3A_529] : memref<8192x12800xf32, #tpu.memory_space<hbm>> -> memref<1x12800xf32, #tpu.memory_space<hbm>>
      %dma_start3A_531 = tpu.memref_squeeze %dma_start3A_530 : memref<1x12800xf32, #tpu.memory_space<hbm>> -> memref<12800xf32, #tpu.memory_space<hbm>>
      tpu.enqueue_dma source(%dma_start3A_531 : memref<12800xf32, #tpu.memory_space<hbm>>) target(%arg8 : memref<12800xf32, #tpu.memory_space<vmem>>) target_semaphore(%arg12 : memref<!tpu.dma_semaphore, #tpu.memory_space<semaphore_mem>>)
      %scan3A_532 = arith.constant 0 : i32
      %scan3A_533 = arith.constant 100 : i32
      %scan3A_534 = arith.addi %scan3A_532, %scan3A_533 : i32
      %scan3A_535 = arith.constant 1 : i32
      %scan3A_536 = scf.for %scan3A_639 = %scan3A_532 to %scan3A_534 step %scan3A_535 iter_args(%scan3A_640 = %scan3A_514) -> (i32)  : i32 {
        %mul3A_641 = arith.constant 128 : i32
        %mul3A_642 = arith.muli %scan3A_639, %mul3A_641 : i32
        %add3A_643 = arith.constant 0 : i32
        %add3A_644 = arith.addi %mul3A_642, %add3A_643 : i32
        %get3A_645 = arith.index_cast %add3A_644 : i32 to index
        %get3A_646 = tpu.vector_load %arg7[%get3A_645] {strides = array<i32>} : memref<12800xf32, #tpu.memory_space<vmem>>, vector<16xf32>,
        %mul3A_647 = arith.constant 128 : i32
        %mul3A_648 = arith.muli %scan3A_639, %mul3A_647 : i32
        %add3A_649 = arith.constant 16 : i32
        %add3A_650 = arith.addi %mul3A_648, %add3A_649 : i32
        %get3A_651 = arith.index_cast %add3A_650 : i32 to index
        %get3A_652 = tpu.vector_load %arg7[%get3A_651] {strides = array<i32>} : memref<12800xf32, #tpu.memory_space<vmem>>, vector<16xf32>,
        %mul3A_653 = arith.constant 128 : i32
        %mul3A_654 = arith.muli %scan3A_639, %mul3A_653 : i32
        %add3A_655 = arith.constant 32 : i32
        %add3A_656 = arith.addi %mul3A_654, %add3A_655 : i32
        %get3A_657 = arith.index_cast %add3A_656 : i32 to index
        %get3A_658 = tpu.vector_load %arg7[%get3A_657] {strides = array<i32>} : memref<12800xf32, #tpu.memory_space<vmem>>, vector<16xf32>,
        %mul3A_659 = arith.constant 128 : i32
        %mul3A_660 = arith.muli %scan3A_639, %mul3A_659 : i32
        %add3A_661 = arith.constant 48 : i32
        %add3A_662 = arith.addi %mul3A_660, %add3A_661 : i32
        %get3A_663 = arith.index_cast %add3A_662 : i32 to index
        %get3A_664 = tpu.vector_load %arg7[%get3A_663] {strides = array<i32>} : memref<12800xf32, #tpu.memory_space<vmem>>, vector<16xf32>,
        %mul3A_665 = arith.constant 128 : i32
        %mul3A_666 = arith.muli %scan3A_639, %mul3A_665 : i32
        %add3A_667 = arith.constant 64 : i32
        %add3A_668 = arith.addi %mul3A_666, %add3A_667 : i32
        %get3A_669 = arith.index_cast %add3A_668 : i32 to index
        %get3A_670 = tpu.vector_load %arg7[%get3A_669] {strides = array<i32>} : memref<12800xf32, #tpu.memory_space<vmem>>, vector<16xf32>,
        %mul3A_671 = arith.constant 128 : i32
        %mul3A_672 = arith.muli %scan3A_639, %mul3A_671 : i32
        %add3A_673 = arith.constant 80 : i32
        %add3A_674 = arith.addi %mul3A_672, %add3A_673 : i32
        %get3A_675 = arith.index_cast %add3A_674 : i32 to index
        %get3A_676 = tpu.vector_load %arg7[%get3A_675] {strides = array<i32>} : memref<12800xf32, #tpu.memory_space<vmem>>, vector<16xf32>,
        %mul3A_677 = arith.constant 128 : i32
        %mul3A_678 = arith.muli %scan3A_639, %mul3A_677 : i32
        %add3A_679 = arith.constant 96 : i32
        %add3A_680 = arith.addi %mul3A_678, %add3A_679 : i32
        %get3A_681 = arith.index_cast %add3A_680 : i32 to index
        %get3A_682 = tpu.vector_load %arg7[%get3A_681] {strides = array<i32>} : memref<12800xf32, #tpu.memory_space<vmem>>, vector<16xf32>,
        %mul3A_683 = arith.constant 128 : i32
        %mul3A_684 = arith.muli %scan3A_639, %mul3A_683 : i32
        %add3A_685 = arith.constant 112 : i32
        %add3A_686 = arith.addi %mul3A_684, %add3A_685 : i32
        %get3A_687 = arith.index_cast %add3A_686 : i32 to index
        %get3A_688 = tpu.vector_load %arg7[%get3A_687] {strides = array<i32>} : memref<12800xf32, #tpu.memory_space<vmem>>, vector<16xf32>,
        %le3A = arith.cmpf ole, %get3A_646, %get3A_464 : vector<16xf32>
        %le3A_689 = arith.cmpf ole, %get3A_652, %get3A_464 : vector<16xf32>
        %le3A_690 = arith.cmpf ole, %get3A_658, %get3A_464 : vector<16xf32>
        %le3A_691 = arith.cmpf ole, %get3A_664, %get3A_464 : vector<16xf32>
        %le3A_692 = arith.cmpf ole, %get3A_670, %get3A_464 : vector<16xf32>
        %le3A_693 = arith.cmpf ole, %get3A_676, %get3A_464 : vector<16xf32>
        %le3A_694 = arith.cmpf ole, %get3A_682, %get3A_464 : vector<16xf32>
        %le3A_695 = arith.cmpf ole, %get3A_688, %get3A_464 : vector<16xf32>
        %or3A = arith.ori %le3A, %le3A_689 : vector<16xi1>
        %or3A_696 = arith.ori %or3A, %le3A_690 : vector<16xi1>
        %or3A_697 = arith.ori %or3A_696, %le3A_691 : vector<16xi1>
        %or3A_698 = arith.ori %or3A_697, %le3A_692 : vector<16xi1>
        %or3A_699 = arith.ori %or3A_698, %le3A_693 : vector<16xi1>
        %or3A_700 = arith.ori %or3A_699, %le3A_694 : vector<16xi1>
        %or3A_701 = arith.ori %or3A_700, %le3A_695 : vector<16xi1>
        %all_reduce_population_count3A = tpu.all_reduce %or3A_701 {dim = 0 : i64, kind = #tpu.reduction_kind<sum>} : vector<16xi1> -> vector<16xi32>
        %slice3A = vector.extract_strided_slice %all_reduce_population_count3A {offsets = [0], sizes = [1], strides = [1]} : vector<16xi32> to vector<1xi32>
        %squeeze3A = vector.extract %slice3A[0] : i32 from vector<1xi32>
        %gt3A = arith.constant 0 : i32
        %gt3A_702 = arith.cmpi sgt, %squeeze3A, %gt3A : i32
        %convert_element_type3A = arith.extui %gt3A_702 : i1 to i32
        %cond3A = arith.constant 0 : i32
        %cond3A_703 = arith.cmpi ne, %convert_element_type3A, %cond3A : i32
        %cond3A_704 = scf.if %cond3A_703 -> (i32) {
          %all_reduce_population_count3A_705 = tpu.all_reduce %le3A {dim = 0 : i64, kind = #tpu.reduction_kind<sum>} : vector<16xi1> -> vector<16xi32>
          %slice3A_706 = vector.extract_strided_slice %all_reduce_population_count3A_705 {offsets = [0], sizes = [1], strides = [1]} : vector<16xi32> to vector<1xi32>
          %squeeze3A_707 = vector.extract %slice3A_706[0] : i32 from vector<1xi32>
          %iota3A = tpu.iota {dimensions = array<i32: 0>} : vector<16xi32>
          %mul3A_708 = arith.constant 128 : i32
          %mul3A_709 = arith.muli %scan3A_639, %mul3A_708 : i32
          %add3A_710 = arith.constant 25600 : i32
          %add3A_711 = arith.addi %add3A_710, %mul3A_709 : i32
          %add3A_712 = arith.constant 0 : i32
          %add3A_713 = arith.addi %add3A_711, %add3A_712 : i32
          %add3A_714 = vector.broadcast %add3A_713 : i32 to vector<16xi32>
          %add3A_715 = arith.addi %iota3A, %add3A_714 : vector<16xi32>
          %min3A = arith.constant 496 : i32
          %min3A_716 = arith.minsi %scan3A_640, %min3A : i32
          %swap3A_717 = arith.index_cast %min3A_716 : i32 to index
          %swap3A_718 = tpu.vector_load %arg9[%swap3A_717] masked %le3A {strides = array<i32>} : memref<512xf32, #tpu.memory_space<vmem>>, vector<16xf32>, vector<16xi1>
          tpu.vector_store %arg9[%swap3A_717], %get3A_646 masked %le3A {strides = array<i32>} : memref<512xf32, #tpu.memory_space<vmem>>, vector<16xf32>, vector<16xi1>
          %swap3A_719 = arith.index_cast %min3A_716 : i32 to index
          %swap3A_720 = tpu.vector_load %arg10[%swap3A_719] masked %le3A {strides = array<i32>} : memref<512xi32, #tpu.memory_space<vmem>>, vector<16xi32>, vector<16xi1>
          tpu.vector_store %arg10[%swap3A_719], %add3A_715 masked %le3A {strides = array<i32>} : memref<512xi32, #tpu.memory_space<vmem>>, vector<16xi32>, vector<16xi1>
          %add3A_721 = arith.addi %scan3A_640, %squeeze3A_707 : i32
          %all_reduce_population_count3A_722 = tpu.all_reduce %le3A_689 {dim = 0 : i64, kind = #tpu.reduction_kind<sum>} : vector<16xi1> -> vector<16xi32>
          %slice3A_723 = vector.extract_strided_slice %all_reduce_population_count3A_722 {offsets = [0], sizes = [1], strides = [1]} : vector<16xi32> to vector<1xi32>
          %squeeze3A_724 = vector.extract %slice3A_723[0] : i32 from vector<1xi32>
          %iota3A_725 = tpu.iota {dimensions = array<i32: 0>} : vector<16xi32>
          %mul3A_726 = arith.constant 128 : i32
          %mul3A_727 = arith.muli %scan3A_639, %mul3A_726 : i32
          %add3A_728 = arith.constant 25600 : i32
          %add3A_729 = arith.addi %add3A_728, %mul3A_727 : i32
          %add3A_730 = arith.constant 16 : i32
          %add3A_731 = arith.addi %add3A_729, %add3A_730 : i32
          %add3A_732 = vector.broadcast %add3A_731 : i32 to vector<16xi32>
          %add3A_733 = arith.addi %iota3A_725, %add3A_732 : vector<16xi32>
          %min3A_734 = arith.constant 496 : i32
          %min3A_735 = arith.minsi %add3A_721, %min3A_734 : i32
          %swap3A_736 = arith.index_cast %min3A_735 : i32 to index
          %swap3A_737 = tpu.vector_load %arg9[%swap3A_736] masked %le3A_689 {strides = array<i32>} : memref<512xf32, #tpu.memory_space<vmem>>, vector<16xf32>, vector<16xi1>
          tpu.vector_store %arg9[%swap3A_736], %get3A_652 masked %le3A_689 {strides = array<i32>} : memref<512xf32, #tpu.memory_space<vmem>>, vector<16xf32>, vector<16xi1>
          %swap3A_738 = arith.index_cast %min3A_735 : i32 to index
          %swap3A_739 = tpu.vector_load %arg10[%swap3A_738] masked %le3A_689 {strides = array<i32>} : memref<512xi32, #tpu.memory_space<vmem>>, vector<16xi32>, vector<16xi1>
          tpu.vector_store %arg10[%swap3A_738], %add3A_733 masked %le3A_689 {strides = array<i32>} : memref<512xi32, #tpu.memory_space<vmem>>, vector<16xi32>, vector<16xi1>
          %add3A_740 = arith.addi %add3A_721, %squeeze3A_724 : i32
          %all_reduce_population_count3A_741 = tpu.all_reduce %le3A_690 {dim = 0 : i64, kind = #tpu.reduction_kind<sum>} : vector<16xi1> -> vector<16xi32>
          %slice3A_742 = vector.extract_strided_slice %all_reduce_population_count3A_741 {offsets = [0], sizes = [1], strides = [1]} : vector<16xi32> to vector<1xi32>
          %squeeze3A_743 = vector.extract %slice3A_742[0] : i32 from vector<1xi32>
          %iota3A_744 = tpu.iota {dimensions = array<i32: 0>} : vector<16xi32>
          %mul3A_745 = arith.constant 128 : i32
          %mul3A_746 = arith.muli %scan3A_639, %mul3A_745 : i32
          %add3A_747 = arith.constant 25600 : i32
          %add3A_748 = arith.addi %add3A_747, %mul3A_746 : i32
          %add3A_749 = arith.constant 32 : i32
          %add3A_750 = arith.addi %add3A_748, %add3A_749 : i32
          %add3A_751 = vector.broadcast %add3A_750 : i32 to vector<16xi32>
          %add3A_752 = arith.addi %iota3A_744, %add3A_751 : vector<16xi32>
          %min3A_753 = arith.constant 496 : i32
          %min3A_754 = arith.minsi %add3A_740, %min3A_753 : i32
          %swap3A_755 = arith.index_cast %min3A_754 : i32 to index
          %swap3A_756 = tpu.vector_load %arg9[%swap3A_755] masked %le3A_690 {strides = array<i32>} : memref<512xf32, #tpu.memory_space<vmem>>, vector<16xf32>, vector<16xi1>
          tpu.vector_store %arg9[%swap3A_755], %get3A_658 masked %le3A_690 {strides = array<i32>} : memref<512xf32, #tpu.memory_space<vmem>>, vector<16xf32>, vector<16xi1>
          %swap3A_757 = arith.index_cast %min3A_754 : i32 to index
          %swap3A_758 = tpu.vector_load %arg10[%swap3A_757] masked %le3A_690 {strides = array<i32>} : memref<512xi32, #tpu.memory_space<vmem>>, vector<16xi32>, vector<16xi1>
          tpu.vector_store %arg10[%swap3A_757], %add3A_752 masked %le3A_690 {strides = array<i32>} : memref<512xi32, #tpu.memory_space<vmem>>, vector<16xi32>, vector<16xi1>
          %add3A_759 = arith.addi %add3A_740, %squeeze3A_743 : i32
          %all_reduce_population_count3A_760 = tpu.all_reduce %le3A_691 {dim = 0 : i64, kind = #tpu.reduction_kind<sum>} : vector<16xi1> -> vector<16xi32>
          %slice3A_761 = vector.extract_strided_slice %all_reduce_population_count3A_760 {offsets = [0], sizes = [1], strides = [1]} : vector<16xi32> to vector<1xi32>
          %squeeze3A_762 = vector.extract %slice3A_761[0] : i32 from vector<1xi32>
          %iota3A_763 = tpu.iota {dimensions = array<i32: 0>} : vector<16xi32>
          %mul3A_764 = arith.constant 128 : i32
          %mul3A_765 = arith.muli %scan3A_639, %mul3A_764 : i32
          %add3A_766 = arith.constant 25600 : i32
          %add3A_767 = arith.addi %add3A_766, %mul3A_765 : i32
          %add3A_768 = arith.constant 48 : i32
          %add3A_769 = arith.addi %add3A_767, %add3A_768 : i32
          %add3A_770 = vector.broadcast %add3A_769 : i32 to vector<16xi32>
          %add3A_771 = arith.addi %iota3A_763, %add3A_770 : vector<16xi32>
          %min3A_772 = arith.constant 496 : i32
          %min3A_773 = arith.minsi %add3A_759, %min3A_772 : i32
          %swap3A_774 = arith.index_cast %min3A_773 : i32 to index
          %swap3A_775 = tpu.vector_load %arg9[%swap3A_774] masked %le3A_691 {strides = array<i32>} : memref<512xf32, #tpu.memory_space<vmem>>, vector<16xf32>, vector<16xi1>
          tpu.vector_store %arg9[%swap3A_774], %get3A_664 masked %le3A_691 {strides = array<i32>} : memref<512xf32, #tpu.memory_space<vmem>>, vector<16xf32>, vector<16xi1>
          %swap3A_776 = arith.index_cast %min3A_773 : i32 to index
          %swap3A_777 = tpu.vector_load %arg10[%swap3A_776] masked %le3A_691 {strides = array<i32>} : memref<512xi32, #tpu.memory_space<vmem>>, vector<16xi32>, vector<16xi1>
          tpu.vector_store %arg10[%swap3A_776], %add3A_771 masked %le3A_691 {strides = array<i32>} : memref<512xi32, #tpu.memory_space<vmem>>, vector<16xi32>, vector<16xi1>
          %add3A_778 = arith.addi %add3A_759, %squeeze3A_762 : i32
          %all_reduce_population_count3A_779 = tpu.all_reduce %le3A_692 {dim = 0 : i64, kind = #tpu.reduction_kind<sum>} : vector<16xi1> -> vector<16xi32>
          %slice3A_780 = vector.extract_strided_slice %all_reduce_population_count3A_779 {offsets = [0], sizes = [1], strides = [1]} : vector<16xi32> to vector<1xi32>
          %squeeze3A_781 = vector.extract %slice3A_780[0] : i32 from vector<1xi32>
          %iota3A_782 = tpu.iota {dimensions = array<i32: 0>} : vector<16xi32>
          %mul3A_783 = arith.constant 128 : i32
          %mul3A_784 = arith.muli %scan3A_639, %mul3A_783 : i32
          %add3A_785 = arith.constant 25600 : i32
          %add3A_786 = arith.addi %add3A_785, %mul3A_784 : i32
          %add3A_787 = arith.constant 64 : i32
          %add3A_788 = arith.addi %add3A_786, %add3A_787 : i32
          %add3A_789 = vector.broadcast %add3A_788 : i32 to vector<16xi32>
          %add3A_790 = arith.addi %iota3A_782, %add3A_789 : vector<16xi32>
          %min3A_791 = arith.constant 496 : i32
          %min3A_792 = arith.minsi %add3A_778, %min3A_791 : i32
          %swap3A_793 = arith.index_cast %min3A_792 : i32 to index
          %swap3A_794 = tpu.vector_load %arg9[%swap3A_793] masked %le3A_692 {strides = array<i32>} : memref<512xf32, #tpu.memory_space<vmem>>, vector<16xf32>, vector<16xi1>
          tpu.vector_store %arg9[%swap3A_793], %get3A_670 masked %le3A_692 {strides = array<i32>} : memref<512xf32, #tpu.memory_space<vmem>>, vector<16xf32>, vector<16xi1>
          %swap3A_795 = arith.index_cast %min3A_792 : i32 to index
          %swap3A_796 = tpu.vector_load %arg10[%swap3A_795] masked %le3A_692 {strides = array<i32>} : memref<512xi32, #tpu.memory_space<vmem>>, vector<16xi32>, vector<16xi1>
          tpu.vector_store %arg10[%swap3A_795], %add3A_790 masked %le3A_692 {strides = array<i32>} : memref<512xi32, #tpu.memory_space<vmem>>, vector<16xi32>, vector<16xi1>
          %add3A_797 = arith.addi %add3A_778, %squeeze3A_781 : i32
          %all_reduce_population_count3A_798 = tpu.all_reduce %le3A_693 {dim = 0 : i64, kind = #tpu.reduction_kind<sum>} : vector<16xi1> -> vector<16xi32>
          %slice3A_799 = vector.extract_strided_slice %all_reduce_population_count3A_798 {offsets = [0], sizes = [1], strides = [1]} : vector<16xi32> to vector<1xi32>
          %squeeze3A_800 = vector.extract %slice3A_799[0] : i32 from vector<1xi32>
          %iota3A_801 = tpu.iota {dimensions = array<i32: 0>} : vector<16xi32>
          %mul3A_802 = arith.constant 128 : i32
          %mul3A_803 = arith.muli %scan3A_639, %mul3A_802 : i32
          %add3A_804 = arith.constant 25600 : i32
          %add3A_805 = arith.addi %add3A_804, %mul3A_803 : i32
          %add3A_806 = arith.constant 80 : i32
          %add3A_807 = arith.addi %add3A_805, %add3A_806 : i32
          %add3A_808 = vector.broadcast %add3A_807 : i32 to vector<16xi32>
          %add3A_809 = arith.addi %iota3A_801, %add3A_808 : vector<16xi32>
          %min3A_810 = arith.constant 496 : i32
          %min3A_811 = arith.minsi %add3A_797, %min3A_810 : i32
          %swap3A_812 = arith.index_cast %min3A_811 : i32 to index
          %swap3A_813 = tpu.vector_load %arg9[%swap3A_812] masked %le3A_693 {strides = array<i32>} : memref<512xf32, #tpu.memory_space<vmem>>, vector<16xf32>, vector<16xi1>
          tpu.vector_store %arg9[%swap3A_812], %get3A_676 masked %le3A_693 {strides = array<i32>} : memref<512xf32, #tpu.memory_space<vmem>>, vector<16xf32>, vector<16xi1>
          %swap3A_814 = arith.index_cast %min3A_811 : i32 to index
          %swap3A_815 = tpu.vector_load %arg10[%swap3A_814] masked %le3A_693 {strides = array<i32>} : memref<512xi32, #tpu.memory_space<vmem>>, vector<16xi32>, vector<16xi1>
          tpu.vector_store %arg10[%swap3A_814], %add3A_809 masked %le3A_693 {strides = array<i32>} : memref<512xi32, #tpu.memory_space<vmem>>, vector<16xi32>, vector<16xi1>
          %add3A_816 = arith.addi %add3A_797, %squeeze3A_800 : i32
          %all_reduce_population_count3A_817 = tpu.all_reduce %le3A_694 {dim = 0 : i64, kind = #tpu.reduction_kind<sum>} : vector<16xi1> -> vector<16xi32>
          %slice3A_818 = vector.extract_strided_slice %all_reduce_population_count3A_817 {offsets = [0], sizes = [1], strides = [1]} : vector<16xi32> to vector<1xi32>
          %squeeze3A_819 = vector.extract %slice3A_818[0] : i32 from vector<1xi32>
          %iota3A_820 = tpu.iota {dimensions = array<i32: 0>} : vector<16xi32>
          %mul3A_821 = arith.constant 128 : i32
          %mul3A_822 = arith.muli %scan3A_639, %mul3A_821 : i32
          %add3A_823 = arith.constant 25600 : i32
          %add3A_824 = arith.addi %add3A_823, %mul3A_822 : i32
          %add3A_825 = arith.constant 96 : i32
          %add3A_826 = arith.addi %add3A_824, %add3A_825 : i32
          %add3A_827 = vector.broadcast %add3A_826 : i32 to vector<16xi32>
          %add3A_828 = arith.addi %iota3A_820, %add3A_827 : vector<16xi32>
          %min3A_829 = arith.constant 496 : i32
          %min3A_830 = arith.minsi %add3A_816, %min3A_829 : i32
          %swap3A_831 = arith.index_cast %min3A_830 : i32 to index
          %swap3A_832 = tpu.vector_load %arg9[%swap3A_831] masked %le3A_694 {strides = array<i32>} : memref<512xf32, #tpu.memory_space<vmem>>, vector<16xf32>, vector<16xi1>
          tpu.vector_store %arg9[%swap3A_831], %get3A_682 masked %le3A_694 {strides = array<i32>} : memref<512xf32, #tpu.memory_space<vmem>>, vector<16xf32>, vector<16xi1>
          %swap3A_833 = arith.index_cast %min3A_830 : i32 to index
          %swap3A_834 = tpu.vector_load %arg10[%swap3A_833] masked %le3A_694 {strides = array<i32>} : memref<512xi32, #tpu.memory_space<vmem>>, vector<16xi32>, vector<16xi1>
          tpu.vector_store %arg10[%swap3A_833], %add3A_828 masked %le3A_694 {strides = array<i32>} : memref<512xi32, #tpu.memory_space<vmem>>, vector<16xi32>, vector<16xi1>
          %add3A_835 = arith.addi %add3A_816, %squeeze3A_819 : i32
          %all_reduce_population_count3A_836 = tpu.all_reduce %le3A_695 {dim = 0 : i64, kind = #tpu.reduction_kind<sum>} : vector<16xi1> -> vector<16xi32>
          %slice3A_837 = vector.extract_strided_slice %all_reduce_population_count3A_836 {offsets = [0], sizes = [1], strides = [1]} : vector<16xi32> to vector<1xi32>
          %squeeze3A_838 = vector.extract %slice3A_837[0] : i32 from vector<1xi32>
          %iota3A_839 = tpu.iota {dimensions = array<i32: 0>} : vector<16xi32>
          %mul3A_840 = arith.constant 128 : i32
          %mul3A_841 = arith.muli %scan3A_639, %mul3A_840 : i32
          %add3A_842 = arith.constant 25600 : i32
          %add3A_843 = arith.addi %add3A_842, %mul3A_841 : i32
          %add3A_844 = arith.constant 112 : i32
          %add3A_845 = arith.addi %add3A_843, %add3A_844 : i32
          %add3A_846 = vector.broadcast %add3A_845 : i32 to vector<16xi32>
          %add3A_847 = arith.addi %iota3A_839, %add3A_846 : vector<16xi32>
          %min3A_848 = arith.constant 496 : i32
          %min3A_849 = arith.minsi %add3A_835, %min3A_848 : i32
          %swap3A_850 = arith.index_cast %min3A_849 : i32 to index
          %swap3A_851 = tpu.vector_load %arg9[%swap3A_850] masked %le3A_695 {strides = array<i32>} : memref<512xf32, #tpu.memory_space<vmem>>, vector<16xf32>, vector<16xi1>
          tpu.vector_store %arg9[%swap3A_850], %get3A_688 masked %le3A_695 {strides = array<i32>} : memref<512xf32, #tpu.memory_space<vmem>>, vector<16xf32>, vector<16xi1>
          %swap3A_852 = arith.index_cast %min3A_849 : i32 to index
          %swap3A_853 = tpu.vector_load %arg10[%swap3A_852] masked %le3A_695 {strides = array<i32>} : memref<512xi32, #tpu.memory_space<vmem>>, vector<16xi32>, vector<16xi1>
          tpu.vector_store %arg10[%swap3A_852], %add3A_847 masked %le3A_695 {strides = array<i32>} : memref<512xi32, #tpu.memory_space<vmem>>, vector<16xi32>, vector<16xi1>
          %add3A_854 = arith.addi %add3A_835, %squeeze3A_838 : i32
          scf.yield %add3A_854 : i32
        } else {
          scf.yield %scan3A_640 : i32
        }
        scf.yield %cond3A_704 : i32
      }
      %scan3A_537 = arith.constant 100 : i32
      %dma_wait3A_538 = arith.constant 0 : i32
      %dma_wait3A_539 = tpu.memref_slice %arg2[%add3A_525, %dma_wait3A_538] : memref<8192x12800xf32, #tpu.memory_space<hbm>> -> memref<1x12800xf32, #tpu.memory_space<hbm>>
      %dma_wait3A_540 = tpu.memref_squeeze %dma_wait3A_539 : memref<1x12800xf32, #tpu.memory_space<hbm>> -> memref<12800xf32, #tpu.memory_space<hbm>>
      %dma_wait3A_541 = arith.constant 0 : i32
      %dma_wait3A_542 = tpu.memref_slice %arg2[%add3A_525, %dma_wait3A_541] : memref<8192x12800xf32, #tpu.memory_space<hbm>> -> memref<1x12800xf32, #tpu.memory_space<hbm>>
      %dma_wait3A_543 = tpu.memref_squeeze %dma_wait3A_542 : memref<1x12800xf32, #tpu.memory_space<hbm>> -> memref<12800xf32, #tpu.memory_space<hbm>>
      tpu.wait_dma2 semaphore(%arg12 : memref<!tpu.dma_semaphore, #tpu.memory_space<semaphore_mem>>) src(%dma_wait3A_543 : memref<12800xf32, #tpu.memory_space<hbm>>) dst(%arg8 : memref<12800xf32, #tpu.memory_space<vmem>>)
      %mul3A_544 = arith.constant 8 : i32
      %mul3A_545 = arith.muli %add3A_13, %mul3A_544 : i32
      %add3A_546 = arith.constant 4 : i32
      %add3A_547 = arith.addi %mul3A_545, %add3A_546 : i32
      %dma_start3A_548 = arith.constant 0 : i32
      %dma_start3A_549 = tpu.memref_slice %arg2[%add3A_547, %dma_start3A_548] : memref<8192x12800xf32, #tpu.memory_space<hbm>> -> memref<1x12800xf32, #tpu.memory_space<hbm>>
      %dma_start3A_550 = tpu.memref_squeeze %dma_start3A_549 : memref<1x12800xf32, #tpu.memory_space<hbm>> -> memref<12800xf32, #tpu.memory_space<hbm>>
      %dma_start3A_551 = arith.constant 0 : i32
      %dma_start3A_552 = tpu.memref_slice %arg2[%add3A_547, %dma_start3A_551] : memref<8192x12800xf32, #tpu.memory_space<hbm>> -> memref<1x12800xf32, #tpu.memory_space<hbm>>
      %dma_start3A_553 = tpu.memref_squeeze %dma_start3A_552 : memref<1x12800xf32, #tpu.memory_space<hbm>> -> memref<12800xf32, #tpu.memory_space<hbm>>
      tpu.enqueue_dma source(%dma_start3A_553 : memref<12800xf32, #tpu.memory_space<hbm>>) target(%arg7 : memref<12800xf32, #tpu.memory_space<vmem>>) target_semaphore(%arg11 : memref<!tpu.dma_semaphore, #tpu.memory_space<semaphore_mem>>)
      %scan3A_554 = arith.constant 0 : i32
      %scan3A_555 = arith.constant 100 : i32
      %scan3A_556 = arith.addi %scan3A_554, %scan3A_555 : i32
      %scan3A_557 = arith.constant 1 : i32
      %scan3A_558 = scf.for %scan3A_639 = %scan3A_554 to %scan3A_556 step %scan3A_557 iter_args(%scan3A_640 = %scan3A_536) -> (i32)  : i32 {
        %mul3A_641 = arith.constant 128 : i32
        %mul3A_642 = arith.muli %scan3A_639, %mul3A_641 : i32
        %add3A_643 = arith.constant 0 : i32
        %add3A_644 = arith.addi %mul3A_642, %add3A_643 : i32
        %get3A_645 = arith.index_cast %add3A_644 : i32 to index
        %get3A_646 = tpu.vector_load %arg8[%get3A_645] {strides = array<i32>} : memref<12800xf32, #tpu.memory_space<vmem>>, vector<16xf32>,
        %mul3A_647 = arith.constant 128 : i32
        %mul3A_648 = arith.muli %scan3A_639, %mul3A_647 : i32
        %add3A_649 = arith.constant 16 : i32
        %add3A_650 = arith.addi %mul3A_648, %add3A_649 : i32
        %get3A_651 = arith.index_cast %add3A_650 : i32 to index
        %get3A_652 = tpu.vector_load %arg8[%get3A_651] {strides = array<i32>} : memref<12800xf32, #tpu.memory_space<vmem>>, vector<16xf32>,
        %mul3A_653 = arith.constant 128 : i32
        %mul3A_654 = arith.muli %scan3A_639, %mul3A_653 : i32
        %add3A_655 = arith.constant 32 : i32
        %add3A_656 = arith.addi %mul3A_654, %add3A_655 : i32
        %get3A_657 = arith.index_cast %add3A_656 : i32 to index
        %get3A_658 = tpu.vector_load %arg8[%get3A_657] {strides = array<i32>} : memref<12800xf32, #tpu.memory_space<vmem>>, vector<16xf32>,
        %mul3A_659 = arith.constant 128 : i32
        %mul3A_660 = arith.muli %scan3A_639, %mul3A_659 : i32
        %add3A_661 = arith.constant 48 : i32
        %add3A_662 = arith.addi %mul3A_660, %add3A_661 : i32
        %get3A_663 = arith.index_cast %add3A_662 : i32 to index
        %get3A_664 = tpu.vector_load %arg8[%get3A_663] {strides = array<i32>} : memref<12800xf32, #tpu.memory_space<vmem>>, vector<16xf32>,
        %mul3A_665 = arith.constant 128 : i32
        %mul3A_666 = arith.muli %scan3A_639, %mul3A_665 : i32
        %add3A_667 = arith.constant 64 : i32
        %add3A_668 = arith.addi %mul3A_666, %add3A_667 : i32
        %get3A_669 = arith.index_cast %add3A_668 : i32 to index
        %get3A_670 = tpu.vector_load %arg8[%get3A_669] {strides = array<i32>} : memref<12800xf32, #tpu.memory_space<vmem>>, vector<16xf32>,
        %mul3A_671 = arith.constant 128 : i32
        %mul3A_672 = arith.muli %scan3A_639, %mul3A_671 : i32
        %add3A_673 = arith.constant 80 : i32
        %add3A_674 = arith.addi %mul3A_672, %add3A_673 : i32
        %get3A_675 = arith.index_cast %add3A_674 : i32 to index
        %get3A_676 = tpu.vector_load %arg8[%get3A_675] {strides = array<i32>} : memref<12800xf32, #tpu.memory_space<vmem>>, vector<16xf32>,
        %mul3A_677 = arith.constant 128 : i32
        %mul3A_678 = arith.muli %scan3A_639, %mul3A_677 : i32
        %add3A_679 = arith.constant 96 : i32
        %add3A_680 = arith.addi %mul3A_678, %add3A_679 : i32
        %get3A_681 = arith.index_cast %add3A_680 : i32 to index
        %get3A_682 = tpu.vector_load %arg8[%get3A_681] {strides = array<i32>} : memref<12800xf32, #tpu.memory_space<vmem>>, vector<16xf32>,
        %mul3A_683 = arith.constant 128 : i32
        %mul3A_684 = arith.muli %scan3A_639, %mul3A_683 : i32
        %add3A_685 = arith.constant 112 : i32
        %add3A_686 = arith.addi %mul3A_684, %add3A_685 : i32
        %get3A_687 = arith.index_cast %add3A_686 : i32 to index
        %get3A_688 = tpu.vector_load %arg8[%get3A_687] {strides = array<i32>} : memref<12800xf32, #tpu.memory_space<vmem>>, vector<16xf32>,
        %le3A = arith.cmpf ole, %get3A_646, %get3A_464 : vector<16xf32>
        %le3A_689 = arith.cmpf ole, %get3A_652, %get3A_464 : vector<16xf32>
        %le3A_690 = arith.cmpf ole, %get3A_658, %get3A_464 : vector<16xf32>
        %le3A_691 = arith.cmpf ole, %get3A_664, %get3A_464 : vector<16xf32>
        %le3A_692 = arith.cmpf ole, %get3A_670, %get3A_464 : vector<16xf32>
        %le3A_693 = arith.cmpf ole, %get3A_676, %get3A_464 : vector<16xf32>
        %le3A_694 = arith.cmpf ole, %get3A_682, %get3A_464 : vector<16xf32>
        %le3A_695 = arith.cmpf ole, %get3A_688, %get3A_464 : vector<16xf32>
        %or3A = arith.ori %le3A, %le3A_689 : vector<16xi1>
        %or3A_696 = arith.ori %or3A, %le3A_690 : vector<16xi1>
        %or3A_697 = arith.ori %or3A_696, %le3A_691 : vector<16xi1>
        %or3A_698 = arith.ori %or3A_697, %le3A_692 : vector<16xi1>
        %or3A_699 = arith.ori %or3A_698, %le3A_693 : vector<16xi1>
        %or3A_700 = arith.ori %or3A_699, %le3A_694 : vector<16xi1>
        %or3A_701 = arith.ori %or3A_700, %le3A_695 : vector<16xi1>
        %all_reduce_population_count3A = tpu.all_reduce %or3A_701 {dim = 0 : i64, kind = #tpu.reduction_kind<sum>} : vector<16xi1> -> vector<16xi32>
        %slice3A = vector.extract_strided_slice %all_reduce_population_count3A {offsets = [0], sizes = [1], strides = [1]} : vector<16xi32> to vector<1xi32>
        %squeeze3A = vector.extract %slice3A[0] : i32 from vector<1xi32>
        %gt3A = arith.constant 0 : i32
        %gt3A_702 = arith.cmpi sgt, %squeeze3A, %gt3A : i32
        %convert_element_type3A = arith.extui %gt3A_702 : i1 to i32
        %cond3A = arith.constant 0 : i32
        %cond3A_703 = arith.cmpi ne, %convert_element_type3A, %cond3A : i32
        %cond3A_704 = scf.if %cond3A_703 -> (i32) {
          %all_reduce_population_count3A_705 = tpu.all_reduce %le3A {dim = 0 : i64, kind = #tpu.reduction_kind<sum>} : vector<16xi1> -> vector<16xi32>
          %slice3A_706 = vector.extract_strided_slice %all_reduce_population_count3A_705 {offsets = [0], sizes = [1], strides = [1]} : vector<16xi32> to vector<1xi32>
          %squeeze3A_707 = vector.extract %slice3A_706[0] : i32 from vector<1xi32>
          %iota3A = tpu.iota {dimensions = array<i32: 0>} : vector<16xi32>
          %mul3A_708 = arith.constant 128 : i32
          %mul3A_709 = arith.muli %scan3A_639, %mul3A_708 : i32
          %add3A_710 = arith.constant 38400 : i32
          %add3A_711 = arith.addi %add3A_710, %mul3A_709 : i32
          %add3A_712 = arith.constant 0 : i32
          %add3A_713 = arith.addi %add3A_711, %add3A_712 : i32
          %add3A_714 = vector.broadcast %add3A_713 : i32 to vector<16xi32>
          %add3A_715 = arith.addi %iota3A, %add3A_714 : vector<16xi32>
          %min3A = arith.constant 496 : i32
          %min3A_716 = arith.minsi %scan3A_640, %min3A : i32
          %swap3A_717 = arith.index_cast %min3A_716 : i32 to index
          %swap3A_718 = tpu.vector_load %arg9[%swap3A_717] masked %le3A {strides = array<i32>} : memref<512xf32, #tpu.memory_space<vmem>>, vector<16xf32>, vector<16xi1>
          tpu.vector_store %arg9[%swap3A_717], %get3A_646 masked %le3A {strides = array<i32>} : memref<512xf32, #tpu.memory_space<vmem>>, vector<16xf32>, vector<16xi1>
          %swap3A_719 = arith.index_cast %min3A_716 : i32 to index
          %swap3A_720 = tpu.vector_load %arg10[%swap3A_719] masked %le3A {strides = array<i32>} : memref<512xi32, #tpu.memory_space<vmem>>, vector<16xi32>, vector<16xi1>
          tpu.vector_store %arg10[%swap3A_719], %add3A_715 masked %le3A {strides = array<i32>} : memref<512xi32, #tpu.memory_space<vmem>>, vector<16xi32>, vector<16xi1>
          %add3A_721 = arith.addi %scan3A_640, %squeeze3A_707 : i32
          %all_reduce_population_count3A_722 = tpu.all_reduce %le3A_689 {dim = 0 : i64, kind = #tpu.reduction_kind<sum>} : vector<16xi1> -> vector<16xi32>
          %slice3A_723 = vector.extract_strided_slice %all_reduce_population_count3A_722 {offsets = [0], sizes = [1], strides = [1]} : vector<16xi32> to vector<1xi32>
          %squeeze3A_724 = vector.extract %slice3A_723[0] : i32 from vector<1xi32>
          %iota3A_725 = tpu.iota {dimensions = array<i32: 0>} : vector<16xi32>
          %mul3A_726 = arith.constant 128 : i32
          %mul3A_727 = arith.muli %scan3A_639, %mul3A_726 : i32
          %add3A_728 = arith.constant 38400 : i32
          %add3A_729 = arith.addi %add3A_728, %mul3A_727 : i32
          %add3A_730 = arith.constant 16 : i32
          %add3A_731 = arith.addi %add3A_729, %add3A_730 : i32
          %add3A_732 = vector.broadcast %add3A_731 : i32 to vector<16xi32>
          %add3A_733 = arith.addi %iota3A_725, %add3A_732 : vector<16xi32>
          %min3A_734 = arith.constant 496 : i32
          %min3A_735 = arith.minsi %add3A_721, %min3A_734 : i32
          %swap3A_736 = arith.index_cast %min3A_735 : i32 to index
          %swap3A_737 = tpu.vector_load %arg9[%swap3A_736] masked %le3A_689 {strides = array<i32>} : memref<512xf32, #tpu.memory_space<vmem>>, vector<16xf32>, vector<16xi1>
          tpu.vector_store %arg9[%swap3A_736], %get3A_652 masked %le3A_689 {strides = array<i32>} : memref<512xf32, #tpu.memory_space<vmem>>, vector<16xf32>, vector<16xi1>
          %swap3A_738 = arith.index_cast %min3A_735 : i32 to index
          %swap3A_739 = tpu.vector_load %arg10[%swap3A_738] masked %le3A_689 {strides = array<i32>} : memref<512xi32, #tpu.memory_space<vmem>>, vector<16xi32>, vector<16xi1>
          tpu.vector_store %arg10[%swap3A_738], %add3A_733 masked %le3A_689 {strides = array<i32>} : memref<512xi32, #tpu.memory_space<vmem>>, vector<16xi32>, vector<16xi1>
          %add3A_740 = arith.addi %add3A_721, %squeeze3A_724 : i32
          %all_reduce_population_count3A_741 = tpu.all_reduce %le3A_690 {dim = 0 : i64, kind = #tpu.reduction_kind<sum>} : vector<16xi1> -> vector<16xi32>
          %slice3A_742 = vector.extract_strided_slice %all_reduce_population_count3A_741 {offsets = [0], sizes = [1], strides = [1]} : vector<16xi32> to vector<1xi32>
          %squeeze3A_743 = vector.extract %slice3A_742[0] : i32 from vector<1xi32>
          %iota3A_744 = tpu.iota {dimensions = array<i32: 0>} : vector<16xi32>
          %mul3A_745 = arith.constant 128 : i32
          %mul3A_746 = arith.muli %scan3A_639, %mul3A_745 : i32
          %add3A_747 = arith.constant 38400 : i32
          %add3A_748 = arith.addi %add3A_747, %mul3A_746 : i32
          %add3A_749 = arith.constant 32 : i32
          %add3A_750 = arith.addi %add3A_748, %add3A_749 : i32
          %add3A_751 = vector.broadcast %add3A_750 : i32 to vector<16xi32>
          %add3A_752 = arith.addi %iota3A_744, %add3A_751 : vector<16xi32>
          %min3A_753 = arith.constant 496 : i32
          %min3A_754 = arith.minsi %add3A_740, %min3A_753 : i32
          %swap3A_755 = arith.index_cast %min3A_754 : i32 to index
          %swap3A_756 = tpu.vector_load %arg9[%swap3A_755] masked %le3A_690 {strides = array<i32>} : memref<512xf32, #tpu.memory_space<vmem>>, vector<16xf32>, vector<16xi1>
          tpu.vector_store %arg9[%swap3A_755], %get3A_658 masked %le3A_690 {strides = array<i32>} : memref<512xf32, #tpu.memory_space<vmem>>, vector<16xf32>, vector<16xi1>
          %swap3A_757 = arith.index_cast %min3A_754 : i32 to index
          %swap3A_758 = tpu.vector_load %arg10[%swap3A_757] masked %le3A_690 {strides = array<i32>} : memref<512xi32, #tpu.memory_space<vmem>>, vector<16xi32>, vector<16xi1>
          tpu.vector_store %arg10[%swap3A_757], %add3A_752 masked %le3A_690 {strides = array<i32>} : memref<512xi32, #tpu.memory_space<vmem>>, vector<16xi32>, vector<16xi1>
          %add3A_759 = arith.addi %add3A_740, %squeeze3A_743 : i32
          %all_reduce_population_count3A_760 = tpu.all_reduce %le3A_691 {dim = 0 : i64, kind = #tpu.reduction_kind<sum>} : vector<16xi1> -> vector<16xi32>
          %slice3A_761 = vector.extract_strided_slice %all_reduce_population_count3A_760 {offsets = [0], sizes = [1], strides = [1]} : vector<16xi32> to vector<1xi32>
          %squeeze3A_762 = vector.extract %slice3A_761[0] : i32 from vector<1xi32>
          %iota3A_763 = tpu.iota {dimensions = array<i32: 0>} : vector<16xi32>
          %mul3A_764 = arith.constant 128 : i32
          %mul3A_765 = arith.muli %scan3A_639, %mul3A_764 : i32
          %add3A_766 = arith.constant 38400 : i32
          %add3A_767 = arith.addi %add3A_766, %mul3A_765 : i32
          %add3A_768 = arith.constant 48 : i32
          %add3A_769 = arith.addi %add3A_767, %add3A_768 : i32
          %add3A_770 = vector.broadcast %add3A_769 : i32 to vector<16xi32>
          %add3A_771 = arith.addi %iota3A_763, %add3A_770 : vector<16xi32>
          %min3A_772 = arith.constant 496 : i32
          %min3A_773 = arith.minsi %add3A_759, %min3A_772 : i32
          %swap3A_774 = arith.index_cast %min3A_773 : i32 to index
          %swap3A_775 = tpu.vector_load %arg9[%swap3A_774] masked %le3A_691 {strides = array<i32>} : memref<512xf32, #tpu.memory_space<vmem>>, vector<16xf32>, vector<16xi1>
          tpu.vector_store %arg9[%swap3A_774], %get3A_664 masked %le3A_691 {strides = array<i32>} : memref<512xf32, #tpu.memory_space<vmem>>, vector<16xf32>, vector<16xi1>
          %swap3A_776 = arith.index_cast %min3A_773 : i32 to index
          %swap3A_777 = tpu.vector_load %arg10[%swap3A_776] masked %le3A_691 {strides = array<i32>} : memref<512xi32, #tpu.memory_space<vmem>>, vector<16xi32>, vector<16xi1>
          tpu.vector_store %arg10[%swap3A_776], %add3A_771 masked %le3A_691 {strides = array<i32>} : memref<512xi32, #tpu.memory_space<vmem>>, vector<16xi32>, vector<16xi1>
          %add3A_778 = arith.addi %add3A_759, %squeeze3A_762 : i32
          %all_reduce_population_count3A_779 = tpu.all_reduce %le3A_692 {dim = 0 : i64, kind = #tpu.reduction_kind<sum>} : vector<16xi1> -> vector<16xi32>
          %slice3A_780 = vector.extract_strided_slice %all_reduce_population_count3A_779 {offsets = [0], sizes = [1], strides = [1]} : vector<16xi32> to vector<1xi32>
          %squeeze3A_781 = vector.extract %slice3A_780[0] : i32 from vector<1xi32>
          %iota3A_782 = tpu.iota {dimensions = array<i32: 0>} : vector<16xi32>
          %mul3A_783 = arith.constant 128 : i32
          %mul3A_784 = arith.muli %scan3A_639, %mul3A_783 : i32
          %add3A_785 = arith.constant 38400 : i32
          %add3A_786 = arith.addi %add3A_785, %mul3A_784 : i32
          %add3A_787 = arith.constant 64 : i32
          %add3A_788 = arith.addi %add3A_786, %add3A_787 : i32
          %add3A_789 = vector.broadcast %add3A_788 : i32 to vector<16xi32>
          %add3A_790 = arith.addi %iota3A_782, %add3A_789 : vector<16xi32>
          %min3A_791 = arith.constant 496 : i32
          %min3A_792 = arith.minsi %add3A_778, %min3A_791 : i32
          %swap3A_793 = arith.index_cast %min3A_792 : i32 to index
          %swap3A_794 = tpu.vector_load %arg9[%swap3A_793] masked %le3A_692 {strides = array<i32>} : memref<512xf32, #tpu.memory_space<vmem>>, vector<16xf32>, vector<16xi1>
          tpu.vector_store %arg9[%swap3A_793], %get3A_670 masked %le3A_692 {strides = array<i32>} : memref<512xf32, #tpu.memory_space<vmem>>, vector<16xf32>, vector<16xi1>
          %swap3A_795 = arith.index_cast %min3A_792 : i32 to index
          %swap3A_796 = tpu.vector_load %arg10[%swap3A_795] masked %le3A_692 {strides = array<i32>} : memref<512xi32, #tpu.memory_space<vmem>>, vector<16xi32>, vector<16xi1>
          tpu.vector_store %arg10[%swap3A_795], %add3A_790 masked %le3A_692 {strides = array<i32>} : memref<512xi32, #tpu.memory_space<vmem>>, vector<16xi32>, vector<16xi1>
          %add3A_797 = arith.addi %add3A_778, %squeeze3A_781 : i32
          %all_reduce_population_count3A_798 = tpu.all_reduce %le3A_693 {dim = 0 : i64, kind = #tpu.reduction_kind<sum>} : vector<16xi1> -> vector<16xi32>
          %slice3A_799 = vector.extract_strided_slice %all_reduce_population_count3A_798 {offsets = [0], sizes = [1], strides = [1]} : vector<16xi32> to vector<1xi32>
          %squeeze3A_800 = vector.extract %slice3A_799[0] : i32 from vector<1xi32>
          %iota3A_801 = tpu.iota {dimensions = array<i32: 0>} : vector<16xi32>
          %mul3A_802 = arith.constant 128 : i32
          %mul3A_803 = arith.muli %scan3A_639, %mul3A_802 : i32
          %add3A_804 = arith.constant 38400 : i32
          %add3A_805 = arith.addi %add3A_804, %mul3A_803 : i32
          %add3A_806 = arith.constant 80 : i32
          %add3A_807 = arith.addi %add3A_805, %add3A_806 : i32
          %add3A_808 = vector.broadcast %add3A_807 : i32 to vector<16xi32>
          %add3A_809 = arith.addi %iota3A_801, %add3A_808 : vector<16xi32>
          %min3A_810 = arith.constant 496 : i32
          %min3A_811 = arith.minsi %add3A_797, %min3A_810 : i32
          %swap3A_812 = arith.index_cast %min3A_811 : i32 to index
          %swap3A_813 = tpu.vector_load %arg9[%swap3A_812] masked %le3A_693 {strides = array<i32>} : memref<512xf32, #tpu.memory_space<vmem>>, vector<16xf32>, vector<16xi1>
          tpu.vector_store %arg9[%swap3A_812], %get3A_676 masked %le3A_693 {strides = array<i32>} : memref<512xf32, #tpu.memory_space<vmem>>, vector<16xf32>, vector<16xi1>
          %swap3A_814 = arith.index_cast %min3A_811 : i32 to index
          %swap3A_815 = tpu.vector_load %arg10[%swap3A_814] masked %le3A_693 {strides = array<i32>} : memref<512xi32, #tpu.memory_space<vmem>>, vector<16xi32>, vector<16xi1>
          tpu.vector_store %arg10[%swap3A_814], %add3A_809 masked %le3A_693 {strides = array<i32>} : memref<512xi32, #tpu.memory_space<vmem>>, vector<16xi32>, vector<16xi1>
          %add3A_816 = arith.addi %add3A_797, %squeeze3A_800 : i32
          %all_reduce_population_count3A_817 = tpu.all_reduce %le3A_694 {dim = 0 : i64, kind = #tpu.reduction_kind<sum>} : vector<16xi1> -> vector<16xi32>
          %slice3A_818 = vector.extract_strided_slice %all_reduce_population_count3A_817 {offsets = [0], sizes = [1], strides = [1]} : vector<16xi32> to vector<1xi32>
          %squeeze3A_819 = vector.extract %slice3A_818[0] : i32 from vector<1xi32>
          %iota3A_820 = tpu.iota {dimensions = array<i32: 0>} : vector<16xi32>
          %mul3A_821 = arith.constant 128 : i32
          %mul3A_822 = arith.muli %scan3A_639, %mul3A_821 : i32
          %add3A_823 = arith.constant 38400 : i32
          %add3A_824 = arith.addi %add3A_823, %mul3A_822 : i32
          %add3A_825 = arith.constant 96 : i32
          %add3A_826 = arith.addi %add3A_824, %add3A_825 : i32
          %add3A_827 = vector.broadcast %add3A_826 : i32 to vector<16xi32>
          %add3A_828 = arith.addi %iota3A_820, %add3A_827 : vector<16xi32>
          %min3A_829 = arith.constant 496 : i32
          %min3A_830 = arith.minsi %add3A_816, %min3A_829 : i32
          %swap3A_831 = arith.index_cast %min3A_830 : i32 to index
          %swap3A_832 = tpu.vector_load %arg9[%swap3A_831] masked %le3A_694 {strides = array<i32>} : memref<512xf32, #tpu.memory_space<vmem>>, vector<16xf32>, vector<16xi1>
          tpu.vector_store %arg9[%swap3A_831], %get3A_682 masked %le3A_694 {strides = array<i32>} : memref<512xf32, #tpu.memory_space<vmem>>, vector<16xf32>, vector<16xi1>
          %swap3A_833 = arith.index_cast %min3A_830 : i32 to index
          %swap3A_834 = tpu.vector_load %arg10[%swap3A_833] masked %le3A_694 {strides = array<i32>} : memref<512xi32, #tpu.memory_space<vmem>>, vector<16xi32>, vector<16xi1>
          tpu.vector_store %arg10[%swap3A_833], %add3A_828 masked %le3A_694 {strides = array<i32>} : memref<512xi32, #tpu.memory_space<vmem>>, vector<16xi32>, vector<16xi1>
          %add3A_835 = arith.addi %add3A_816, %squeeze3A_819 : i32
          %all_reduce_population_count3A_836 = tpu.all_reduce %le3A_695 {dim = 0 : i64, kind = #tpu.reduction_kind<sum>} : vector<16xi1> -> vector<16xi32>
          %slice3A_837 = vector.extract_strided_slice %all_reduce_population_count3A_836 {offsets = [0], sizes = [1], strides = [1]} : vector<16xi32> to vector<1xi32>
          %squeeze3A_838 = vector.extract %slice3A_837[0] : i32 from vector<1xi32>
          %iota3A_839 = tpu.iota {dimensions = array<i32: 0>} : vector<16xi32>
          %mul3A_840 = arith.constant 128 : i32
          %mul3A_841 = arith.muli %scan3A_639, %mul3A_840 : i32
          %add3A_842 = arith.constant 38400 : i32
          %add3A_843 = arith.addi %add3A_842, %mul3A_841 : i32
          %add3A_844 = arith.constant 112 : i32
          %add3A_845 = arith.addi %add3A_843, %add3A_844 : i32
          %add3A_846 = vector.broadcast %add3A_845 : i32 to vector<16xi32>
          %add3A_847 = arith.addi %iota3A_839, %add3A_846 : vector<16xi32>
          %min3A_848 = arith.constant 496 : i32
          %min3A_849 = arith.minsi %add3A_835, %min3A_848 : i32
          %swap3A_850 = arith.index_cast %min3A_849 : i32 to index
          %swap3A_851 = tpu.vector_load %arg9[%swap3A_850] masked %le3A_695 {strides = array<i32>} : memref<512xf32, #tpu.memory_space<vmem>>, vector<16xf32>, vector<16xi1>
          tpu.vector_store %arg9[%swap3A_850], %get3A_688 masked %le3A_695 {strides = array<i32>} : memref<512xf32, #tpu.memory_space<vmem>>, vector<16xf32>, vector<16xi1>
          %swap3A_852 = arith.index_cast %min3A_849 : i32 to index
          %swap3A_853 = tpu.vector_load %arg10[%swap3A_852] masked %le3A_695 {strides = array<i32>} : memref<512xi32, #tpu.memory_space<vmem>>, vector<16xi32>, vector<16xi1>
          tpu.vector_store %arg10[%swap3A_852], %add3A_847 masked %le3A_695 {strides = array<i32>} : memref<512xi32, #tpu.memory_space<vmem>>, vector<16xi32>, vector<16xi1>
          %add3A_854 = arith.addi %add3A_835, %squeeze3A_838 : i32
          scf.yield %add3A_854 : i32
        } else {
          scf.yield %scan3A_640 : i32
        }
        scf.yield %cond3A_704 : i32
      }
      %scan3A_559 = arith.constant 100 : i32
      %dma_wait3A_560 = arith.constant 0 : i32
      %dma_wait3A_561 = tpu.memref_slice %arg2[%add3A_547, %dma_wait3A_560] : memref<8192x12800xf32, #tpu.memory_space<hbm>> -> memref<1x12800xf32, #tpu.memory_space<hbm>>
      %dma_wait3A_562 = tpu.memref_squeeze %dma_wait3A_561 : memref<1x12800xf32, #tpu.memory_space<hbm>> -> memref<12800xf32, #tpu.memory_space<hbm>>
      %dma_wait3A_563 = arith.constant 0 : i32
      %dma_wait3A_564 = tpu.memref_slice %arg2[%add3A_547, %dma_wait3A_563] : memref<8192x12800xf32, #tpu.memory_space<hbm>> -> memref<1x12800xf32, #tpu.memory_space<hbm>>
      %dma_wait3A_565 = tpu.memref_squeeze %dma_wait3A_564 : memref<1x12800xf32, #tpu.memory_space<hbm>> -> memref<12800xf32, #tpu.memory_space<hbm>>
      tpu.wait_dma2 semaphore(%arg11 : memref<!tpu.dma_semaphore, #tpu.memory_space<semaphore_mem>>) src(%dma_wait3A_565 : memref<12800xf32, #tpu.memory_space<hbm>>) dst(%arg7 : memref<12800xf32, #tpu.memory_space<vmem>>)
      %mul3A_566 = arith.constant 8 : i32
      %mul3A_567 = arith.muli %add3A_13, %mul3A_566 : i32
      %add3A_568 = arith.constant 5 : i32
      %add3A_569 = arith.addi %mul3A_567, %add3A_568 : i32
      %dma_start3A_570 = arith.constant 0 : i32
      %dma_start3A_571 = tpu.memref_slice %arg2[%add3A_569, %dma_start3A_570] : memref<8192x12800xf32, #tpu.memory_space<hbm>> -> memref<1x12800xf32, #tpu.memory_space<hbm>>
      %dma_start3A_572 = tpu.memref_squeeze %dma_start3A_571 : memref<1x12800xf32, #tpu.memory_space<hbm>> -> memref<12800xf32, #tpu.memory_space<hbm>>
      %dma_start3A_573 = arith.constant 0 : i32
      %dma_start3A_574 = tpu.memref_slice %arg2[%add3A_569, %dma_start3A_573] : memref<8192x12800xf32, #tpu.memory_space<hbm>> -> memref<1x12800xf32, #tpu.memory_space<hbm>>
      %dma_start3A_575 = tpu.memref_squeeze %dma_start3A_574 : memref<1x12800xf32, #tpu.memory_space<hbm>> -> memref<12800xf32, #tpu.memory_space<hbm>>
      tpu.enqueue_dma source(%dma_start3A_575 : memref<12800xf32, #tpu.memory_space<hbm>>) target(%arg8 : memref<12800xf32, #tpu.memory_space<vmem>>) target_semaphore(%arg12 : memref<!tpu.dma_semaphore, #tpu.memory_space<semaphore_mem>>)
      %scan3A_576 = arith.constant 0 : i32
      %scan3A_577 = arith.constant 100 : i32
      %scan3A_578 = arith.addi %scan3A_576, %scan3A_577 : i32
      %scan3A_579 = arith.constant 1 : i32
      %scan3A_580 = scf.for %scan3A_639 = %scan3A_576 to %scan3A_578 step %scan3A_579 iter_args(%scan3A_640 = %scan3A_558) -> (i32)  : i32 {
        %mul3A_641 = arith.constant 128 : i32
        %mul3A_642 = arith.muli %scan3A_639, %mul3A_641 : i32
        %add3A_643 = arith.constant 0 : i32
        %add3A_644 = arith.addi %mul3A_642, %add3A_643 : i32
        %get3A_645 = arith.index_cast %add3A_644 : i32 to index
        %get3A_646 = tpu.vector_load %arg7[%get3A_645] {strides = array<i32>} : memref<12800xf32, #tpu.memory_space<vmem>>, vector<16xf32>,
        %mul3A_647 = arith.constant 128 : i32
        %mul3A_648 = arith.muli %scan3A_639, %mul3A_647 : i32
        %add3A_649 = arith.constant 16 : i32
        %add3A_650 = arith.addi %mul3A_648, %add3A_649 : i32
        %get3A_651 = arith.index_cast %add3A_650 : i32 to index
        %get3A_652 = tpu.vector_load %arg7[%get3A_651] {strides = array<i32>} : memref<12800xf32, #tpu.memory_space<vmem>>, vector<16xf32>,
        %mul3A_653 = arith.constant 128 : i32
        %mul3A_654 = arith.muli %scan3A_639, %mul3A_653 : i32
        %add3A_655 = arith.constant 32 : i32
        %add3A_656 = arith.addi %mul3A_654, %add3A_655 : i32
        %get3A_657 = arith.index_cast %add3A_656 : i32 to index
        %get3A_658 = tpu.vector_load %arg7[%get3A_657] {strides = array<i32>} : memref<12800xf32, #tpu.memory_space<vmem>>, vector<16xf32>,
        %mul3A_659 = arith.constant 128 : i32
        %mul3A_660 = arith.muli %scan3A_639, %mul3A_659 : i32
        %add3A_661 = arith.constant 48 : i32
        %add3A_662 = arith.addi %mul3A_660, %add3A_661 : i32
        %get3A_663 = arith.index_cast %add3A_662 : i32 to index
        %get3A_664 = tpu.vector_load %arg7[%get3A_663] {strides = array<i32>} : memref<12800xf32, #tpu.memory_space<vmem>>, vector<16xf32>,
        %mul3A_665 = arith.constant 128 : i32
        %mul3A_666 = arith.muli %scan3A_639, %mul3A_665 : i32
        %add3A_667 = arith.constant 64 : i32
        %add3A_668 = arith.addi %mul3A_666, %add3A_667 : i32
        %get3A_669 = arith.index_cast %add3A_668 : i32 to index
        %get3A_670 = tpu.vector_load %arg7[%get3A_669] {strides = array<i32>} : memref<12800xf32, #tpu.memory_space<vmem>>, vector<16xf32>,
        %mul3A_671 = arith.constant 128 : i32
        %mul3A_672 = arith.muli %scan3A_639, %mul3A_671 : i32
        %add3A_673 = arith.constant 80 : i32
        %add3A_674 = arith.addi %mul3A_672, %add3A_673 : i32
        %get3A_675 = arith.index_cast %add3A_674 : i32 to index
        %get3A_676 = tpu.vector_load %arg7[%get3A_675] {strides = array<i32>} : memref<12800xf32, #tpu.memory_space<vmem>>, vector<16xf32>,
        %mul3A_677 = arith.constant 128 : i32
        %mul3A_678 = arith.muli %scan3A_639, %mul3A_677 : i32
        %add3A_679 = arith.constant 96 : i32
        %add3A_680 = arith.addi %mul3A_678, %add3A_679 : i32
        %get3A_681 = arith.index_cast %add3A_680 : i32 to index
        %get3A_682 = tpu.vector_load %arg7[%get3A_681] {strides = array<i32>} : memref<12800xf32, #tpu.memory_space<vmem>>, vector<16xf32>,
        %mul3A_683 = arith.constant 128 : i32
        %mul3A_684 = arith.muli %scan3A_639, %mul3A_683 : i32
        %add3A_685 = arith.constant 112 : i32
        %add3A_686 = arith.addi %mul3A_684, %add3A_685 : i32
        %get3A_687 = arith.index_cast %add3A_686 : i32 to index
        %get3A_688 = tpu.vector_load %arg7[%get3A_687] {strides = array<i32>} : memref<12800xf32, #tpu.memory_space<vmem>>, vector<16xf32>,
        %le3A = arith.cmpf ole, %get3A_646, %get3A_464 : vector<16xf32>
        %le3A_689 = arith.cmpf ole, %get3A_652, %get3A_464 : vector<16xf32>
        %le3A_690 = arith.cmpf ole, %get3A_658, %get3A_464 : vector<16xf32>
        %le3A_691 = arith.cmpf ole, %get3A_664, %get3A_464 : vector<16xf32>
        %le3A_692 = arith.cmpf ole, %get3A_670, %get3A_464 : vector<16xf32>
        %le3A_693 = arith.cmpf ole, %get3A_676, %get3A_464 : vector<16xf32>
        %le3A_694 = arith.cmpf ole, %get3A_682, %get3A_464 : vector<16xf32>
        %le3A_695 = arith.cmpf ole, %get3A_688, %get3A_464 : vector<16xf32>
        %or3A = arith.ori %le3A, %le3A_689 : vector<16xi1>
        %or3A_696 = arith.ori %or3A, %le3A_690 : vector<16xi1>
        %or3A_697 = arith.ori %or3A_696, %le3A_691 : vector<16xi1>
        %or3A_698 = arith.ori %or3A_697, %le3A_692 : vector<16xi1>
        %or3A_699 = arith.ori %or3A_698, %le3A_693 : vector<16xi1>
        %or3A_700 = arith.ori %or3A_699, %le3A_694 : vector<16xi1>
        %or3A_701 = arith.ori %or3A_700, %le3A_695 : vector<16xi1>
        %all_reduce_population_count3A = tpu.all_reduce %or3A_701 {dim = 0 : i64, kind = #tpu.reduction_kind<sum>} : vector<16xi1> -> vector<16xi32>
        %slice3A = vector.extract_strided_slice %all_reduce_population_count3A {offsets = [0], sizes = [1], strides = [1]} : vector<16xi32> to vector<1xi32>
        %squeeze3A = vector.extract %slice3A[0] : i32 from vector<1xi32>
        %gt3A = arith.constant 0 : i32
        %gt3A_702 = arith.cmpi sgt, %squeeze3A, %gt3A : i32
        %convert_element_type3A = arith.extui %gt3A_702 : i1 to i32
        %cond3A = arith.constant 0 : i32
        %cond3A_703 = arith.cmpi ne, %convert_element_type3A, %cond3A : i32
        %cond3A_704 = scf.if %cond3A_703 -> (i32) {
          %all_reduce_population_count3A_705 = tpu.all_reduce %le3A {dim = 0 : i64, kind = #tpu.reduction_kind<sum>} : vector<16xi1> -> vector<16xi32>
          %slice3A_706 = vector.extract_strided_slice %all_reduce_population_count3A_705 {offsets = [0], sizes = [1], strides = [1]} : vector<16xi32> to vector<1xi32>
          %squeeze3A_707 = vector.extract %slice3A_706[0] : i32 from vector<1xi32>
          %iota3A = tpu.iota {dimensions = array<i32: 0>} : vector<16xi32>
          %mul3A_708 = arith.constant 128 : i32
          %mul3A_709 = arith.muli %scan3A_639, %mul3A_708 : i32
          %add3A_710 = arith.constant 51200 : i32
          %add3A_711 = arith.addi %add3A_710, %mul3A_709 : i32
          %add3A_712 = arith.constant 0 : i32
          %add3A_713 = arith.addi %add3A_711, %add3A_712 : i32
          %add3A_714 = vector.broadcast %add3A_713 : i32 to vector<16xi32>
          %add3A_715 = arith.addi %iota3A, %add3A_714 : vector<16xi32>
          %min3A = arith.constant 496 : i32
          %min3A_716 = arith.minsi %scan3A_640, %min3A : i32
          %swap3A_717 = arith.index_cast %min3A_716 : i32 to index
          %swap3A_718 = tpu.vector_load %arg9[%swap3A_717] masked %le3A {strides = array<i32>} : memref<512xf32, #tpu.memory_space<vmem>>, vector<16xf32>, vector<16xi1>
          tpu.vector_store %arg9[%swap3A_717], %get3A_646 masked %le3A {strides = array<i32>} : memref<512xf32, #tpu.memory_space<vmem>>, vector<16xf32>, vector<16xi1>
          %swap3A_719 = arith.index_cast %min3A_716 : i32 to index
          %swap3A_720 = tpu.vector_load %arg10[%swap3A_719] masked %le3A {strides = array<i32>} : memref<512xi32, #tpu.memory_space<vmem>>, vector<16xi32>, vector<16xi1>
          tpu.vector_store %arg10[%swap3A_719], %add3A_715 masked %le3A {strides = array<i32>} : memref<512xi32, #tpu.memory_space<vmem>>, vector<16xi32>, vector<16xi1>
          %add3A_721 = arith.addi %scan3A_640, %squeeze3A_707 : i32
          %all_reduce_population_count3A_722 = tpu.all_reduce %le3A_689 {dim = 0 : i64, kind = #tpu.reduction_kind<sum>} : vector<16xi1> -> vector<16xi32>
          %slice3A_723 = vector.extract_strided_slice %all_reduce_population_count3A_722 {offsets = [0], sizes = [1], strides = [1]} : vector<16xi32> to vector<1xi32>
          %squeeze3A_724 = vector.extract %slice3A_723[0] : i32 from vector<1xi32>
          %iota3A_725 = tpu.iota {dimensions = array<i32: 0>} : vector<16xi32>
          %mul3A_726 = arith.constant 128 : i32
          %mul3A_727 = arith.muli %scan3A_639, %mul3A_726 : i32
          %add3A_728 = arith.constant 51200 : i32
          %add3A_729 = arith.addi %add3A_728, %mul3A_727 : i32
          %add3A_730 = arith.constant 16 : i32
          %add3A_731 = arith.addi %add3A_729, %add3A_730 : i32
          %add3A_732 = vector.broadcast %add3A_731 : i32 to vector<16xi32>
          %add3A_733 = arith.addi %iota3A_725, %add3A_732 : vector<16xi32>
          %min3A_734 = arith.constant 496 : i32
          %min3A_735 = arith.minsi %add3A_721, %min3A_734 : i32
          %swap3A_736 = arith.index_cast %min3A_735 : i32 to index
          %swap3A_737 = tpu.vector_load %arg9[%swap3A_736] masked %le3A_689 {strides = array<i32>} : memref<512xf32, #tpu.memory_space<vmem>>, vector<16xf32>, vector<16xi1>
          tpu.vector_store %arg9[%swap3A_736], %get3A_652 masked %le3A_689 {strides = array<i32>} : memref<512xf32, #tpu.memory_space<vmem>>, vector<16xf32>, vector<16xi1>
          %swap3A_738 = arith.index_cast %min3A_735 : i32 to index
          %swap3A_739 = tpu.vector_load %arg10[%swap3A_738] masked %le3A_689 {strides = array<i32>} : memref<512xi32, #tpu.memory_space<vmem>>, vector<16xi32>, vector<16xi1>
          tpu.vector_store %arg10[%swap3A_738], %add3A_733 masked %le3A_689 {strides = array<i32>} : memref<512xi32, #tpu.memory_space<vmem>>, vector<16xi32>, vector<16xi1>
          %add3A_740 = arith.addi %add3A_721, %squeeze3A_724 : i32
          %all_reduce_population_count3A_741 = tpu.all_reduce %le3A_690 {dim = 0 : i64, kind = #tpu.reduction_kind<sum>} : vector<16xi1> -> vector<16xi32>
          %slice3A_742 = vector.extract_strided_slice %all_reduce_population_count3A_741 {offsets = [0], sizes = [1], strides = [1]} : vector<16xi32> to vector<1xi32>
          %squeeze3A_743 = vector.extract %slice3A_742[0] : i32 from vector<1xi32>
          %iota3A_744 = tpu.iota {dimensions = array<i32: 0>} : vector<16xi32>
          %mul3A_745 = arith.constant 128 : i32
          %mul3A_746 = arith.muli %scan3A_639, %mul3A_745 : i32
          %add3A_747 = arith.constant 51200 : i32
          %add3A_748 = arith.addi %add3A_747, %mul3A_746 : i32
          %add3A_749 = arith.constant 32 : i32
          %add3A_750 = arith.addi %add3A_748, %add3A_749 : i32
          %add3A_751 = vector.broadcast %add3A_750 : i32 to vector<16xi32>
          %add3A_752 = arith.addi %iota3A_744, %add3A_751 : vector<16xi32>
          %min3A_753 = arith.constant 496 : i32
          %min3A_754 = arith.minsi %add3A_740, %min3A_753 : i32
          %swap3A_755 = arith.index_cast %min3A_754 : i32 to index
          %swap3A_756 = tpu.vector_load %arg9[%swap3A_755] masked %le3A_690 {strides = array<i32>} : memref<512xf32, #tpu.memory_space<vmem>>, vector<16xf32>, vector<16xi1>
          tpu.vector_store %arg9[%swap3A_755], %get3A_658 masked %le3A_690 {strides = array<i32>} : memref<512xf32, #tpu.memory_space<vmem>>, vector<16xf32>, vector<16xi1>
          %swap3A_757 = arith.index_cast %min3A_754 : i32 to index
          %swap3A_758 = tpu.vector_load %arg10[%swap3A_757] masked %le3A_690 {strides = array<i32>} : memref<512xi32, #tpu.memory_space<vmem>>, vector<16xi32>, vector<16xi1>
          tpu.vector_store %arg10[%swap3A_757], %add3A_752 masked %le3A_690 {strides = array<i32>} : memref<512xi32, #tpu.memory_space<vmem>>, vector<16xi32>, vector<16xi1>
          %add3A_759 = arith.addi %add3A_740, %squeeze3A_743 : i32
          %all_reduce_population_count3A_760 = tpu.all_reduce %le3A_691 {dim = 0 : i64, kind = #tpu.reduction_kind<sum>} : vector<16xi1> -> vector<16xi32>
          %slice3A_761 = vector.extract_strided_slice %all_reduce_population_count3A_760 {offsets = [0], sizes = [1], strides = [1]} : vector<16xi32> to vector<1xi32>
          %squeeze3A_762 = vector.extract %slice3A_761[0] : i32 from vector<1xi32>
          %iota3A_763 = tpu.iota {dimensions = array<i32: 0>} : vector<16xi32>
          %mul3A_764 = arith.constant 128 : i32
          %mul3A_765 = arith.muli %scan3A_639, %mul3A_764 : i32
          %add3A_766 = arith.constant 51200 : i32
          %add3A_767 = arith.addi %add3A_766, %mul3A_765 : i32
          %add3A_768 = arith.constant 48 : i32
          %add3A_769 = arith.addi %add3A_767, %add3A_768 : i32
          %add3A_770 = vector.broadcast %add3A_769 : i32 to vector<16xi32>
          %add3A_771 = arith.addi %iota3A_763, %add3A_770 : vector<16xi32>
          %min3A_772 = arith.constant 496 : i32
          %min3A_773 = arith.minsi %add3A_759, %min3A_772 : i32
          %swap3A_774 = arith.index_cast %min3A_773 : i32 to index
          %swap3A_775 = tpu.vector_load %arg9[%swap3A_774] masked %le3A_691 {strides = array<i32>} : memref<512xf32, #tpu.memory_space<vmem>>, vector<16xf32>, vector<16xi1>
          tpu.vector_store %arg9[%swap3A_774], %get3A_664 masked %le3A_691 {strides = array<i32>} : memref<512xf32, #tpu.memory_space<vmem>>, vector<16xf32>, vector<16xi1>
          %swap3A_776 = arith.index_cast %min3A_773 : i32 to index
          %swap3A_777 = tpu.vector_load %arg10[%swap3A_776] masked %le3A_691 {strides = array<i32>} : memref<512xi32, #tpu.memory_space<vmem>>, vector<16xi32>, vector<16xi1>
          tpu.vector_store %arg10[%swap3A_776], %add3A_771 masked %le3A_691 {strides = array<i32>} : memref<512xi32, #tpu.memory_space<vmem>>, vector<16xi32>, vector<16xi1>
          %add3A_778 = arith.addi %add3A_759, %squeeze3A_762 : i32
          %all_reduce_population_count3A_779 = tpu.all_reduce %le3A_692 {dim = 0 : i64, kind = #tpu.reduction_kind<sum>} : vector<16xi1> -> vector<16xi32>
          %slice3A_780 = vector.extract_strided_slice %all_reduce_population_count3A_779 {offsets = [0], sizes = [1], strides = [1]} : vector<16xi32> to vector<1xi32>
          %squeeze3A_781 = vector.extract %slice3A_780[0] : i32 from vector<1xi32>
          %iota3A_782 = tpu.iota {dimensions = array<i32: 0>} : vector<16xi32>
          %mul3A_783 = arith.constant 128 : i32
          %mul3A_784 = arith.muli %scan3A_639, %mul3A_783 : i32
          %add3A_785 = arith.constant 51200 : i32
          %add3A_786 = arith.addi %add3A_785, %mul3A_784 : i32
          %add3A_787 = arith.constant 64 : i32
          %add3A_788 = arith.addi %add3A_786, %add3A_787 : i32
          %add3A_789 = vector.broadcast %add3A_788 : i32 to vector<16xi32>
          %add3A_790 = arith.addi %iota3A_782, %add3A_789 : vector<16xi32>
          %min3A_791 = arith.constant 496 : i32
          %min3A_792 = arith.minsi %add3A_778, %min3A_791 : i32
          %swap3A_793 = arith.index_cast %min3A_792 : i32 to index
          %swap3A_794 = tpu.vector_load %arg9[%swap3A_793] masked %le3A_692 {strides = array<i32>} : memref<512xf32, #tpu.memory_space<vmem>>, vector<16xf32>, vector<16xi1>
          tpu.vector_store %arg9[%swap3A_793], %get3A_670 masked %le3A_692 {strides = array<i32>} : memref<512xf32, #tpu.memory_space<vmem>>, vector<16xf32>, vector<16xi1>
          %swap3A_795 = arith.index_cast %min3A_792 : i32 to index
          %swap3A_796 = tpu.vector_load %arg10[%swap3A_795] masked %le3A_692 {strides = array<i32>} : memref<512xi32, #tpu.memory_space<vmem>>, vector<16xi32>, vector<16xi1>
          tpu.vector_store %arg10[%swap3A_795], %add3A_790 masked %le3A_692 {strides = array<i32>} : memref<512xi32, #tpu.memory_space<vmem>>, vector<16xi32>, vector<16xi1>
          %add3A_797 = arith.addi %add3A_778, %squeeze3A_781 : i32
          %all_reduce_population_count3A_798 = tpu.all_reduce %le3A_693 {dim = 0 : i64, kind = #tpu.reduction_kind<sum>} : vector<16xi1> -> vector<16xi32>
          %slice3A_799 = vector.extract_strided_slice %all_reduce_population_count3A_798 {offsets = [0], sizes = [1], strides = [1]} : vector<16xi32> to vector<1xi32>
          %squeeze3A_800 = vector.extract %slice3A_799[0] : i32 from vector<1xi32>
          %iota3A_801 = tpu.iota {dimensions = array<i32: 0>} : vector<16xi32>
          %mul3A_802 = arith.constant 128 : i32
          %mul3A_803 = arith.muli %scan3A_639, %mul3A_802 : i32
          %add3A_804 = arith.constant 51200 : i32
          %add3A_805 = arith.addi %add3A_804, %mul3A_803 : i32
          %add3A_806 = arith.constant 80 : i32
          %add3A_807 = arith.addi %add3A_805, %add3A_806 : i32
          %add3A_808 = vector.broadcast %add3A_807 : i32 to vector<16xi32>
          %add3A_809 = arith.addi %iota3A_801, %add3A_808 : vector<16xi32>
          %min3A_810 = arith.constant 496 : i32
          %min3A_811 = arith.minsi %add3A_797, %min3A_810 : i32
          %swap3A_812 = arith.index_cast %min3A_811 : i32 to index
          %swap3A_813 = tpu.vector_load %arg9[%swap3A_812] masked %le3A_693 {strides = array<i32>} : memref<512xf32, #tpu.memory_space<vmem>>, vector<16xf32>, vector<16xi1>
          tpu.vector_store %arg9[%swap3A_812], %get3A_676 masked %le3A_693 {strides = array<i32>} : memref<512xf32, #tpu.memory_space<vmem>>, vector<16xf32>, vector<16xi1>
          %swap3A_814 = arith.index_cast %min3A_811 : i32 to index
          %swap3A_815 = tpu.vector_load %arg10[%swap3A_814] masked %le3A_693 {strides = array<i32>} : memref<512xi32, #tpu.memory_space<vmem>>, vector<16xi32>, vector<16xi1>
          tpu.vector_store %arg10[%swap3A_814], %add3A_809 masked %le3A_693 {strides = array<i32>} : memref<512xi32, #tpu.memory_space<vmem>>, vector<16xi32>, vector<16xi1>
          %add3A_816 = arith.addi %add3A_797, %squeeze3A_800 : i32
          %all_reduce_population_count3A_817 = tpu.all_reduce %le3A_694 {dim = 0 : i64, kind = #tpu.reduction_kind<sum>} : vector<16xi1> -> vector<16xi32>
          %slice3A_818 = vector.extract_strided_slice %all_reduce_population_count3A_817 {offsets = [0], sizes = [1], strides = [1]} : vector<16xi32> to vector<1xi32>
          %squeeze3A_819 = vector.extract %slice3A_818[0] : i32 from vector<1xi32>
          %iota3A_820 = tpu.iota {dimensions = array<i32: 0>} : vector<16xi32>
          %mul3A_821 = arith.constant 128 : i32
          %mul3A_822 = arith.muli %scan3A_639, %mul3A_821 : i32
          %add3A_823 = arith.constant 51200 : i32
          %add3A_824 = arith.addi %add3A_823, %mul3A_822 : i32
          %add3A_825 = arith.constant 96 : i32
          %add3A_826 = arith.addi %add3A_824, %add3A_825 : i32
          %add3A_827 = vector.broadcast %add3A_826 : i32 to vector<16xi32>
          %add3A_828 = arith.addi %iota3A_820, %add3A_827 : vector<16xi32>
          %min3A_829 = arith.constant 496 : i32
          %min3A_830 = arith.minsi %add3A_816, %min3A_829 : i32
          %swap3A_831 = arith.index_cast %min3A_830 : i32 to index
          %swap3A_832 = tpu.vector_load %arg9[%swap3A_831] masked %le3A_694 {strides = array<i32>} : memref<512xf32, #tpu.memory_space<vmem>>, vector<16xf32>, vector<16xi1>
          tpu.vector_store %arg9[%swap3A_831], %get3A_682 masked %le3A_694 {strides = array<i32>} : memref<512xf32, #tpu.memory_space<vmem>>, vector<16xf32>, vector<16xi1>
          %swap3A_833 = arith.index_cast %min3A_830 : i32 to index
          %swap3A_834 = tpu.vector_load %arg10[%swap3A_833] masked %le3A_694 {strides = array<i32>} : memref<512xi32, #tpu.memory_space<vmem>>, vector<16xi32>, vector<16xi1>
          tpu.vector_store %arg10[%swap3A_833], %add3A_828 masked %le3A_694 {strides = array<i32>} : memref<512xi32, #tpu.memory_space<vmem>>, vector<16xi32>, vector<16xi1>
          %add3A_835 = arith.addi %add3A_816, %squeeze3A_819 : i32
          %all_reduce_population_count3A_836 = tpu.all_reduce %le3A_695 {dim = 0 : i64, kind = #tpu.reduction_kind<sum>} : vector<16xi1> -> vector<16xi32>
          %slice3A_837 = vector.extract_strided_slice %all_reduce_population_count3A_836 {offsets = [0], sizes = [1], strides = [1]} : vector<16xi32> to vector<1xi32>
          %squeeze3A_838 = vector.extract %slice3A_837[0] : i32 from vector<1xi32>
          %iota3A_839 = tpu.iota {dimensions = array<i32: 0>} : vector<16xi32>
          %mul3A_840 = arith.constant 128 : i32
          %mul3A_841 = arith.muli %scan3A_639, %mul3A_840 : i32
          %add3A_842 = arith.constant 51200 : i32
          %add3A_843 = arith.addi %add3A_842, %mul3A_841 : i32
          %add3A_844 = arith.constant 112 : i32
          %add3A_845 = arith.addi %add3A_843, %add3A_844 : i32
          %add3A_846 = vector.broadcast %add3A_845 : i32 to vector<16xi32>
          %add3A_847 = arith.addi %iota3A_839, %add3A_846 : vector<16xi32>
          %min3A_848 = arith.constant 496 : i32
          %min3A_849 = arith.minsi %add3A_835, %min3A_848 : i32
          %swap3A_850 = arith.index_cast %min3A_849 : i32 to index
          %swap3A_851 = tpu.vector_load %arg9[%swap3A_850] masked %le3A_695 {strides = array<i32>} : memref<512xf32, #tpu.memory_space<vmem>>, vector<16xf32>, vector<16xi1>
          tpu.vector_store %arg9[%swap3A_850], %get3A_688 masked %le3A_695 {strides = array<i32>} : memref<512xf32, #tpu.memory_space<vmem>>, vector<16xf32>, vector<16xi1>
          %swap3A_852 = arith.index_cast %min3A_849 : i32 to index
          %swap3A_853 = tpu.vector_load %arg10[%swap3A_852] masked %le3A_695 {strides = array<i32>} : memref<512xi32, #tpu.memory_space<vmem>>, vector<16xi32>, vector<16xi1>
          tpu.vector_store %arg10[%swap3A_852], %add3A_847 masked %le3A_695 {strides = array<i32>} : memref<512xi32, #tpu.memory_space<vmem>>, vector<16xi32>, vector<16xi1>
          %add3A_854 = arith.addi %add3A_835, %squeeze3A_838 : i32
          scf.yield %add3A_854 : i32
        } else {
          scf.yield %scan3A_640 : i32
        }
        scf.yield %cond3A_704 : i32
      }
      %scan3A_581 = arith.constant 100 : i32
      %dma_wait3A_582 = arith.constant 0 : i32
      %dma_wait3A_583 = tpu.memref_slice %arg2[%add3A_569, %dma_wait3A_582] : memref<8192x12800xf32, #tpu.memory_space<hbm>> -> memref<1x12800xf32, #tpu.memory_space<hbm>>
      %dma_wait3A_584 = tpu.memref_squeeze %dma_wait3A_583 : memref<1x12800xf32, #tpu.memory_space<hbm>> -> memref<12800xf32, #tpu.memory_space<hbm>>
      %dma_wait3A_585 = arith.constant 0 : i32
      %dma_wait3A_586 = tpu.memref_slice %arg2[%add3A_569, %dma_wait3A_585] : memref<8192x12800xf32, #tpu.memory_space<hbm>> -> memref<1x12800xf32, #tpu.memory_space<hbm>>
      %dma_wait3A_587 = tpu.memref_squeeze %dma_wait3A_586 : memref<1x12800xf32, #tpu.memory_space<hbm>> -> memref<12800xf32, #tpu.memory_space<hbm>>
      tpu.wait_dma2 semaphore(%arg12 : memref<!tpu.dma_semaphore, #tpu.memory_space<semaphore_mem>>) src(%dma_wait3A_587 : memref<12800xf32, #tpu.memory_space<hbm>>) dst(%arg8 : memref<12800xf32, #tpu.memory_space<vmem>>)
      %mul3A_588 = arith.constant 8 : i32
      %mul3A_589 = arith.muli %add3A_13, %mul3A_588 : i32
      %add3A_590 = arith.constant 6 : i32
      %add3A_591 = arith.addi %mul3A_589, %add3A_590 : i32
      %dma_start3A_592 = arith.constant 0 : i32
      %dma_start3A_593 = tpu.memref_slice %arg2[%add3A_591, %dma_start3A_592] : memref<8192x12800xf32, #tpu.memory_space<hbm>> -> memref<1x12800xf32, #tpu.memory_space<hbm>>
      %dma_start3A_594 = tpu.memref_squeeze %dma_start3A_593 : memref<1x12800xf32, #tpu.memory_space<hbm>> -> memref<12800xf32, #tpu.memory_space<hbm>>
      %dma_start3A_595 = arith.constant 0 : i32
      %dma_start3A_596 = tpu.memref_slice %arg2[%add3A_591, %dma_start3A_595] : memref<8192x12800xf32, #tpu.memory_space<hbm>> -> memref<1x12800xf32, #tpu.memory_space<hbm>>
      %dma_start3A_597 = tpu.memref_squeeze %dma_start3A_596 : memref<1x12800xf32, #tpu.memory_space<hbm>> -> memref<12800xf32, #tpu.memory_space<hbm>>
      tpu.enqueue_dma source(%dma_start3A_597 : memref<12800xf32, #tpu.memory_space<hbm>>) target(%arg7 : memref<12800xf32, #tpu.memory_space<vmem>>) target_semaphore(%arg11 : memref<!tpu.dma_semaphore, #tpu.memory_space<semaphore_mem>>)
      %scan3A_598 = arith.constant 0 : i32
      %scan3A_599 = arith.constant 100 : i32
      %scan3A_600 = arith.addi %scan3A_598, %scan3A_599 : i32
      %scan3A_601 = arith.constant 1 : i32
      %scan3A_602 = scf.for %scan3A_639 = %scan3A_598 to %scan3A_600 step %scan3A_601 iter_args(%scan3A_640 = %scan3A_580) -> (i32)  : i32 {
        %mul3A_641 = arith.constant 128 : i32
        %mul3A_642 = arith.muli %scan3A_639, %mul3A_641 : i32
        %add3A_643 = arith.constant 0 : i32
        %add3A_644 = arith.addi %mul3A_642, %add3A_643 : i32
        %get3A_645 = arith.index_cast %add3A_644 : i32 to index
        %get3A_646 = tpu.vector_load %arg8[%get3A_645] {strides = array<i32>} : memref<12800xf32, #tpu.memory_space<vmem>>, vector<16xf32>,
        %mul3A_647 = arith.constant 128 : i32
        %mul3A_648 = arith.muli %scan3A_639, %mul3A_647 : i32
        %add3A_649 = arith.constant 16 : i32
        %add3A_650 = arith.addi %mul3A_648, %add3A_649 : i32
        %get3A_651 = arith.index_cast %add3A_650 : i32 to index
        %get3A_652 = tpu.vector_load %arg8[%get3A_651] {strides = array<i32>} : memref<12800xf32, #tpu.memory_space<vmem>>, vector<16xf32>,
        %mul3A_653 = arith.constant 128 : i32
        %mul3A_654 = arith.muli %scan3A_639, %mul3A_653 : i32
        %add3A_655 = arith.constant 32 : i32
        %add3A_656 = arith.addi %mul3A_654, %add3A_655 : i32
        %get3A_657 = arith.index_cast %add3A_656 : i32 to index
        %get3A_658 = tpu.vector_load %arg8[%get3A_657] {strides = array<i32>} : memref<12800xf32, #tpu.memory_space<vmem>>, vector<16xf32>,
        %mul3A_659 = arith.constant 128 : i32
        %mul3A_660 = arith.muli %scan3A_639, %mul3A_659 : i32
        %add3A_661 = arith.constant 48 : i32
        %add3A_662 = arith.addi %mul3A_660, %add3A_661 : i32
        %get3A_663 = arith.index_cast %add3A_662 : i32 to index
        %get3A_664 = tpu.vector_load %arg8[%get3A_663] {strides = array<i32>} : memref<12800xf32, #tpu.memory_space<vmem>>, vector<16xf32>,
        %mul3A_665 = arith.constant 128 : i32
        %mul3A_666 = arith.muli %scan3A_639, %mul3A_665 : i32
        %add3A_667 = arith.constant 64 : i32
        %add3A_668 = arith.addi %mul3A_666, %add3A_667 : i32
        %get3A_669 = arith.index_cast %add3A_668 : i32 to index
        %get3A_670 = tpu.vector_load %arg8[%get3A_669] {strides = array<i32>} : memref<12800xf32, #tpu.memory_space<vmem>>, vector<16xf32>,
        %mul3A_671 = arith.constant 128 : i32
        %mul3A_672 = arith.muli %scan3A_639, %mul3A_671 : i32
        %add3A_673 = arith.constant 80 : i32
        %add3A_674 = arith.addi %mul3A_672, %add3A_673 : i32
        %get3A_675 = arith.index_cast %add3A_674 : i32 to index
        %get3A_676 = tpu.vector_load %arg8[%get3A_675] {strides = array<i32>} : memref<12800xf32, #tpu.memory_space<vmem>>, vector<16xf32>,
        %mul3A_677 = arith.constant 128 : i32
        %mul3A_678 = arith.muli %scan3A_639, %mul3A_677 : i32
        %add3A_679 = arith.constant 96 : i32
        %add3A_680 = arith.addi %mul3A_678, %add3A_679 : i32
        %get3A_681 = arith.index_cast %add3A_680 : i32 to index
        %get3A_682 = tpu.vector_load %arg8[%get3A_681] {strides = array<i32>} : memref<12800xf32, #tpu.memory_space<vmem>>, vector<16xf32>,
        %mul3A_683 = arith.constant 128 : i32
        %mul3A_684 = arith.muli %scan3A_639, %mul3A_683 : i32
        %add3A_685 = arith.constant 112 : i32
        %add3A_686 = arith.addi %mul3A_684, %add3A_685 : i32
        %get3A_687 = arith.index_cast %add3A_686 : i32 to index
        %get3A_688 = tpu.vector_load %arg8[%get3A_687] {strides = array<i32>} : memref<12800xf32, #tpu.memory_space<vmem>>, vector<16xf32>,
        %le3A = arith.cmpf ole, %get3A_646, %get3A_464 : vector<16xf32>
        %le3A_689 = arith.cmpf ole, %get3A_652, %get3A_464 : vector<16xf32>
        %le3A_690 = arith.cmpf ole, %get3A_658, %get3A_464 : vector<16xf32>
        %le3A_691 = arith.cmpf ole, %get3A_664, %get3A_464 : vector<16xf32>
        %le3A_692 = arith.cmpf ole, %get3A_670, %get3A_464 : vector<16xf32>
        %le3A_693 = arith.cmpf ole, %get3A_676, %get3A_464 : vector<16xf32>
        %le3A_694 = arith.cmpf ole, %get3A_682, %get3A_464 : vector<16xf32>
        %le3A_695 = arith.cmpf ole, %get3A_688, %get3A_464 : vector<16xf32>
        %or3A = arith.ori %le3A, %le3A_689 : vector<16xi1>
        %or3A_696 = arith.ori %or3A, %le3A_690 : vector<16xi1>
        %or3A_697 = arith.ori %or3A_696, %le3A_691 : vector<16xi1>
        %or3A_698 = arith.ori %or3A_697, %le3A_692 : vector<16xi1>
        %or3A_699 = arith.ori %or3A_698, %le3A_693 : vector<16xi1>
        %or3A_700 = arith.ori %or3A_699, %le3A_694 : vector<16xi1>
        %or3A_701 = arith.ori %or3A_700, %le3A_695 : vector<16xi1>
        %all_reduce_population_count3A = tpu.all_reduce %or3A_701 {dim = 0 : i64, kind = #tpu.reduction_kind<sum>} : vector<16xi1> -> vector<16xi32>
        %slice3A = vector.extract_strided_slice %all_reduce_population_count3A {offsets = [0], sizes = [1], strides = [1]} : vector<16xi32> to vector<1xi32>
        %squeeze3A = vector.extract %slice3A[0] : i32 from vector<1xi32>
        %gt3A = arith.constant 0 : i32
        %gt3A_702 = arith.cmpi sgt, %squeeze3A, %gt3A : i32
        %convert_element_type3A = arith.extui %gt3A_702 : i1 to i32
        %cond3A = arith.constant 0 : i32
        %cond3A_703 = arith.cmpi ne, %convert_element_type3A, %cond3A : i32
        %cond3A_704 = scf.if %cond3A_703 -> (i32) {
          %all_reduce_population_count3A_705 = tpu.all_reduce %le3A {dim = 0 : i64, kind = #tpu.reduction_kind<sum>} : vector<16xi1> -> vector<16xi32>
          %slice3A_706 = vector.extract_strided_slice %all_reduce_population_count3A_705 {offsets = [0], sizes = [1], strides = [1]} : vector<16xi32> to vector<1xi32>
          %squeeze3A_707 = vector.extract %slice3A_706[0] : i32 from vector<1xi32>
          %iota3A = tpu.iota {dimensions = array<i32: 0>} : vector<16xi32>
          %mul3A_708 = arith.constant 128 : i32
          %mul3A_709 = arith.muli %scan3A_639, %mul3A_708 : i32
          %add3A_710 = arith.constant 64000 : i32
          %add3A_711 = arith.addi %add3A_710, %mul3A_709 : i32
          %add3A_712 = arith.constant 0 : i32
          %add3A_713 = arith.addi %add3A_711, %add3A_712 : i32
          %add3A_714 = vector.broadcast %add3A_713 : i32 to vector<16xi32>
          %add3A_715 = arith.addi %iota3A, %add3A_714 : vector<16xi32>
          %min3A = arith.constant 496 : i32
          %min3A_716 = arith.minsi %scan3A_640, %min3A : i32
          %swap3A_717 = arith.index_cast %min3A_716 : i32 to index
          %swap3A_718 = tpu.vector_load %arg9[%swap3A_717] masked %le3A {strides = array<i32>} : memref<512xf32, #tpu.memory_space<vmem>>, vector<16xf32>, vector<16xi1>
          tpu.vector_store %arg9[%swap3A_717], %get3A_646 masked %le3A {strides = array<i32>} : memref<512xf32, #tpu.memory_space<vmem>>, vector<16xf32>, vector<16xi1>
          %swap3A_719 = arith.index_cast %min3A_716 : i32 to index
          %swap3A_720 = tpu.vector_load %arg10[%swap3A_719] masked %le3A {strides = array<i32>} : memref<512xi32, #tpu.memory_space<vmem>>, vector<16xi32>, vector<16xi1>
          tpu.vector_store %arg10[%swap3A_719], %add3A_715 masked %le3A {strides = array<i32>} : memref<512xi32, #tpu.memory_space<vmem>>, vector<16xi32>, vector<16xi1>
          %add3A_721 = arith.addi %scan3A_640, %squeeze3A_707 : i32
          %all_reduce_population_count3A_722 = tpu.all_reduce %le3A_689 {dim = 0 : i64, kind = #tpu.reduction_kind<sum>} : vector<16xi1> -> vector<16xi32>
          %slice3A_723 = vector.extract_strided_slice %all_reduce_population_count3A_722 {offsets = [0], sizes = [1], strides = [1]} : vector<16xi32> to vector<1xi32>
          %squeeze3A_724 = vector.extract %slice3A_723[0] : i32 from vector<1xi32>
          %iota3A_725 = tpu.iota {dimensions = array<i32: 0>} : vector<16xi32>
          %mul3A_726 = arith.constant 128 : i32
          %mul3A_727 = arith.muli %scan3A_639, %mul3A_726 : i32
          %add3A_728 = arith.constant 64000 : i32
          %add3A_729 = arith.addi %add3A_728, %mul3A_727 : i32
          %add3A_730 = arith.constant 16 : i32
          %add3A_731 = arith.addi %add3A_729, %add3A_730 : i32
          %add3A_732 = vector.broadcast %add3A_731 : i32 to vector<16xi32>
          %add3A_733 = arith.addi %iota3A_725, %add3A_732 : vector<16xi32>
          %min3A_734 = arith.constant 496 : i32
          %min3A_735 = arith.minsi %add3A_721, %min3A_734 : i32
          %swap3A_736 = arith.index_cast %min3A_735 : i32 to index
          %swap3A_737 = tpu.vector_load %arg9[%swap3A_736] masked %le3A_689 {strides = array<i32>} : memref<512xf32, #tpu.memory_space<vmem>>, vector<16xf32>, vector<16xi1>
          tpu.vector_store %arg9[%swap3A_736], %get3A_652 masked %le3A_689 {strides = array<i32>} : memref<512xf32, #tpu.memory_space<vmem>>, vector<16xf32>, vector<16xi1>
          %swap3A_738 = arith.index_cast %min3A_735 : i32 to index
          %swap3A_739 = tpu.vector_load %arg10[%swap3A_738] masked %le3A_689 {strides = array<i32>} : memref<512xi32, #tpu.memory_space<vmem>>, vector<16xi32>, vector<16xi1>
          tpu.vector_store %arg10[%swap3A_738], %add3A_733 masked %le3A_689 {strides = array<i32>} : memref<512xi32, #tpu.memory_space<vmem>>, vector<16xi32>, vector<16xi1>
          %add3A_740 = arith.addi %add3A_721, %squeeze3A_724 : i32
          %all_reduce_population_count3A_741 = tpu.all_reduce %le3A_690 {dim = 0 : i64, kind = #tpu.reduction_kind<sum>} : vector<16xi1> -> vector<16xi32>
          %slice3A_742 = vector.extract_strided_slice %all_reduce_population_count3A_741 {offsets = [0], sizes = [1], strides = [1]} : vector<16xi32> to vector<1xi32>
          %squeeze3A_743 = vector.extract %slice3A_742[0] : i32 from vector<1xi32>
          %iota3A_744 = tpu.iota {dimensions = array<i32: 0>} : vector<16xi32>
          %mul3A_745 = arith.constant 128 : i32
          %mul3A_746 = arith.muli %scan3A_639, %mul3A_745 : i32
          %add3A_747 = arith.constant 64000 : i32
          %add3A_748 = arith.addi %add3A_747, %mul3A_746 : i32
          %add3A_749 = arith.constant 32 : i32
          %add3A_750 = arith.addi %add3A_748, %add3A_749 : i32
          %add3A_751 = vector.broadcast %add3A_750 : i32 to vector<16xi32>
          %add3A_752 = arith.addi %iota3A_744, %add3A_751 : vector<16xi32>
          %min3A_753 = arith.constant 496 : i32
          %min3A_754 = arith.minsi %add3A_740, %min3A_753 : i32
          %swap3A_755 = arith.index_cast %min3A_754 : i32 to index
          %swap3A_756 = tpu.vector_load %arg9[%swap3A_755] masked %le3A_690 {strides = array<i32>} : memref<512xf32, #tpu.memory_space<vmem>>, vector<16xf32>, vector<16xi1>
          tpu.vector_store %arg9[%swap3A_755], %get3A_658 masked %le3A_690 {strides = array<i32>} : memref<512xf32, #tpu.memory_space<vmem>>, vector<16xf32>, vector<16xi1>
          %swap3A_757 = arith.index_cast %min3A_754 : i32 to index
          %swap3A_758 = tpu.vector_load %arg10[%swap3A_757] masked %le3A_690 {strides = array<i32>} : memref<512xi32, #tpu.memory_space<vmem>>, vector<16xi32>, vector<16xi1>
          tpu.vector_store %arg10[%swap3A_757], %add3A_752 masked %le3A_690 {strides = array<i32>} : memref<512xi32, #tpu.memory_space<vmem>>, vector<16xi32>, vector<16xi1>
          %add3A_759 = arith.addi %add3A_740, %squeeze3A_743 : i32
          %all_reduce_population_count3A_760 = tpu.all_reduce %le3A_691 {dim = 0 : i64, kind = #tpu.reduction_kind<sum>} : vector<16xi1> -> vector<16xi32>
          %slice3A_761 = vector.extract_strided_slice %all_reduce_population_count3A_760 {offsets = [0], sizes = [1], strides = [1]} : vector<16xi32> to vector<1xi32>
          %squeeze3A_762 = vector.extract %slice3A_761[0] : i32 from vector<1xi32>
          %iota3A_763 = tpu.iota {dimensions = array<i32: 0>} : vector<16xi32>
          %mul3A_764 = arith.constant 128 : i32
          %mul3A_765 = arith.muli %scan3A_639, %mul3A_764 : i32
          %add3A_766 = arith.constant 64000 : i32
          %add3A_767 = arith.addi %add3A_766, %mul3A_765 : i32
          %add3A_768 = arith.constant 48 : i32
          %add3A_769 = arith.addi %add3A_767, %add3A_768 : i32
          %add3A_770 = vector.broadcast %add3A_769 : i32 to vector<16xi32>
          %add3A_771 = arith.addi %iota3A_763, %add3A_770 : vector<16xi32>
          %min3A_772 = arith.constant 496 : i32
          %min3A_773 = arith.minsi %add3A_759, %min3A_772 : i32
          %swap3A_774 = arith.index_cast %min3A_773 : i32 to index
          %swap3A_775 = tpu.vector_load %arg9[%swap3A_774] masked %le3A_691 {strides = array<i32>} : memref<512xf32, #tpu.memory_space<vmem>>, vector<16xf32>, vector<16xi1>
          tpu.vector_store %arg9[%swap3A_774], %get3A_664 masked %le3A_691 {strides = array<i32>} : memref<512xf32, #tpu.memory_space<vmem>>, vector<16xf32>, vector<16xi1>
          %swap3A_776 = arith.index_cast %min3A_773 : i32 to index
          %swap3A_777 = tpu.vector_load %arg10[%swap3A_776] masked %le3A_691 {strides = array<i32>} : memref<512xi32, #tpu.memory_space<vmem>>, vector<16xi32>, vector<16xi1>
          tpu.vector_store %arg10[%swap3A_776], %add3A_771 masked %le3A_691 {strides = array<i32>} : memref<512xi32, #tpu.memory_space<vmem>>, vector<16xi32>, vector<16xi1>
          %add3A_778 = arith.addi %add3A_759, %squeeze3A_762 : i32
          %all_reduce_population_count3A_779 = tpu.all_reduce %le3A_692 {dim = 0 : i64, kind = #tpu.reduction_kind<sum>} : vector<16xi1> -> vector<16xi32>
          %slice3A_780 = vector.extract_strided_slice %all_reduce_population_count3A_779 {offsets = [0], sizes = [1], strides = [1]} : vector<16xi32> to vector<1xi32>
          %squeeze3A_781 = vector.extract %slice3A_780[0] : i32 from vector<1xi32>
          %iota3A_782 = tpu.iota {dimensions = array<i32: 0>} : vector<16xi32>
          %mul3A_783 = arith.constant 128 : i32
          %mul3A_784 = arith.muli %scan3A_639, %mul3A_783 : i32
          %add3A_785 = arith.constant 64000 : i32
          %add3A_786 = arith.addi %add3A_785, %mul3A_784 : i32
          %add3A_787 = arith.constant 64 : i32
          %add3A_788 = arith.addi %add3A_786, %add3A_787 : i32
          %add3A_789 = vector.broadcast %add3A_788 : i32 to vector<16xi32>
          %add3A_790 = arith.addi %iota3A_782, %add3A_789 : vector<16xi32>
          %min3A_791 = arith.constant 496 : i32
          %min3A_792 = arith.minsi %add3A_778, %min3A_791 : i32
          %swap3A_793 = arith.index_cast %min3A_792 : i32 to index
          %swap3A_794 = tpu.vector_load %arg9[%swap3A_793] masked %le3A_692 {strides = array<i32>} : memref<512xf32, #tpu.memory_space<vmem>>, vector<16xf32>, vector<16xi1>
          tpu.vector_store %arg9[%swap3A_793], %get3A_670 masked %le3A_692 {strides = array<i32>} : memref<512xf32, #tpu.memory_space<vmem>>, vector<16xf32>, vector<16xi1>
          %swap3A_795 = arith.index_cast %min3A_792 : i32 to index
          %swap3A_796 = tpu.vector_load %arg10[%swap3A_795] masked %le3A_692 {strides = array<i32>} : memref<512xi32, #tpu.memory_space<vmem>>, vector<16xi32>, vector<16xi1>
          tpu.vector_store %arg10[%swap3A_795], %add3A_790 masked %le3A_692 {strides = array<i32>} : memref<512xi32, #tpu.memory_space<vmem>>, vector<16xi32>, vector<16xi1>
          %add3A_797 = arith.addi %add3A_778, %squeeze3A_781 : i32
          %all_reduce_population_count3A_798 = tpu.all_reduce %le3A_693 {dim = 0 : i64, kind = #tpu.reduction_kind<sum>} : vector<16xi1> -> vector<16xi32>
          %slice3A_799 = vector.extract_strided_slice %all_reduce_population_count3A_798 {offsets = [0], sizes = [1], strides = [1]} : vector<16xi32> to vector<1xi32>
          %squeeze3A_800 = vector.extract %slice3A_799[0] : i32 from vector<1xi32>
          %iota3A_801 = tpu.iota {dimensions = array<i32: 0>} : vector<16xi32>
          %mul3A_802 = arith.constant 128 : i32
          %mul3A_803 = arith.muli %scan3A_639, %mul3A_802 : i32
          %add3A_804 = arith.constant 64000 : i32
          %add3A_805 = arith.addi %add3A_804, %mul3A_803 : i32
          %add3A_806 = arith.constant 80 : i32
          %add3A_807 = arith.addi %add3A_805, %add3A_806 : i32
          %add3A_808 = vector.broadcast %add3A_807 : i32 to vector<16xi32>
          %add3A_809 = arith.addi %iota3A_801, %add3A_808 : vector<16xi32>
          %min3A_810 = arith.constant 496 : i32
          %min3A_811 = arith.minsi %add3A_797, %min3A_810 : i32
          %swap3A_812 = arith.index_cast %min3A_811 : i32 to index
          %swap3A_813 = tpu.vector_load %arg9[%swap3A_812] masked %le3A_693 {strides = array<i32>} : memref<512xf32, #tpu.memory_space<vmem>>, vector<16xf32>, vector<16xi1>
          tpu.vector_store %arg9[%swap3A_812], %get3A_676 masked %le3A_693 {strides = array<i32>} : memref<512xf32, #tpu.memory_space<vmem>>, vector<16xf32>, vector<16xi1>
          %swap3A_814 = arith.index_cast %min3A_811 : i32 to index
          %swap3A_815 = tpu.vector_load %arg10[%swap3A_814] masked %le3A_693 {strides = array<i32>} : memref<512xi32, #tpu.memory_space<vmem>>, vector<16xi32>, vector<16xi1>
          tpu.vector_store %arg10[%swap3A_814], %add3A_809 masked %le3A_693 {strides = array<i32>} : memref<512xi32, #tpu.memory_space<vmem>>, vector<16xi32>, vector<16xi1>
          %add3A_816 = arith.addi %add3A_797, %squeeze3A_800 : i32
          %all_reduce_population_count3A_817 = tpu.all_reduce %le3A_694 {dim = 0 : i64, kind = #tpu.reduction_kind<sum>} : vector<16xi1> -> vector<16xi32>
          %slice3A_818 = vector.extract_strided_slice %all_reduce_population_count3A_817 {offsets = [0], sizes = [1], strides = [1]} : vector<16xi32> to vector<1xi32>
          %squeeze3A_819 = vector.extract %slice3A_818[0] : i32 from vector<1xi32>
          %iota3A_820 = tpu.iota {dimensions = array<i32: 0>} : vector<16xi32>
          %mul3A_821 = arith.constant 128 : i32
          %mul3A_822 = arith.muli %scan3A_639, %mul3A_821 : i32
          %add3A_823 = arith.constant 64000 : i32
          %add3A_824 = arith.addi %add3A_823, %mul3A_822 : i32
          %add3A_825 = arith.constant 96 : i32
          %add3A_826 = arith.addi %add3A_824, %add3A_825 : i32
          %add3A_827 = vector.broadcast %add3A_826 : i32 to vector<16xi32>
          %add3A_828 = arith.addi %iota3A_820, %add3A_827 : vector<16xi32>
          %min3A_829 = arith.constant 496 : i32
          %min3A_830 = arith.minsi %add3A_816, %min3A_829 : i32
          %swap3A_831 = arith.index_cast %min3A_830 : i32 to index
          %swap3A_832 = tpu.vector_load %arg9[%swap3A_831] masked %le3A_694 {strides = array<i32>} : memref<512xf32, #tpu.memory_space<vmem>>, vector<16xf32>, vector<16xi1>
          tpu.vector_store %arg9[%swap3A_831], %get3A_682 masked %le3A_694 {strides = array<i32>} : memref<512xf32, #tpu.memory_space<vmem>>, vector<16xf32>, vector<16xi1>
          %swap3A_833 = arith.index_cast %min3A_830 : i32 to index
          %swap3A_834 = tpu.vector_load %arg10[%swap3A_833] masked %le3A_694 {strides = array<i32>} : memref<512xi32, #tpu.memory_space<vmem>>, vector<16xi32>, vector<16xi1>
          tpu.vector_store %arg10[%swap3A_833], %add3A_828 masked %le3A_694 {strides = array<i32>} : memref<512xi32, #tpu.memory_space<vmem>>, vector<16xi32>, vector<16xi1>
          %add3A_835 = arith.addi %add3A_816, %squeeze3A_819 : i32
          %all_reduce_population_count3A_836 = tpu.all_reduce %le3A_695 {dim = 0 : i64, kind = #tpu.reduction_kind<sum>} : vector<16xi1> -> vector<16xi32>
          %slice3A_837 = vector.extract_strided_slice %all_reduce_population_count3A_836 {offsets = [0], sizes = [1], strides = [1]} : vector<16xi32> to vector<1xi32>
          %squeeze3A_838 = vector.extract %slice3A_837[0] : i32 from vector<1xi32>
          %iota3A_839 = tpu.iota {dimensions = array<i32: 0>} : vector<16xi32>
          %mul3A_840 = arith.constant 128 : i32
          %mul3A_841 = arith.muli %scan3A_639, %mul3A_840 : i32
          %add3A_842 = arith.constant 64000 : i32
          %add3A_843 = arith.addi %add3A_842, %mul3A_841 : i32
          %add3A_844 = arith.constant 112 : i32
          %add3A_845 = arith.addi %add3A_843, %add3A_844 : i32
          %add3A_846 = vector.broadcast %add3A_845 : i32 to vector<16xi32>
          %add3A_847 = arith.addi %iota3A_839, %add3A_846 : vector<16xi32>
          %min3A_848 = arith.constant 496 : i32
          %min3A_849 = arith.minsi %add3A_835, %min3A_848 : i32
          %swap3A_850 = arith.index_cast %min3A_849 : i32 to index
          %swap3A_851 = tpu.vector_load %arg9[%swap3A_850] masked %le3A_695 {strides = array<i32>} : memref<512xf32, #tpu.memory_space<vmem>>, vector<16xf32>, vector<16xi1>
          tpu.vector_store %arg9[%swap3A_850], %get3A_688 masked %le3A_695 {strides = array<i32>} : memref<512xf32, #tpu.memory_space<vmem>>, vector<16xf32>, vector<16xi1>
          %swap3A_852 = arith.index_cast %min3A_849 : i32 to index
          %swap3A_853 = tpu.vector_load %arg10[%swap3A_852] masked %le3A_695 {strides = array<i32>} : memref<512xi32, #tpu.memory_space<vmem>>, vector<16xi32>, vector<16xi1>
          tpu.vector_store %arg10[%swap3A_852], %add3A_847 masked %le3A_695 {strides = array<i32>} : memref<512xi32, #tpu.memory_space<vmem>>, vector<16xi32>, vector<16xi1>
          %add3A_854 = arith.addi %add3A_835, %squeeze3A_838 : i32
          scf.yield %add3A_854 : i32
        } else {
          scf.yield %scan3A_640 : i32
        }
        scf.yield %cond3A_704 : i32
      }
      %scan3A_603 = arith.constant 100 : i32
      %dma_wait3A_604 = arith.constant 0 : i32
      %dma_wait3A_605 = tpu.memref_slice %arg2[%add3A_591, %dma_wait3A_604] : memref<8192x12800xf32, #tpu.memory_space<hbm>> -> memref<1x12800xf32, #tpu.memory_space<hbm>>
      %dma_wait3A_606 = tpu.memref_squeeze %dma_wait3A_605 : memref<1x12800xf32, #tpu.memory_space<hbm>> -> memref<12800xf32, #tpu.memory_space<hbm>>
      %dma_wait3A_607 = arith.constant 0 : i32
      %dma_wait3A_608 = tpu.memref_slice %arg2[%add3A_591, %dma_wait3A_607] : memref<8192x12800xf32, #tpu.memory_space<hbm>> -> memref<1x12800xf32, #tpu.memory_space<hbm>>
      %dma_wait3A_609 = tpu.memref_squeeze %dma_wait3A_608 : memref<1x12800xf32, #tpu.memory_space<hbm>> -> memref<12800xf32, #tpu.memory_space<hbm>>
      tpu.wait_dma2 semaphore(%arg11 : memref<!tpu.dma_semaphore, #tpu.memory_space<semaphore_mem>>) src(%dma_wait3A_609 : memref<12800xf32, #tpu.memory_space<hbm>>) dst(%arg7 : memref<12800xf32, #tpu.memory_space<vmem>>)
      %mul3A_610 = arith.constant 8 : i32
      %mul3A_611 = arith.muli %add3A_13, %mul3A_610 : i32
      %add3A_612 = arith.constant 7 : i32
      %add3A_613 = arith.addi %mul3A_611, %add3A_612 : i32
      %dma_start3A_614 = arith.constant 0 : i32
      %dma_start3A_615 = tpu.memref_slice %arg2[%add3A_613, %dma_start3A_614] : memref<8192x12800xf32, #tpu.memory_space<hbm>> -> memref<1x12800xf32, #tpu.memory_space<hbm>>
      %dma_start3A_616 = tpu.memref_squeeze %dma_start3A_615 : memref<1x12800xf32, #tpu.memory_space<hbm>> -> memref<12800xf32, #tpu.memory_space<hbm>>
      %dma_start3A_617 = arith.constant 0 : i32
      %dma_start3A_618 = tpu.memref_slice %arg2[%add3A_613, %dma_start3A_617] : memref<8192x12800xf32, #tpu.memory_space<hbm>> -> memref<1x12800xf32, #tpu.memory_space<hbm>>
      %dma_start3A_619 = tpu.memref_squeeze %dma_start3A_618 : memref<1x12800xf32, #tpu.memory_space<hbm>> -> memref<12800xf32, #tpu.memory_space<hbm>>
      tpu.enqueue_dma source(%dma_start3A_619 : memref<12800xf32, #tpu.memory_space<hbm>>) target(%arg8 : memref<12800xf32, #tpu.memory_space<vmem>>) target_semaphore(%arg12 : memref<!tpu.dma_semaphore, #tpu.memory_space<semaphore_mem>>)
      %scan3A_620 = arith.constant 0 : i32
      %scan3A_621 = arith.constant 100 : i32
      %scan3A_622 = arith.addi %scan3A_620, %scan3A_621 : i32
      %scan3A_623 = arith.constant 1 : i32
      %scan3A_624 = scf.for %scan3A_639 = %scan3A_620 to %scan3A_622 step %scan3A_623 iter_args(%scan3A_640 = %scan3A_602) -> (i32)  : i32 {
        %mul3A_641 = arith.constant 128 : i32
        %mul3A_642 = arith.muli %scan3A_639, %mul3A_641 : i32
        %add3A_643 = arith.constant 0 : i32
        %add3A_644 = arith.addi %mul3A_642, %add3A_643 : i32
        %get3A_645 = arith.index_cast %add3A_644 : i32 to index
        %get3A_646 = tpu.vector_load %arg7[%get3A_645] {strides = array<i32>} : memref<12800xf32, #tpu.memory_space<vmem>>, vector<16xf32>,
        %mul3A_647 = arith.constant 128 : i32
        %mul3A_648 = arith.muli %scan3A_639, %mul3A_647 : i32
        %add3A_649 = arith.constant 16 : i32
        %add3A_650 = arith.addi %mul3A_648, %add3A_649 : i32
        %get3A_651 = arith.index_cast %add3A_650 : i32 to index
        %get3A_652 = tpu.vector_load %arg7[%get3A_651] {strides = array<i32>} : memref<12800xf32, #tpu.memory_space<vmem>>, vector<16xf32>,
        %mul3A_653 = arith.constant 128 : i32
        %mul3A_654 = arith.muli %scan3A_639, %mul3A_653 : i32
        %add3A_655 = arith.constant 32 : i32
        %add3A_656 = arith.addi %mul3A_654, %add3A_655 : i32
        %get3A_657 = arith.index_cast %add3A_656 : i32 to index
        %get3A_658 = tpu.vector_load %arg7[%get3A_657] {strides = array<i32>} : memref<12800xf32, #tpu.memory_space<vmem>>, vector<16xf32>,
        %mul3A_659 = arith.constant 128 : i32
        %mul3A_660 = arith.muli %scan3A_639, %mul3A_659 : i32
        %add3A_661 = arith.constant 48 : i32
        %add3A_662 = arith.addi %mul3A_660, %add3A_661 : i32
        %get3A_663 = arith.index_cast %add3A_662 : i32 to index
        %get3A_664 = tpu.vector_load %arg7[%get3A_663] {strides = array<i32>} : memref<12800xf32, #tpu.memory_space<vmem>>, vector<16xf32>,
        %mul3A_665 = arith.constant 128 : i32
        %mul3A_666 = arith.muli %scan3A_639, %mul3A_665 : i32
        %add3A_667 = arith.constant 64 : i32
        %add3A_668 = arith.addi %mul3A_666, %add3A_667 : i32
        %get3A_669 = arith.index_cast %add3A_668 : i32 to index
        %get3A_670 = tpu.vector_load %arg7[%get3A_669] {strides = array<i32>} : memref<12800xf32, #tpu.memory_space<vmem>>, vector<16xf32>,
        %mul3A_671 = arith.constant 128 : i32
        %mul3A_672 = arith.muli %scan3A_639, %mul3A_671 : i32
        %add3A_673 = arith.constant 80 : i32
        %add3A_674 = arith.addi %mul3A_672, %add3A_673 : i32
        %get3A_675 = arith.index_cast %add3A_674 : i32 to index
        %get3A_676 = tpu.vector_load %arg7[%get3A_675] {strides = array<i32>} : memref<12800xf32, #tpu.memory_space<vmem>>, vector<16xf32>,
        %mul3A_677 = arith.constant 128 : i32
        %mul3A_678 = arith.muli %scan3A_639, %mul3A_677 : i32
        %add3A_679 = arith.constant 96 : i32
        %add3A_680 = arith.addi %mul3A_678, %add3A_679 : i32
        %get3A_681 = arith.index_cast %add3A_680 : i32 to index
        %get3A_682 = tpu.vector_load %arg7[%get3A_681] {strides = array<i32>} : memref<12800xf32, #tpu.memory_space<vmem>>, vector<16xf32>,
        %mul3A_683 = arith.constant 128 : i32
        %mul3A_684 = arith.muli %scan3A_639, %mul3A_683 : i32
        %add3A_685 = arith.constant 112 : i32
        %add3A_686 = arith.addi %mul3A_684, %add3A_685 : i32
        %get3A_687 = arith.index_cast %add3A_686 : i32 to index
        %get3A_688 = tpu.vector_load %arg7[%get3A_687] {strides = array<i32>} : memref<12800xf32, #tpu.memory_space<vmem>>, vector<16xf32>,
        %le3A = arith.cmpf ole, %get3A_646, %get3A_464 : vector<16xf32>
        %le3A_689 = arith.cmpf ole, %get3A_652, %get3A_464 : vector<16xf32>
        %le3A_690 = arith.cmpf ole, %get3A_658, %get3A_464 : vector<16xf32>
        %le3A_691 = arith.cmpf ole, %get3A_664, %get3A_464 : vector<16xf32>
        %le3A_692 = arith.cmpf ole, %get3A_670, %get3A_464 : vector<16xf32>
        %le3A_693 = arith.cmpf ole, %get3A_676, %get3A_464 : vector<16xf32>
        %le3A_694 = arith.cmpf ole, %get3A_682, %get3A_464 : vector<16xf32>
        %le3A_695 = arith.cmpf ole, %get3A_688, %get3A_464 : vector<16xf32>
        %or3A = arith.ori %le3A, %le3A_689 : vector<16xi1>
        %or3A_696 = arith.ori %or3A, %le3A_690 : vector<16xi1>
        %or3A_697 = arith.ori %or3A_696, %le3A_691 : vector<16xi1>
        %or3A_698 = arith.ori %or3A_697, %le3A_692 : vector<16xi1>
        %or3A_699 = arith.ori %or3A_698, %le3A_693 : vector<16xi1>
        %or3A_700 = arith.ori %or3A_699, %le3A_694 : vector<16xi1>
        %or3A_701 = arith.ori %or3A_700, %le3A_695 : vector<16xi1>
        %all_reduce_population_count3A = tpu.all_reduce %or3A_701 {dim = 0 : i64, kind = #tpu.reduction_kind<sum>} : vector<16xi1> -> vector<16xi32>
        %slice3A = vector.extract_strided_slice %all_reduce_population_count3A {offsets = [0], sizes = [1], strides = [1]} : vector<16xi32> to vector<1xi32>
        %squeeze3A = vector.extract %slice3A[0] : i32 from vector<1xi32>
        %gt3A = arith.constant 0 : i32
        %gt3A_702 = arith.cmpi sgt, %squeeze3A, %gt3A : i32
        %convert_element_type3A = arith.extui %gt3A_702 : i1 to i32
        %cond3A = arith.constant 0 : i32
        %cond3A_703 = arith.cmpi ne, %convert_element_type3A, %cond3A : i32
        %cond3A_704 = scf.if %cond3A_703 -> (i32) {
          %all_reduce_population_count3A_705 = tpu.all_reduce %le3A {dim = 0 : i64, kind = #tpu.reduction_kind<sum>} : vector<16xi1> -> vector<16xi32>
          %slice3A_706 = vector.extract_strided_slice %all_reduce_population_count3A_705 {offsets = [0], sizes = [1], strides = [1]} : vector<16xi32> to vector<1xi32>
          %squeeze3A_707 = vector.extract %slice3A_706[0] : i32 from vector<1xi32>
          %iota3A = tpu.iota {dimensions = array<i32: 0>} : vector<16xi32>
          %mul3A_708 = arith.constant 128 : i32
          %mul3A_709 = arith.muli %scan3A_639, %mul3A_708 : i32
          %add3A_710 = arith.constant 76800 : i32
          %add3A_711 = arith.addi %add3A_710, %mul3A_709 : i32
          %add3A_712 = arith.constant 0 : i32
          %add3A_713 = arith.addi %add3A_711, %add3A_712 : i32
          %add3A_714 = vector.broadcast %add3A_713 : i32 to vector<16xi32>
          %add3A_715 = arith.addi %iota3A, %add3A_714 : vector<16xi32>
          %min3A = arith.constant 496 : i32
          %min3A_716 = arith.minsi %scan3A_640, %min3A : i32
          %swap3A_717 = arith.index_cast %min3A_716 : i32 to index
          %swap3A_718 = tpu.vector_load %arg9[%swap3A_717] masked %le3A {strides = array<i32>} : memref<512xf32, #tpu.memory_space<vmem>>, vector<16xf32>, vector<16xi1>
          tpu.vector_store %arg9[%swap3A_717], %get3A_646 masked %le3A {strides = array<i32>} : memref<512xf32, #tpu.memory_space<vmem>>, vector<16xf32>, vector<16xi1>
          %swap3A_719 = arith.index_cast %min3A_716 : i32 to index
          %swap3A_720 = tpu.vector_load %arg10[%swap3A_719] masked %le3A {strides = array<i32>} : memref<512xi32, #tpu.memory_space<vmem>>, vector<16xi32>, vector<16xi1>
          tpu.vector_store %arg10[%swap3A_719], %add3A_715 masked %le3A {strides = array<i32>} : memref<512xi32, #tpu.memory_space<vmem>>, vector<16xi32>, vector<16xi1>
          %add3A_721 = arith.addi %scan3A_640, %squeeze3A_707 : i32
          %all_reduce_population_count3A_722 = tpu.all_reduce %le3A_689 {dim = 0 : i64, kind = #tpu.reduction_kind<sum>} : vector<16xi1> -> vector<16xi32>
          %slice3A_723 = vector.extract_strided_slice %all_reduce_population_count3A_722 {offsets = [0], sizes = [1], strides = [1]} : vector<16xi32> to vector<1xi32>
          %squeeze3A_724 = vector.extract %slice3A_723[0] : i32 from vector<1xi32>
          %iota3A_725 = tpu.iota {dimensions = array<i32: 0>} : vector<16xi32>
          %mul3A_726 = arith.constant 128 : i32
          %mul3A_727 = arith.muli %scan3A_639, %mul3A_726 : i32
          %add3A_728 = arith.constant 76800 : i32
          %add3A_729 = arith.addi %add3A_728, %mul3A_727 : i32
          %add3A_730 = arith.constant 16 : i32
          %add3A_731 = arith.addi %add3A_729, %add3A_730 : i32
          %add3A_732 = vector.broadcast %add3A_731 : i32 to vector<16xi32>
          %add3A_733 = arith.addi %iota3A_725, %add3A_732 : vector<16xi32>
          %min3A_734 = arith.constant 496 : i32
          %min3A_735 = arith.minsi %add3A_721, %min3A_734 : i32
          %swap3A_736 = arith.index_cast %min3A_735 : i32 to index
          %swap3A_737 = tpu.vector_load %arg9[%swap3A_736] masked %le3A_689 {strides = array<i32>} : memref<512xf32, #tpu.memory_space<vmem>>, vector<16xf32>, vector<16xi1>
          tpu.vector_store %arg9[%swap3A_736], %get3A_652 masked %le3A_689 {strides = array<i32>} : memref<512xf32, #tpu.memory_space<vmem>>, vector<16xf32>, vector<16xi1>
          %swap3A_738 = arith.index_cast %min3A_735 : i32 to index
          %swap3A_739 = tpu.vector_load %arg10[%swap3A_738] masked %le3A_689 {strides = array<i32>} : memref<512xi32, #tpu.memory_space<vmem>>, vector<16xi32>, vector<16xi1>
          tpu.vector_store %arg10[%swap3A_738], %add3A_733 masked %le3A_689 {strides = array<i32>} : memref<512xi32, #tpu.memory_space<vmem>>, vector<16xi32>, vector<16xi1>
          %add3A_740 = arith.addi %add3A_721, %squeeze3A_724 : i32
          %all_reduce_population_count3A_741 = tpu.all_reduce %le3A_690 {dim = 0 : i64, kind = #tpu.reduction_kind<sum>} : vector<16xi1> -> vector<16xi32>
          %slice3A_742 = vector.extract_strided_slice %all_reduce_population_count3A_741 {offsets = [0], sizes = [1], strides = [1]} : vector<16xi32> to vector<1xi32>
          %squeeze3A_743 = vector.extract %slice3A_742[0] : i32 from vector<1xi32>
          %iota3A_744 = tpu.iota {dimensions = array<i32: 0>} : vector<16xi32>
          %mul3A_745 = arith.constant 128 : i32
          %mul3A_746 = arith.muli %scan3A_639, %mul3A_745 : i32
          %add3A_747 = arith.constant 76800 : i32
          %add3A_748 = arith.addi %add3A_747, %mul3A_746 : i32
          %add3A_749 = arith.constant 32 : i32
          %add3A_750 = arith.addi %add3A_748, %add3A_749 : i32
          %add3A_751 = vector.broadcast %add3A_750 : i32 to vector<16xi32>
          %add3A_752 = arith.addi %iota3A_744, %add3A_751 : vector<16xi32>
          %min3A_753 = arith.constant 496 : i32
          %min3A_754 = arith.minsi %add3A_740, %min3A_753 : i32
          %swap3A_755 = arith.index_cast %min3A_754 : i32 to index
          %swap3A_756 = tpu.vector_load %arg9[%swap3A_755] masked %le3A_690 {strides = array<i32>} : memref<512xf32, #tpu.memory_space<vmem>>, vector<16xf32>, vector<16xi1>
          tpu.vector_store %arg9[%swap3A_755], %get3A_658 masked %le3A_690 {strides = array<i32>} : memref<512xf32, #tpu.memory_space<vmem>>, vector<16xf32>, vector<16xi1>
          %swap3A_757 = arith.index_cast %min3A_754 : i32 to index
          %swap3A_758 = tpu.vector_load %arg10[%swap3A_757] masked %le3A_690 {strides = array<i32>} : memref<512xi32, #tpu.memory_space<vmem>>, vector<16xi32>, vector<16xi1>
          tpu.vector_store %arg10[%swap3A_757], %add3A_752 masked %le3A_690 {strides = array<i32>} : memref<512xi32, #tpu.memory_space<vmem>>, vector<16xi32>, vector<16xi1>
          %add3A_759 = arith.addi %add3A_740, %squeeze3A_743 : i32
          %all_reduce_population_count3A_760 = tpu.all_reduce %le3A_691 {dim = 0 : i64, kind = #tpu.reduction_kind<sum>} : vector<16xi1> -> vector<16xi32>
          %slice3A_761 = vector.extract_strided_slice %all_reduce_population_count3A_760 {offsets = [0], sizes = [1], strides = [1]} : vector<16xi32> to vector<1xi32>
          %squeeze3A_762 = vector.extract %slice3A_761[0] : i32 from vector<1xi32>
          %iota3A_763 = tpu.iota {dimensions = array<i32: 0>} : vector<16xi32>
          %mul3A_764 = arith.constant 128 : i32
          %mul3A_765 = arith.muli %scan3A_639, %mul3A_764 : i32
          %add3A_766 = arith.constant 76800 : i32
          %add3A_767 = arith.addi %add3A_766, %mul3A_765 : i32
          %add3A_768 = arith.constant 48 : i32
          %add3A_769 = arith.addi %add3A_767, %add3A_768 : i32
          %add3A_770 = vector.broadcast %add3A_769 : i32 to vector<16xi32>
          %add3A_771 = arith.addi %iota3A_763, %add3A_770 : vector<16xi32>
          %min3A_772 = arith.constant 496 : i32
          %min3A_773 = arith.minsi %add3A_759, %min3A_772 : i32
          %swap3A_774 = arith.index_cast %min3A_773 : i32 to index
          %swap3A_775 = tpu.vector_load %arg9[%swap3A_774] masked %le3A_691 {strides = array<i32>} : memref<512xf32, #tpu.memory_space<vmem>>, vector<16xf32>, vector<16xi1>
          tpu.vector_store %arg9[%swap3A_774], %get3A_664 masked %le3A_691 {strides = array<i32>} : memref<512xf32, #tpu.memory_space<vmem>>, vector<16xf32>, vector<16xi1>
          %swap3A_776 = arith.index_cast %min3A_773 : i32 to index
          %swap3A_777 = tpu.vector_load %arg10[%swap3A_776] masked %le3A_691 {strides = array<i32>} : memref<512xi32, #tpu.memory_space<vmem>>, vector<16xi32>, vector<16xi1>
          tpu.vector_store %arg10[%swap3A_776], %add3A_771 masked %le3A_691 {strides = array<i32>} : memref<512xi32, #tpu.memory_space<vmem>>, vector<16xi32>, vector<16xi1>
          %add3A_778 = arith.addi %add3A_759, %squeeze3A_762 : i32
          %all_reduce_population_count3A_779 = tpu.all_reduce %le3A_692 {dim = 0 : i64, kind = #tpu.reduction_kind<sum>} : vector<16xi1> -> vector<16xi32>
          %slice3A_780 = vector.extract_strided_slice %all_reduce_population_count3A_779 {offsets = [0], sizes = [1], strides = [1]} : vector<16xi32> to vector<1xi32>
          %squeeze3A_781 = vector.extract %slice3A_780[0] : i32 from vector<1xi32>
          %iota3A_782 = tpu.iota {dimensions = array<i32: 0>} : vector<16xi32>
          %mul3A_783 = arith.constant 128 : i32
          %mul3A_784 = arith.muli %scan3A_639, %mul3A_783 : i32
          %add3A_785 = arith.constant 76800 : i32
          %add3A_786 = arith.addi %add3A_785, %mul3A_784 : i32
          %add3A_787 = arith.constant 64 : i32
          %add3A_788 = arith.addi %add3A_786, %add3A_787 : i32
          %add3A_789 = vector.broadcast %add3A_788 : i32 to vector<16xi32>
          %add3A_790 = arith.addi %iota3A_782, %add3A_789 : vector<16xi32>
          %min3A_791 = arith.constant 496 : i32
          %min3A_792 = arith.minsi %add3A_778, %min3A_791 : i32
          %swap3A_793 = arith.index_cast %min3A_792 : i32 to index
          %swap3A_794 = tpu.vector_load %arg9[%swap3A_793] masked %le3A_692 {strides = array<i32>} : memref<512xf32, #tpu.memory_space<vmem>>, vector<16xf32>, vector<16xi1>
          tpu.vector_store %arg9[%swap3A_793], %get3A_670 masked %le3A_692 {strides = array<i32>} : memref<512xf32, #tpu.memory_space<vmem>>, vector<16xf32>, vector<16xi1>
          %swap3A_795 = arith.index_cast %min3A_792 : i32 to index
          %swap3A_796 = tpu.vector_load %arg10[%swap3A_795] masked %le3A_692 {strides = array<i32>} : memref<512xi32, #tpu.memory_space<vmem>>, vector<16xi32>, vector<16xi1>
          tpu.vector_store %arg10[%swap3A_795], %add3A_790 masked %le3A_692 {strides = array<i32>} : memref<512xi32, #tpu.memory_space<vmem>>, vector<16xi32>, vector<16xi1>
          %add3A_797 = arith.addi %add3A_778, %squeeze3A_781 : i32
          %all_reduce_population_count3A_798 = tpu.all_reduce %le3A_693 {dim = 0 : i64, kind = #tpu.reduction_kind<sum>} : vector<16xi1> -> vector<16xi32>
          %slice3A_799 = vector.extract_strided_slice %all_reduce_population_count3A_798 {offsets = [0], sizes = [1], strides = [1]} : vector<16xi32> to vector<1xi32>
          %squeeze3A_800 = vector.extract %slice3A_799[0] : i32 from vector<1xi32>
          %iota3A_801 = tpu.iota {dimensions = array<i32: 0>} : vector<16xi32>
          %mul3A_802 = arith.constant 128 : i32
          %mul3A_803 = arith.muli %scan3A_639, %mul3A_802 : i32
          %add3A_804 = arith.constant 76800 : i32
          %add3A_805 = arith.addi %add3A_804, %mul3A_803 : i32
          %add3A_806 = arith.constant 80 : i32
          %add3A_807 = arith.addi %add3A_805, %add3A_806 : i32
          %add3A_808 = vector.broadcast %add3A_807 : i32 to vector<16xi32>
          %add3A_809 = arith.addi %iota3A_801, %add3A_808 : vector<16xi32>
          %min3A_810 = arith.constant 496 : i32
          %min3A_811 = arith.minsi %add3A_797, %min3A_810 : i32
          %swap3A_812 = arith.index_cast %min3A_811 : i32 to index
          %swap3A_813 = tpu.vector_load %arg9[%swap3A_812] masked %le3A_693 {strides = array<i32>} : memref<512xf32, #tpu.memory_space<vmem>>, vector<16xf32>, vector<16xi1>
          tpu.vector_store %arg9[%swap3A_812], %get3A_676 masked %le3A_693 {strides = array<i32>} : memref<512xf32, #tpu.memory_space<vmem>>, vector<16xf32>, vector<16xi1>
          %swap3A_814 = arith.index_cast %min3A_811 : i32 to index
          %swap3A_815 = tpu.vector_load %arg10[%swap3A_814] masked %le3A_693 {strides = array<i32>} : memref<512xi32, #tpu.memory_space<vmem>>, vector<16xi32>, vector<16xi1>
          tpu.vector_store %arg10[%swap3A_814], %add3A_809 masked %le3A_693 {strides = array<i32>} : memref<512xi32, #tpu.memory_space<vmem>>, vector<16xi32>, vector<16xi1>
          %add3A_816 = arith.addi %add3A_797, %squeeze3A_800 : i32
          %all_reduce_population_count3A_817 = tpu.all_reduce %le3A_694 {dim = 0 : i64, kind = #tpu.reduction_kind<sum>} : vector<16xi1> -> vector<16xi32>
          %slice3A_818 = vector.extract_strided_slice %all_reduce_population_count3A_817 {offsets = [0], sizes = [1], strides = [1]} : vector<16xi32> to vector<1xi32>
          %squeeze3A_819 = vector.extract %slice3A_818[0] : i32 from vector<1xi32>
          %iota3A_820 = tpu.iota {dimensions = array<i32: 0>} : vector<16xi32>
          %mul3A_821 = arith.constant 128 : i32
          %mul3A_822 = arith.muli %scan3A_639, %mul3A_821 : i32
          %add3A_823 = arith.constant 76800 : i32
          %add3A_824 = arith.addi %add3A_823, %mul3A_822 : i32
          %add3A_825 = arith.constant 96 : i32
          %add3A_826 = arith.addi %add3A_824, %add3A_825 : i32
          %add3A_827 = vector.broadcast %add3A_826 : i32 to vector<16xi32>
          %add3A_828 = arith.addi %iota3A_820, %add3A_827 : vector<16xi32>
          %min3A_829 = arith.constant 496 : i32
          %min3A_830 = arith.minsi %add3A_816, %min3A_829 : i32
          %swap3A_831 = arith.index_cast %min3A_830 : i32 to index
          %swap3A_832 = tpu.vector_load %arg9[%swap3A_831] masked %le3A_694 {strides = array<i32>} : memref<512xf32, #tpu.memory_space<vmem>>, vector<16xf32>, vector<16xi1>
          tpu.vector_store %arg9[%swap3A_831], %get3A_682 masked %le3A_694 {strides = array<i32>} : memref<512xf32, #tpu.memory_space<vmem>>, vector<16xf32>, vector<16xi1>
          %swap3A_833 = arith.index_cast %min3A_830 : i32 to index
          %swap3A_834 = tpu.vector_load %arg10[%swap3A_833] masked %le3A_694 {strides = array<i32>} : memref<512xi32, #tpu.memory_space<vmem>>, vector<16xi32>, vector<16xi1>
          tpu.vector_store %arg10[%swap3A_833], %add3A_828 masked %le3A_694 {strides = array<i32>} : memref<512xi32, #tpu.memory_space<vmem>>, vector<16xi32>, vector<16xi1>
          %add3A_835 = arith.addi %add3A_816, %squeeze3A_819 : i32
          %all_reduce_population_count3A_836 = tpu.all_reduce %le3A_695 {dim = 0 : i64, kind = #tpu.reduction_kind<sum>} : vector<16xi1> -> vector<16xi32>
          %slice3A_837 = vector.extract_strided_slice %all_reduce_population_count3A_836 {offsets = [0], sizes = [1], strides = [1]} : vector<16xi32> to vector<1xi32>
          %squeeze3A_838 = vector.extract %slice3A_837[0] : i32 from vector<1xi32>
          %iota3A_839 = tpu.iota {dimensions = array<i32: 0>} : vector<16xi32>
          %mul3A_840 = arith.constant 128 : i32
          %mul3A_841 = arith.muli %scan3A_639, %mul3A_840 : i32
          %add3A_842 = arith.constant 76800 : i32
          %add3A_843 = arith.addi %add3A_842, %mul3A_841 : i32
          %add3A_844 = arith.constant 112 : i32
          %add3A_845 = arith.addi %add3A_843, %add3A_844 : i32
          %add3A_846 = vector.broadcast %add3A_845 : i32 to vector<16xi32>
          %add3A_847 = arith.addi %iota3A_839, %add3A_846 : vector<16xi32>
          %min3A_848 = arith.constant 496 : i32
          %min3A_849 = arith.minsi %add3A_835, %min3A_848 : i32
          %swap3A_850 = arith.index_cast %min3A_849 : i32 to index
          %swap3A_851 = tpu.vector_load %arg9[%swap3A_850] masked %le3A_695 {strides = array<i32>} : memref<512xf32, #tpu.memory_space<vmem>>, vector<16xf32>, vector<16xi1>
          tpu.vector_store %arg9[%swap3A_850], %get3A_688 masked %le3A_695 {strides = array<i32>} : memref<512xf32, #tpu.memory_space<vmem>>, vector<16xf32>, vector<16xi1>
          %swap3A_852 = arith.index_cast %min3A_849 : i32 to index
          %swap3A_853 = tpu.vector_load %arg10[%swap3A_852] masked %le3A_695 {strides = array<i32>} : memref<512xi32, #tpu.memory_space<vmem>>, vector<16xi32>, vector<16xi1>
          tpu.vector_store %arg10[%swap3A_852], %add3A_847 masked %le3A_695 {strides = array<i32>} : memref<512xi32, #tpu.memory_space<vmem>>, vector<16xi32>, vector<16xi1>
          %add3A_854 = arith.addi %add3A_835, %squeeze3A_838 : i32
          scf.yield %add3A_854 : i32
        } else {
          scf.yield %scan3A_640 : i32
        }
        scf.yield %cond3A_704 : i32
      }
      %scan3A_625 = arith.constant 100 : i32
      %dma_wait3A_626 = arith.constant 0 : i32
      %dma_wait3A_627 = tpu.memref_slice %arg2[%add3A_613, %dma_wait3A_626] : memref<8192x12800xf32, #tpu.memory_space<hbm>> -> memref<1x12800xf32, #tpu.memory_space<hbm>>
      %dma_wait3A_628 = tpu.memref_squeeze %dma_wait3A_627 : memref<1x12800xf32, #tpu.memory_space<hbm>> -> memref<12800xf32, #tpu.memory_space<hbm>>
      %dma_wait3A_629 = arith.constant 0 : i32
      %dma_wait3A_630 = tpu.memref_slice %arg2[%add3A_613, %dma_wait3A_629] : memref<8192x12800xf32, #tpu.memory_space<hbm>> -> memref<1x12800xf32, #tpu.memory_space<hbm>>
      %dma_wait3A_631 = tpu.memref_squeeze %dma_wait3A_630 : memref<1x12800xf32, #tpu.memory_space<hbm>> -> memref<12800xf32, #tpu.memory_space<hbm>>
      tpu.wait_dma2 semaphore(%arg12 : memref<!tpu.dma_semaphore, #tpu.memory_space<semaphore_mem>>) src(%dma_wait3A_631 : memref<12800xf32, #tpu.memory_space<hbm>>) dst(%arg8 : memref<12800xf32, #tpu.memory_space<vmem>>)
      %scan3A_632 = arith.constant 0 : i32
      %scan3A_633 = arith.constant 100 : i32
      %scan3A_634 = arith.addi %scan3A_632, %scan3A_633 : i32
      %scan3A_635 = arith.constant 1 : i32
      %scan3A_636 = scf.for %scan3A_639 = %scan3A_632 to %scan3A_634 step %scan3A_635 iter_args(%scan3A_640 = %scan3A_624) -> (i32)  : i32 {
        %mul3A_641 = arith.constant 128 : i32
        %mul3A_642 = arith.muli %scan3A_639, %mul3A_641 : i32
        %add3A_643 = arith.constant 0 : i32
        %add3A_644 = arith.addi %mul3A_642, %add3A_643 : i32
        %get3A_645 = arith.index_cast %add3A_644 : i32 to index
        %get3A_646 = tpu.vector_load %arg8[%get3A_645] {strides = array<i32>} : memref<12800xf32, #tpu.memory_space<vmem>>, vector<16xf32>,
        %mul3A_647 = arith.constant 128 : i32
        %mul3A_648 = arith.muli %scan3A_639, %mul3A_647 : i32
        %add3A_649 = arith.constant 16 : i32
        %add3A_650 = arith.addi %mul3A_648, %add3A_649 : i32
        %get3A_651 = arith.index_cast %add3A_650 : i32 to index
        %get3A_652 = tpu.vector_load %arg8[%get3A_651] {strides = array<i32>} : memref<12800xf32, #tpu.memory_space<vmem>>, vector<16xf32>,
        %mul3A_653 = arith.constant 128 : i32
        %mul3A_654 = arith.muli %scan3A_639, %mul3A_653 : i32
        %add3A_655 = arith.constant 32 : i32
        %add3A_656 = arith.addi %mul3A_654, %add3A_655 : i32
        %get3A_657 = arith.index_cast %add3A_656 : i32 to index
        %get3A_658 = tpu.vector_load %arg8[%get3A_657] {strides = array<i32>} : memref<12800xf32, #tpu.memory_space<vmem>>, vector<16xf32>,
        %mul3A_659 = arith.constant 128 : i32
        %mul3A_660 = arith.muli %scan3A_639, %mul3A_659 : i32
        %add3A_661 = arith.constant 48 : i32
        %add3A_662 = arith.addi %mul3A_660, %add3A_661 : i32
        %get3A_663 = arith.index_cast %add3A_662 : i32 to index
        %get3A_664 = tpu.vector_load %arg8[%get3A_663] {strides = array<i32>} : memref<12800xf32, #tpu.memory_space<vmem>>, vector<16xf32>,
        %mul3A_665 = arith.constant 128 : i32
        %mul3A_666 = arith.muli %scan3A_639, %mul3A_665 : i32
        %add3A_667 = arith.constant 64 : i32
        %add3A_668 = arith.addi %mul3A_666, %add3A_667 : i32
        %get3A_669 = arith.index_cast %add3A_668 : i32 to index
        %get3A_670 = tpu.vector_load %arg8[%get3A_669] {strides = array<i32>} : memref<12800xf32, #tpu.memory_space<vmem>>, vector<16xf32>,
        %mul3A_671 = arith.constant 128 : i32
        %mul3A_672 = arith.muli %scan3A_639, %mul3A_671 : i32
        %add3A_673 = arith.constant 80 : i32
        %add3A_674 = arith.addi %mul3A_672, %add3A_673 : i32
        %get3A_675 = arith.index_cast %add3A_674 : i32 to index
        %get3A_676 = tpu.vector_load %arg8[%get3A_675] {strides = array<i32>} : memref<12800xf32, #tpu.memory_space<vmem>>, vector<16xf32>,
        %mul3A_677 = arith.constant 128 : i32
        %mul3A_678 = arith.muli %scan3A_639, %mul3A_677 : i32
        %add3A_679 = arith.constant 96 : i32
        %add3A_680 = arith.addi %mul3A_678, %add3A_679 : i32
        %get3A_681 = arith.index_cast %add3A_680 : i32 to index
        %get3A_682 = tpu.vector_load %arg8[%get3A_681] {strides = array<i32>} : memref<12800xf32, #tpu.memory_space<vmem>>, vector<16xf32>,
        %mul3A_683 = arith.constant 128 : i32
        %mul3A_684 = arith.muli %scan3A_639, %mul3A_683 : i32
        %add3A_685 = arith.constant 112 : i32
        %add3A_686 = arith.addi %mul3A_684, %add3A_685 : i32
        %get3A_687 = arith.index_cast %add3A_686 : i32 to index
        %get3A_688 = tpu.vector_load %arg8[%get3A_687] {strides = array<i32>} : memref<12800xf32, #tpu.memory_space<vmem>>, vector<16xf32>,
        %le3A = arith.cmpf ole, %get3A_646, %get3A_464 : vector<16xf32>
        %le3A_689 = arith.cmpf ole, %get3A_652, %get3A_464 : vector<16xf32>
        %le3A_690 = arith.cmpf ole, %get3A_658, %get3A_464 : vector<16xf32>
        %le3A_691 = arith.cmpf ole, %get3A_664, %get3A_464 : vector<16xf32>
        %le3A_692 = arith.cmpf ole, %get3A_670, %get3A_464 : vector<16xf32>
        %le3A_693 = arith.cmpf ole, %get3A_676, %get3A_464 : vector<16xf32>
        %le3A_694 = arith.cmpf ole, %get3A_682, %get3A_464 : vector<16xf32>
        %le3A_695 = arith.cmpf ole, %get3A_688, %get3A_464 : vector<16xf32>
        %or3A = arith.ori %le3A, %le3A_689 : vector<16xi1>
        %or3A_696 = arith.ori %or3A, %le3A_690 : vector<16xi1>
        %or3A_697 = arith.ori %or3A_696, %le3A_691 : vector<16xi1>
        %or3A_698 = arith.ori %or3A_697, %le3A_692 : vector<16xi1>
        %or3A_699 = arith.ori %or3A_698, %le3A_693 : vector<16xi1>
        %or3A_700 = arith.ori %or3A_699, %le3A_694 : vector<16xi1>
        %or3A_701 = arith.ori %or3A_700, %le3A_695 : vector<16xi1>
        %all_reduce_population_count3A = tpu.all_reduce %or3A_701 {dim = 0 : i64, kind = #tpu.reduction_kind<sum>} : vector<16xi1> -> vector<16xi32>
        %slice3A = vector.extract_strided_slice %all_reduce_population_count3A {offsets = [0], sizes = [1], strides = [1]} : vector<16xi32> to vector<1xi32>
        %squeeze3A = vector.extract %slice3A[0] : i32 from vector<1xi32>
        %gt3A = arith.constant 0 : i32
        %gt3A_702 = arith.cmpi sgt, %squeeze3A, %gt3A : i32
        %convert_element_type3A = arith.extui %gt3A_702 : i1 to i32
        %cond3A = arith.constant 0 : i32
        %cond3A_703 = arith.cmpi ne, %convert_element_type3A, %cond3A : i32
        %cond3A_704 = scf.if %cond3A_703 -> (i32) {
          %all_reduce_population_count3A_705 = tpu.all_reduce %le3A {dim = 0 : i64, kind = #tpu.reduction_kind<sum>} : vector<16xi1> -> vector<16xi32>
          %slice3A_706 = vector.extract_strided_slice %all_reduce_population_count3A_705 {offsets = [0], sizes = [1], strides = [1]} : vector<16xi32> to vector<1xi32>
          %squeeze3A_707 = vector.extract %slice3A_706[0] : i32 from vector<1xi32>
          %iota3A = tpu.iota {dimensions = array<i32: 0>} : vector<16xi32>
          %mul3A_708 = arith.constant 128 : i32
          %mul3A_709 = arith.muli %scan3A_639, %mul3A_708 : i32
          %add3A_710 = arith.constant 89600 : i32
          %add3A_711 = arith.addi %add3A_710, %mul3A_709 : i32
          %add3A_712 = arith.constant 0 : i32
          %add3A_713 = arith.addi %add3A_711, %add3A_712 : i32
          %add3A_714 = vector.broadcast %add3A_713 : i32 to vector<16xi32>
          %add3A_715 = arith.addi %iota3A, %add3A_714 : vector<16xi32>
          %min3A = arith.constant 496 : i32
          %min3A_716 = arith.minsi %scan3A_640, %min3A : i32
          %swap3A_717 = arith.index_cast %min3A_716 : i32 to index
          %swap3A_718 = tpu.vector_load %arg9[%swap3A_717] masked %le3A {strides = array<i32>} : memref<512xf32, #tpu.memory_space<vmem>>, vector<16xf32>, vector<16xi1>
          tpu.vector_store %arg9[%swap3A_717], %get3A_646 masked %le3A {strides = array<i32>} : memref<512xf32, #tpu.memory_space<vmem>>, vector<16xf32>, vector<16xi1>
          %swap3A_719 = arith.index_cast %min3A_716 : i32 to index
          %swap3A_720 = tpu.vector_load %arg10[%swap3A_719] masked %le3A {strides = array<i32>} : memref<512xi32, #tpu.memory_space<vmem>>, vector<16xi32>, vector<16xi1>
          tpu.vector_store %arg10[%swap3A_719], %add3A_715 masked %le3A {strides = array<i32>} : memref<512xi32, #tpu.memory_space<vmem>>, vector<16xi32>, vector<16xi1>
          %add3A_721 = arith.addi %scan3A_640, %squeeze3A_707 : i32
          %all_reduce_population_count3A_722 = tpu.all_reduce %le3A_689 {dim = 0 : i64, kind = #tpu.reduction_kind<sum>} : vector<16xi1> -> vector<16xi32>
          %slice3A_723 = vector.extract_strided_slice %all_reduce_population_count3A_722 {offsets = [0], sizes = [1], strides = [1]} : vector<16xi32> to vector<1xi32>
          %squeeze3A_724 = vector.extract %slice3A_723[0] : i32 from vector<1xi32>
          %iota3A_725 = tpu.iota {dimensions = array<i32: 0>} : vector<16xi32>
          %mul3A_726 = arith.constant 128 : i32
          %mul3A_727 = arith.muli %scan3A_639, %mul3A_726 : i32
          %add3A_728 = arith.constant 89600 : i32
          %add3A_729 = arith.addi %add3A_728, %mul3A_727 : i32
          %add3A_730 = arith.constant 16 : i32
          %add3A_731 = arith.addi %add3A_729, %add3A_730 : i32
          %add3A_732 = vector.broadcast %add3A_731 : i32 to vector<16xi32>
          %add3A_733 = arith.addi %iota3A_725, %add3A_732 : vector<16xi32>
          %min3A_734 = arith.constant 496 : i32
          %min3A_735 = arith.minsi %add3A_721, %min3A_734 : i32
          %swap3A_736 = arith.index_cast %min3A_735 : i32 to index
          %swap3A_737 = tpu.vector_load %arg9[%swap3A_736] masked %le3A_689 {strides = array<i32>} : memref<512xf32, #tpu.memory_space<vmem>>, vector<16xf32>, vector<16xi1>
          tpu.vector_store %arg9[%swap3A_736], %get3A_652 masked %le3A_689 {strides = array<i32>} : memref<512xf32, #tpu.memory_space<vmem>>, vector<16xf32>, vector<16xi1>
          %swap3A_738 = arith.index_cast %min3A_735 : i32 to index
          %swap3A_739 = tpu.vector_load %arg10[%swap3A_738] masked %le3A_689 {strides = array<i32>} : memref<512xi32, #tpu.memory_space<vmem>>, vector<16xi32>, vector<16xi1>
          tpu.vector_store %arg10[%swap3A_738], %add3A_733 masked %le3A_689 {strides = array<i32>} : memref<512xi32, #tpu.memory_space<vmem>>, vector<16xi32>, vector<16xi1>
          %add3A_740 = arith.addi %add3A_721, %squeeze3A_724 : i32
          %all_reduce_population_count3A_741 = tpu.all_reduce %le3A_690 {dim = 0 : i64, kind = #tpu.reduction_kind<sum>} : vector<16xi1> -> vector<16xi32>
          %slice3A_742 = vector.extract_strided_slice %all_reduce_population_count3A_741 {offsets = [0], sizes = [1], strides = [1]} : vector<16xi32> to vector<1xi32>
          %squeeze3A_743 = vector.extract %slice3A_742[0] : i32 from vector<1xi32>
          %iota3A_744 = tpu.iota {dimensions = array<i32: 0>} : vector<16xi32>
          %mul3A_745 = arith.constant 128 : i32
          %mul3A_746 = arith.muli %scan3A_639, %mul3A_745 : i32
          %add3A_747 = arith.constant 89600 : i32
          %add3A_748 = arith.addi %add3A_747, %mul3A_746 : i32
          %add3A_749 = arith.constant 32 : i32
          %add3A_750 = arith.addi %add3A_748, %add3A_749 : i32
          %add3A_751 = vector.broadcast %add3A_750 : i32 to vector<16xi32>
          %add3A_752 = arith.addi %iota3A_744, %add3A_751 : vector<16xi32>
          %min3A_753 = arith.constant 496 : i32
          %min3A_754 = arith.minsi %add3A_740, %min3A_753 : i32
          %swap3A_755 = arith.index_cast %min3A_754 : i32 to index
          %swap3A_756 = tpu.vector_load %arg9[%swap3A_755] masked %le3A_690 {strides = array<i32>} : memref<512xf32, #tpu.memory_space<vmem>>, vector<16xf32>, vector<16xi1>
          tpu.vector_store %arg9[%swap3A_755], %get3A_658 masked %le3A_690 {strides = array<i32>} : memref<512xf32, #tpu.memory_space<vmem>>, vector<16xf32>, vector<16xi1>
          %swap3A_757 = arith.index_cast %min3A_754 : i32 to index
          %swap3A_758 = tpu.vector_load %arg10[%swap3A_757] masked %le3A_690 {strides = array<i32>} : memref<512xi32, #tpu.memory_space<vmem>>, vector<16xi32>, vector<16xi1>
          tpu.vector_store %arg10[%swap3A_757], %add3A_752 masked %le3A_690 {strides = array<i32>} : memref<512xi32, #tpu.memory_space<vmem>>, vector<16xi32>, vector<16xi1>
          %add3A_759 = arith.addi %add3A_740, %squeeze3A_743 : i32
          %all_reduce_population_count3A_760 = tpu.all_reduce %le3A_691 {dim = 0 : i64, kind = #tpu.reduction_kind<sum>} : vector<16xi1> -> vector<16xi32>
          %slice3A_761 = vector.extract_strided_slice %all_reduce_population_count3A_760 {offsets = [0], sizes = [1], strides = [1]} : vector<16xi32> to vector<1xi32>
          %squeeze3A_762 = vector.extract %slice3A_761[0] : i32 from vector<1xi32>
          %iota3A_763 = tpu.iota {dimensions = array<i32: 0>} : vector<16xi32>
          %mul3A_764 = arith.constant 128 : i32
          %mul3A_765 = arith.muli %scan3A_639, %mul3A_764 : i32
          %add3A_766 = arith.constant 89600 : i32
          %add3A_767 = arith.addi %add3A_766, %mul3A_765 : i32
          %add3A_768 = arith.constant 48 : i32
          %add3A_769 = arith.addi %add3A_767, %add3A_768 : i32
          %add3A_770 = vector.broadcast %add3A_769 : i32 to vector<16xi32>
          %add3A_771 = arith.addi %iota3A_763, %add3A_770 : vector<16xi32>
          %min3A_772 = arith.constant 496 : i32
          %min3A_773 = arith.minsi %add3A_759, %min3A_772 : i32
          %swap3A_774 = arith.index_cast %min3A_773 : i32 to index
          %swap3A_775 = tpu.vector_load %arg9[%swap3A_774] masked %le3A_691 {strides = array<i32>} : memref<512xf32, #tpu.memory_space<vmem>>, vector<16xf32>, vector<16xi1>
          tpu.vector_store %arg9[%swap3A_774], %get3A_664 masked %le3A_691 {strides = array<i32>} : memref<512xf32, #tpu.memory_space<vmem>>, vector<16xf32>, vector<16xi1>
          %swap3A_776 = arith.index_cast %min3A_773 : i32 to index
          %swap3A_777 = tpu.vector_load %arg10[%swap3A_776] masked %le3A_691 {strides = array<i32>} : memref<512xi32, #tpu.memory_space<vmem>>, vector<16xi32>, vector<16xi1>
          tpu.vector_store %arg10[%swap3A_776], %add3A_771 masked %le3A_691 {strides = array<i32>} : memref<512xi32, #tpu.memory_space<vmem>>, vector<16xi32>, vector<16xi1>
          %add3A_778 = arith.addi %add3A_759, %squeeze3A_762 : i32
          %all_reduce_population_count3A_779 = tpu.all_reduce %le3A_692 {dim = 0 : i64, kind = #tpu.reduction_kind<sum>} : vector<16xi1> -> vector<16xi32>
          %slice3A_780 = vector.extract_strided_slice %all_reduce_population_count3A_779 {offsets = [0], sizes = [1], strides = [1]} : vector<16xi32> to vector<1xi32>
          %squeeze3A_781 = vector.extract %slice3A_780[0] : i32 from vector<1xi32>
          %iota3A_782 = tpu.iota {dimensions = array<i32: 0>} : vector<16xi32>
          %mul3A_783 = arith.constant 128 : i32
          %mul3A_784 = arith.muli %scan3A_639, %mul3A_783 : i32
          %add3A_785 = arith.constant 89600 : i32
          %add3A_786 = arith.addi %add3A_785, %mul3A_784 : i32
          %add3A_787 = arith.constant 64 : i32
          %add3A_788 = arith.addi %add3A_786, %add3A_787 : i32
          %add3A_789 = vector.broadcast %add3A_788 : i32 to vector<16xi32>
          %add3A_790 = arith.addi %iota3A_782, %add3A_789 : vector<16xi32>
          %min3A_791 = arith.constant 496 : i32
          %min3A_792 = arith.minsi %add3A_778, %min3A_791 : i32
          %swap3A_793 = arith.index_cast %min3A_792 : i32 to index
          %swap3A_794 = tpu.vector_load %arg9[%swap3A_793] masked %le3A_692 {strides = array<i32>} : memref<512xf32, #tpu.memory_space<vmem>>, vector<16xf32>, vector<16xi1>
          tpu.vector_store %arg9[%swap3A_793], %get3A_670 masked %le3A_692 {strides = array<i32>} : memref<512xf32, #tpu.memory_space<vmem>>, vector<16xf32>, vector<16xi1>
          %swap3A_795 = arith.index_cast %min3A_792 : i32 to index
          %swap3A_796 = tpu.vector_load %arg10[%swap3A_795] masked %le3A_692 {strides = array<i32>} : memref<512xi32, #tpu.memory_space<vmem>>, vector<16xi32>, vector<16xi1>
          tpu.vector_store %arg10[%swap3A_795], %add3A_790 masked %le3A_692 {strides = array<i32>} : memref<512xi32, #tpu.memory_space<vmem>>, vector<16xi32>, vector<16xi1>
          %add3A_797 = arith.addi %add3A_778, %squeeze3A_781 : i32
          %all_reduce_population_count3A_798 = tpu.all_reduce %le3A_693 {dim = 0 : i64, kind = #tpu.reduction_kind<sum>} : vector<16xi1> -> vector<16xi32>
          %slice3A_799 = vector.extract_strided_slice %all_reduce_population_count3A_798 {offsets = [0], sizes = [1], strides = [1]} : vector<16xi32> to vector<1xi32>
          %squeeze3A_800 = vector.extract %slice3A_799[0] : i32 from vector<1xi32>
          %iota3A_801 = tpu.iota {dimensions = array<i32: 0>} : vector<16xi32>
          %mul3A_802 = arith.constant 128 : i32
          %mul3A_803 = arith.muli %scan3A_639, %mul3A_802 : i32
          %add3A_804 = arith.constant 89600 : i32
          %add3A_805 = arith.addi %add3A_804, %mul3A_803 : i32
          %add3A_806 = arith.constant 80 : i32
          %add3A_807 = arith.addi %add3A_805, %add3A_806 : i32
          %add3A_808 = vector.broadcast %add3A_807 : i32 to vector<16xi32>
          %add3A_809 = arith.addi %iota3A_801, %add3A_808 : vector<16xi32>
          %min3A_810 = arith.constant 496 : i32
          %min3A_811 = arith.minsi %add3A_797, %min3A_810 : i32
          %swap3A_812 = arith.index_cast %min3A_811 : i32 to index
          %swap3A_813 = tpu.vector_load %arg9[%swap3A_812] masked %le3A_693 {strides = array<i32>} : memref<512xf32, #tpu.memory_space<vmem>>, vector<16xf32>, vector<16xi1>
          tpu.vector_store %arg9[%swap3A_812], %get3A_676 masked %le3A_693 {strides = array<i32>} : memref<512xf32, #tpu.memory_space<vmem>>, vector<16xf32>, vector<16xi1>
          %swap3A_814 = arith.index_cast %min3A_811 : i32 to index
          %swap3A_815 = tpu.vector_load %arg10[%swap3A_814] masked %le3A_693 {strides = array<i32>} : memref<512xi32, #tpu.memory_space<vmem>>, vector<16xi32>, vector<16xi1>
          tpu.vector_store %arg10[%swap3A_814], %add3A_809 masked %le3A_693 {strides = array<i32>} : memref<512xi32, #tpu.memory_space<vmem>>, vector<16xi32>, vector<16xi1>
          %add3A_816 = arith.addi %add3A_797, %squeeze3A_800 : i32
          %all_reduce_population_count3A_817 = tpu.all_reduce %le3A_694 {dim = 0 : i64, kind = #tpu.reduction_kind<sum>} : vector<16xi1> -> vector<16xi32>
          %slice3A_818 = vector.extract_strided_slice %all_reduce_population_count3A_817 {offsets = [0], sizes = [1], strides = [1]} : vector<16xi32> to vector<1xi32>
          %squeeze3A_819 = vector.extract %slice3A_818[0] : i32 from vector<1xi32>
          %iota3A_820 = tpu.iota {dimensions = array<i32: 0>} : vector<16xi32>
          %mul3A_821 = arith.constant 128 : i32
          %mul3A_822 = arith.muli %scan3A_639, %mul3A_821 : i32
          %add3A_823 = arith.constant 89600 : i32
          %add3A_824 = arith.addi %add3A_823, %mul3A_822 : i32
          %add3A_825 = arith.constant 96 : i32
          %add3A_826 = arith.addi %add3A_824, %add3A_825 : i32
          %add3A_827 = vector.broadcast %add3A_826 : i32 to vector<16xi32>
          %add3A_828 = arith.addi %iota3A_820, %add3A_827 : vector<16xi32>
          %min3A_829 = arith.constant 496 : i32
          %min3A_830 = arith.minsi %add3A_816, %min3A_829 : i32
          %swap3A_831 = arith.index_cast %min3A_830 : i32 to index
          %swap3A_832 = tpu.vector_load %arg9[%swap3A_831] masked %le3A_694 {strides = array<i32>} : memref<512xf32, #tpu.memory_space<vmem>>, vector<16xf32>, vector<16xi1>
          tpu.vector_store %arg9[%swap3A_831], %get3A_682 masked %le3A_694 {strides = array<i32>} : memref<512xf32, #tpu.memory_space<vmem>>, vector<16xf32>, vector<16xi1>
          %swap3A_833 = arith.index_cast %min3A_830 : i32 to index
          %swap3A_834 = tpu.vector_load %arg10[%swap3A_833] masked %le3A_694 {strides = array<i32>} : memref<512xi32, #tpu.memory_space<vmem>>, vector<16xi32>, vector<16xi1>
          tpu.vector_store %arg10[%swap3A_833], %add3A_828 masked %le3A_694 {strides = array<i32>} : memref<512xi32, #tpu.memory_space<vmem>>, vector<16xi32>, vector<16xi1>
          %add3A_835 = arith.addi %add3A_816, %squeeze3A_819 : i32
          %all_reduce_population_count3A_836 = tpu.all_reduce %le3A_695 {dim = 0 : i64, kind = #tpu.reduction_kind<sum>} : vector<16xi1> -> vector<16xi32>
          %slice3A_837 = vector.extract_strided_slice %all_reduce_population_count3A_836 {offsets = [0], sizes = [1], strides = [1]} : vector<16xi32> to vector<1xi32>
          %squeeze3A_838 = vector.extract %slice3A_837[0] : i32 from vector<1xi32>
          %iota3A_839 = tpu.iota {dimensions = array<i32: 0>} : vector<16xi32>
          %mul3A_840 = arith.constant 128 : i32
          %mul3A_841 = arith.muli %scan3A_639, %mul3A_840 : i32
          %add3A_842 = arith.constant 89600 : i32
          %add3A_843 = arith.addi %add3A_842, %mul3A_841 : i32
          %add3A_844 = arith.constant 112 : i32
          %add3A_845 = arith.addi %add3A_843, %add3A_844 : i32
          %add3A_846 = vector.broadcast %add3A_845 : i32 to vector<16xi32>
          %add3A_847 = arith.addi %iota3A_839, %add3A_846 : vector<16xi32>
          %min3A_848 = arith.constant 496 : i32
          %min3A_849 = arith.minsi %add3A_835, %min3A_848 : i32
          %swap3A_850 = arith.index_cast %min3A_849 : i32 to index
          %swap3A_851 = tpu.vector_load %arg9[%swap3A_850] masked %le3A_695 {strides = array<i32>} : memref<512xf32, #tpu.memory_space<vmem>>, vector<16xf32>, vector<16xi1>
          tpu.vector_store %arg9[%swap3A_850], %get3A_688 masked %le3A_695 {strides = array<i32>} : memref<512xf32, #tpu.memory_space<vmem>>, vector<16xf32>, vector<16xi1>
          %swap3A_852 = arith.index_cast %min3A_849 : i32 to index
          %swap3A_853 = tpu.vector_load %arg10[%swap3A_852] masked %le3A_695 {strides = array<i32>} : memref<512xi32, #tpu.memory_space<vmem>>, vector<16xi32>, vector<16xi1>
          tpu.vector_store %arg10[%swap3A_852], %add3A_847 masked %le3A_695 {strides = array<i32>} : memref<512xi32, #tpu.memory_space<vmem>>, vector<16xi32>, vector<16xi1>
          %add3A_854 = arith.addi %add3A_835, %squeeze3A_838 : i32
          scf.yield %add3A_854 : i32
        } else {
          scf.yield %scan3A_640 : i32
        }
        scf.yield %cond3A_704 : i32
      }
      %scan3A_637 = arith.constant 100 : i32
      "tpu.region"() ({
        %run_scoped3A = tpu.sem_alloc : memref<!tpu.dma_semaphore, #tpu.memory_space<semaphore_mem>>
        %dma_start3A_639 = arith.constant 0 : i32
        %dma_start3A_640 = tpu.memref_slice %arg4[%add3A_13, %dma_start3A_639] : memref<1024x512xf32, #tpu.memory_space<hbm>> -> memref<1x512xf32, #tpu.memory_space<hbm>>
        %dma_start3A_641 = tpu.memref_squeeze %dma_start3A_640 : memref<1x512xf32, #tpu.memory_space<hbm>> -> memref<512xf32, #tpu.memory_space<hbm>>
        %dma_start3A_642 = arith.constant 0 : i32
        %dma_start3A_643 = tpu.memref_slice %arg4[%add3A_13, %dma_start3A_642] : memref<1024x512xf32, #tpu.memory_space<hbm>> -> memref<1x512xf32, #tpu.memory_space<hbm>>
        %dma_start3A_644 = tpu.memref_squeeze %dma_start3A_643 : memref<1x512xf32, #tpu.memory_space<hbm>> -> memref<512xf32, #tpu.memory_space<hbm>>
        tpu.enqueue_dma source(%arg9 : memref<512xf32, #tpu.memory_space<vmem>>) target(%dma_start3A_644 : memref<512xf32, #tpu.memory_space<hbm>>) target_semaphore(%run_scoped3A : memref<!tpu.dma_semaphore, #tpu.memory_space<semaphore_mem>>)
        %dma_wait3A_645 = arith.constant 0 : i32
        %dma_wait3A_646 = tpu.memref_slice %arg4[%add3A_13, %dma_wait3A_645] : memref<1024x512xf32, #tpu.memory_space<hbm>> -> memref<1x512xf32, #tpu.memory_space<hbm>>
        %dma_wait3A_647 = tpu.memref_squeeze %dma_wait3A_646 : memref<1x512xf32, #tpu.memory_space<hbm>> -> memref<512xf32, #tpu.memory_space<hbm>>
        %dma_wait3A_648 = arith.constant 0 : i32
        %dma_wait3A_649 = tpu.memref_slice %arg4[%add3A_13, %dma_wait3A_648] : memref<1024x512xf32, #tpu.memory_space<hbm>> -> memref<1x512xf32, #tpu.memory_space<hbm>>
        %dma_wait3A_650 = tpu.memref_squeeze %dma_wait3A_649 : memref<1x512xf32, #tpu.memory_space<hbm>> -> memref<512xf32, #tpu.memory_space<hbm>>
        tpu.wait_dma2 semaphore(%run_scoped3A : memref<!tpu.dma_semaphore, #tpu.memory_space<semaphore_mem>>) src(%arg9 : memref<512xf32, #tpu.memory_space<vmem>>) dst(%dma_wait3A_650 : memref<512xf32, #tpu.memory_space<hbm>>)
        tpu.yield
      }) : () -> ()
      "tpu.region"() ({
        %run_scoped3A = tpu.sem_alloc : memref<!tpu.dma_semaphore, #tpu.memory_space<semaphore_mem>>
        %dma_start3A_639 = arith.constant 0 : i32
        %dma_start3A_640 = tpu.memref_slice %arg5[%add3A_13, %dma_start3A_639] : memref<1024x512xi32, #tpu.memory_space<hbm>> -> memref<1x512xi32, #tpu.memory_space<hbm>>
        %dma_start3A_641 = tpu.memref_squeeze %dma_start3A_640 : memref<1x512xi32, #tpu.memory_space<hbm>> -> memref<512xi32, #tpu.memory_space<hbm>>
        %dma_start3A_642 = arith.constant 0 : i32
        %dma_start3A_643 = tpu.memref_slice %arg5[%add3A_13, %dma_start3A_642] : memref<1024x512xi32, #tpu.memory_space<hbm>> -> memref<1x512xi32, #tpu.memory_space<hbm>>
        %dma_start3A_644 = tpu.memref_squeeze %dma_start3A_643 : memref<1x512xi32, #tpu.memory_space<hbm>> -> memref<512xi32, #tpu.memory_space<hbm>>
        tpu.enqueue_dma source(%arg10 : memref<512xi32, #tpu.memory_space<vmem>>) target(%dma_start3A_644 : memref<512xi32, #tpu.memory_space<hbm>>) target_semaphore(%run_scoped3A : memref<!tpu.dma_semaphore, #tpu.memory_space<semaphore_mem>>)
        %dma_wait3A_645 = arith.constant 0 : i32
        %dma_wait3A_646 = tpu.memref_slice %arg5[%add3A_13, %dma_wait3A_645] : memref<1024x512xi32, #tpu.memory_space<hbm>> -> memref<1x512xi32, #tpu.memory_space<hbm>>
        %dma_wait3A_647 = tpu.memref_squeeze %dma_wait3A_646 : memref<1x512xi32, #tpu.memory_space<hbm>> -> memref<512xi32, #tpu.memory_space<hbm>>
        %dma_wait3A_648 = arith.constant 0 : i32
        %dma_wait3A_649 = tpu.memref_slice %arg5[%add3A_13, %dma_wait3A_648] : memref<1024x512xi32, #tpu.memory_space<hbm>> -> memref<1x512xi32, #tpu.memory_space<hbm>>
        %dma_wait3A_650 = tpu.memref_squeeze %dma_wait3A_649 : memref<1x512xi32, #tpu.memory_space<hbm>> -> memref<512xi32, #tpu.memory_space<hbm>>
        tpu.wait_dma2 semaphore(%run_scoped3A : memref<!tpu.dma_semaphore, #tpu.memory_space<semaphore_mem>>) src(%arg10 : memref<512xi32, #tpu.memory_space<vmem>>) dst(%dma_wait3A_650 : memref<512xi32, #tpu.memory_space<hbm>>)
        tpu.yield
      }) : () -> ()
      %scan3A_638 = arith.constant 0 : i32
      scf.yield %scan3A_638 : i32
    }
    %scan3A_10 = arith.constant 32 : i32
    return
  }
}

module attributes {stable_mosaic.version = 14 : i64} {
  func.func @_cmin_body(%arg0: i32, %arg1: i32, %arg2: memref<256x4096xf32, #tpu.memory_space<vmem>>, %arg3: memref<256x4096xf32, #tpu.memory_space<vmem>>, %arg4: memref<256x128xf32, #tpu.memory_space<vmem>>) attributes {dimension_semantics = [#tpu.dimension_semantics<parallel>, #tpu.dimension_semantics<arbitrary>], iteration_bounds = array<i64: 4, 25>, scalar_prefetch = 0 : i64, scratch_operands = 0 : i64, tpu.core_type = #tpu.core_type<tc>, window_params = [{transform_indices = @transform_0, window_bounds = array<i64: 256, 4096>}, {transform_indices = @transform_1, window_bounds = array<i64: 256, 4096>}, {transform_indices = @transform_2, window_bounds = array<i64: 256, 128>}]} {
    %get3A = arith.constant 0 : index
    %get3A_0 = arith.constant 0 : index
    %get3A_1 = vector.load %arg2[%get3A, %get3A_0] : memref<256x4096xf32, #tpu.memory_space<vmem>>, vector<256x4096xf32>
    %mul3A = arith.constant 4096 : i32
    %mul3A_2 = arith.muli %arg1, %mul3A : i32
    %iota3A = tpu.iota {dimensions = array<i32: 1>} : vector<256x4096xi32>
    %add3A = vector.broadcast %mul3A_2 : i32 to vector<256x4096xi32>
    %add3A_3 = arith.addi %add3A, %iota3A : vector<256x4096xi32>
    %lt3A = arith.constant 100000 : i32
    %lt3A_4 = vector.broadcast %lt3A : i32 to vector<256x4096xi32>
    %lt3A_5 = arith.cmpi slt, %add3A_3, %lt3A_4 : vector<256x4096xi32>
    %jit3A = arith.constant 0x7F800000 : f32
    %broadcast_in_dim3A = vector.broadcast %jit3A : f32 to vector<256x4096xf32>
    %select_n3A = arith.select %lt3A_5, %get3A_1, %broadcast_in_dim3A : vector<256x4096xi1>, vector<256x4096xf32>
    %swap3A = arith.constant 0 : index
    %swap3A_6 = arith.constant 0 : index
    %swap3A_7 = vector.load %arg3[%swap3A, %swap3A_6] : memref<256x4096xf32, #tpu.memory_space<vmem>>, vector<256x4096xf32>
    tpu.vector_store %arg3[%swap3A, %swap3A_6], %select_n3A {strides = array<i32>} : memref<256x4096xf32, #tpu.memory_space<vmem>>, vector<256x4096xf32>,
    %slice3A = vector.extract_strided_slice %select_n3A {offsets = [0, 0], sizes = [256, 512], strides = [1, 1]} : vector<256x4096xf32> to vector<256x512xf32>
    %reduce_min3A = arith.constant dense<0x7F800000> : vector<256xf32>
    %reduce_min3A_8 = vector.multi_reduction <minimumf>, %slice3A, %reduce_min3A [1] : vector<256x512xf32> to vector<256xf32>
    %broadcast_in_dim3A_9 = vector.shape_cast %reduce_min3A_8 : vector<256xf32> to vector<256x1xf32>
    %slice3A_10 = vector.extract_strided_slice %select_n3A {offsets = [0, 512], sizes = [256, 512], strides = [1, 1]} : vector<256x4096xf32> to vector<256x512xf32>
    %reduce_min3A_11 = arith.constant dense<0x7F800000> : vector<256xf32>
    %reduce_min3A_12 = vector.multi_reduction <minimumf>, %slice3A_10, %reduce_min3A_11 [1] : vector<256x512xf32> to vector<256xf32>
    %broadcast_in_dim3A_13 = vector.shape_cast %reduce_min3A_12 : vector<256xf32> to vector<256x1xf32>
    %slice3A_14 = vector.extract_strided_slice %select_n3A {offsets = [0, 1024], sizes = [256, 512], strides = [1, 1]} : vector<256x4096xf32> to vector<256x512xf32>
    %reduce_min3A_15 = arith.constant dense<0x7F800000> : vector<256xf32>
    %reduce_min3A_16 = vector.multi_reduction <minimumf>, %slice3A_14, %reduce_min3A_15 [1] : vector<256x512xf32> to vector<256xf32>
    %broadcast_in_dim3A_17 = vector.shape_cast %reduce_min3A_16 : vector<256xf32> to vector<256x1xf32>
    %slice3A_18 = vector.extract_strided_slice %select_n3A {offsets = [0, 1536], sizes = [256, 512], strides = [1, 1]} : vector<256x4096xf32> to vector<256x512xf32>
    %reduce_min3A_19 = arith.constant dense<0x7F800000> : vector<256xf32>
    %reduce_min3A_20 = vector.multi_reduction <minimumf>, %slice3A_18, %reduce_min3A_19 [1] : vector<256x512xf32> to vector<256xf32>
    %broadcast_in_dim3A_21 = vector.shape_cast %reduce_min3A_20 : vector<256xf32> to vector<256x1xf32>
    %slice3A_22 = vector.extract_strided_slice %select_n3A {offsets = [0, 2048], sizes = [256, 512], strides = [1, 1]} : vector<256x4096xf32> to vector<256x512xf32>
    %reduce_min3A_23 = arith.constant dense<0x7F800000> : vector<256xf32>
    %reduce_min3A_24 = vector.multi_reduction <minimumf>, %slice3A_22, %reduce_min3A_23 [1] : vector<256x512xf32> to vector<256xf32>
    %broadcast_in_dim3A_25 = vector.shape_cast %reduce_min3A_24 : vector<256xf32> to vector<256x1xf32>
    %slice3A_26 = vector.extract_strided_slice %select_n3A {offsets = [0, 2560], sizes = [256, 512], strides = [1, 1]} : vector<256x4096xf32> to vector<256x512xf32>
    %reduce_min3A_27 = arith.constant dense<0x7F800000> : vector<256xf32>
    %reduce_min3A_28 = vector.multi_reduction <minimumf>, %slice3A_26, %reduce_min3A_27 [1] : vector<256x512xf32> to vector<256xf32>
    %broadcast_in_dim3A_29 = vector.shape_cast %reduce_min3A_28 : vector<256xf32> to vector<256x1xf32>
    %slice3A_30 = vector.extract_strided_slice %select_n3A {offsets = [0, 3072], sizes = [256, 512], strides = [1, 1]} : vector<256x4096xf32> to vector<256x512xf32>
    %reduce_min3A_31 = arith.constant dense<0x7F800000> : vector<256xf32>
    %reduce_min3A_32 = vector.multi_reduction <minimumf>, %slice3A_30, %reduce_min3A_31 [1] : vector<256x512xf32> to vector<256xf32>
    %broadcast_in_dim3A_33 = vector.shape_cast %reduce_min3A_32 : vector<256xf32> to vector<256x1xf32>
    %slice3A_34 = vector.extract_strided_slice %select_n3A {offsets = [0, 3584], sizes = [256, 512], strides = [1, 1]} : vector<256x4096xf32> to vector<256x512xf32>
    %reduce_min3A_35 = arith.constant dense<0x7F800000> : vector<256xf32>
    %reduce_min3A_36 = vector.multi_reduction <minimumf>, %slice3A_34, %reduce_min3A_35 [1] : vector<256x512xf32> to vector<256xf32>
    %broadcast_in_dim3A_37 = vector.shape_cast %reduce_min3A_36 : vector<256xf32> to vector<256x1xf32>
    %broadcast_in_dim3A_38 = arith.constant 0x7F800000 : f32
    %broadcast_in_dim3A_39 = vector.broadcast %broadcast_in_dim3A_38 : f32 to vector<256x120xf32>
    %concatenate3A = tpu.concatenate %broadcast_in_dim3A_9, %broadcast_in_dim3A_13, %broadcast_in_dim3A_17, %broadcast_in_dim3A_21, %broadcast_in_dim3A_25, %broadcast_in_dim3A_29, %broadcast_in_dim3A_33, %broadcast_in_dim3A_37, %broadcast_in_dim3A_39 in 1 : vector<256x1xf32>, vector<256x1xf32>, vector<256x1xf32>, vector<256x1xf32>, vector<256x1xf32>, vector<256x1xf32>, vector<256x1xf32>, vector<256x1xf32>, vector<256x120xf32> -> vector<256x128xf32>
    %swap3A_40 = arith.constant 0 : index
    %swap3A_41 = arith.constant 0 : index
    %swap3A_42 = vector.load %arg4[%swap3A_40, %swap3A_41] : memref<256x128xf32, #tpu.memory_space<vmem>>, vector<256x128xf32>
    tpu.vector_store %arg4[%swap3A_40, %swap3A_41], %concatenate3A {strides = array<i32>} : memref<256x128xf32, #tpu.memory_space<vmem>>, vector<256x128xf32>,
    return
  }
  func.func @transform_0(%arg0: i32, %arg1: i32) -> (i32, i32) {
    %c0_i32 = arith.constant 0 : i32
    return %arg0, %arg1 : i32, i32
  }
  func.func @transform_1(%arg0: i32, %arg1: i32) -> (i32, i32) {
    %c0_i32 = arith.constant 0 : i32
    return %arg0, %arg1 : i32, i32
  }
  func.func @transform_2(%arg0: i32, %arg1: i32) -> (i32, i32) {
    %c0_i32 = arith.constant 0 : i32
    return %arg0, %arg1 : i32, i32
  }
}

</mosaic_0001>

<sc_bundles>
// kernel: gather_offload_async_start
scs
__scs_entry_jumppad:
0x0: {  	(pc) =	sbr.rel $0x88, $3  }
0x1: {  	(tag) =	ssettag $0x0;
	lr =	simm.s32 $0x1  }
0x2: {  	[smem:$0x3F9B] =	sst lr;
	_ =	strace $0xD0000000  }
0x3: {  	_ = 	snop  }
0x4: {  	_ = 	snop  }
0x5: {  	_ = 	snop  }
0x6: {  	_ = 	snop  }
0x7: {  	_ = 	snop  }
__scs_overlays_trampoline_lowered:
0x8: {  	[smem:$0x3FAA] =	sst s0  }
0x9: {  	[smem:$0x3FAB] =	sst s1  }
0xa: {  	[smem:$0x3FAC] =	sst s2  }
0xb: {  	[smem:$0x3FAD] =	sst s3  }
0xc: {  	[smem:$0x3FAE] =	sst s4  }
0xd: {  	[smem:$0x3FAF] =	sst s5  }
0xe: {  	[smem:$0x3FB0] =	sst s6  }
0xf: {  	[smem:$0x3FB1] =	sst s7  }
0x10: {  	[smem:$0x3FB2] =	sst s8  }
0x11: {  	[smem:$0x3FB3] =	sst s9;
	s0 =	simm.s32 @!p0 $0x0  }
0x12: {  	s1 =	sld [smem:$0x3F99];
	s0 =	simm.s32 @p0 $0x1  }
0x13: {  	[smem:$0x3FB4] =	sst s0;
	s0 =	simm.s32 @!p1 $0x0  }
0x14: {  	s2 =	sld [smem:$0x3F98];
	s0 =	simm.s32 @p1 $0x1  }
0x15: {  	[smem:$0x3FB5] =	sst s0;
	s0 =	simm.s32 @!p2 $0x0  }
0x16: {  	s3 =	sld [smem:$0x3FDB];
	s0 =	simm.s32 @p2 $0x1  }
0x17: {  	s4 =	simm.s32 $0x1BF5;
	[smem:$0x3FB7] =	sst s0  }
0x18: {  	s0 =	sld [smem:$0x3F9A];
	_ =	swait.ge [sflag:s4], $0x0  }
0x19: {  	s7 =	sld [smem:$0x3F9B]  }
0x1a: {  	s8 =	sadd.s32 $0xFFFFE003, lr  }
0x1b: {  	s9 =	sadd.s32 $0xFFFFFEF7, lr;
	s5 =	simm.s32 $0xFFFFFFFF;
	p2 =	slt.u32 s8, $0xFFFFF086  }
0x1c: {  	p1 =	slt.u32 s9, $0xF7A;
	s5 =	simm.s32 @!p2 $0x0  }
0x1d: {  	s5 =	simm.s32 @p1 $0x1;
	p0 =	seq.s32 s7, s2  }
0x1e: {  	s7 =	smul.u32 @!p0 $0xF7A, s2;
	p2 =	seq.s32 @!p0 s5, $0x0  }
0x1f: {  	s9 =	smul.u32 $0xF7A, s1;
	s8 =	simm.s32 @!p0 $0x1BF5;
	p2 =	por !p2, p0  }
0x20: {  	[sflag:s8] =	ssyncset.s32 @!p0 $0xFFFFF086;
	s6 =	sadd.s32 @!p0 s3, s7;
	s7 =	simm.s32 @!p0 $0x108  }
0x21: {  	s3 =	sadd.s32 s3, s9;
	s6 =	sadd.s32 @!p0 $0x88, s6;
	s7 =	simm.s32 @p2 $0x1082  }
0x22: {  	[simem:s7], [sflag:s8] =	dma.local @!p0 [hbm:s6], $0xF7A  }
0x23: {  	s9 =	sor.u32 $0xD0000000, s2;
	s6 =	simm.s32 $0x108;
	_ =	swait.ge @!p0 [sflag:s8], $0x0  }
0x24: {  	s3 =	sadd.s32 $0x88, s3;
	s6 =	simm.s32 @!p1 $0x1082;
	[sflag:s4] =	ssyncset.s32 $0xFFFFF086  }
0x25: {  	[simem:s6], [sflag:s4] =	dma.local [hbm:s3], $0xF7A  }
0x26: {  	[smem:$0x3F9B] =	sst s1;
	(tag) =	ssettag s2;
	_ =	strace s9  }
0x27: {  	s1 =	sld [smem:$0x3FAB]  }
0x28: {  	s2 =	sld [smem:$0x3FAC]  }
0x29: {  	s4 =	sld [smem:$0x3FAE]  }
0x2a: {  	p0 =	seq.s32 s5, $0x0;
	s5 =	sld [smem:$0x3FAF]  }
0x2b: {  	s6 =	sld [smem:$0x3FB0]  }
0x2c: {  	s7 =	sld [smem:$0x3FB1]  }
0x2d: {  	s3 =	simm.s32 $0x108;
	s8 =	sld [smem:$0x3FB2]  }
0x2e: {  	s3 =	simm.s32 @!p0 $0x1082;
	s9 =	sld [smem:$0x3FB3]  }
0x2f: {  	lr =	sadd.s32 s0, s3;
	s0 =	sld [smem:$0x3FAA]  }
0x30: {  	s3 =	sld [smem:$0x3FAD]  }
0x31: {  	[smem:$0x3FB6] =	sst s10  }
0x32: {  	s10 =	sld [smem:$0x3FB4];
	_ =	sdelay $0x3  }
0x33: {  	p0 =	seq.s32 s10, $0x1;
	s10 =	sld [smem:$0x3FB6];
	_ =	sdelay $0x3  }
0x34: {  	[smem:$0x3FB6] =	sst s10  }
0x35: {  	s10 =	sld [smem:$0x3FB5];
	_ =	sdelay $0x3  }
0x36: {  	p1 =	seq.s32 s10, $0x1;
	s10 =	sld [smem:$0x3FB6];
	_ =	sdelay $0x3  }
0x37: {  	[smem:$0x3FB6] =	sst s10  }
0x38: {  	s10 =	sld [smem:$0x3FB7]  }
0x39: {  	_ = 	snop;
	(pc) =	sbr.ind lr, $3  }
0x3a: {  	_ = 	snop  }
0x3b: {  	_ = 	snop  }
0x3c: {  	p2 =	seq.s32 s10, $0x1;
	s10 =	sld [smem:$0x3FB6]  }
0x3d: {  	_ =	shalt  }
0x3e: {  	_ =	shalt  }
0x3f: {  	_ =	shalt  }
0x40: {  	_ =	shalt  }
0x41: {  	_ =	shalt  }
0x42: {  	_ =	shalt  }
0x43: {  	_ =	shalt  }
0x44: {  	_ =	shalt  }
0x45: {  	_ =	shalt  }
0x46: {  	_ =	shalt  }
0x47: {  	_ =	shalt  }
0x48: {  	_ =	shalt  }
0x49: {  	_ =	shalt  }
0x4a: {  	_ =	shalt  }
0x4b: {  	_ =	shalt  }
0x4c: {  	_ =	shalt  }
0x4d: {  	_ =	shalt  }
0x4e: {  	_ =	shalt  }
0x4f: {  	_ =	shalt  }
0x50: {  	_ =	shalt  }
0x51: {  	_ =	shalt  }
0x52: {  	_ =	shalt  }
0x53: {  	_ =	shalt  }
0x54: {  	_ =	shalt  }
0x55: {  	_ =	shalt  }
0x56: {  	_ =	shalt  }
0x57: {  	_ =	shalt  }
0x58: {  	_ =	shalt  }
0x59: {  	_ =	shalt  }
0x5a: {  	_ =	shalt  }
0x5b: {  	_ =	shalt  }
0x5c: {  	_ =	shalt  }
0x5d: {  	_ =	shalt  }
0x5e: {  	_ =	shalt  }
0x5f: {  	_ =	shalt  }
0x60: {  	_ =	shalt  }
0x61: {  	_ =	shalt  }
0x62: {  	_ =	shalt  }
0x63: {  	_ =	shalt  }
0x64: {  	_ =	shalt  }
0x65: {  	_ =	shalt  }
0x66: {  	_ =	shalt  }
0x67: {  	_ =	shalt  }
0x68: {  	_ =	shalt  }
0x69: {  	_ =	shalt  }
0x6a: {  	_ =	shalt  }
0x6b: {  	_ =	shalt  }
0x6c: {  	_ =	shalt  }
0x6d: {  	_ =	shalt  }
0x6e: {  	_ =	shalt  }
0x6f: {  	_ =	shalt  }
0x70: {  	_ =	shalt  }
0x71: {  	_ =	shalt  }
0x72: {  	_ =	shalt  }
0x73: {  	_ =	shalt  }
0x74: {  	_ =	shalt  }
0x75: {  	_ =	shalt  }
0x76: {  	_ =	shalt  }
0x77: {  	_ =	shalt  }
0x78: {  	_ =	shalt  }
0x79: {  	_ =	shalt  }
0x7a: {  	_ =	shalt  }
0x7b: {  	_ =	shalt  }
0x7c: {  	_ =	shalt  }
0x7d: {  	_ =	shalt  }
0x7e: {  	_ =	shalt  }
0x7f: {  	_ =	shalt  }
0x80: {  	_ =	shalt  }
0x81: {  	_ =	shalt  }
0x82: {  	_ =	shalt  }
0x83: {  	_ =	shalt  }
0x84: {  	_ =	shalt  }
0x85: {  	_ =	shalt  }
0x86: {  	_ =	shalt  }
0x87: {  	_ =	shalt  }
.Lfunc_end0:
.L_simem_size_0:
called_computation_lowered:
.L_overlay_start_0:
0x88: {  	s2 =	sld [smem:$0x3FD9]  }
0x89: {  	s3 =	sld [smem:$0x3FFE];
	_ =	sdelay $0x1  }
0x8a: {  	s1 =	srdreg.scid  }
0x8b: {  	s0 =	sand.u32 $0x1, s1  }
0x8c: {  	s14 =	sshll.u32 s0, $0xA;
	s2 =	sadd.s32 s3, s2  }
0x8d: {  	s2 =	sadd.s32 s2, s14  }
0x8e: {  	[smem:$0x3FC2] =	sst s2  }
0x8f: {  	_ = 	snop  }
0x90: {  	s2 =	sld [smem:$0x3FD0];
	_ =	sdelay $0x2  }
0x91: {  	s15 =	simm.s32 $0xA;
	s4 =	simm.s32 $0x10  }
0x92: {  	[smem:s4], [sflag:s15] =	dma.local [hbm:s2], $0x1  }
0x93: {  	_ =	swait.eq [sflag:s15], $0x1  }
0x94: {  	[sflag:s15] =	ssyncset.done $0x0  }
0x95: {  	[sflag:s15] =	ssyncadd.s32 $0xFFFFFFFF  }
0x96: {  	s16 =	sld [smem:$0x12];
	(tm) =	ssettm $0x1  }
0x97: {  	s17 =	sld [smem:$0x3FFB];
	_ =	sdelay $0x3  }
0x98: {  	_ =	strace s17  }
0x99: {  	s3 =	sld [smem:$0x3FFC];
	_ =	sdelay $0x3  }
0x9a: {  	_ =	strace s3  }
0x9b: {  	s3 =	sld [smem:$0x3FFD];
	_ =	sdelay $0x3  }
0x9c: {  	_ =	strace s3  }
0x9d: {  	_ =	strace $0x8FFFFFFF  }
0x9e: {  	s18 =	sld [smem:$0x3FDB];
	_ =	sdelay $0x1  }
0x9f: {  	s19 =	simm.s32 $_scs_section_size  }
0xa0: {  	s5 =	simm.s32 $_size__tile_overlayer_lowered;
	s6 =	simm.s32 $_tile_overlayer_lowered  }
0xa1: {  	s22 =	simm.s32 $0x1BFF;
	s21 =	sshll.u32 s6, $0x1;
	s3 =	sadd.s32 s19, s18  }
0xa2: {  	s7 =	simm.s32 $0x0;
	s20 =	sshll.u32 s5, $0x1;
	s5 =	sadd.s32 s21, s3  }
0xa3: {  	[timem:s7], [sflag:s22] =	dma.local [hbm:s5], s20  }
0xa4: {  	_ =	swait.ge [sflag:s22], s20  }
0xa5: {  	s4 =	ssub.s32 $0x0, s20;
	[sflag:s22] =	ssyncset.done $0x0  }
0xa6: {  	[sflag:s22] =	ssyncadd.s32 s4;
	_ =	sdelay $0x1  }
0xa7: {  	s23 =	simm.s32 $0x1B8B  }
0xa8: {  	_ =	swait.ge [sflag:s23], $0x1  }
0xa9: {  	[sflag:s23] =	ssyncset.done $0x0  }
0xaa: {  	s25 =	simm.s32 $0x1B8E;
	s24 =	sld [smem:$0x3FFE];
	[sflag:s23] =	ssyncadd.s32 $0xFFFFFFFF  }
0xab: {  	s26 =	simm.s32 $execute0_lowered;
	[smem:$0x3FD2] =	sst s25  }
0xac: {  	s5 =	sshll.u32 s26, $0x1;
	_ =	strace $0x80000049;
	[dreg:$0x1] =	wrdreg $0xFFFFFFFF  }
0xad: {  	s28 =	simm.s32 $_size_execute0_lowered;
	s3 =	sadd.s32 s3, s5;
	[dreg:$0x0] =	wrdreg $0x0  }
0xae: {  	s5 =	sshll.u32 s28, $0x1;
	[dreg:$0x2] =	wrdreg s3  }
0xaf: {  	[dreg:$0x3] =	wrdreg s5  }
0xb0: {  	[dreg:$0x4] =	wrdreg $0xC0  }
0xb1: {  	_ =	task [dreg:s7], $0x5FFFF  }
0xb2: {  	[dreg:$0x1] =	wrdreg $0xFFFFFFFF  }
0xb3: {  	[dreg:$0x0] =	wrdreg $0x60  }
0xb4: {  	[dreg:$0x2] =	wrdreg s24  }
0xb5: {  	[dreg:$0x3] =	wrdreg s16  }
0xb6: {  	[dreg:$0x4] =	wrdreg $0x9  }
0xb7: {  	_ =	task.clear_ibuf [dreg:s7], $0x5FFFF;
	_ =	strace $0x90000049  }
0xb8: {  	s29 =	simm.s32 $0x9;
	_ =	strace $0x8000004B  }
0xb9: {  	_ =	swait.ge [sflag:s29], $0x1  }
0xba: {  	[sflag:s29] =	ssyncadd.s32 $0xFFFFFFFF  }
0xbb: {  	_ =	strace $0x9000004B  }
0xbc: {  	_ =	sfence  }
0xbd: {  	s30 =	sld [smem:$0x0];
	_ =	sdelay $0x2  }
0xbe: {  	s31 =	sshll.u32 s1, $0xD;
	s1 =	sshrl.u32 s1, $0x2  }
0xbf: {  	s3 =	sand.u32 $0x4000, s31;
	s1 =	sadd.s32 s1, s30  }
0xc0: {  	s0 =	sor.u32 s3, s0;
	s1 =	sshll.u32 s1, $0x11  }
0xc1: {  	s0 =	sor.u32 s1, s0  }
0xc2: {  	s0 =	sadd.s32 $0x8F2B, s0  }
0xc3: {  	[sflag:s0] =	ssyncadd.remote.s32 $0x1  }
0xc4: {  	_ =	sfence.sel $0xFFFF  }
0xc5: {  	[dreg:$0x0] =	wrdreg $0xFFFFFFFF;
	(pc) =	sbr.abs _section_cstart, $3  }
0xc6: {  	[dreg:$0x1] =	wrdreg $0xFFFFFFFF  }
0xc7: {  	_ =	task.clear_ibuf [dreg:s7], $0x2FFFF;
	_ =	strace $0x9FFFFFFF  }
0xc8: {  	(tm) =	ssettm $0x7FFFFFFF  }
0xc9: {  	_ =	shalt  }
tec
execute0_lowered:
.L_overlay_start_1:
0x0: {  	(tag) =	ssettag $0x1  }
0x1: {  	s1 =	srdreg.scid;
	s5 =	rddreg [dreg:$0x0]  }
0x2: {  	s0 =	stileid.u32;
	s2 =	rddreg [dreg:$0x1];
	s6 =	simm.s32 $0x1  }
0x3: {  	s9 =	simm.s32 $0x1;
	s10 =	simm.s32 $0x3;
	s1 =	sshll.u32 s1, $0xB  }
0x4: {  	s13 =	simm.s32 $0x0;
	s3 =	sshll.u32 s0, $0xC;
	s4 =	sand.u32 $0x800, s1  }
0x5: {  	s12 =	simm.s32 $0x0;
	s1 =	rddreg [dreg:$0x2];
	s3 =	sor.u32 s3, s4  }
0x6: {  	_ =	strace $0x8000004A;
	s4 =	sadd.s32 $0x10000, s5;
	s8 =	ssub.s32 $0x20000, s3  }
.Ltmp0:
0x7: {  	s5 =	sadd.s32 $0x20000, s5;
	s7 =	sand.u32 $0xF800, s8;
	(pc) =	sbr.rel .LBB2_1-.Ltmp0, $4  }
0x8: {  	[sflag:s6] =	ssyncpa.u1 $0x0;
	s11 =	smov.u32 s3;
	p0 =	sne.s32 s7, $0x0  }
0x9: {  	s8 =	sshrl.u32 s8, $0x10;
	s7 =	simm.s32 $0x2;
	s9 =	simm.s32 @!p0 $0x0  }
0xa: {  	[sflag:s7] =	ssyncpa.u1 $0x0;
	p0 =	por $0x0, $0x0;
	s8 =	sadd.s32 s9, s8  }
0xb: {  	vm0 =	vmmov $0xffff;
	[sflag:s10] =	ssyncpa.u1 $0x0;
	s10 =	simm.s32 $0x0;
	s9 =	sadd.s32 $0x1, s8  }
.LBB2_4:
0xc: {  	vm1 =	veq.s32 v0, $0x80000000;
	v63 =	vand.u32 $0x3FF, v0;
	v2 =	vand.u32 $0x1FF, v2  }
0xd: {  	v0 =	vsel vm1, $0xFFFFFFFF, v63;
	v2 =	vsel vm1, $0xFFFFFFFF, v2  }
0xe: {  	v3 =	vshll.u32 v0, $0x9;
	v4 =	vshll.u32 v2, $0x3  }
0xf: {  	v0 =	vshll.u32 v0, $0x7;
	v3 =	vand.u32 $0xFFFFF000, v3;
	v4 =	vand.u32 $0xFFFFFC00, v4  }
0x10: {  	v0 =	vand.u32 $0x380, v0;
	v3 =	vadd.s32 v3, v4  }
0x11: {  	v2 =	vand.u32 $0x7F, v2;
	v0 =	vor.u32 v0, v3  }
0x12: {  	v0 =	vor.u32 v2, v0;
	_ =	sdelay $0x1  }
0x13: {  	(ifvalue) =	ssetifvalue $0x7FFFFFFF;
	s14 =	sadd.s32 $0x10, s14  }
0x14: {  	[tilespmem:s14], [sflag:$0x1] =	stream.indirect_vreg.gather [hbm4b:s4+s10], $0x1, v1, vm0, $0x4038;
	[tilespmem:$0x2000] =	vst v63  }
0x15: {  	(ifvalue) =	ssetifvalue $0x7FFFFFFF;
	s14 =	sadd.s32 $0x10, s14  }
0x16: {  	[tilespmem:s14], [sflag:$0x1] =	stream.indirect_vreg.gather [hbm4b:s4+s10], $0x1, v0, vm0, $0x4038;
	[tilespmem:$0x2000] =	vst v63  }
0x17: {  	_ =	swait.ge [sflag:s6], $0x800  }
0x18: {  	s30 =	sshrl.u32 s13, $0x3;
	[sflag:s6] =	ssyncset.done $0x0  }
0x19: {  	s31 =	sand.u32 $0x7, s13;
	s14 =	sadd.s32 s5, s30;
	[sflag:s6] =	ssyncadd.s32 $0xFFFFF800  }
0x1a: {  	[hbm4b:s14+s31] =	stream.linear.scatter [tilespmem:s15], [sflag:$0x3], $0x800, $0x38;
	[tilespmem:$0x2000] =	vst v63  }
.LBB2_5:
0x1b: {  	s15 =	sadd.s32 $0x10000, s11  }
0x1c: {  	p2 =	sgt.s32 s15, $0x1FFFF  }
0x1d: {  	s15 =	smov.u32 @p2 s3;
	p2 =	sne.s32 s12, s9  }
.Ltmp1:
0x1e: {  	p1 =	slt.u32 s12, $0x2;
	(pc) =	sbr.rel @!p2 .LBB2_6-.Ltmp1, $4  }
0x1f: {  	s14 =	simm.s32 @!p1 $0x3  }
0x20: {  	s16 =	sadd.s32 $0x1, s12;
	_ =	swait.ge @!p1 [sflag:s14], $0x800  }
0x21: {  	s13 =	smov.u32 s11;
	p0 =	por !p0, !p0;
	[sflag:s14] =	ssyncset.done @!p1 $0x0  }
0x22: {  	s12 =	smov.u32 s16;
	s11 =	smov.u32 s15;
	[sflag:s14] =	ssyncadd.s32 @!p1 $0xFFFFF800  }
.LBB2_1:
0x23: {  	p1 =	sge.u32 s12, s8  }
0x24: {  	s14 =	sxor.u32 @!p1 $0xFFFFFFFF, s12  }
0x25: {  	s31 =	sadd.s32 $0xFFFFFFFF, s12;
	s15 =	sshrl.u32 @!p1 s11, $0x3;
	s14 =	sshll.u32 @!p1 s14, $0xB  }
0x26: {  	s16 =	sand.u32 @!p1 $0x7, s11;
	s15 =	sadd.s32 @!p1 s2, s15;
	s14 =	sand.u32 @!p1 $0x800, s14  }
0x27: {  	[tilespmem:s14], [sflag:$0x2] =	stream.linear.gather @!p1 [hbm4b:s15+s16], $0x800, $0x38;
	[tilespmem:$0x2000] =	vst v63  }
0x28: {  	p1 =	sge.u32 s31, s8  }
.Ltmp2:
0x29: {  	_ = 	snop;
	(pc) =	sbr.rel @p1 .LBB2_5-.Ltmp2, $1  }
0x2a: {  	_ =	sdelay $0x3  }
0x2b: {  	s14 =	simm.s32 $0x1  }
0x2c: {  	_ =	swait.ge [sflag:s7], $0x800;
	s14 =	simm.s32 @!p0 $0x0  }
0x2d: {  	[sflag:s7] =	ssyncset.done $0x0;
	s14 =	sshll.u32 s14, $0xB  }
0x2e: {  	[sflag:s7] =	ssyncadd.s32 $0xFFFFF800;
	(ifvalue) =	ssetifvalue $0x7FFFFFFF;
	v0 =	vld.msk [tilespmem:s14+$0x0 ss:$0x1], $0xffff;
	_ =	sdelay $0x3  }
0x2f: {  	s15 =	sadd.s32 $0x10, s14  }
0x30: {  	v2 =	vld.msk [tilespmem:s15+$0x0 ss:$0x1], $0xffff;
	v1 =	vshrl.u32 v0, $0xA  }
0x31: {  	vm1 =	veq.s32 v0, $0x80000000;
	v0 =	vand.u32 $0x3FF, v0;
	v1 =	vand.u32 $0x1FF, v1  }
0x32: {  	v0 =	vsel vm1, $0xFFFFFFFF, v0;
	v1 =	vsel vm1, $0xFFFFFFFF, v1  }
0x33: {  	v3 =	vshll.u32 v0, $0x9;
	v4 =	vshll.u32 v1, $0x3  }
0x34: {  	v0 =	vshll.u32 v0, $0x7;
	v3 =	vand.u32 $0xFFFFF000, v3;
	v4 =	vand.u32 $0xFFFFFC00, v4  }
0x35: {  	vm1 =	veq.s32 v2, $0x80000000;
	v0 =	vand.u32 $0x380, v0;
	v3 =	vadd.s32 v3, v4  }
0x36: {  	v1 =	vand.u32 $0x7F, v1;
	v0 =	vor.u32 v0, v3;
	v3 =	vshrl.u32 v2, $0xA  }
0x37: {  	s17 =	sadd.s32 $0x10, s15;
	v2 =	vand.u32 $0x3FF, v2;
	v1 =	vor.u32 v1, v0;
	v3 =	vand.u32 $0x1FF, v3  }
0x38: {  	v0 =	vld.msk [tilespmem:s17+$0x0 ss:$0x1], $0xffff;
	v2 =	vsel vm1, $0xFFFFFFFF, v2;
	v3 =	vsel vm1, $0xFFFFFFFF, v3  }
0x39: {  	v63 =	vshll.u32 v2, $0x9;
	v5 =	vshll.u32 v3, $0x3  }
0x3a: {  	s31 =	sshll.u32 s12, $0xB;
	v2 =	vshll.u32 v2, $0x7;
	v4 =	vand.u32 $0xFFFFF000, v63;
	v5 =	vand.u32 $0xFFFFFC00, v5  }
0x3b: {  	s14 =	sor.u32 $0x1000, s14;
	s15 =	sand.u32 $0x800, s31;
	(ifvalue) =	ssetifvalue $0x7FFFFFFF;
	v2 =	vand.u32 $0x380, v2;
	v4 =	vadd.s32 v4, v5  }
0x3c: {  	[tilespmem:s14], [sflag:$0x1] =	stream.indirect_vreg.gather [hbm4b:s4+s10], $0x1, v1, vm0, $0x4038;
	v1 =	vand.u32 $0x7F, v3;
	v3 =	vor.u32 v2, v4;
	[tilespmem:$0x2000] =	vst v63  }
0x3d: {  	s16 =	simm.s32 $0x20;
	s15 =	sor.u32 $0x1000, s15;
	s17 =	sadd.s32 $0x10, s17;
	v2 =	vshrl.u32 v0, $0xA;
	v1 =	vor.u32 v1, v3  }
.LBB2_3:
0x3e: {  	s16 =	sadd.s32 $0x10, s16;
	vm1 =	veq.s32 v0, $0x80000000;
	v3 =	vand.u32 $0x3FF, v0;
	v0 =	vld.msk [tilespmem:s17+$0x0 ss:$0x1], $0xffff;
	v2 =	vand.u32 $0x1FF, v2  }
0x3f: {  	p1 =	slt.u32 s16, $0x7F0;
	v3 =	vsel vm1, $0xFFFFFFFF, v3;
	v2 =	vsel vm1, $0xFFFFFFFF, v2  }
.Ltmp3:
0x40: {  	v4 =	vshll.u32 v3, $0x9;
	v5 =	vshll.u32 v2, $0x3;
	(pc) =	sbr.rel @p1 .LBB2_3-.Ltmp3, $4  }
0x41: {  	s14 =	sadd.s32 $0x10, s14;
	v3 =	vshll.u32 v3, $0x7;
	v4 =	vand.u32 $0xFFFFF000, v4;
	v5 =	vand.u32 $0xFFFFFC00, v5;
	(ifvalue) =	ssetifvalue $0x7FFFFFFF  }
0x42: {  	v3 =	vand.u32 $0x380, v3;
	v4 =	vadd.s32 v4, v5;
	[tilespmem:s14], [sflag:$0x1] =	stream.indirect_vreg.gather [hbm4b:s4+s10], $0x1, v1, vm0, $0x4038;
	[tilespmem:$0x2000] =	vst v63  }
0x43: {  	v1 =	vand.u32 $0x7F, v2;
	v3 =	vor.u32 v3, v4  }
0x44: {  	s17 =	sadd.s32 $0x10, s17;
	v2 =	vshrl.u32 v0, $0xA;
	v1 =	vor.u32 v1, v3  }
.Ltmp4:
0x45: {  	_ = 	snop;
	(pc) =	sbr.rel .LBB2_4-.Ltmp4, $1  }
0x46: {  	_ =	sdelay $0x3  }
.LBB2_6:
0x47: {  	_ =	sfence.sel $0x180000  }
0x48: {  	s2 =	simm.s32 $0x2;
	[bflag:$0x0] =	sbarrier.arrive $0xFFFF  }
0x49: {  	s30 =	simm.s32 $0x3;
	[sflag:s2] =	ssyncpa.u1 $0x1  }
0x4a: {  	s31 =	simm.s32 $0x1;
	[sflag:s30] =	ssyncpa.u1 $0x1  }
0x4b: {  	[sflag:s31] =	ssyncpa.u1 $0x1  }
0x4c: {  	p0 =	sne.s32 s0, $0x0;
	_ =	strace $0x9000004A  }
0x4d: {  	s0 =	sadd.s32 @!p0 $0x100000, s1;
	[bflag:$0x2] =	sbarrier.arrive $0xFFFF  }
0x4e: {  	[sflag:s0] =	ssyncadd.tile.s32 @!p0 $0x1;
	_ =	shalt  }
.Lfunc_end2:
_tile_overlayer_lowered:
.L_overlay_start_2:
0x4f: {  	(tag) =	ssettag $0x2  }
0x50: {  	s0 =	rddreg [dreg:$0x0];
	s2 =	stileid.u32  }
0x51: {  	s1 =	rddreg [dreg:$0x1];
	p0 =	sne.s32 s2, $0x0  }
0x52: {  	s3 =	rddreg [dreg:$0x2];
	[bflag:$0x3] =	sbarrier.arrive $0xFFFF;
	s2 =	simm.s32 @!p0 $0x1C01  }
0x53: {  	[timem:s3], [sflag:s2] =	dma.local @!p0 [hbm:s0], s1  }
0x54: {  	s0 =	simm.s32 @!p0 $0x1  }
0x55: {  	_ =	swait.ge @!p0 [sflag:s0], s1  }
0x56: {  	s1 =	ssub.s32 @!p0 $0x0, s1;
	[sflag:s0] =	ssyncset.done @!p0 $0x0  }
0x57: {  	[sflag:s0] =	ssyncadd.s32 @!p0 s1  }
0x58: {  	[bflag:$0x3] =	sbarrier.arrive $0xFFFF  }
0x59: {  	_ =	shalt  }

// kernel: kernel.4.cloned.1.call-start
scs
__scs_entry_jumppad:
0x0: {  	(pc) =	sbr.rel $0x88, $3  }
0x1: {  	(tag) =	ssettag $0x0;
	lr =	simm.s32 $0x1  }
0x2: {  	[smem:$0x3F9B] =	sst lr;
	_ =	strace $0xD0000000  }
0x3: {  	_ = 	snop  }
0x4: {  	_ = 	snop  }
0x5: {  	_ = 	snop  }
0x6: {  	_ = 	snop  }
0x7: {  	_ = 	snop  }
__scs_overlays_trampoline_lowered:
0x8: {  	[smem:$0x3FAA] =	sst s0  }
0x9: {  	[smem:$0x3FAB] =	sst s1  }
0xa: {  	[smem:$0x3FAC] =	sst s2  }
0xb: {  	[smem:$0x3FAD] =	sst s3  }
0xc: {  	[smem:$0x3FAE] =	sst s4  }
0xd: {  	[smem:$0x3FAF] =	sst s5  }
0xe: {  	[smem:$0x3FB0] =	sst s6  }
0xf: {  	[smem:$0x3FB1] =	sst s7  }
0x10: {  	[smem:$0x3FB2] =	sst s8  }
0x11: {  	[smem:$0x3FB3] =	sst s9;
	s0 =	simm.s32 @!p0 $0x0  }
0x12: {  	s1 =	sld [smem:$0x3F99];
	s0 =	simm.s32 @p0 $0x1  }
0x13: {  	[smem:$0x3FB4] =	sst s0;
	s0 =	simm.s32 @!p1 $0x0  }
0x14: {  	s2 =	sld [smem:$0x3F98];
	s0 =	simm.s32 @p1 $0x1  }
0x15: {  	[smem:$0x3FB5] =	sst s0;
	s0 =	simm.s32 @!p2 $0x0  }
0x16: {  	s3 =	sld [smem:$0x3FDB];
	s0 =	simm.s32 @p2 $0x1  }
0x17: {  	s4 =	simm.s32 $0x1BF5;
	[smem:$0x3FB7] =	sst s0  }
0x18: {  	s0 =	sld [smem:$0x3F9A];
	_ =	swait.ge [sflag:s4], $0x0  }
0x19: {  	s7 =	sld [smem:$0x3F9B]  }
0x1a: {  	s8 =	sadd.s32 $0xFFFFE003, lr  }
0x1b: {  	s9 =	sadd.s32 $0xFFFFFEF7, lr;
	s5 =	simm.s32 $0xFFFFFFFF;
	p2 =	slt.u32 s8, $0xFFFFF086  }
0x1c: {  	p1 =	slt.u32 s9, $0xF7A;
	s5 =	simm.s32 @!p2 $0x0  }
0x1d: {  	s5 =	simm.s32 @p1 $0x1;
	p0 =	seq.s32 s7, s2  }
0x1e: {  	s7 =	smul.u32 @!p0 $0xF7A, s2;
	p2 =	seq.s32 @!p0 s5, $0x0  }
0x1f: {  	s9 =	smul.u32 $0xF7A, s1;
	s8 =	simm.s32 @!p0 $0x1BF5;
	p2 =	por !p2, p0  }
0x20: {  	[sflag:s8] =	ssyncset.s32 @!p0 $0xFFFFF086;
	s6 =	sadd.s32 @!p0 s3, s7;
	s7 =	simm.s32 @!p0 $0x108  }
0x21: {  	s3 =	sadd.s32 s3, s9;
	s6 =	sadd.s32 @!p0 $0x88, s6;
	s7 =	simm.s32 @p2 $0x1082  }
0x22: {  	[simem:s7], [sflag:s8] =	dma.local @!p0 [hbm:s6], $0xF7A  }
0x23: {  	s9 =	sor.u32 $0xD0000000, s2;
	s6 =	simm.s32 $0x108;
	_ =	swait.ge @!p0 [sflag:s8], $0x0  }
0x24: {  	s3 =	sadd.s32 $0x88, s3;
	s6 =	simm.s32 @!p1 $0x1082;
	[sflag:s4] =	ssyncset.s32 $0xFFFFF086  }
0x25: {  	[simem:s6], [sflag:s4] =	dma.local [hbm:s3], $0xF7A  }
0x26: {  	[smem:$0x3F9B] =	sst s1;
	(tag) =	ssettag s2;
	_ =	strace s9  }
0x27: {  	s1 =	sld [smem:$0x3FAB]  }
0x28: {  	s2 =	sld [smem:$0x3FAC]  }
0x29: {  	s4 =	sld [smem:$0x3FAE]  }
0x2a: {  	p0 =	seq.s32 s5, $0x0;
	s5 =	sld [smem:$0x3FAF]  }
0x2b: {  	s6 =	sld [smem:$0x3FB0]  }
0x2c: {  	s7 =	sld [smem:$0x3FB1]  }
0x2d: {  	s3 =	simm.s32 $0x108;
	s8 =	sld [smem:$0x3FB2]  }
0x2e: {  	s3 =	simm.s32 @!p0 $0x1082;
	s9 =	sld [smem:$0x3FB3]  }
0x2f: {  	lr =	sadd.s32 s0, s3;
	s0 =	sld [smem:$0x3FAA]  }
0x30: {  	s3 =	sld [smem:$0x3FAD]  }
0x31: {  	[smem:$0x3FB6] =	sst s10  }
0x32: {  	s10 =	sld [smem:$0x3FB4];
	_ =	sdelay $0x3  }
0x33: {  	p0 =	seq.s32 s10, $0x1;
	s10 =	sld [smem:$0x3FB6];
	_ =	sdelay $0x3  }
0x34: {  	[smem:$0x3FB6] =	sst s10  }
0x35: {  	s10 =	sld [smem:$0x3FB5];
	_ =	sdelay $0x3  }
0x36: {  	p1 =	seq.s32 s10, $0x1;
	s10 =	sld [smem:$0x3FB6];
	_ =	sdelay $0x3  }
0x37: {  	[smem:$0x3FB6] =	sst s10  }
0x38: {  	s10 =	sld [smem:$0x3FB7]  }
0x39: {  	_ = 	snop;
	(pc) =	sbr.ind lr, $3  }
0x3a: {  	_ = 	snop  }
0x3b: {  	_ = 	snop  }
0x3c: {  	p2 =	seq.s32 s10, $0x1;
	s10 =	sld [smem:$0x3FB6]  }
0x3d: {  	_ =	shalt  }
0x3e: {  	_ =	shalt  }
0x3f: {  	_ =	shalt  }
0x40: {  	_ =	shalt  }
0x41: {  	_ =	shalt  }
0x42: {  	_ =	shalt  }
0x43: {  	_ =	shalt  }
0x44: {  	_ =	shalt  }
0x45: {  	_ =	shalt  }
0x46: {  	_ =	shalt  }
0x47: {  	_ =	shalt  }
0x48: {  	_ =	shalt  }
0x49: {  	_ =	shalt  }
0x4a: {  	_ =	shalt  }
0x4b: {  	_ =	shalt  }
0x4c: {  	_ =	shalt  }
0x4d: {  	_ =	shalt  }
0x4e: {  	_ =	shalt  }
0x4f: {  	_ =	shalt  }
0x50: {  	_ =	shalt  }
0x51: {  	_ =	shalt  }
0x52: {  	_ =	shalt  }
0x53: {  	_ =	shalt  }
0x54: {  	_ =	shalt  }
0x55: {  	_ =	shalt  }
0x56: {  	_ =	shalt  }
0x57: {  	_ =	shalt  }
0x58: {  	_ =	shalt  }
0x59: {  	_ =	shalt  }
0x5a: {  	_ =	shalt  }
0x5b: {  	_ =	shalt  }
0x5c: {  	_ =	shalt  }
0x5d: {  	_ =	shalt  }
0x5e: {  	_ =	shalt  }
0x5f: {  	_ =	shalt  }
0x60: {  	_ =	shalt  }
0x61: {  	_ =	shalt  }
0x62: {  	_ =	shalt  }
0x63: {  	_ =	shalt  }
0x64: {  	_ =	shalt  }
0x65: {  	_ =	shalt  }
0x66: {  	_ =	shalt  }
0x67: {  	_ =	shalt  }
0x68: {  	_ =	shalt  }
0x69: {  	_ =	shalt  }
0x6a: {  	_ =	shalt  }
0x6b: {  	_ =	shalt  }
0x6c: {  	_ =	shalt  }
0x6d: {  	_ =	shalt  }
0x6e: {  	_ =	shalt  }
0x6f: {  	_ =	shalt  }
0x70: {  	_ =	shalt  }
0x71: {  	_ =	shalt  }
0x72: {  	_ =	shalt  }
0x73: {  	_ =	shalt  }
0x74: {  	_ =	shalt  }
0x75: {  	_ =	shalt  }
0x76: {  	_ =	shalt  }
0x77: {  	_ =	shalt  }
0x78: {  	_ =	shalt  }
0x79: {  	_ =	shalt  }
0x7a: {  	_ =	shalt  }
0x7b: {  	_ =	shalt  }
0x7c: {  	_ =	shalt  }
0x7d: {  	_ =	shalt  }
0x7e: {  	_ =	shalt  }
0x7f: {  	_ =	shalt  }
0x80: {  	_ =	shalt  }
0x81: {  	_ =	shalt  }
0x82: {  	_ =	shalt  }
0x83: {  	_ =	shalt  }
0x84: {  	_ =	shalt  }
0x85: {  	_ =	shalt  }
0x86: {  	_ =	shalt  }
0x87: {  	_ =	shalt  }
.Lfunc_end0:
.L_simem_size_0:
called_computation.1_lowered:
.L_overlay_start_0:
0x88: {  	s2 =	sld [smem:$0x3FD9]  }
0x89: {  	s3 =	sld [smem:$0x3FFE];
	_ =	sdelay $0x1  }
0x8a: {  	s1 =	srdreg.scid  }
0x8b: {  	s0 =	sand.u32 $0x1, s1  }
0x8c: {  	s14 =	sshll.u32 s0, $0xA;
	s2 =	sadd.s32 s3, s2  }
0x8d: {  	s2 =	sadd.s32 s2, s14  }
0x8e: {  	[smem:$0x3FC2] =	sst s2  }
0x8f: {  	_ = 	snop  }
0x90: {  	s2 =	sld [smem:$0x3FD0];
	_ =	sdelay $0x2  }
0x91: {  	s15 =	simm.s32 $0xA;
	s4 =	simm.s32 $0x10  }
0x92: {  	[smem:s4], [sflag:s15] =	dma.local [hbm:s2], $0x1  }
0x93: {  	_ =	swait.eq [sflag:s15], $0x1  }
0x94: {  	[sflag:s15] =	ssyncset.done $0x0  }
0x95: {  	[sflag:s15] =	ssyncadd.s32 $0xFFFFFFFF  }
0x96: {  	s16 =	sld [smem:$0x11];
	(tm) =	ssettm $0x1  }
0x97: {  	s17 =	sld [smem:$0x3FFB];
	_ =	sdelay $0x3  }
0x98: {  	_ =	strace s17  }
0x99: {  	s3 =	sld [smem:$0x3FFC];
	_ =	sdelay $0x3  }
0x9a: {  	_ =	strace s3  }
0x9b: {  	s3 =	sld [smem:$0x3FFD];
	_ =	sdelay $0x3  }
0x9c: {  	_ =	strace s3  }
0x9d: {  	_ =	strace $0x8FFFFFFF  }
0x9e: {  	s18 =	sld [smem:$0x3FDB];
	_ =	sdelay $0x1  }
0x9f: {  	s19 =	simm.s32 $_scs_section_size  }
0xa0: {  	s5 =	simm.s32 $_size__tile_overlayer_lowered;
	s6 =	simm.s32 $_tile_overlayer_lowered  }
0xa1: {  	s22 =	simm.s32 $0x1BFF;
	s21 =	sshll.u32 s6, $0x1;
	s3 =	sadd.s32 s19, s18  }
0xa2: {  	s7 =	simm.s32 $0x0;
	s20 =	sshll.u32 s5, $0x1;
	s5 =	sadd.s32 s21, s3  }
0xa3: {  	[timem:s7], [sflag:s22] =	dma.local [hbm:s5], s20  }
0xa4: {  	_ =	swait.ge [sflag:s22], s20  }
0xa5: {  	s4 =	ssub.s32 $0x0, s20;
	[sflag:s22] =	ssyncset.done $0x0  }
0xa6: {  	[sflag:s22] =	ssyncadd.s32 s4;
	_ =	sdelay $0x1  }
0xa7: {  	s23 =	simm.s32 $0x1B8B  }
0xa8: {  	_ =	swait.ge [sflag:s23], $0x1  }
0xa9: {  	[sflag:s23] =	ssyncset.done $0x0  }
0xaa: {  	s25 =	simm.s32 $0x1B8E;
	s24 =	sld [smem:$0x3FFE];
	[sflag:s23] =	ssyncadd.s32 $0xFFFFFFFF  }
0xab: {  	s26 =	simm.s32 $execute0_lowered;
	[smem:$0x3FD2] =	sst s25  }
0xac: {  	s5 =	sshll.u32 s26, $0x1;
	_ =	strace $0x80000046;
	[dreg:$0x1] =	wrdreg $0xFFFFFFFF  }
0xad: {  	s28 =	simm.s32 $_size_execute0_lowered;
	s3 =	sadd.s32 s3, s5;
	[dreg:$0x0] =	wrdreg $0x0  }
0xae: {  	s5 =	sshll.u32 s28, $0x1;
	[dreg:$0x2] =	wrdreg s3  }
0xaf: {  	[dreg:$0x3] =	wrdreg s5  }
0xb0: {  	[dreg:$0x4] =	wrdreg $0xC0  }
0xb1: {  	_ =	task [dreg:s7], $0x5FFFF  }
0xb2: {  	[dreg:$0x1] =	wrdreg $0xFFFFFFFF  }
0xb3: {  	[dreg:$0x0] =	wrdreg $0x60  }
0xb4: {  	[dreg:$0x2] =	wrdreg s24  }
0xb5: {  	[dreg:$0x3] =	wrdreg s16  }
0xb6: {  	[dreg:$0x4] =	wrdreg $0x9  }
0xb7: {  	_ =	task.clear_ibuf [dreg:s7], $0x5FFFF;
	_ =	strace $0x90000046  }
0xb8: {  	s29 =	simm.s32 $0x9;
	_ =	strace $0x80000048  }
0xb9: {  	_ =	swait.ge [sflag:s29], $0x1  }
0xba: {  	[sflag:s29] =	ssyncadd.s32 $0xFFFFFFFF  }
0xbb: {  	_ =	strace $0x90000048  }
0xbc: {  	_ =	sfence  }
0xbd: {  	s30 =	sld [smem:$0x0];
	_ =	sdelay $0x2  }
0xbe: {  	s31 =	sshll.u32 s1, $0xD;
	s1 =	sshrl.u32 s1, $0x2  }
0xbf: {  	s3 =	sand.u32 $0x4000, s31;
	s1 =	sadd.s32 s1, s30  }
0xc0: {  	s0 =	sor.u32 s3, s0;
	s1 =	sshll.u32 s1, $0x11  }
0xc1: {  	s0 =	sor.u32 s1, s0  }
0xc2: {  	s0 =	sadd.s32 $0x8F2B, s0  }
0xc3: {  	[sflag:s0] =	ssyncadd.remote.s32 $0x1  }
0xc4: {  	_ =	sfence.sel $0xFFFF  }
0xc5: {  	[dreg:$0x0] =	wrdreg $0xFFFFFFFF;
	(pc) =	sbr.abs _section_cstart, $3  }
0xc6: {  	[dreg:$0x1] =	wrdreg $0xFFFFFFFF  }
0xc7: {  	_ =	task.clear_ibuf [dreg:s7], $0x2FFFF;
	_ =	strace $0x9FFFFFFF  }
0xc8: {  	(tm) =	ssettm $0x7FFFFFFF  }
0xc9: {  	_ =	shalt  }
tec
execute0_lowered:
.L_overlay_start_1:
0x0: {  	(tag) =	ssettag $0x1  }
0x1: {  	s1 =	rddreg [dreg:$0x0]  }
0x2: {  	s0 =	rddreg [dreg:$0x1];
	s2 =	simm.s32 $0x0  }
0x3: {  	s3 =	srdreg.scid;
	s30 =	stileid.u32;
	s16 =	simm.s32 $0x3  }
0x4: {  	s17 =	simm.s32 $0x80;
	s18 =	simm.s32 $0x400;
	s19 =	simm.s32 $0x200  }
0x5: {  	s20 =	simm.s32 $0x1;
	s21 =	simm.s32 $0x3400;
	s22 =	simm.s32 $0x2  }
0x6: {  	s23 =	simm.s32 $0x6600;
	s24 =	simm.s32 $0x6800;
	[smem:$0x7FF] =	sst s2  }
0x7: {  	s3 =	sand.u32 $0x1, s3;
	s4 =	sadd.s32 $0x18B8000, s1;
	s5 =	sadd.s32 $0x10000, s1  }
0x8: {  	s8 =	sshll.u32 s30, $0x1;
	s9 =	sadd.s32 $0x18B8030, s1;
	s10 =	sadd.s32 $0x18B8040, s1  }
0x9: {  	s12 =	sadd.s32 $0x18B8050, s1;
	s13 =	sadd.s32 $0x18B8060, s1;
	s6 =	ssub.s32 $0x2, s3  }
.Ltmp0:
0xa: {  	s3 =	sor.u32 s3, s8;
	s7 =	sshrl.u32 s6, $0x1;
	(pc) =	sbr.rel .LBB2_1-.Ltmp0, $4  }
0xb: {  	s15 =	ssub.s32 s6, s7;
	s6 =	sshll.u32 s3, $0x5;
	s3 =	sshll.u32 s3, $0x6  }
0xc: {  	s14 =	sadd.s32 $0x18B8070, s1;
	s2 =	simm.s32 $0x0;
	s0 =	sadd.s32 s0, s3  }
0xd: {  	_ =	strace $0x80000047;
	s31 =	smax.u32 s15, $0x1;
	[dreg:$0x3] =	wrdreg s0  }
0xe: {  	v0 =	vimm.f32 $+Inf;
	v1 =	vimm.s32 $0x40000000;
	v2 =	vlaneseq.u32;
	s8 =	sadd.s32 $0x18B8020, s1;
	s7 =	sadd.s32 $0x18B8010, s1;
	[dreg:$0x4] =	wrdreg s31  }
.LBB2_35:
0xf: {  	s2 =	rddreg [dreg:$0x5]  }
0x10: {  	s0 =	rddreg [dreg:$0x4];
	s2 =	sadd.s32 $0x1, s2  }
0x11: {  	p0 =	sne.s32 s2, s0  }
.Ltmp1:
0x12: {  	_ = 	snop;
	(pc) =	sbr.rel @!p0 .LBB2_36-.Ltmp1, $1  }
0x13: {  	_ =	sdelay $0x3  }
.LBB2_1:
0x14: {  	[dreg:$0x5] =	wrdreg s2  }
.Ltmp2:
0x15: {  	s0 =	simm.s32 $0x0;
	s31 =	rddreg [dreg:$0x3];
	(pc) =	sbr.rel .LBB2_2-.Ltmp2, $4  }
0x16: {  	[tilespmem:s0], [sflag:$0x3] =	stream.linear.gather [hbm4b:s31+s0], $0x200, $0x38;
	[tilespmem:$0x6A00] =	vst v63  }
0x17: {  	_ =	swait.ge [sflag:s16], $0x200  }
0x18: {  	[sflag:s16] =	ssyncset.done $0x0  }
0x19: {  	s26 =	simm.s32 $0x0;
	[sflag:s16] =	ssyncadd.s32 $0xFFFFFE00  }
.LBB2_34:
0x1a: {  	s0 =	sshll.u32 s28, $0x6  }
0x1b: {  	s2 =	sand.u32 $0x70, s29;
	s0 =	sand.u32 $0xFFFFE00, s0  }
0x1c: {  	s0 =	sor.u32 s2, s0  }
0x1d: {  	s2 =	sadd.s32 s1, s0  }
0x1e: {  	[hbm4b:s2+s17] =	stream.strided.scatter [tilespmem:s23], [sflag:$0x3], $0x200, s18, s17, $0x38;
	[tilespmem:$0x6A00] =	vst v63  }
0x1f: {  	s26 =	sadd.s32 $0x1, s26;
	_ =	swait.ge [sflag:s16], $0x200  }
0x20: {  	p0 =	sne.s32 s26, $0x20;
	[sflag:s16] =	ssyncset.done $0x0  }
.Ltmp3:
0x21: {  	s0 =	sadd.s32 s5, s0;
	[sflag:s16] =	ssyncadd.s32 $0xFFFFFE00;
	(pc) =	sbr.rel @!p0 .LBB2_35-.Ltmp3, $4  }
0x22: {  	[hbm4b:s0+s17] =	stream.strided.scatter [tilespmem:s24], [sflag:$0x3], $0x200, s18, s17, $0x38;
	[tilespmem:$0x6A00] =	vst v63  }
0x23: {  	_ =	swait.ge [sflag:s16], $0x200  }
0x24: {  	[sflag:s16] =	ssyncset.done $0x0  }
0x25: {  	[sflag:s16] =	ssyncadd.s32 $0xFFFFFE00  }
.LBB2_2:
0x26: {  	[tilespmem:$0x6600] =	vst v0  }
0x27: {  	[tilespmem:$0x6800] =	vst v1  }
0x28: {  	[tilespmem:$0x6610] =	vst v0  }
0x29: {  	[tilespmem:$0x6810] =	vst v1  }
0x2a: {  	[tilespmem:$0x6620] =	vst v0  }
0x2b: {  	[tilespmem:$0x6820] =	vst v1  }
0x2c: {  	[tilespmem:$0x6630] =	vst v0  }
0x2d: {  	[tilespmem:$0x6830] =	vst v1  }
0x2e: {  	[tilespmem:$0x6640] =	vst v0  }
0x2f: {  	[tilespmem:$0x6840] =	vst v1  }
0x30: {  	[tilespmem:$0x6650] =	vst v0  }
0x31: {  	[tilespmem:$0x6850] =	vst v1  }
0x32: {  	[tilespmem:$0x6660] =	vst v0  }
0x33: {  	[tilespmem:$0x6860] =	vst v1  }
0x34: {  	[tilespmem:$0x6670] =	vst v0  }
0x35: {  	[tilespmem:$0x6870] =	vst v1  }
0x36: {  	[tilespmem:$0x6680] =	vst v0  }
0x37: {  	[tilespmem:$0x6880] =	vst v1  }
0x38: {  	[tilespmem:$0x6690] =	vst v0  }
0x39: {  	[tilespmem:$0x6890] =	vst v1  }
0x3a: {  	[tilespmem:$0x66A0] =	vst v0  }
0x3b: {  	[tilespmem:$0x68A0] =	vst v1  }
0x3c: {  	[tilespmem:$0x66B0] =	vst v0  }
0x3d: {  	[tilespmem:$0x68B0] =	vst v1  }
0x3e: {  	[tilespmem:$0x66C0] =	vst v0  }
0x3f: {  	[tilespmem:$0x68C0] =	vst v1  }
0x40: {  	[tilespmem:$0x66D0] =	vst v0  }
0x41: {  	[tilespmem:$0x68D0] =	vst v1  }
0x42: {  	[tilespmem:$0x66E0] =	vst v0  }
0x43: {  	[tilespmem:$0x68E0] =	vst v1  }
0x44: {  	[tilespmem:$0x66F0] =	vst v0  }
0x45: {  	[tilespmem:$0x68F0] =	vst v1  }
0x46: {  	[tilespmem:$0x6700] =	vst v0  }
0x47: {  	[tilespmem:$0x6900] =	vst v1  }
0x48: {  	[tilespmem:$0x6710] =	vst v0  }
0x49: {  	[tilespmem:$0x6910] =	vst v1  }
0x4a: {  	[tilespmem:$0x6720] =	vst v0  }
0x4b: {  	[tilespmem:$0x6920] =	vst v1  }
0x4c: {  	[tilespmem:$0x6730] =	vst v0  }
0x4d: {  	[tilespmem:$0x6930] =	vst v1  }
0x4e: {  	[tilespmem:$0x6740] =	vst v0  }
0x4f: {  	[tilespmem:$0x6940] =	vst v1  }
0x50: {  	[tilespmem:$0x6750] =	vst v0  }
0x51: {  	[tilespmem:$0x6950] =	vst v1  }
0x52: {  	[tilespmem:$0x6760] =	vst v0  }
0x53: {  	[tilespmem:$0x6960] =	vst v1  }
0x54: {  	[tilespmem:$0x6770] =	vst v0  }
0x55: {  	[tilespmem:$0x6970] =	vst v1  }
0x56: {  	[tilespmem:$0x6780] =	vst v0  }
0x57: {  	[tilespmem:$0x6980] =	vst v1  }
0x58: {  	[tilespmem:$0x6790] =	vst v0  }
0x59: {  	[tilespmem:$0x6990] =	vst v1  }
0x5a: {  	[tilespmem:$0x67A0] =	vst v0  }
0x5b: {  	[tilespmem:$0x69A0] =	vst v1  }
0x5c: {  	[tilespmem:$0x67B0] =	vst v0  }
0x5d: {  	[tilespmem:$0x69B0] =	vst v1  }
0x5e: {  	[tilespmem:$0x67C0] =	vst v0  }
0x5f: {  	[tilespmem:$0x69C0] =	vst v1  }
0x60: {  	[tilespmem:$0x67D0] =	vst v0  }
0x61: {  	[tilespmem:$0x69D0] =	vst v1  }
0x62: {  	[tilespmem:$0x67E0] =	vst v0;
	s28 =	sadd.s32 s6, s26  }
0x63: {  	[tilespmem:$0x69E0] =	vst v1;
	s30 =	smul.u32 $0x3200, s28  }
0x64: {  	[tilespmem:$0x67F0] =	vst v0;
	s29 =	sshll.u32 s26, $0x4  }
0x65: {  	[tilespmem:$0x69F0] =	vst v1;
	s0 =	sand.u32 $0x3FFFFFF0, s29;
	s15 =	sadd.s32 s4, s30  }
0x66: {  	v3 =	vld [tilespmem:s0+$0x0];
	[tilespmem:s19], [sflag:$0x1] =	stream.strided.gather [hbm4b:s15+s17], $0x3200, s18, s17, $0x38  }
.Ltmp4:
0x67: {  	_ = 	snop;
	(pc) =	sbr.rel .LBB2_3-.Ltmp4, $4  }
0x68: {  	_ =	swait.ge [sflag:s20], $0x3200  }
0x69: {  	s31 =	simm.s32 $0x0;
	s3 =	simm.s32 $0x240;
	[sflag:s20] =	ssyncset.done $0x0  }
0x6a: {  	s0 =	simm.s32 $0x70;
	s25 =	sadd.s32 s30, s7;
	[sflag:s20] =	ssyncadd.s32 $0xFFFFCE00  }
0x6b: {  	[tilespmem:s21], [sflag:$0x2] =	stream.strided.gather [hbm4b:s25+s17], $0x3200, s18, s17, $0x38;
	[tilespmem:$0x6A00] =	vst v63  }
.LBB2_5:
0x6c: {  	s0 =	sadd.s32 $0x80, s0  }
0x6d: {  	p0 =	sne.s32 s0, $0x3270  }
.Ltmp5:
0x6e: {  	_ = 	snop;
	(pc) =	sbr.rel @!p0 .LBB2_6-.Ltmp5, $2  }
0x6f: {  	_ =	sdelay $0x2  }
0x70: {  	s3 =	sadd.s32 $0x80, s3  }
.LBB2_3:
0x71: {  	v11 =	vld [tilespmem:s3+$0xFFFFFFC0]  }
0x72: {  	v10 =	vld [tilespmem:s3+$0xFFFFFFD0]  }
0x73: {  	v9 =	vld [tilespmem:s3+$0xFFFFFFE0]  }
0x74: {  	v8 =	vld [tilespmem:s3+$0xFFFFFFF0]  }
0x75: {  	v7 =	vld [tilespmem:s3+$0x0]  }
0x76: {  	v6 =	vld [tilespmem:s3+$0x10]  }
0x77: {  	v5 =	vld [tilespmem:s3+$0x20];
	vm7 =	vle.f32 v11, v3;
	vm6 =	vle.f32 v10, v3  }
0x78: {  	v4 =	vld [tilespmem:s3+$0x30];
	vm5 =	vle.f32 v9, v3;
	vm0 =	vmor vm7, vm6  }
0x79: {  	vm4 =	vle.f32 v8, v3;
	vm0 =	vmor vm0, vm5  }
0x7a: {  	vm3 =	vle.f32 v7, v3;
	vm0 =	vmor vm0, vm4  }
0x7b: {  	vm2 =	vle.f32 v6, v3;
	vm0 =	vmor vm0, vm3  }
0x7c: {  	vm1 =	vle.f32 v5, v3;
	vm8 =	vmor vm0, vm2  }
0x7d: {  	vm0 =	vle.f32 v4, v3;
	vm8 =	vmor vm8, vm1  }
0x7e: {  	vm8 =	vmor vm8, vm0  }
0x7f: {  	v12 =	vmpcnt.ones.xlane vm8;
	_ =	sdelay $0x1  }
0x80: {  	(v2sf) =	vpush v12, $0x0;
	_ =	sdelay $0xe  }
0x81: {  	s2 =	spop (v2sf)  }
0x82: {  	p0 =	slt.s32 s2, $0x1  }
.Ltmp6:
0x83: {  	_ = 	snop;
	(pc) =	sbr.rel @p0 .LBB2_5-.Ltmp6, $1  }
0x84: {  	_ =	sdelay $0x3  }
0x85: {  	v12 =	vmpcnt.ones.xlane vm7;
	_ =	sdelay $0x1  }
0x86: {  	v50 =	vmpcnt.ones.xlane vm6;
	(v2sf) =	vpush v12, $0x0;
	_ =	sdelay $0x1  }
0x87: {  	v51 =	vmpcnt.ones.xlane vm5;
	(v2sf) =	vpush v50, $0x0;
	_ =	sdelay $0x1  }
0x88: {  	v52 =	vmpcnt.ones.xlane vm4;
	(v2sf) =	vpush v51, $0x0;
	_ =	sdelay $0x1  }
0x89: {  	v53 =	vmpcnt.ones.xlane vm3;
	(v2sf) =	vpush v52, $0x0;
	_ =	sdelay $0x1  }
0x8a: {  	v54 =	vmpcnt.ones.xlane vm2;
	(v2sf) =	vpush v53, $0x0  }
0x8b: {  	v55 =	vmpcnt.ones.xlane vm1  }
0x8c: {  	(v2sf) =	vpush v54, $0x0  }
0x8d: {  	(v2sf) =	vpush v55, $0x0  }
0x8e: {  	v56 =	vmpcnt.ones.xlane vm0;
	_ =	sdelay $0x1  }
0x8f: {  	(v2sf) =	vpush v56, $0x0  }
0x90: {  	p0 =	slt.s32 s31, $0x1F0;
	s2 =	spop (v2sf)  }
0x91: {  	s15 =	sadd.s32 $0xFFFFFF90, s0;
	s2 =	sadd.s32 s31, s2;
	s31 =	simm.s32 @!p0 $0x1F0  }
0x92: {  	v57 =	vor.u32 s15, v2;
	s11 =	spop (v2sf);
	[tilespmem:s31+$0x6600] =	vst.msk vm7, v11;
	p0 =	slt.s32 s2, $0x1F0  }
0x93: {  	s25 =	sadd.s32 $0xFFFFFFA0, s0;
	s11 =	sadd.s32 s2, s11;
	[tilespmem:s31+$0x6800] =	vst.msk vm7, v57;
	s2 =	simm.s32 @!p0 $0x1F0  }
0x94: {  	v58 =	vor.u32 s25, v2;
	s15 =	spop (v2sf);
	p0 =	slt.s32 s11, $0x1F0;
	[tilespmem:s2+$0x6600] =	vst.msk vm6, v10  }
0x95: {  	s15 =	sadd.s32 s11, s15;
	s31 =	sadd.s32 $0xFFFFFFB0, s0;
	s11 =	simm.s32 @!p0 $0x1F0;
	[tilespmem:s2+$0x6800] =	vst.msk vm6, v58  }
0x96: {  	s25 =	spop (v2sf);
	v59 =	vor.u32 s31, v2;
	p0 =	slt.s32 s15, $0x1F0;
	[tilespmem:s11+$0x6600] =	vst.msk vm5, v9  }
0x97: {  	s31 =	sadd.s32 $0xFFFFFFC0, s0;
	s2 =	sadd.s32 s15, s25;
	s15 =	simm.s32 @!p0 $0x1F0;
	[tilespmem:s11+$0x6800] =	vst.msk vm5, v59  }
0x98: {  	s25 =	spop (v2sf);
	v60 =	vor.u32 s31, v2;
	p0 =	slt.s32 s2, $0x1F0;
	[tilespmem:s15+$0x6600] =	vst.msk vm4, v8  }
0x99: {  	s31 =	sadd.s32 $0xFFFFFFD0, s0;
	s11 =	sadd.s32 s2, s25;
	s2 =	simm.s32 @!p0 $0x1F0;
	[tilespmem:s15+$0x6800] =	vst.msk vm4, v60  }
0x9a: {  	v61 =	vor.u32 s31, v2;
	s31 =	sadd.s32 $0xFFFFFFE0, s0;
	s25 =	spop (v2sf);
	p0 =	slt.s32 s11, $0x1F0;
	[tilespmem:s2+$0x6600] =	vst.msk vm3, v7  }
0x9b: {  	s15 =	sadd.s32 s11, s25;
	s25 =	spop (v2sf);
	s11 =	simm.s32 @!p0 $0x1F0;
	[tilespmem:s2+$0x6800] =	vst.msk vm3, v61  }
0x9c: {  	v62 =	vor.u32 s31, v2;
	p0 =	slt.s32 s15, $0x1F0;
	s2 =	sadd.s32 s15, s25;
	[tilespmem:s11+$0x6600] =	vst.msk vm2, v6  }
.Ltmp7:
0x9d: {  	s25 =	sadd.s32 $0xFFFFFFF0, s0;
	s15 =	simm.s32 @!p0 $0x1F0;
	[tilespmem:s11+$0x6800] =	vst.msk vm2, v62;
	(pc) =	sbr.rel .LBB2_5-.Ltmp7, $4  }
0x9e: {  	v63 =	vor.u32 s25, v2;
	p0 =	slt.s32 s2, $0x1F0;
	s11 =	spop (v2sf);
	[tilespmem:s15+$0x6600] =	vst.msk vm1, v5  }
0x9f: {  	s31 =	sadd.s32 s2, s11;
	s2 =	simm.s32 @!p0 $0x1F0;
	[tilespmem:s15+$0x6800] =	vst.msk vm1, v63  }
0xa0: {  	v5 =	vor.u32 s0, v2;
	[tilespmem:s2+$0x6600] =	vst.msk vm0, v4  }
0xa1: {  	[tilespmem:s2+$0x6800] =	vst.msk vm0, v5  }
.LBB2_6:
.Ltmp8:
0xa2: {  	_ =	swait.ge [sflag:s22], $0x3200;
	(pc) =	sbr.rel .LBB2_7-.Ltmp8, $4  }
0xa3: {  	[sflag:s22] =	ssyncset.done $0x0  }
0xa4: {  	s0 =	sadd.s32 s30, s8;
	[sflag:s22] =	ssyncadd.s32 $0xFFFFCE00  }
0xa5: {  	[tilespmem:s19], [sflag:$0x1] =	stream.strided.gather [hbm4b:s0+s17], $0x3200, s18, s17, $0x38;
	[tilespmem:$0x6A00] =	vst v63  }
0xa6: {  	s3 =	simm.s32 $0x3440;
	s0 =	simm.s32 $0x3200  }
.LBB2_9:
0xa7: {  	s0 =	sadd.s32 $0x80, s0  }
0xa8: {  	p0 =	sne.s32 s0, $0x6400  }
.Ltmp9:
0xa9: {  	_ = 	snop;
	(pc) =	sbr.rel @!p0 .LBB2_10-.Ltmp9, $2  }
0xaa: {  	_ =	sdelay $0x2  }
0xab: {  	s3 =	sadd.s32 $0x80, s3  }
.LBB2_7:
0xac: {  	v11 =	vld [tilespmem:s3+$0xFFFFFFC0]  }
0xad: {  	v10 =	vld [tilespmem:s3+$0xFFFFFFD0]  }
0xae: {  	v9 =	vld [tilespmem:s3+$0xFFFFFFE0]  }
0xaf: {  	v8 =	vld [tilespmem:s3+$0xFFFFFFF0]  }
0xb0: {  	v7 =	vld [tilespmem:s3+$0x0]  }
0xb1: {  	v6 =	vld [tilespmem:s3+$0x10]  }
0xb2: {  	v5 =	vld [tilespmem:s3+$0x20];
	vm7 =	vle.f32 v11, v3;
	vm6 =	vle.f32 v10, v3  }
0xb3: {  	v4 =	vld [tilespmem:s3+$0x30];
	vm5 =	vle.f32 v9, v3;
	vm0 =	vmor vm7, vm6  }
0xb4: {  	vm4 =	vle.f32 v8, v3;
	vm0 =	vmor vm0, vm5  }
0xb5: {  	vm3 =	vle.f32 v7, v3;
	vm0 =	vmor vm0, vm4  }
0xb6: {  	vm2 =	vle.f32 v6, v3;
	vm0 =	vmor vm0, vm3  }
0xb7: {  	vm1 =	vle.f32 v5, v3;
	vm8 =	vmor vm0, vm2  }
0xb8: {  	vm0 =	vle.f32 v4, v3;
	vm8 =	vmor vm8, vm1  }
0xb9: {  	vm8 =	vmor vm8, vm0  }
0xba: {  	v12 =	vmpcnt.ones.xlane vm8;
	_ =	sdelay $0x1  }
0xbb: {  	(v2sf) =	vpush v12, $0x0;
	_ =	sdelay $0xe  }
0xbc: {  	s2 =	spop (v2sf)  }
0xbd: {  	p0 =	slt.s32 s2, $0x1  }
.Ltmp10:
0xbe: {  	_ = 	snop;
	(pc) =	sbr.rel @p0 .LBB2_9-.Ltmp10, $1  }
0xbf: {  	_ =	sdelay $0x3  }
0xc0: {  	v12 =	vmpcnt.ones.xlane vm7;
	_ =	sdelay $0x1  }
0xc1: {  	v50 =	vmpcnt.ones.xlane vm6;
	(v2sf) =	vpush v12, $0x0  }
0xc2: {  	v51 =	vmpcnt.ones.xlane vm5  }
0xc3: {  	(v2sf) =	vpush v50, $0x0  }
0xc4: {  	v52 =	vmpcnt.ones.xlane vm4;
	(v2sf) =	vpush v51, $0x0;
	_ =	sdelay $0x1  }
0xc5: {  	v53 =	vmpcnt.ones.xlane vm3;
	(v2sf) =	vpush v52, $0x0;
	_ =	sdelay $0x1  }
0xc6: {  	v54 =	vmpcnt.ones.xlane vm2;
	(v2sf) =	vpush v53, $0x0;
	_ =	sdelay $0x1  }
0xc7: {  	v55 =	vmpcnt.ones.xlane vm1;
	(v2sf) =	vpush v54, $0x0;
	_ =	sdelay $0x1  }
0xc8: {  	(v2sf) =	vpush v55, $0x0  }
0xc9: {  	v56 =	vmpcnt.ones.xlane vm0;
	_ =	sdelay $0x1  }
0xca: {  	(v2sf) =	vpush v56, $0x0  }
0xcb: {  	p0 =	slt.s32 s31, $0x1F0;
	s2 =	spop (v2sf)  }
0xcc: {  	s2 =	sadd.s32 s31, s2;
	s31 =	simm.s32 @!p0 $0x1F0  }
0xcd: {  	v57 =	vor.u32 s0, v2;
	s25 =	sadd.s32 $0x10, s0;
	s11 =	spop (v2sf);
	[tilespmem:s31+$0x6600] =	vst.msk vm7, v11;
	p0 =	slt.s32 s2, $0x1F0  }
0xce: {  	s11 =	sadd.s32 s2, s11;
	s15 =	spop (v2sf);
	[tilespmem:s31+$0x6800] =	vst.msk vm7, v57;
	s2 =	simm.s32 @!p0 $0x1F0  }
0xcf: {  	v58 =	vor.u32 s25, v2;
	p0 =	slt.s32 s11, $0x1F0;
	s15 =	sadd.s32 s11, s15;
	[tilespmem:s2+$0x6600] =	vst.msk vm6, v10  }
0xd0: {  	s25 =	spop (v2sf);
	s11 =	simm.s32 @!p0 $0x1F0;
	[tilespmem:s2+$0x6800] =	vst.msk vm6, v58;
	s2 =	sadd.s32 $0x20, s0  }
0xd1: {  	p0 =	slt.s32 s15, $0x1F0;
	v59 =	vor.u32 s2, v2;
	[tilespmem:s11+$0x6600] =	vst.msk vm5, v9;
	s2 =	sadd.s32 s15, s25  }
0xd2: {  	s25 =	spop (v2sf);
	s15 =	simm.s32 @!p0 $0x1F0;
	[tilespmem:s11+$0x6800] =	vst.msk vm5, v59;
	s11 =	sadd.s32 $0x30, s0  }
0xd3: {  	p0 =	slt.s32 s2, $0x1F0;
	v60 =	vor.u32 s11, v2;
	[tilespmem:s15+$0x6600] =	vst.msk vm4, v8;
	s11 =	sadd.s32 s2, s25  }
0xd4: {  	s25 =	spop (v2sf);
	s2 =	simm.s32 @!p0 $0x1F0;
	[tilespmem:s15+$0x6800] =	vst.msk vm4, v60;
	s15 =	sadd.s32 $0x40, s0  }
0xd5: {  	p0 =	slt.s32 s11, $0x1F0;
	v61 =	vor.u32 s15, v2;
	[tilespmem:s2+$0x6600] =	vst.msk vm3, v7;
	s15 =	sadd.s32 s11, s25  }
0xd6: {  	s25 =	spop (v2sf);
	s11 =	simm.s32 @!p0 $0x1F0;
	[tilespmem:s2+$0x6800] =	vst.msk vm3, v61;
	s2 =	sadd.s32 $0x50, s0  }
0xd7: {  	p0 =	slt.s32 s15, $0x1F0;
	v62 =	vor.u32 s2, v2;
	[tilespmem:s11+$0x6600] =	vst.msk vm2, v6;
	s2 =	sadd.s32 s15, s25  }
.Ltmp11:
0xd8: {  	s15 =	simm.s32 @!p0 $0x1F0;
	[tilespmem:s11+$0x6800] =	vst.msk vm2, v62;
	s11 =	sadd.s32 $0x60, s0;
	(pc) =	sbr.rel .LBB2_9-.Ltmp11, $4  }
0xd9: {  	s25 =	spop (v2sf);
	p0 =	slt.s32 s2, $0x1F0;
	v63 =	vor.u32 s11, v2;
	[tilespmem:s15+$0x6600] =	vst.msk vm1, v5  }
0xda: {  	s31 =	sadd.s32 s2, s25;
	s25 =	sadd.s32 $0x70, s0;
	s2 =	simm.s32 @!p0 $0x1F0;
	[tilespmem:s15+$0x6800] =	vst.msk vm1, v63  }
0xdb: {  	v5 =	vor.u32 s25, v2;
	[tilespmem:s2+$0x6600] =	vst.msk vm0, v4  }
0xdc: {  	[tilespmem:s2+$0x6800] =	vst.msk vm0, v5  }
.LBB2_10:
.Ltmp12:
0xdd: {  	_ =	swait.ge [sflag:s20], $0x3200;
	(pc) =	sbr.rel .LBB2_11-.Ltmp12, $4  }
0xde: {  	[sflag:s20] =	ssyncset.done $0x0  }
0xdf: {  	s0 =	sadd.s32 s30, s9;
	[sflag:s20] =	ssyncadd.s32 $0xFFFFCE00  }
0xe0: {  	[tilespmem:s21], [sflag:$0x2] =	stream.strided.gather [hbm4b:s0+s17], $0x3200, s18, s17, $0x38;
	[tilespmem:$0x6A00] =	vst v63  }
0xe1: {  	s3 =	simm.s32 $0x240;
	s0 =	simm.s32 $0x6400  }
.LBB2_13:
0xe2: {  	s0 =	sadd.s32 $0x80, s0  }
0xe3: {  	p0 =	sne.s32 s0, $0x9600  }
.Ltmp13:
0xe4: {  	_ = 	snop;
	(pc) =	sbr.rel @!p0 .LBB2_14-.Ltmp13, $2  }
0xe5: {  	_ =	sdelay $0x2  }
0xe6: {  	s3 =	sadd.s32 $0x80, s3  }
.LBB2_11:
0xe7: {  	v11 =	vld [tilespmem:s3+$0xFFFFFFC0]  }
0xe8: {  	v10 =	vld [tilespmem:s3+$0xFFFFFFD0]  }
0xe9: {  	v9 =	vld [tilespmem:s3+$0xFFFFFFE0]  }
0xea: {  	v8 =	vld [tilespmem:s3+$0xFFFFFFF0]  }
0xeb: {  	v7 =	vld [tilespmem:s3+$0x0]  }
0xec: {  	v6 =	vld [tilespmem:s3+$0x10]  }
0xed: {  	v5 =	vld [tilespmem:s3+$0x20];
	vm7 =	vle.f32 v11, v3;
	vm6 =	vle.f32 v10, v3  }
0xee: {  	v4 =	vld [tilespmem:s3+$0x30];
	vm5 =	vle.f32 v9, v3;
	vm0 =	vmor vm7, vm6  }
0xef: {  	vm4 =	vle.f32 v8, v3;
	vm0 =	vmor vm0, vm5  }
0xf0: {  	vm3 =	vle.f32 v7, v3;
	vm0 =	vmor vm0, vm4  }
0xf1: {  	vm2 =	vle.f32 v6, v3;
	vm0 =	vmor vm0, vm3  }
0xf2: {  	vm1 =	vle.f32 v5, v3;
	vm8 =	vmor vm0, vm2  }
0xf3: {  	vm0 =	vle.f32 v4, v3;
	vm8 =	vmor vm8, vm1  }
0xf4: {  	vm8 =	vmor vm8, vm0  }
0xf5: {  	v12 =	vmpcnt.ones.xlane vm8;
	_ =	sdelay $0x1  }
0xf6: {  	(v2sf) =	vpush v12, $0x0;
	_ =	sdelay $0xe  }
0xf7: {  	s2 =	spop (v2sf)  }
0xf8: {  	p0 =	slt.s32 s2, $0x1  }
.Ltmp14:
0xf9: {  	_ = 	snop;
	(pc) =	sbr.rel @p0 .LBB2_13-.Ltmp14, $1  }
0xfa: {  	_ =	sdelay $0x3  }
0xfb: {  	v12 =	vmpcnt.ones.xlane vm7;
	_ =	sdelay $0x1  }
0xfc: {  	v50 =	vmpcnt.ones.xlane vm6;
	(v2sf) =	vpush v12, $0x0  }
0xfd: {  	v51 =	vmpcnt.ones.xlane vm5  }
0xfe: {  	(v2sf) =	vpush v50, $0x0  }
0xff: {  	v52 =	vmpcnt.ones.xlane vm4;
	(v2sf) =	vpush v51, $0x0;
	_ =	sdelay $0x1  }
0x100: {  	v53 =	vmpcnt.ones.xlane vm3;
	(v2sf) =	vpush v52, $0x0;
	_ =	sdelay $0x1  }
0x101: {  	v54 =	vmpcnt.ones.xlane vm2;
	(v2sf) =	vpush v53, $0x0;
	_ =	sdelay $0x1  }
0x102: {  	v55 =	vmpcnt.ones.xlane vm1;
	(v2sf) =	vpush v54, $0x0;
	_ =	sdelay $0x1  }
0x103: {  	(v2sf) =	vpush v55, $0x0  }
0x104: {  	v56 =	vmpcnt.ones.xlane vm0;
	_ =	sdelay $0x1  }
0x105: {  	(v2sf) =	vpush v56, $0x0  }
0x106: {  	p0 =	slt.s32 s31, $0x1F0;
	s2 =	spop (v2sf)  }
0x107: {  	s2 =	sadd.s32 s31, s2;
	s31 =	simm.s32 @!p0 $0x1F0  }
0x108: {  	v57 =	vor.u32 s0, v2;
	s25 =	sadd.s32 $0x10, s0;
	s11 =	spop (v2sf);
	[tilespmem:s31+$0x6600] =	vst.msk vm7, v11;
	p0 =	slt.s32 s2, $0x1F0  }
0x109: {  	s11 =	sadd.s32 s2, s11;
	s15 =	spop (v2sf);
	[tilespmem:s31+$0x6800] =	vst.msk vm7, v57;
	s2 =	simm.s32 @!p0 $0x1F0  }
0x10a: {  	v58 =	vor.u32 s25, v2;
	p0 =	slt.s32 s11, $0x1F0;
	s15 =	sadd.s32 s11, s15;
	[tilespmem:s2+$0x6600] =	vst.msk vm6, v10  }
0x10b: {  	s25 =	spop (v2sf);
	s11 =	simm.s32 @!p0 $0x1F0;
	[tilespmem:s2+$0x6800] =	vst.msk vm6, v58;
	s2 =	sadd.s32 $0x20, s0  }
0x10c: {  	p0 =	slt.s32 s15, $0x1F0;
	v59 =	vor.u32 s2, v2;
	[tilespmem:s11+$0x6600] =	vst.msk vm5, v9;
	s2 =	sadd.s32 s15, s25  }
0x10d: {  	s25 =	spop (v2sf);
	s15 =	simm.s32 @!p0 $0x1F0;
	[tilespmem:s11+$0x6800] =	vst.msk vm5, v59;
	s11 =	sadd.s32 $0x30, s0  }
0x10e: {  	p0 =	slt.s32 s2, $0x1F0;
	v60 =	vor.u32 s11, v2;
	[tilespmem:s15+$0x6600] =	vst.msk vm4, v8;
	s11 =	sadd.s32 s2, s25  }
0x10f: {  	s25 =	spop (v2sf);
	s2 =	simm.s32 @!p0 $0x1F0;
	[tilespmem:s15+$0x6800] =	vst.msk vm4, v60;
	s15 =	sadd.s32 $0x40, s0  }
0x110: {  	p0 =	slt.s32 s11, $0x1F0;
	v61 =	vor.u32 s15, v2;
	[tilespmem:s2+$0x6600] =	vst.msk vm3, v7;
	s15 =	sadd.s32 s11, s25  }
0x111: {  	s25 =	spop (v2sf);
	s11 =	simm.s32 @!p0 $0x1F0;
	[tilespmem:s2+$0x6800] =	vst.msk vm3, v61;
	s2 =	sadd.s32 $0x50, s0  }
0x112: {  	p0 =	slt.s32 s15, $0x1F0;
	v62 =	vor.u32 s2, v2;
	[tilespmem:s11+$0x6600] =	vst.msk vm2, v6;
	s2 =	sadd.s32 s15, s25  }
.Ltmp15:
0x113: {  	s15 =	simm.s32 @!p0 $0x1F0;
	[tilespmem:s11+$0x6800] =	vst.msk vm2, v62;
	s11 =	sadd.s32 $0x60, s0;
	(pc) =	sbr.rel .LBB2_13-.Ltmp15, $4  }
0x114: {  	s25 =	spop (v2sf);
	p0 =	slt.s32 s2, $0x1F0;
	v63 =	vor.u32 s11, v2;
	[tilespmem:s15+$0x6600] =	vst.msk vm1, v5  }
0x115: {  	s31 =	sadd.s32 s2, s25;
	s25 =	sadd.s32 $0x70, s0;
	s2 =	simm.s32 @!p0 $0x1F0;
	[tilespmem:s15+$0x6800] =	vst.msk vm1, v63  }
0x116: {  	v5 =	vor.u32 s25, v2;
	[tilespmem:s2+$0x6600] =	vst.msk vm0, v4  }
0x117: {  	[tilespmem:s2+$0x6800] =	vst.msk vm0, v5  }
.LBB2_14:
.Ltmp16:
0x118: {  	_ =	swait.ge [sflag:s22], $0x3200;
	(pc) =	sbr.rel .LBB2_15-.Ltmp16, $4  }
0x119: {  	[sflag:s22] =	ssyncset.done $0x0  }
0x11a: {  	s0 =	sadd.s32 s30, s10;
	[sflag:s22] =	ssyncadd.s32 $0xFFFFCE00  }
0x11b: {  	[tilespmem:s19], [sflag:$0x1] =	stream.strided.gather [hbm4b:s0+s17], $0x3200, s18, s17, $0x38;
	[tilespmem:$0x6A00] =	vst v63  }
0x11c: {  	s3 =	simm.s32 $0x3440;
	s0 =	simm.s32 $0x9600  }
.LBB2_17:
0x11d: {  	s0 =	sadd.s32 $0x80, s0  }
0x11e: {  	p0 =	sne.s32 s0, $0xC800  }
.Ltmp17:
0x11f: {  	_ = 	snop;
	(pc) =	sbr.rel @!p0 .LBB2_18-.Ltmp17, $2  }
0x120: {  	_ =	sdelay $0x2  }
0x121: {  	s3 =	sadd.s32 $0x80, s3  }
.LBB2_15:
0x122: {  	v11 =	vld [tilespmem:s3+$0xFFFFFFC0]  }
0x123: {  	v10 =	vld [tilespmem:s3+$0xFFFFFFD0]  }
0x124: {  	v9 =	vld [tilespmem:s3+$0xFFFFFFE0]  }
0x125: {  	v8 =	vld [tilespmem:s3+$0xFFFFFFF0]  }
0x126: {  	v7 =	vld [tilespmem:s3+$0x0]  }
0x127: {  	v6 =	vld [tilespmem:s3+$0x10]  }
0x128: {  	v5 =	vld [tilespmem:s3+$0x20];
	vm7 =	vle.f32 v11, v3;
	vm6 =	vle.f32 v10, v3  }
0x129: {  	v4 =	vld [tilespmem:s3+$0x30];
	vm5 =	vle.f32 v9, v3;
	vm0 =	vmor vm7, vm6  }
0x12a: {  	vm4 =	vle.f32 v8, v3;
	vm0 =	vmor vm0, vm5  }
0x12b: {  	vm3 =	vle.f32 v7, v3;
	vm0 =	vmor vm0, vm4  }
0x12c: {  	vm2 =	vle.f32 v6, v3;
	vm0 =	vmor vm0, vm3  }
0x12d: {  	vm1 =	vle.f32 v5, v3;
	vm8 =	vmor vm0, vm2  }
0x12e: {  	vm0 =	vle.f32 v4, v3;
	vm8 =	vmor vm8, vm1  }
0x12f: {  	vm8 =	vmor vm8, vm0  }
0x130: {  	v12 =	vmpcnt.ones.xlane vm8;
	_ =	sdelay $0x1  }
0x131: {  	(v2sf) =	vpush v12, $0x0;
	_ =	sdelay $0xe  }
0x132: {  	s2 =	spop (v2sf)  }
0x133: {  	p0 =	slt.s32 s2, $0x1  }
.Ltmp18:
0x134: {  	_ = 	snop;
	(pc) =	sbr.rel @p0 .LBB2_17-.Ltmp18, $1  }
0x135: {  	_ =	sdelay $0x3  }
0x136: {  	v12 =	vmpcnt.ones.xlane vm7;
	_ =	sdelay $0x1  }
0x137: {  	v50 =	vmpcnt.ones.xlane vm6;
	(v2sf) =	vpush v12, $0x0  }
0x138: {  	v51 =	vmpcnt.ones.xlane vm5  }
0x139: {  	(v2sf) =	vpush v50, $0x0  }
0x13a: {  	v52 =	vmpcnt.ones.xlane vm4;
	(v2sf) =	vpush v51, $0x0;
	_ =	sdelay $0x1  }
0x13b: {  	v53 =	vmpcnt.ones.xlane vm3;
	(v2sf) =	vpush v52, $0x0;
	_ =	sdelay $0x1  }
0x13c: {  	v54 =	vmpcnt.ones.xlane vm2;
	(v2sf) =	vpush v53, $0x0;
	_ =	sdelay $0x1  }
0x13d: {  	v55 =	vmpcnt.ones.xlane vm1;
	(v2sf) =	vpush v54, $0x0;
	_ =	sdelay $0x1  }
0x13e: {  	(v2sf) =	vpush v55, $0x0  }
0x13f: {  	v56 =	vmpcnt.ones.xlane vm0;
	_ =	sdelay $0x1  }
0x140: {  	(v2sf) =	vpush v56, $0x0  }
0x141: {  	p0 =	slt.s32 s31, $0x1F0;
	s2 =	spop (v2sf)  }
0x142: {  	s2 =	sadd.s32 s31, s2;
	s31 =	simm.s32 @!p0 $0x1F0  }
0x143: {  	v57 =	vor.u32 s0, v2;
	s25 =	sadd.s32 $0x10, s0;
	s11 =	spop (v2sf);
	[tilespmem:s31+$0x6600] =	vst.msk vm7, v11;
	p0 =	slt.s32 s2, $0x1F0  }
0x144: {  	s11 =	sadd.s32 s2, s11;
	s15 =	spop (v2sf);
	[tilespmem:s31+$0x6800] =	vst.msk vm7, v57;
	s2 =	simm.s32 @!p0 $0x1F0  }
0x145: {  	v58 =	vor.u32 s25, v2;
	p0 =	slt.s32 s11, $0x1F0;
	s15 =	sadd.s32 s11, s15;
	[tilespmem:s2+$0x6600] =	vst.msk vm6, v10  }
0x146: {  	s25 =	spop (v2sf);
	s11 =	simm.s32 @!p0 $0x1F0;
	[tilespmem:s2+$0x6800] =	vst.msk vm6, v58;
	s2 =	sadd.s32 $0x20, s0  }
0x147: {  	p0 =	slt.s32 s15, $0x1F0;
	v59 =	vor.u32 s2, v2;
	[tilespmem:s11+$0x6600] =	vst.msk vm5, v9;
	s2 =	sadd.s32 s15, s25  }
0x148: {  	s25 =	spop (v2sf);
	s15 =	simm.s32 @!p0 $0x1F0;
	[tilespmem:s11+$0x6800] =	vst.msk vm5, v59;
	s11 =	sadd.s32 $0x30, s0  }
0x149: {  	p0 =	slt.s32 s2, $0x1F0;
	v60 =	vor.u32 s11, v2;
	[tilespmem:s15+$0x6600] =	vst.msk vm4, v8;
	s11 =	sadd.s32 s2, s25  }
0x14a: {  	s25 =	spop (v2sf);
	s2 =	simm.s32 @!p0 $0x1F0;
	[tilespmem:s15+$0x6800] =	vst.msk vm4, v60;
	s15 =	sadd.s32 $0x40, s0  }
0x14b: {  	p0 =	slt.s32 s11, $0x1F0;
	v61 =	vor.u32 s15, v2;
	[tilespmem:s2+$0x6600] =	vst.msk vm3, v7;
	s15 =	sadd.s32 s11, s25  }
0x14c: {  	s25 =	spop (v2sf);
	s11 =	simm.s32 @!p0 $0x1F0;
	[tilespmem:s2+$0x6800] =	vst.msk vm3, v61;
	s2 =	sadd.s32 $0x50, s0  }
0x14d: {  	p0 =	slt.s32 s15, $0x1F0;
	v62 =	vor.u32 s2, v2;
	[tilespmem:s11+$0x6600] =	vst.msk vm2, v6;
	s2 =	sadd.s32 s15, s25  }
.Ltmp19:
0x14e: {  	s15 =	simm.s32 @!p0 $0x1F0;
	[tilespmem:s11+$0x6800] =	vst.msk vm2, v62;
	s11 =	sadd.s32 $0x60, s0;
	(pc) =	sbr.rel .LBB2_17-.Ltmp19, $4  }
0x14f: {  	s25 =	spop (v2sf);
	p0 =	slt.s32 s2, $0x1F0;
	v63 =	vor.u32 s11, v2;
	[tilespmem:s15+$0x6600] =	vst.msk vm1, v5  }
0x150: {  	s31 =	sadd.s32 s2, s25;
	s25 =	sadd.s32 $0x70, s0;
	s2 =	simm.s32 @!p0 $0x1F0;
	[tilespmem:s15+$0x6800] =	vst.msk vm1, v63  }
0x151: {  	v5 =	vor.u32 s25, v2;
	[tilespmem:s2+$0x6600] =	vst.msk vm0, v4  }
0x152: {  	[tilespmem:s2+$0x6800] =	vst.msk vm0, v5  }
.LBB2_18:
.Ltmp20:
0x153: {  	_ =	swait.ge [sflag:s20], $0x3200;
	(pc) =	sbr.rel .LBB2_19-.Ltmp20, $4  }
0x154: {  	[sflag:s20] =	ssyncset.done $0x0  }
0x155: {  	s0 =	sadd.s32 s30, s12;
	[sflag:s20] =	ssyncadd.s32 $0xFFFFCE00  }
0x156: {  	[tilespmem:s21], [sflag:$0x2] =	stream.strided.gather [hbm4b:s0+s17], $0x3200, s18, s17, $0x38;
	[tilespmem:$0x6A00] =	vst v63  }
0x157: {  	s3 =	simm.s32 $0x240;
	s0 =	simm.s32 $0xC800  }
.LBB2_21:
0x158: {  	s0 =	sadd.s32 $0x80, s0  }
0x159: {  	p0 =	sne.s32 s0, $0xFA00  }
.Ltmp21:
0x15a: {  	_ = 	snop;
	(pc) =	sbr.rel @!p0 .LBB2_22-.Ltmp21, $2  }
0x15b: {  	_ =	sdelay $0x2  }
0x15c: {  	s3 =	sadd.s32 $0x80, s3  }
.LBB2_19:
0x15d: {  	v11 =	vld [tilespmem:s3+$0xFFFFFFC0]  }
0x15e: {  	v10 =	vld [tilespmem:s3+$0xFFFFFFD0]  }
0x15f: {  	v9 =	vld [tilespmem:s3+$0xFFFFFFE0]  }
0x160: {  	v8 =	vld [tilespmem:s3+$0xFFFFFFF0]  }
0x161: {  	v7 =	vld [tilespmem:s3+$0x0]  }
0x162: {  	v6 =	vld [tilespmem:s3+$0x10]  }
0x163: {  	v5 =	vld [tilespmem:s3+$0x20];
	vm7 =	vle.f32 v11, v3;
	vm6 =	vle.f32 v10, v3  }
0x164: {  	v4 =	vld [tilespmem:s3+$0x30];
	vm5 =	vle.f32 v9, v3;
	vm0 =	vmor vm7, vm6  }
0x165: {  	vm4 =	vle.f32 v8, v3;
	vm0 =	vmor vm0, vm5  }
0x166: {  	vm3 =	vle.f32 v7, v3;
	vm0 =	vmor vm0, vm4  }
0x167: {  	vm2 =	vle.f32 v6, v3;
	vm0 =	vmor vm0, vm3  }
0x168: {  	vm1 =	vle.f32 v5, v3;
	vm8 =	vmor vm0, vm2  }
0x169: {  	vm0 =	vle.f32 v4, v3;
	vm8 =	vmor vm8, vm1  }
0x16a: {  	vm8 =	vmor vm8, vm0  }
0x16b: {  	v12 =	vmpcnt.ones.xlane vm8;
	_ =	sdelay $0x1  }
0x16c: {  	(v2sf) =	vpush v12, $0x0;
	_ =	sdelay $0xe  }
0x16d: {  	s2 =	spop (v2sf)  }
0x16e: {  	p0 =	slt.s32 s2, $0x1  }
.Ltmp22:
0x16f: {  	_ = 	snop;
	(pc) =	sbr.rel @p0 .LBB2_21-.Ltmp22, $1  }
0x170: {  	_ =	sdelay $0x3  }
0x171: {  	v12 =	vmpcnt.ones.xlane vm7;
	_ =	sdelay $0x1  }
0x172: {  	v50 =	vmpcnt.ones.xlane vm6;
	(v2sf) =	vpush v12, $0x0  }
0x173: {  	v51 =	vmpcnt.ones.xlane vm5  }
0x174: {  	(v2sf) =	vpush v50, $0x0  }
0x175: {  	v52 =	vmpcnt.ones.xlane vm4;
	(v2sf) =	vpush v51, $0x0;
	_ =	sdelay $0x1  }
0x176: {  	v53 =	vmpcnt.ones.xlane vm3;
	(v2sf) =	vpush v52, $0x0;
	_ =	sdelay $0x1  }
0x177: {  	v54 =	vmpcnt.ones.xlane vm2;
	(v2sf) =	vpush v53, $0x0;
	_ =	sdelay $0x1  }
0x178: {  	v55 =	vmpcnt.ones.xlane vm1;
	(v2sf) =	vpush v54, $0x0;
	_ =	sdelay $0x1  }
0x179: {  	(v2sf) =	vpush v55, $0x0  }
0x17a: {  	v56 =	vmpcnt.ones.xlane vm0;
	_ =	sdelay $0x1  }
0x17b: {  	(v2sf) =	vpush v56, $0x0  }
0x17c: {  	p0 =	slt.s32 s31, $0x1F0;
	s2 =	spop (v2sf)  }
0x17d: {  	s2 =	sadd.s32 s31, s2;
	s31 =	simm.s32 @!p0 $0x1F0  }
0x17e: {  	v57 =	vor.u32 s0, v2;
	s25 =	sadd.s32 $0x10, s0;
	s11 =	spop (v2sf);
	[tilespmem:s31+$0x6600] =	vst.msk vm7, v11;
	p0 =	slt.s32 s2, $0x1F0  }
0x17f: {  	s11 =	sadd.s32 s2, s11;
	s15 =	spop (v2sf);
	[tilespmem:s31+$0x6800] =	vst.msk vm7, v57;
	s2 =	simm.s32 @!p0 $0x1F0  }
0x180: {  	v58 =	vor.u32 s25, v2;
	p0 =	slt.s32 s11, $0x1F0;
	s15 =	sadd.s32 s11, s15;
	[tilespmem:s2+$0x6600] =	vst.msk vm6, v10  }
0x181: {  	s25 =	spop (v2sf);
	s11 =	simm.s32 @!p0 $0x1F0;
	[tilespmem:s2+$0x6800] =	vst.msk vm6, v58;
	s2 =	sadd.s32 $0x20, s0  }
0x182: {  	p0 =	slt.s32 s15, $0x1F0;
	v59 =	vor.u32 s2, v2;
	[tilespmem:s11+$0x6600] =	vst.msk vm5, v9;
	s2 =	sadd.s32 s15, s25  }
0x183: {  	s25 =	spop (v2sf);
	s15 =	simm.s32 @!p0 $0x1F0;
	[tilespmem:s11+$0x6800] =	vst.msk vm5, v59;
	s11 =	sadd.s32 $0x30, s0  }
0x184: {  	p0 =	slt.s32 s2, $0x1F0;
	v60 =	vor.u32 s11, v2;
	[tilespmem:s15+$0x6600] =	vst.msk vm4, v8;
	s11 =	sadd.s32 s2, s25  }
0x185: {  	s25 =	spop (v2sf);
	s2 =	simm.s32 @!p0 $0x1F0;
	[tilespmem:s15+$0x6800] =	vst.msk vm4, v60;
	s15 =	sadd.s32 $0x40, s0  }
0x186: {  	p0 =	slt.s32 s11, $0x1F0;
	v61 =	vor.u32 s15, v2;
	[tilespmem:s2+$0x6600] =	vst.msk vm3, v7;
	s15 =	sadd.s32 s11, s25  }
0x187: {  	s25 =	spop (v2sf);
	s11 =	simm.s32 @!p0 $0x1F0;
	[tilespmem:s2+$0x6800] =	vst.msk vm3, v61;
	s2 =	sadd.s32 $0x50, s0  }
0x188: {  	p0 =	slt.s32 s15, $0x1F0;
	v62 =	vor.u32 s2, v2;
	[tilespmem:s11+$0x6600] =	vst.msk vm2, v6;
	s2 =	sadd.s32 s15, s25  }
.Ltmp23:
0x189: {  	s15 =	simm.s32 @!p0 $0x1F0;
	[tilespmem:s11+$0x6800] =	vst.msk vm2, v62;
	s11 =	sadd.s32 $0x60, s0;
	(pc) =	sbr.rel .LBB2_21-.Ltmp23, $4  }
0x18a: {  	s25 =	spop (v2sf);
	p0 =	slt.s32 s2, $0x1F0;
	v63 =	vor.u32 s11, v2;
	[tilespmem:s15+$0x6600] =	vst.msk vm1, v5  }
0x18b: {  	s31 =	sadd.s32 s2, s25;
	s25 =	sadd.s32 $0x70, s0;
	s2 =	simm.s32 @!p0 $0x1F0;
	[tilespmem:s15+$0x6800] =	vst.msk vm1, v63  }
0x18c: {  	v5 =	vor.u32 s25, v2;
	[tilespmem:s2+$0x6600] =	vst.msk vm0, v4  }
0x18d: {  	[tilespmem:s2+$0x6800] =	vst.msk vm0, v5  }
.LBB2_22:
.Ltmp24:
0x18e: {  	_ =	swait.ge [sflag:s22], $0x3200;
	(pc) =	sbr.rel .LBB2_23-.Ltmp24, $4  }
0x18f: {  	[sflag:s22] =	ssyncset.done $0x0  }
0x190: {  	s0 =	sadd.s32 s30, s13;
	[sflag:s22] =	ssyncadd.s32 $0xFFFFCE00  }
0x191: {  	[tilespmem:s19], [sflag:$0x1] =	stream.strided.gather [hbm4b:s0+s17], $0x3200, s18, s17, $0x38;
	[tilespmem:$0x6A00] =	vst v63  }
0x192: {  	s3 =	simm.s32 $0x3440;
	s0 =	simm.s32 $0xFA00  }
.LBB2_25:
0x193: {  	s0 =	sadd.s32 $0x80, s0  }
0x194: {  	p0 =	sne.s32 s0, $0x12C00  }
.Ltmp25:
0x195: {  	_ = 	snop;
	(pc) =	sbr.rel @!p0 .LBB2_26-.Ltmp25, $2  }
0x196: {  	_ =	sdelay $0x2  }
0x197: {  	s3 =	sadd.s32 $0x80, s3  }
.LBB2_23:
0x198: {  	v11 =	vld [tilespmem:s3+$0xFFFFFFC0]  }
0x199: {  	v10 =	vld [tilespmem:s3+$0xFFFFFFD0]  }
0x19a: {  	v9 =	vld [tilespmem:s3+$0xFFFFFFE0]  }
0x19b: {  	v8 =	vld [tilespmem:s3+$0xFFFFFFF0]  }
0x19c: {  	v7 =	vld [tilespmem:s3+$0x0]  }
0x19d: {  	v6 =	vld [tilespmem:s3+$0x10]  }
0x19e: {  	v5 =	vld [tilespmem:s3+$0x20];
	vm7 =	vle.f32 v11, v3;
	vm6 =	vle.f32 v10, v3  }
0x19f: {  	v4 =	vld [tilespmem:s3+$0x30];
	vm5 =	vle.f32 v9, v3;
	vm0 =	vmor vm7, vm6  }
0x1a0: {  	vm4 =	vle.f32 v8, v3;
	vm0 =	vmor vm0, vm5  }
0x1a1: {  	vm3 =	vle.f32 v7, v3;
	vm0 =	vmor vm0, vm4  }
0x1a2: {  	vm2 =	vle.f32 v6, v3;
	vm0 =	vmor vm0, vm3  }
0x1a3: {  	vm1 =	vle.f32 v5, v3;
	vm8 =	vmor vm0, vm2  }
0x1a4: {  	vm0 =	vle.f32 v4, v3;
	vm8 =	vmor vm8, vm1  }
0x1a5: {  	vm8 =	vmor vm8, vm0  }
0x1a6: {  	v12 =	vmpcnt.ones.xlane vm8;
	_ =	sdelay $0x1  }
0x1a7: {  	(v2sf) =	vpush v12, $0x0;
	_ =	sdelay $0xe  }
0x1a8: {  	s2 =	spop (v2sf)  }
0x1a9: {  	p0 =	slt.s32 s2, $0x1  }
.Ltmp26:
0x1aa: {  	_ = 	snop;
	(pc) =	sbr.rel @p0 .LBB2_25-.Ltmp26, $1  }
0x1ab: {  	_ =	sdelay $0x3  }
0x1ac: {  	v12 =	vmpcnt.ones.xlane vm7;
	_ =	sdelay $0x1  }
0x1ad: {  	v50 =	vmpcnt.ones.xlane vm6;
	(v2sf) =	vpush v12, $0x0  }
0x1ae: {  	v51 =	vmpcnt.ones.xlane vm5  }
0x1af: {  	(v2sf) =	vpush v50, $0x0  }
0x1b0: {  	v52 =	vmpcnt.ones.xlane vm4;
	(v2sf) =	vpush v51, $0x0;
	_ =	sdelay $0x1  }
0x1b1: {  	v53 =	vmpcnt.ones.xlane vm3;
	(v2sf) =	vpush v52, $0x0;
	_ =	sdelay $0x1  }
0x1b2: {  	v54 =	vmpcnt.ones.xlane vm2;
	(v2sf) =	vpush v53, $0x0;
	_ =	sdelay $0x1  }
0x1b3: {  	v55 =	vmpcnt.ones.xlane vm1;
	(v2sf) =	vpush v54, $0x0;
	_ =	sdelay $0x1  }
0x1b4: {  	(v2sf) =	vpush v55, $0x0  }
0x1b5: {  	v56 =	vmpcnt.ones.xlane vm0;
	_ =	sdelay $0x1  }
0x1b6: {  	(v2sf) =	vpush v56, $0x0  }
0x1b7: {  	p0 =	slt.s32 s31, $0x1F0;
	s2 =	spop (v2sf)  }
0x1b8: {  	s2 =	sadd.s32 s31, s2;
	s31 =	simm.s32 @!p0 $0x1F0  }
0x1b9: {  	v57 =	vor.u32 s0, v2;
	s25 =	sadd.s32 $0x10, s0;
	s11 =	spop (v2sf);
	[tilespmem:s31+$0x6600] =	vst.msk vm7, v11;
	p0 =	slt.s32 s2, $0x1F0  }
0x1ba: {  	s11 =	sadd.s32 s2, s11;
	s15 =	spop (v2sf);
	[tilespmem:s31+$0x6800] =	vst.msk vm7, v57;
	s2 =	simm.s32 @!p0 $0x1F0  }
0x1bb: {  	v58 =	vor.u32 s25, v2;
	p0 =	slt.s32 s11, $0x1F0;
	s15 =	sadd.s32 s11, s15;
	[tilespmem:s2+$0x6600] =	vst.msk vm6, v10  }
0x1bc: {  	s25 =	spop (v2sf);
	s11 =	simm.s32 @!p0 $0x1F0;
	[tilespmem:s2+$0x6800] =	vst.msk vm6, v58;
	s2 =	sadd.s32 $0x20, s0  }
0x1bd: {  	p0 =	slt.s32 s15, $0x1F0;
	v59 =	vor.u32 s2, v2;
	[tilespmem:s11+$0x6600] =	vst.msk vm5, v9;
	s2 =	sadd.s32 s15, s25  }
0x1be: {  	s25 =	spop (v2sf);
	s15 =	simm.s32 @!p0 $0x1F0;
	[tilespmem:s11+$0x6800] =	vst.msk vm5, v59;
	s11 =	sadd.s32 $0x30, s0  }
0x1bf: {  	p0 =	slt.s32 s2, $0x1F0;
	v60 =	vor.u32 s11, v2;
	[tilespmem:s15+$0x6600] =	vst.msk vm4, v8;
	s11 =	sadd.s32 s2, s25  }
0x1c0: {  	s25 =	spop (v2sf);
	s2 =	simm.s32 @!p0 $0x1F0;
	[tilespmem:s15+$0x6800] =	vst.msk vm4, v60;
	s15 =	sadd.s32 $0x40, s0  }
0x1c1: {  	p0 =	slt.s32 s11, $0x1F0;
	v61 =	vor.u32 s15, v2;
	[tilespmem:s2+$0x6600] =	vst.msk vm3, v7;
	s15 =	sadd.s32 s11, s25  }
0x1c2: {  	s25 =	spop (v2sf);
	s11 =	simm.s32 @!p0 $0x1F0;
	[tilespmem:s2+$0x6800] =	vst.msk vm3, v61;
	s2 =	sadd.s32 $0x50, s0  }
0x1c3: {  	p0 =	slt.s32 s15, $0x1F0;
	v62 =	vor.u32 s2, v2;
	[tilespmem:s11+$0x6600] =	vst.msk vm2, v6;
	s2 =	sadd.s32 s15, s25  }
.Ltmp27:
0x1c4: {  	s15 =	simm.s32 @!p0 $0x1F0;
	[tilespmem:s11+$0x6800] =	vst.msk vm2, v62;
	s11 =	sadd.s32 $0x60, s0;
	(pc) =	sbr.rel .LBB2_25-.Ltmp27, $4  }
0x1c5: {  	s25 =	spop (v2sf);
	p0 =	slt.s32 s2, $0x1F0;
	v63 =	vor.u32 s11, v2;
	[tilespmem:s15+$0x6600] =	vst.msk vm1, v5  }
0x1c6: {  	s31 =	sadd.s32 s2, s25;
	s25 =	sadd.s32 $0x70, s0;
	s2 =	simm.s32 @!p0 $0x1F0;
	[tilespmem:s15+$0x6800] =	vst.msk vm1, v63  }
0x1c7: {  	v5 =	vor.u32 s25, v2;
	[tilespmem:s2+$0x6600] =	vst.msk vm0, v4  }
0x1c8: {  	[tilespmem:s2+$0x6800] =	vst.msk vm0, v5  }
.LBB2_26:
.Ltmp28:
0x1c9: {  	_ =	swait.ge [sflag:s20], $0x3200;
	(pc) =	sbr.rel .LBB2_27-.Ltmp28, $4  }
0x1ca: {  	[sflag:s20] =	ssyncset.done $0x0  }
0x1cb: {  	s0 =	sadd.s32 s30, s14;
	[sflag:s20] =	ssyncadd.s32 $0xFFFFCE00  }
0x1cc: {  	[tilespmem:s21], [sflag:$0x2] =	stream.strided.gather [hbm4b:s0+s17], $0x3200, s18, s17, $0x38;
	[tilespmem:$0x6A00] =	vst v63  }
0x1cd: {  	s3 =	simm.s32 $0x240;
	s0 =	simm.s32 $0x12C00  }
.LBB2_29:
0x1ce: {  	s0 =	sadd.s32 $0x80, s0  }
0x1cf: {  	p0 =	sne.s32 s0, $0x15E00  }
.Ltmp29:
0x1d0: {  	_ = 	snop;
	(pc) =	sbr.rel @!p0 .LBB2_30-.Ltmp29, $2  }
0x1d1: {  	_ =	sdelay $0x2  }
0x1d2: {  	s3 =	sadd.s32 $0x80, s3  }
.LBB2_27:
0x1d3: {  	v11 =	vld [tilespmem:s3+$0xFFFFFFC0]  }
0x1d4: {  	v10 =	vld [tilespmem:s3+$0xFFFFFFD0]  }
0x1d5: {  	v9 =	vld [tilespmem:s3+$0xFFFFFFE0]  }
0x1d6: {  	v8 =	vld [tilespmem:s3+$0xFFFFFFF0]  }
0x1d7: {  	v7 =	vld [tilespmem:s3+$0x0]  }
0x1d8: {  	v6 =	vld [tilespmem:s3+$0x10]  }
0x1d9: {  	v5 =	vld [tilespmem:s3+$0x20];
	vm7 =	vle.f32 v11, v3;
	vm6 =	vle.f32 v10, v3  }
0x1da: {  	v4 =	vld [tilespmem:s3+$0x30];
	vm5 =	vle.f32 v9, v3;
	vm0 =	vmor vm7, vm6  }
0x1db: {  	vm4 =	vle.f32 v8, v3;
	vm0 =	vmor vm0, vm5  }
0x1dc: {  	vm3 =	vle.f32 v7, v3;
	vm0 =	vmor vm0, vm4  }
0x1dd: {  	vm2 =	vle.f32 v6, v3;
	vm0 =	vmor vm0, vm3  }
0x1de: {  	vm1 =	vle.f32 v5, v3;
	vm8 =	vmor vm0, vm2  }
0x1df: {  	vm0 =	vle.f32 v4, v3;
	vm8 =	vmor vm8, vm1  }
0x1e0: {  	vm8 =	vmor vm8, vm0  }
0x1e1: {  	v12 =	vmpcnt.ones.xlane vm8;
	_ =	sdelay $0x1  }
0x1e2: {  	(v2sf) =	vpush v12, $0x0;
	_ =	sdelay $0xe  }
0x1e3: {  	s2 =	spop (v2sf)  }
0x1e4: {  	p0 =	slt.s32 s2, $0x1  }
.Ltmp30:
0x1e5: {  	_ = 	snop;
	(pc) =	sbr.rel @p0 .LBB2_29-.Ltmp30, $1  }
0x1e6: {  	_ =	sdelay $0x3  }
0x1e7: {  	v12 =	vmpcnt.ones.xlane vm7;
	_ =	sdelay $0x1  }
0x1e8: {  	v50 =	vmpcnt.ones.xlane vm6;
	(v2sf) =	vpush v12, $0x0;
	_ =	sdelay $0x1  }
0x1e9: {  	v51 =	vmpcnt.ones.xlane vm5;
	(v2sf) =	vpush v50, $0x0;
	_ =	sdelay $0x1  }
0x1ea: {  	v52 =	vmpcnt.ones.xlane vm4;
	(v2sf) =	vpush v51, $0x0;
	_ =	sdelay $0x1  }
0x1eb: {  	v53 =	vmpcnt.ones.xlane vm3;
	(v2sf) =	vpush v52, $0x0;
	_ =	sdelay $0x1  }
0x1ec: {  	v54 =	vmpcnt.ones.xlane vm2;
	(v2sf) =	vpush v53, $0x0  }
0x1ed: {  	v55 =	vmpcnt.ones.xlane vm1  }
0x1ee: {  	(v2sf) =	vpush v54, $0x0  }
0x1ef: {  	(v2sf) =	vpush v55, $0x0  }
0x1f0: {  	v56 =	vmpcnt.ones.xlane vm0;
	_ =	sdelay $0x1  }
0x1f1: {  	(v2sf) =	vpush v56, $0x0  }
0x1f2: {  	p0 =	slt.s32 s31, $0x1F0;
	s2 =	spop (v2sf)  }
0x1f3: {  	s2 =	sadd.s32 s31, s2;
	s31 =	simm.s32 @!p0 $0x1F0  }
0x1f4: {  	v57 =	vor.u32 s0, v2;
	s11 =	spop (v2sf);
	[tilespmem:s31+$0x6600] =	vst.msk vm7, v11;
	p0 =	slt.s32 s2, $0x1F0  }
0x1f5: {  	s25 =	sadd.s32 $0x10, s0;
	s11 =	sadd.s32 s2, s11;
	[tilespmem:s31+$0x6800] =	vst.msk vm7, v57;
	s2 =	simm.s32 @!p0 $0x1F0  }
0x1f6: {  	v58 =	vor.u32 s25, v2;
	s15 =	spop (v2sf);
	p0 =	slt.s32 s11, $0x1F0;
	[tilespmem:s2+$0x6600] =	vst.msk vm6, v10  }
0x1f7: {  	s30 =	sadd.s32 $0x20, s0;
	s15 =	sadd.s32 s11, s15;
	s11 =	simm.s32 @!p0 $0x1F0;
	[tilespmem:s2+$0x6800] =	vst.msk vm6, v58  }
0x1f8: {  	v59 =	vor.u32 s30, v2;
	s25 =	spop (v2sf);
	p0 =	slt.s32 s15, $0x1F0;
	[tilespmem:s11+$0x6600] =	vst.msk vm5, v9  }
0x1f9: {  	s30 =	sadd.s32 $0x30, s0;
	s2 =	sadd.s32 s15, s25;
	s15 =	simm.s32 @!p0 $0x1F0;
	[tilespmem:s11+$0x6800] =	vst.msk vm5, v59  }
0x1fa: {  	v60 =	vor.u32 s30, v2;
	s25 =	spop (v2sf);
	p0 =	slt.s32 s2, $0x1F0;
	[tilespmem:s15+$0x6600] =	vst.msk vm4, v8  }
0x1fb: {  	s30 =	sadd.s32 $0x40, s0;
	s11 =	sadd.s32 s2, s25;
	s2 =	simm.s32 @!p0 $0x1F0;
	[tilespmem:s15+$0x6800] =	vst.msk vm4, v60  }
0x1fc: {  	v61 =	vor.u32 s30, v2;
	s30 =	sadd.s32 $0x50, s0;
	s25 =	spop (v2sf);
	p0 =	slt.s32 s11, $0x1F0;
	[tilespmem:s2+$0x6600] =	vst.msk vm3, v7  }
0x1fd: {  	s15 =	sadd.s32 s11, s25;
	s25 =	spop (v2sf);
	s11 =	simm.s32 @!p0 $0x1F0;
	[tilespmem:s2+$0x6800] =	vst.msk vm3, v61  }
0x1fe: {  	v62 =	vor.u32 s30, v2;
	p0 =	slt.s32 s15, $0x1F0;
	s2 =	sadd.s32 s15, s25;
	[tilespmem:s11+$0x6600] =	vst.msk vm2, v6  }
.Ltmp31:
0x1ff: {  	s25 =	sadd.s32 $0x60, s0;
	s15 =	simm.s32 @!p0 $0x1F0;
	[tilespmem:s11+$0x6800] =	vst.msk vm2, v62;
	(pc) =	sbr.rel .LBB2_29-.Ltmp31, $4  }
0x200: {  	s30 =	spop (v2sf);
	v63 =	vor.u32 s25, v2;
	p0 =	slt.s32 s2, $0x1F0;
	[tilespmem:s15+$0x6600] =	vst.msk vm1, v5  }
0x201: {  	s31 =	sadd.s32 s2, s30;
	s30 =	sadd.s32 $0x70, s0;
	s2 =	simm.s32 @!p0 $0x1F0;
	[tilespmem:s15+$0x6800] =	vst.msk vm1, v63  }
0x202: {  	v5 =	vor.u32 s30, v2;
	[tilespmem:s2+$0x6600] =	vst.msk vm0, v4  }
0x203: {  	[tilespmem:s2+$0x6800] =	vst.msk vm0, v5  }
.LBB2_30:
.Ltmp32:
0x204: {  	(pc) =	sbr.rel .LBB2_31-.Ltmp32, $4  }
0x205: {  	_ = 	snop  }
0x206: {  	_ =	swait.ge [sflag:s22], $0x3200  }
0x207: {  	[sflag:s22] =	ssyncset.done $0x0  }
0x208: {  	s0 =	simm.s32 $0x15E00;
	s3 =	simm.s32 $0x3440;
	[sflag:s22] =	ssyncadd.s32 $0xFFFFCE00  }
.LBB2_33:
0x209: {  	s0 =	sadd.s32 $0x80, s0  }
0x20a: {  	p0 =	sne.s32 s0, $0x19000  }
.Ltmp33:
0x20b: {  	_ = 	snop;
	(pc) =	sbr.rel @!p0 .LBB2_34-.Ltmp33, $2  }
0x20c: {  	_ =	sdelay $0x2  }
0x20d: {  	s3 =	sadd.s32 $0x80, s3  }
.LBB2_31:
0x20e: {  	v11 =	vld [tilespmem:s3+$0xFFFFFFC0]  }
0x20f: {  	v10 =	vld [tilespmem:s3+$0xFFFFFFD0]  }
0x210: {  	v9 =	vld [tilespmem:s3+$0xFFFFFFE0]  }
0x211: {  	v8 =	vld [tilespmem:s3+$0xFFFFFFF0]  }
0x212: {  	v7 =	vld [tilespmem:s3+$0x0]  }
0x213: {  	v6 =	vld [tilespmem:s3+$0x10]  }
0x214: {  	v5 =	vld [tilespmem:s3+$0x20];
	vm7 =	vle.f32 v11, v3;
	vm6 =	vle.f32 v10, v3  }
0x215: {  	v4 =	vld [tilespmem:s3+$0x30];
	vm5 =	vle.f32 v9, v3;
	vm0 =	vmor vm7, vm6  }
0x216: {  	vm4 =	vle.f32 v8, v3;
	vm0 =	vmor vm0, vm5  }
0x217: {  	vm3 =	vle.f32 v7, v3;
	vm0 =	vmor vm0, vm4  }
0x218: {  	vm2 =	vle.f32 v6, v3;
	vm0 =	vmor vm0, vm3  }
0x219: {  	vm1 =	vle.f32 v5, v3;
	vm8 =	vmor vm0, vm2  }
0x21a: {  	vm0 =	vle.f32 v4, v3;
	vm8 =	vmor vm8, vm1  }
0x21b: {  	vm8 =	vmor vm8, vm0  }
0x21c: {  	v12 =	vmpcnt.ones.xlane vm8;
	_ =	sdelay $0x1  }
0x21d: {  	(v2sf) =	vpush v12, $0x0;
	_ =	sdelay $0xe  }
0x21e: {  	s2 =	spop (v2sf)  }
0x21f: {  	p0 =	slt.s32 s2, $0x1  }
.Ltmp34:
0x220: {  	_ = 	snop;
	(pc) =	sbr.rel @p0 .LBB2_33-.Ltmp34, $1  }
0x221: {  	_ =	sdelay $0x3  }
0x222: {  	v12 =	vmpcnt.ones.xlane vm7;
	_ =	sdelay $0x1  }
0x223: {  	v50 =	vmpcnt.ones.xlane vm6;
	(v2sf) =	vpush v12, $0x0;
	_ =	sdelay $0x1  }
0x224: {  	v51 =	vmpcnt.ones.xlane vm5;
	(v2sf) =	vpush v50, $0x0;
	_ =	sdelay $0x1  }
0x225: {  	v52 =	vmpcnt.ones.xlane vm4;
	(v2sf) =	vpush v51, $0x0;
	_ =	sdelay $0x1  }
0x226: {  	v53 =	vmpcnt.ones.xlane vm3;
	(v2sf) =	vpush v52, $0x0;
	_ =	sdelay $0x1  }
0x227: {  	v54 =	vmpcnt.ones.xlane vm2;
	(v2sf) =	vpush v53, $0x0  }
0x228: {  	v55 =	vmpcnt.ones.xlane vm1  }
0x229: {  	(v2sf) =	vpush v54, $0x0  }
0x22a: {  	(v2sf) =	vpush v55, $0x0  }
0x22b: {  	v56 =	vmpcnt.ones.xlane vm0;
	_ =	sdelay $0x1  }
0x22c: {  	(v2sf) =	vpush v56, $0x0  }
0x22d: {  	p0 =	slt.s32 s31, $0x1F0;
	s2 =	spop (v2sf)  }
0x22e: {  	s2 =	sadd.s32 s31, s2;
	s31 =	simm.s32 @!p0 $0x1F0  }
0x22f: {  	v57 =	vor.u32 s0, v2;
	s11 =	spop (v2sf);
	[tilespmem:s31+$0x6600] =	vst.msk vm7, v11;
	p0 =	slt.s32 s2, $0x1F0  }
0x230: {  	s25 =	sadd.s32 $0x10, s0;
	s11 =	sadd.s32 s2, s11;
	[tilespmem:s31+$0x6800] =	vst.msk vm7, v57;
	s2 =	simm.s32 @!p0 $0x1F0  }
0x231: {  	v58 =	vor.u32 s25, v2;
	s15 =	spop (v2sf);
	p0 =	slt.s32 s11, $0x1F0;
	[tilespmem:s2+$0x6600] =	vst.msk vm6, v10  }
0x232: {  	s30 =	sadd.s32 $0x20, s0;
	s15 =	sadd.s32 s11, s15;
	s11 =	simm.s32 @!p0 $0x1F0;
	[tilespmem:s2+$0x6800] =	vst.msk vm6, v58  }
0x233: {  	v59 =	vor.u32 s30, v2;
	s25 =	spop (v2sf);
	p0 =	slt.s32 s15, $0x1F0;
	[tilespmem:s11+$0x6600] =	vst.msk vm5, v9  }
0x234: {  	s30 =	sadd.s32 $0x30, s0;
	s2 =	sadd.s32 s15, s25;
	s15 =	simm.s32 @!p0 $0x1F0;
	[tilespmem:s11+$0x6800] =	vst.msk vm5, v59  }
0x235: {  	v60 =	vor.u32 s30, v2;
	s25 =	spop (v2sf);
	p0 =	slt.s32 s2, $0x1F0;
	[tilespmem:s15+$0x6600] =	vst.msk vm4, v8  }
0x236: {  	s30 =	sadd.s32 $0x40, s0;
	s11 =	sadd.s32 s2, s25;
	s2 =	simm.s32 @!p0 $0x1F0;
	[tilespmem:s15+$0x6800] =	vst.msk vm4, v60  }
0x237: {  	v61 =	vor.u32 s30, v2;
	s30 =	sadd.s32 $0x50, s0;
	s25 =	spop (v2sf);
	p0 =	slt.s32 s11, $0x1F0;
	[tilespmem:s2+$0x6600] =	vst.msk vm3, v7  }
0x238: {  	s15 =	sadd.s32 s11, s25;
	s25 =	spop (v2sf);
	s11 =	simm.s32 @!p0 $0x1F0;
	[tilespmem:s2+$0x6800] =	vst.msk vm3, v61  }
0x239: {  	v62 =	vor.u32 s30, v2;
	p0 =	slt.s32 s15, $0x1F0;
	s2 =	sadd.s32 s15, s25;
	[tilespmem:s11+$0x6600] =	vst.msk vm2, v6  }
.Ltmp35:
0x23a: {  	s25 =	sadd.s32 $0x60, s0;
	s15 =	simm.s32 @!p0 $0x1F0;
	[tilespmem:s11+$0x6800] =	vst.msk vm2, v62;
	(pc) =	sbr.rel .LBB2_33-.Ltmp35, $4  }
0x23b: {  	s30 =	spop (v2sf);
	v63 =	vor.u32 s25, v2;
	p0 =	slt.s32 s2, $0x1F0;
	[tilespmem:s15+$0x6600] =	vst.msk vm1, v5  }
0x23c: {  	s31 =	sadd.s32 s2, s30;
	s30 =	sadd.s32 $0x70, s0;
	s2 =	simm.s32 @!p0 $0x1F0;
	[tilespmem:s15+$0x6800] =	vst.msk vm1, v63  }
0x23d: {  	v5 =	vor.u32 s30, v2;
	[tilespmem:s2+$0x6600] =	vst.msk vm0, v4  }
0x23e: {  	[tilespmem:s2+$0x6800] =	vst.msk vm0, v5  }
.LBB2_36:
0x23f: {  	_ =	sfence.sel $0x180000  }
0x240: {  	[bflag:$0x0] =	sbarrier.arrive $0xFFFF  }
0x241: {  	_ =	strace $0x90000047  }
0x242: {  	s0 =	stileid.u32;
	[bflag:$0x2] =	sbarrier.arrive $0xFFFF  }
0x243: {  	p0 =	sne.s32 s0, $0x0;
	s0 =	rddreg [dreg:$0x2]  }
0x244: {  	s0 =	sadd.s32 @!p0 $0x100000, s0  }
0x245: {  	[sflag:s0] =	ssyncadd.tile.s32 @!p0 $0x1;
	_ =	shalt  }
.Lfunc_end2:
_tile_overlayer_lowered:
.L_overlay_start_2:
0x246: {  	(tag) =	ssettag $0x2  }
0x247: {  	s0 =	rddreg [dreg:$0x0];
	s2 =	stileid.u32  }
0x248: {  	s1 =	rddreg [dreg:$0x1];
	p0 =	sne.s32 s2, $0x0  }
0x249: {  	s3 =	rddreg [dreg:$0x2];
	[bflag:$0x3] =	sbarrier.arrive $0xFFFF;
	s2 =	simm.s32 @!p0 $0x1C03  }
0x24a: {  	[timem:s3], [sflag:s2] =	dma.local @!p0 [hbm:s0], s1  }
0x24b: {  	s0 =	simm.s32 @!p0 $0x3  }
0x24c: {  	_ =	swait.ge @!p0 [sflag:s0], s1  }
0x24d: {  	s1 =	ssub.s32 @!p0 $0x0, s1;
	[sflag:s0] =	ssyncset.done @!p0 $0x0  }
0x24e: {  	[sflag:s0] =	ssyncadd.s32 @!p0 s1  }
0x24f: {  	[bflag:$0x3] =	sbarrier.arrive $0xFFFF  }
0x250: {  	_ =	shalt  }

</sc_bundles>
